<compile_context>
chip_gen: v7x
topology: tpu7x:2x2x1
jax: 0.10.2.dev20260603
libtpu: 0.0.44.dev20260713+nightly
codegen_flags: <defaults>
</compile_context>

<pallas_src>
import functools

import jax
import jax.numpy as jnp
from jax import lax
from jax.experimental import pallas as pl
from jax.experimental.pallas import tpu as pltpu
from jax.experimental.pallas import tpu_sc as plsc

F32 = jnp.float32
KNN = 20
DP = 128
HIGH = lax.Precision.HIGHEST
DEF = lax.Precision.DEFAULT
NEG = float("-inf")


def _knn_body(N, R, K, feats_blk, feats_all, idx_ref):
    b = pl.program_id(0)
    xb = feats_blk[0]
    xa = feats_all[0]
    dot = lax.dot_general(xb, xa, (((1,), (1,)), ((), ())),
                          precision=DEF, preferred_element_type=F32)
    xa2 = xa * xa
    ones = jnp.ones((8, DP), F32)
    sqj = lax.dot_general(ones, xa2, (((1,), (1,)), ((), ())),
                          precision=HIGH, preferred_element_type=F32)[0:1]
    sqi = jnp.sum(xb * xb, axis=1, keepdims=True)
    S = 2.0 * dot - sqj - sqi
    iota = lax.broadcasted_iota(jnp.int32, (R, N), 1)
    base = b * N
    for t in range(K):
        m = jnp.max(S, axis=1, keepdims=True)
        cand = jnp.where(S >= m, iota, N)
        j = jnp.min(cand, axis=1, keepdims=True)
        idx_ref[0, 0, :, t:t + 1] = j + base
        S = jnp.where(iota == j, NEG, S)


def _knn(B, N, R, K):
    NB = N // R
    return pl.pallas_call(
        functools.partial(_knn_body, N, R, K),
        grid=(B, NB),
        in_specs=[
            pl.BlockSpec((1, R, DP), lambda b, nb: (b, nb, 0)),
            pl.BlockSpec((1, N, DP), lambda b, nb: (b, 0, 0)),
        ],
        out_specs=pl.BlockSpec((1, 1, R, K), lambda b, nb: (b, nb, 0, 0)),
        out_shape=jax.ShapeDtypeStruct((B, NB, R, K), jnp.int32),
    )


def _sc_gather(BN, K):
    info = plsc.get_sparse_core_info()
    NC, NS = info.num_cores, info.num_subcores
    NW = NC * NS
    PPW = BN // NW
    P = 8
    CH = PPW // P
    HALF = (P * K) // 2
    mesh = plsc.VectorSubcoreMesh(core_axis_name="c", subcore_axis_name="s")

    @functools.partial(
        pl.kernel,
        out_type=jax.ShapeDtypeStruct((BN * K, DP), F32),
        mesh=mesh,
        scratch_types=[
            pltpu.VMEM((2, 128), jnp.int32),
            pltpu.VMEM((2, 128), jnp.int32),
            pltpu.VMEM((2, P * K, DP), F32),
            pltpu.SemaphoreType.DMA,
            pltpu.SemaphoreType.DMA,
            pltpu.SemaphoreType.DMA,
        ],
    )
    def sc_kernel(x_hbm, idx_hbm, g_hbm, idx_a, idx_b, rows_v,
                  sem0, sem1, wsem):
        wid = lax.axis_index("s") * NC + lax.axis_index("c")
        base = wid * PPW
        sems = (sem0, sem1)

        def start(g, sl):
            e0 = (base + g * P) * K
            pltpu.sync_copy(idx_hbm.at[pl.ds(e0, 128)], idx_a.at[sl])
            pltpu.sync_copy(idx_hbm.at[pl.ds(e0 + HALF, 128)], idx_b.at[sl])
            pltpu.async_copy(x_hbm.at[idx_a.at[sl].at[pl.ds(0, HALF)]],
                             rows_v.at[sl].at[pl.ds(0, HALF)], sems[sl])
            pltpu.async_copy(x_hbm.at[idx_b.at[sl].at[pl.ds(0, HALF)]],
                             rows_v.at[sl].at[pl.ds(HALF, HALF)], sems[sl])

        def drain(g, sl):
            e0 = (base + g * P) * K
            pltpu.make_async_copy(x_hbm.at[idx_a.at[sl].at[pl.ds(0, HALF)]],
                                  rows_v.at[sl].at[pl.ds(0, HALF)],
                                  sems[sl]).wait()
            pltpu.make_async_copy(x_hbm.at[idx_b.at[sl].at[pl.ds(0, HALF)]],
                                  rows_v.at[sl].at[pl.ds(HALF, HALF)],
                                  sems[sl]).wait()
            pltpu.async_copy(rows_v.at[sl], g_hbm.at[pl.ds(e0, P * K)],
                             wsem).wait()

        start(0, 0)

        def pair(h, carry):
            g0 = 2 * h
            start(g0 + 1, 1)
            drain(g0, 0)

            @pl.when(g0 + 2 < CH)
            def _():
                start(g0 + 2, 0)

            drain(g0 + 1, 1)
            return carry

        lax.fori_loop(0, CH // 2, pair, 0)

    return sc_kernel


def _edge_body(C, R, K, gath_ref, feats_blk, wd, wx, m_ref, st_ref):
    xb = feats_blk[0]
    g = gath_ref[0]
    xrep = jnp.broadcast_to(xb[:, None, :], (R, K, DP)).reshape(R * K, DP)
    y = (lax.dot_general(g - xrep, wd[...], (((1,), (0,)), ((), ())),
                         precision=DEF, preferred_element_type=F32)
         + lax.dot_general(xrep, wx[...], (((1,), (0,)), ((), ())),
                           precision=DEF, preferred_element_type=F32))
    m_ref[0] = jnp.max(y.reshape(R, K, C), axis=1)
    st_ref[0, 0] = jnp.concatenate(
        [jnp.sum(y, axis=0, keepdims=True),
         jnp.sum(y * y, axis=0, keepdims=True)], axis=0)


def _edge(C, B, N, R, K):
    NB = N // R
    return pl.pallas_call(
        functools.partial(_edge_body, C, R, K),
        grid=(B, NB),
        in_specs=[
            pl.BlockSpec((1, R * K, DP), lambda b, nb: (b, nb, 0)),
            pl.BlockSpec((1, R, DP), lambda b, nb: (b, nb, 0)),
            pl.BlockSpec((DP, C), lambda b, nb: (0, 0)),
            pl.BlockSpec((DP, C), lambda b, nb: (0, 0)),
        ],
        out_specs=[
            pl.BlockSpec((1, R, C), lambda b, nb: (b, nb, 0)),
            pl.BlockSpec((1, 1, 2, C), lambda b, nb: (b, nb, 0, 0)),
        ],
        out_shape=[
            jax.ShapeDtypeStruct((B, N, C), F32),
            jax.ShapeDtypeStruct((B, NB, 2, C), F32),
        ],
    )


def _finish_body(C, CO, RF, ss_ref, m_ref, o_ref):
    ss = ss_ref[...]
    z = m_ref[...] * ss[0:1, :C] + ss[1:2, :C]
    z = jnp.where(z >= 0, z, 0.2 * z)
    if CO > C:
        z = jnp.concatenate([z, jnp.zeros((RF, CO - C), F32)], axis=1)
    o_ref[...] = z


def _finish(C, CO, BN, RF):
    return pl.pallas_call(
        functools.partial(_finish_body, C, CO, RF),
        grid=(BN // RF,),
        in_specs=[
            pl.BlockSpec((2, CO), lambda i: (0, 0)),
            pl.BlockSpec((RF, C), lambda i: (i, 0)),
        ],
        out_specs=pl.BlockSpec((RF, CO), lambda i: (i, 0)),
        out_shape=jax.ShapeDtypeStruct((BN, CO), F32),
    )


def _final_body(cs, R, o1, o2, o3, o4, w5t, ymax_ref, yst_ref):
    cat = jnp.concatenate(
        [o1[0][:, :cs[0]], o2[0][:, :cs[1]], o3[0][:, :cs[2]],
         o4[0][:, :cs[3]]], axis=1)
    y = jnp.dot(cat, w5t[...], precision=DEF, preferred_element_type=F32)
    ymax_ref[0, 0] = jnp.max(y, axis=0, keepdims=True)
    yst_ref[0, 0] = jnp.concatenate(
        [jnp.sum(y, axis=0, keepdims=True),
         jnp.sum(y * y, axis=0, keepdims=True)], axis=0)


def _final(B, N, R, cs, ws):
    NB = N // R
    CO = 512
    return pl.pallas_call(
        functools.partial(_final_body, cs, R),
        grid=(B, NB),
        in_specs=[
            pl.BlockSpec((1, R, ws[0]), lambda b, nb: (b, nb, 0)),
            pl.BlockSpec((1, R, ws[1]), lambda b, nb: (b, nb, 0)),
            pl.BlockSpec((1, R, ws[2]), lambda b, nb: (b, nb, 0)),
            pl.BlockSpec((1, R, ws[3]), lambda b, nb: (b, nb, 0)),
            pl.BlockSpec((CO, CO), lambda b, nb: (0, 0)),
        ],
        out_specs=[
            pl.BlockSpec((1, 1, 1, CO), lambda b, nb: (b, nb, 0, 0)),
            pl.BlockSpec((1, 1, 2, CO), lambda b, nb: (b, nb, 0, 0)),
        ],
        out_shape=[
            jax.ShapeDtypeStruct((B, NB, 1, CO), F32),
            jax.ShapeDtypeStruct((B, NB, 2, CO), F32),
        ],
    )


def _edgeconv_layer(feats_p, W, g, b, B, N, R):
    BN = B * N
    C = W.shape[0]
    d = W.shape[1] // 2
    idx = _knn(B, N, R, KNN)(feats_p, feats_p)
    idxf = jnp.concatenate(
        [idx.reshape(BN * KNN), jnp.zeros((128,), jnp.int32)])
    gath = _sc_gather(BN, KNN)(feats_p.reshape(BN, DP), idxf)
    wd = jnp.zeros((DP, C), F32).at[:d].set(jnp.transpose(W[:, :d]))
    wx = jnp.zeros((DP, C), F32).at[:d].set(jnp.transpose(W[:, d:]))
    M, st = _edge(C, B, N, R, KNN)(gath.reshape(B, N * KNN, DP), feats_p,
                                   wd, wx)
    cnt = float(BN * KNN)
    mean = jnp.sum(st[:, :, 0, :], axis=(0, 1)) / cnt
    var = jnp.sum(st[:, :, 1, :], axis=(0, 1)) / cnt - mean * mean
    scale = lax.rsqrt(var + 1e-5) * g
    shift = b - mean * scale
    if C < DP:
        scale = jnp.concatenate([scale, jnp.zeros((DP - C,), F32)])
        shift = jnp.concatenate([shift, jnp.zeros((DP - C,), F32)])
        ss = jnp.stack([scale, shift])
        o = _finish(C, DP, BN, 1024)(ss, M.reshape(BN, C))
    else:
        ss = jnp.stack([scale, shift])
        o = _finish(C, C, BN, 1024)(ss, M.reshape(BN, C))
    return o, C


def kernel(x, W1, W2, W3, W4, W5, g1, b1, g2, b2, g3, b3, g4, b4, g5, b5):
    B, N, din = x.shape
    BN = B * N
    R = 256
    feats_p = jnp.concatenate(
        [x, jnp.zeros((B, N, DP - din), F32)], axis=2)
    outs, cs = [], []
    for W, g, b in ((W1, g1, b1), (W2, g2, b2), (W3, g3, b3), (W4, g4, b4)):
        o, C = _edgeconv_layer(feats_p, W, g, b, B, N, R)
        feats_p = o.reshape(B, N, -1)
        outs.append(feats_p)
        cs.append(C)
    ymax, yst = _final(B, N, R, tuple(cs), tuple(o.shape[-1] for o in outs))(
        *outs, jnp.transpose(W5))
    ymax_b = jnp.max(ymax[:, :, 0, :], axis=1)
    sy = jnp.sum(yst[:, :, 0, :], axis=(0, 1))
    sy2 = jnp.sum(yst[:, :, 1, :], axis=(0, 1))
    mean = sy / BN
    var = sy2 / BN - mean * mean
    scale = lax.rsqrt(var + 1e-5) * g5
    z = (ymax_b - mean) * scale + b5
    out = jnp.where(z >= 0, z, 0.2 * z)
    return out[:, None, :]

# --- scband reference (transcript-rebuilt; emitter-appended) ---
"""Pipeline reference for scband-dgcnn-encoder-36112085025205 (READ-ONLY COPY).

The authoritative reference and input builder live on the scoring server;
editing this copy changes nothing except your own understanding.
"""

import jax, jax.numpy as jnp
import numpy as np

K = 20

def knn_idx(x, k):
    # x: [B, d, N]
    inner = -2.0 * jnp.einsum('bdn,bdm->bnm', x, x)
    xx = jnp.sum(x * x, axis=1, keepdims=True)  # [B,1,N]
    pd = -xx - inner - jnp.transpose(xx, (0, 2, 1))
    return jax.lax.top_k(pd, k)[1]  # [B,N,k]

def get_graph_feature(x, k):
    # x: [B, d, N]
    B, d, N = x.shape
    idx = knn_idx(x, k)
    xt = jnp.transpose(x, (0, 2, 1))  # [B,N,d]
    feat = xt[jnp.arange(B)[:, None, None], idx]  # [B,N,k,d] gather
    xr = jnp.broadcast_to(xt[:, :, None, :], (B, N, k, d))
    out = jnp.concatenate([feat - xr, xr], axis=3)  # [B,N,k,2d]
    return jnp.transpose(out, (0, 3, 1, 2))  # [B,2d,N,k]

def bn(y, gamma, beta, axes):
    m = jnp.mean(y, axis=axes, keepdims=True)
    v = jnp.var(y, axis=axes, keepdims=True)
    yn = (y - m) / jnp.sqrt(v + 1e-5)
    shape = [1] * y.ndim
    shape[1] = -1
    return yn * gamma.reshape(shape) + beta.reshape(shape)

def lrelu(y):
    return jnp.where(y >= 0, y, 0.2 * y)

def conv2(x, W, g, b):
    y = jnp.einsum('oc,bcnk->bonk', W, x)
    return lrelu(bn(y, g, b, (0, 2, 3)))

def conv1(x, W, g, b):
    y = jnp.einsum('oc,bcn->bon', W, x)
    return lrelu(bn(y, g, b, (0, 2)))

def setup_inputs(seed: int = 0):
    key = jax.random.key(seed)
    ks = jax.random.split(key, 8)
    x = jax.random.normal(ks[0], (8, 2048, 3), dtype=jnp.float32)
    W1 = jax.random.normal(ks[1], (64, 6), dtype=jnp.float32) * 0.1
    W2 = jax.random.normal(ks[2], (64, 128), dtype=jnp.float32) * 0.1
    W3 = jax.random.normal(ks[3], (128, 128), dtype=jnp.float32) * 0.1
    W4 = jax.random.normal(ks[4], (256, 256), dtype=jnp.float32) * 0.1
    W5 = jax.random.normal(ks[5], (512, 512), dtype=jnp.float32) * 0.1
    inp = {'x': x, 'W1': W1, 'W2': W2, 'W3': W3, 'W4': W4, 'W5': W5}
    for i, c in zip(range(1, 6), [64, 64, 128, 256, 512]):
        inp['g%d' % i] = jnp.ones((c,), jnp.float32)
        inp['b%d' % i] = jnp.zeros((c,), jnp.float32)
    return inp

def reference(x, W1, W2, W3, W4, W5, g1, b1, g2, b2, g3, b3, g4, b4, g5, b5):
    xt = jnp.transpose(x, (0, 2, 1))  # [B,3,N]
    f = get_graph_feature(xt, K)
    f = conv2(f, W1, g1, b1)
    x1 = jnp.max(f, axis=-1)
    f = get_graph_feature(x1, K)
    f = conv2(f, W2, g2, b2)
    x2 = jnp.max(f, axis=-1)
    f = get_graph_feature(x2, K)
    f = conv2(f, W3, g3, b3)
    x3 = jnp.max(f, axis=-1)
    f = get_graph_feature(x3, K)
    f = conv2(f, W4, g4, b4)
    x4 = jnp.max(f, axis=-1)
    cat = jnp.concatenate([x1, x2, x3, x4], axis=1)  # [B,512,N]
    x0 = conv1(cat, W5, g5, b5)
    out = jnp.max(x0, axis=-1)  # [B,512]
    return out[:, None, :]

if __name__ == "__main__":
    import jax
    _d = setup_inputs()
    print(jax.jit(kernel)(*tuple(_d.values())))

</pallas_src>

<mosaic_0001>
#map = affine_map<(d0, d1) -> (0, 0)>
#map1 = affine_map<(d0, d1) -> (0)>
module attributes {stable_mosaic.version = 14 : i64} {
  func.func @sc_kernel(%arg0: i32, %arg1: i32, %arg2: memref<16384x128xf32, #tpu.memory_space<hbm>>, %arg3: memref<327808xi32, #tpu.memory_space<hbm>>, %arg4: memref<327680x128xf32, #tpu.memory_space<hbm>>, %arg5: memref<2x128xi32, #tpu.memory_space<vmem>>, %arg6: memref<2x128xi32, #tpu.memory_space<vmem>>, %arg7: memref<2x160x128xf32, #tpu.memory_space<vmem>>, %arg8: memref<!tpu.dma_semaphore, #tpu.memory_space<semaphore_mem>>, %arg9: memref<!tpu.dma_semaphore, #tpu.memory_space<semaphore_mem>>, %arg10: memref<!tpu.dma_semaphore, #tpu.memory_space<semaphore_mem>>) attributes {dimension_semantics = [#tpu.dimension_semantics<core_parallel>, #tpu.dimension_semantics<subcore_parallel>], iteration_bounds = array<i64: 2, 16>, scalar_prefetch = 0 : i64, scratch_operands = 6 : i64, tpu.core_type = #tpu.core_type<sc_vector_subcore>, window_params = [{transform_indices = #map}, {transform_indices = #map1}, {transform_indices = #map}]} {
    %mul3A = arith.constant 2 : i32
    %mul3A_0 = arith.muli %arg1, %mul3A : i32
    %add3A = arith.addi %mul3A_0, %arg0 : i32
    %mul3A_1 = arith.constant 512 : i32
    %mul3A_2 = arith.muli %add3A, %mul3A_1 : i32
    %add3A_3 = arith.constant 0 : i32
    %add3A_4 = arith.addi %mul3A_2, %add3A_3 : i32
    %mul3A_5 = arith.constant 20 : i32
    %mul3A_6 = arith.muli %add3A_4, %mul3A_5 : i32
    %run_scoped3A = arith.constant 0 : i32
    "tpu.region"() ({
      %run_scoped3A_48 = tpu.sem_alloc : memref<!tpu.dma_semaphore, #tpu.memory_space<semaphore_mem>>
      %dma_start3A_49 = arith.constant 0 : i32
      %dma_start3A_50 = tpu.memref_slice %arg5[%run_scoped3A, %dma_start3A_49] : memref<2x128xi32, #tpu.memory_space<vmem>> -> memref<1x128xi32, #tpu.memory_space<vmem>>
      %dma_start3A_51 = tpu.memref_squeeze %dma_start3A_50 : memref<1x128xi32, #tpu.memory_space<vmem>> -> memref<128xi32, #tpu.memory_space<vmem>>
      %dma_start3A_52 = tpu.memref_slice %arg3[%mul3A_6] : memref<327808xi32, #tpu.memory_space<hbm>> -> memref<128xi32, #tpu.memory_space<hbm>>
      %dma_start3A_53 = arith.constant 0 : i32
      %dma_start3A_54 = tpu.memref_slice %arg5[%run_scoped3A, %dma_start3A_53] : memref<2x128xi32, #tpu.memory_space<vmem>> -> memref<1x128xi32, #tpu.memory_space<vmem>>
      %dma_start3A_55 = tpu.memref_squeeze %dma_start3A_54 : memref<1x128xi32, #tpu.memory_space<vmem>> -> memref<128xi32, #tpu.memory_space<vmem>>
      %dma_start3A_56 = tpu.memref_slice %arg3[%mul3A_6] : memref<327808xi32, #tpu.memory_space<hbm>> -> memref<128xi32, #tpu.memory_space<hbm>>
      tpu.enqueue_dma source(%dma_start3A_56 : memref<128xi32, #tpu.memory_space<hbm>>) target(%dma_start3A_55 : memref<128xi32, #tpu.memory_space<vmem>>) target_semaphore(%run_scoped3A_48 : memref<!tpu.dma_semaphore, #tpu.memory_space<semaphore_mem>>)
      %dma_wait3A = arith.constant 0 : i32
      %dma_wait3A_57 = tpu.memref_slice %arg5[%run_scoped3A, %dma_wait3A] : memref<2x128xi32, #tpu.memory_space<vmem>> -> memref<1x128xi32, #tpu.memory_space<vmem>>
      %dma_wait3A_58 = tpu.memref_squeeze %dma_wait3A_57 : memref<1x128xi32, #tpu.memory_space<vmem>> -> memref<128xi32, #tpu.memory_space<vmem>>
      %dma_wait3A_59 = tpu.memref_slice %arg3[%mul3A_6] : memref<327808xi32, #tpu.memory_space<hbm>> -> memref<128xi32, #tpu.memory_space<hbm>>
      %dma_wait3A_60 = arith.constant 0 : i32
      %dma_wait3A_61 = tpu.memref_slice %arg5[%run_scoped3A, %dma_wait3A_60] : memref<2x128xi32, #tpu.memory_space<vmem>> -> memref<1x128xi32, #tpu.memory_space<vmem>>
      %dma_wait3A_62 = tpu.memref_squeeze %dma_wait3A_61 : memref<1x128xi32, #tpu.memory_space<vmem>> -> memref<128xi32, #tpu.memory_space<vmem>>
      %dma_wait3A_63 = tpu.memref_slice %arg3[%mul3A_6] : memref<327808xi32, #tpu.memory_space<hbm>> -> memref<128xi32, #tpu.memory_space<hbm>>
      tpu.wait_dma2 semaphore(%run_scoped3A_48 : memref<!tpu.dma_semaphore, #tpu.memory_space<semaphore_mem>>) src(%dma_wait3A_63 : memref<128xi32, #tpu.memory_space<hbm>>) dst(%dma_wait3A_62 : memref<128xi32, #tpu.memory_space<vmem>>)
      tpu.yield
    }) : () -> ()
    %add3A_7 = arith.constant 80 : i32
    %add3A_8 = arith.addi %mul3A_6, %add3A_7 : i32
    %run_scoped3A_9 = arith.constant 0 : i32
    "tpu.region"() ({
      %run_scoped3A_48 = tpu.sem_alloc : memref<!tpu.dma_semaphore, #tpu.memory_space<semaphore_mem>>
      %dma_start3A_49 = arith.constant 0 : i32
      %dma_start3A_50 = tpu.memref_slice %arg6[%run_scoped3A_9, %dma_start3A_49] : memref<2x128xi32, #tpu.memory_space<vmem>> -> memref<1x128xi32, #tpu.memory_space<vmem>>
      %dma_start3A_51 = tpu.memref_squeeze %dma_start3A_50 : memref<1x128xi32, #tpu.memory_space<vmem>> -> memref<128xi32, #tpu.memory_space<vmem>>
      %dma_start3A_52 = tpu.memref_slice %arg3[%add3A_8] : memref<327808xi32, #tpu.memory_space<hbm>> -> memref<128xi32, #tpu.memory_space<hbm>>
      %dma_start3A_53 = arith.constant 0 : i32
      %dma_start3A_54 = tpu.memref_slice %arg6[%run_scoped3A_9, %dma_start3A_53] : memref<2x128xi32, #tpu.memory_space<vmem>> -> memref<1x128xi32, #tpu.memory_space<vmem>>
      %dma_start3A_55 = tpu.memref_squeeze %dma_start3A_54 : memref<1x128xi32, #tpu.memory_space<vmem>> -> memref<128xi32, #tpu.memory_space<vmem>>
      %dma_start3A_56 = tpu.memref_slice %arg3[%add3A_8] : memref<327808xi32, #tpu.memory_space<hbm>> -> memref<128xi32, #tpu.memory_space<hbm>>
      tpu.enqueue_dma source(%dma_start3A_56 : memref<128xi32, #tpu.memory_space<hbm>>) target(%dma_start3A_55 : memref<128xi32, #tpu.memory_space<vmem>>) target_semaphore(%run_scoped3A_48 : memref<!tpu.dma_semaphore, #tpu.memory_space<semaphore_mem>>)
      %dma_wait3A = arith.constant 0 : i32
      %dma_wait3A_57 = tpu.memref_slice %arg6[%run_scoped3A_9, %dma_wait3A] : memref<2x128xi32, #tpu.memory_space<vmem>> -> memref<1x128xi32, #tpu.memory_space<vmem>>
      %dma_wait3A_58 = tpu.memref_squeeze %dma_wait3A_57 : memref<1x128xi32, #tpu.memory_space<vmem>> -> memref<128xi32, #tpu.memory_space<vmem>>
      %dma_wait3A_59 = tpu.memref_slice %arg3[%add3A_8] : memref<327808xi32, #tpu.memory_space<hbm>> -> memref<128xi32, #tpu.memory_space<hbm>>
      %dma_wait3A_60 = arith.constant 0 : i32
      %dma_wait3A_61 = tpu.memref_slice %arg6[%run_scoped3A_9, %dma_wait3A_60] : memref<2x128xi32, #tpu.memory_space<vmem>> -> memref<1x128xi32, #tpu.memory_space<vmem>>
      %dma_wait3A_62 = tpu.memref_squeeze %dma_wait3A_61 : memref<1x128xi32, #tpu.memory_space<vmem>> -> memref<128xi32, #tpu.memory_space<vmem>>
      %dma_wait3A_63 = tpu.memref_slice %arg3[%add3A_8] : memref<327808xi32, #tpu.memory_space<hbm>> -> memref<128xi32, #tpu.memory_space<hbm>>
      tpu.wait_dma2 semaphore(%run_scoped3A_48 : memref<!tpu.dma_semaphore, #tpu.memory_space<semaphore_mem>>) src(%dma_wait3A_63 : memref<128xi32, #tpu.memory_space<hbm>>) dst(%dma_wait3A_62 : memref<128xi32, #tpu.memory_space<vmem>>)
      tpu.yield
    }) : () -> ()
    %dma_start3A = arith.constant 0 : i32
    %dma_start3A_10 = arith.constant 0 : i32
    %dma_start3A_11 = arith.constant 0 : i32
    %dma_start3A_12 = arith.constant 0 : i32
    %dma_start3A_13 = tpu.memref_slice %arg7[%dma_start3A_10, %dma_start3A_11, %dma_start3A_12] : memref<2x160x128xf32, #tpu.memory_space<vmem>> -> memref<1x160x128xf32, #tpu.memory_space<vmem>>
    %dma_start3A_14 = tpu.memref_squeeze %dma_start3A_13 : memref<1x160x128xf32, #tpu.memory_space<vmem>> -> memref<160x128xf32, #tpu.memory_space<vmem>>
    %dma_start3A_15 = arith.constant 0 : i32
    %dma_start3A_16 = arith.constant 0 : i32
    %dma_start3A_17 = tpu.memref_slice %dma_start3A_14[%dma_start3A_15, %dma_start3A_16] : memref<160x128xf32, #tpu.memory_space<vmem>> -> memref<80x128xf32, #tpu.memory_space<vmem>>
    %dma_start3A_18 = arith.constant 0 : i32
    %dma_start3A_19 = tpu.memref_slice %arg5[%dma_start3A, %dma_start3A_18] : memref<2x128xi32, #tpu.memory_space<vmem>> -> memref<1x128xi32, #tpu.memory_space<vmem>>
    %dma_start3A_20 = tpu.memref_squeeze %dma_start3A_19 : memref<1x128xi32, #tpu.memory_space<vmem>> -> memref<128xi32, #tpu.memory_space<vmem>>
    %dma_start3A_21 = arith.constant 0 : i32
    %dma_start3A_22 = tpu.memref_slice %dma_start3A_20[%dma_start3A_21] : memref<128xi32, #tpu.memory_space<vmem>> -> memref<80xi32, #tpu.memory_space<vmem>>
    %dma_start3A_23 = arith.constant 0 : i32
    %dma_start3A_24 = arith.constant 0 : i32
    %dma_start3A_25 = tpu.memref_slice %arg2[%dma_start3A_23, %dma_start3A_24] : memref<16384x128xf32, #tpu.memory_space<hbm>> -> memref<16384x128xf32, #tpu.memory_space<hbm>>
    tpu.enqueue_indirect_dma source(%dma_start3A_25 : memref<16384x128xf32, #tpu.memory_space<hbm>>) target(%dma_start3A_17 : memref<80x128xf32, #tpu.memory_space<vmem>>) offsets(%dma_start3A_22 : memref<80xi32, #tpu.memory_space<vmem>>) semaphore(%arg8 : memref<!tpu.dma_semaphore, #tpu.memory_space<semaphore_mem>>)
    %dma_start3A_26 = arith.constant 0 : i32
    %dma_start3A_27 = arith.constant 0 : i32
    %dma_start3A_28 = arith.constant 0 : i32
    %dma_start3A_29 = arith.constant 0 : i32
    %dma_start3A_30 = tpu.memref_slice %arg7[%dma_start3A_27, %dma_start3A_28, %dma_start3A_29] : memref<2x160x128xf32, #tpu.memory_space<vmem>> -> memref<1x160x128xf32, #tpu.memory_space<vmem>>
    %dma_start3A_31 = tpu.memref_squeeze %dma_start3A_30 : memref<1x160x128xf32, #tpu.memory_space<vmem>> -> memref<160x128xf32, #tpu.memory_space<vmem>>
    %dma_start3A_32 = arith.constant 80 : i32
    %dma_start3A_33 = arith.constant 0 : i32
    %dma_start3A_34 = tpu.memref_slice %dma_start3A_31[%dma_start3A_32, %dma_start3A_33] : memref<160x128xf32, #tpu.memory_space<vmem>> -> memref<80x128xf32, #tpu.memory_space<vmem>>
    %dma_start3A_35 = arith.constant 0 : i32
    %dma_start3A_36 = tpu.memref_slice %arg6[%dma_start3A_26, %dma_start3A_35] : memref<2x128xi32, #tpu.memory_space<vmem>> -> memref<1x128xi32, #tpu.memory_space<vmem>>
    %dma_start3A_37 = tpu.memref_squeeze %dma_start3A_36 : memref<1x128xi32, #tpu.memory_space<vmem>> -> memref<128xi32, #tpu.memory_space<vmem>>
    %dma_start3A_38 = arith.constant 0 : i32
    %dma_start3A_39 = tpu.memref_slice %dma_start3A_37[%dma_start3A_38] : memref<128xi32, #tpu.memory_space<vmem>> -> memref<80xi32, #tpu.memory_space<vmem>>
    %dma_start3A_40 = arith.constant 0 : i32
    %dma_start3A_41 = arith.constant 0 : i32
    %dma_start3A_42 = tpu.memref_slice %arg2[%dma_start3A_40, %dma_start3A_41] : memref<16384x128xf32, #tpu.memory_space<hbm>> -> memref<16384x128xf32, #tpu.memory_space<hbm>>
    tpu.enqueue_indirect_dma source(%dma_start3A_42 : memref<16384x128xf32, #tpu.memory_space<hbm>>) target(%dma_start3A_34 : memref<80x128xf32, #tpu.memory_space<vmem>>) offsets(%dma_start3A_39 : memref<80xi32, #tpu.memory_space<vmem>>) semaphore(%arg8 : memref<!tpu.dma_semaphore, #tpu.memory_space<semaphore_mem>>)
    %scan3A = arith.constant 0 : i32
    %scan3A_43 = arith.constant 0 : i32
    %scan3A_44 = arith.constant 32 : i32
    %scan3A_45 = arith.addi %scan3A_43, %scan3A_44 : i32
    %scan3A_46 = arith.constant 1 : i32
    scf.for %scan3A_48 = %scan3A_43 to %scan3A_45 step %scan3A_46  : i32 {
      %mul3A_49 = arith.constant 2 : i32
      %mul3A_50 = arith.muli %mul3A_49, %scan3A_48 : i32
      %add3A_51 = arith.constant 1 : i32
      %add3A_52 = arith.addi %mul3A_50, %add3A_51 : i32
      %mul3A_53 = arith.constant 8 : i32
      %mul3A_54 = arith.muli %add3A_52, %mul3A_53 : i32
      %add3A_55 = arith.addi %mul3A_2, %mul3A_54 : i32
      %mul3A_56 = arith.constant 20 : i32
      %mul3A_57 = arith.muli %add3A_55, %mul3A_56 : i32
      %run_scoped3A_58 = arith.constant 1 : i32
      "tpu.region"() ({
        %run_scoped3A_231 = tpu.sem_alloc : memref<!tpu.dma_semaphore, #tpu.memory_space<semaphore_mem>>
        %dma_start3A_232 = arith.constant 0 : i32
        %dma_start3A_233 = tpu.memref_slice %arg5[%run_scoped3A_58, %dma_start3A_232] : memref<2x128xi32, #tpu.memory_space<vmem>> -> memref<1x128xi32, #tpu.memory_space<vmem>>
        %dma_start3A_234 = tpu.memref_squeeze %dma_start3A_233 : memref<1x128xi32, #tpu.memory_space<vmem>> -> memref<128xi32, #tpu.memory_space<vmem>>
        %dma_start3A_235 = tpu.memref_slice %arg3[%mul3A_57] : memref<327808xi32, #tpu.memory_space<hbm>> -> memref<128xi32, #tpu.memory_space<hbm>>
        %dma_start3A_236 = arith.constant 0 : i32
        %dma_start3A_237 = tpu.memref_slice %arg5[%run_scoped3A_58, %dma_start3A_236] : memref<2x128xi32, #tpu.memory_space<vmem>> -> memref<1x128xi32, #tpu.memory_space<vmem>>
        %dma_start3A_238 = tpu.memref_squeeze %dma_start3A_237 : memref<1x128xi32, #tpu.memory_space<vmem>> -> memref<128xi32, #tpu.memory_space<vmem>>
        %dma_start3A_239 = tpu.memref_slice %arg3[%mul3A_57] : memref<327808xi32, #tpu.memory_space<hbm>> -> memref<128xi32, #tpu.memory_space<hbm>>
        tpu.enqueue_dma source(%dma_start3A_239 : memref<128xi32, #tpu.memory_space<hbm>>) target(%dma_start3A_238 : memref<128xi32, #tpu.memory_space<vmem>>) target_semaphore(%run_scoped3A_231 : memref<!tpu.dma_semaphore, #tpu.memory_space<semaphore_mem>>)
        %dma_wait3A_240 = arith.constant 0 : i32
        %dma_wait3A_241 = tpu.memref_slice %arg5[%run_scoped3A_58, %dma_wait3A_240] : memref<2x128xi32, #tpu.memory_space<vmem>> -> memref<1x128xi32, #tpu.memory_space<vmem>>
        %dma_wait3A_242 = tpu.memref_squeeze %dma_wait3A_241 : memref<1x128xi32, #tpu.memory_space<vmem>> -> memref<128xi32, #tpu.memory_space<vmem>>
        %dma_wait3A_243 = tpu.memref_slice %arg3[%mul3A_57] : memref<327808xi32, #tpu.memory_space<hbm>> -> memref<128xi32, #tpu.memory_space<hbm>>
        %dma_wait3A_244 = arith.constant 0 : i32
        %dma_wait3A_245 = tpu.memref_slice %arg5[%run_scoped3A_58, %dma_wait3A_244] : memref<2x128xi32, #tpu.memory_space<vmem>> -> memref<1x128xi32, #tpu.memory_space<vmem>>
        %dma_wait3A_246 = tpu.memref_squeeze %dma_wait3A_245 : memref<1x128xi32, #tpu.memory_space<vmem>> -> memref<128xi32, #tpu.memory_space<vmem>>
        %dma_wait3A_247 = tpu.memref_slice %arg3[%mul3A_57] : memref<327808xi32, #tpu.memory_space<hbm>> -> memref<128xi32, #tpu.memory_space<hbm>>
        tpu.wait_dma2 semaphore(%run_scoped3A_231 : memref<!tpu.dma_semaphore, #tpu.memory_space<semaphore_mem>>) src(%dma_wait3A_247 : memref<128xi32, #tpu.memory_space<hbm>>) dst(%dma_wait3A_246 : memref<128xi32, #tpu.memory_space<vmem>>)
        tpu.yield
      }) : () -> ()
      %add3A_59 = arith.constant 80 : i32
      %add3A_60 = arith.addi %mul3A_57, %add3A_59 : i32
      %run_scoped3A_61 = arith.constant 1 : i32
      "tpu.region"() ({
        %run_scoped3A_231 = tpu.sem_alloc : memref<!tpu.dma_semaphore, #tpu.memory_space<semaphore_mem>>
        %dma_start3A_232 = arith.constant 0 : i32
        %dma_start3A_233 = tpu.memref_slice %arg6[%run_scoped3A_61, %dma_start3A_232] : memref<2x128xi32, #tpu.memory_space<vmem>> -> memref<1x128xi32, #tpu.memory_space<vmem>>
        %dma_start3A_234 = tpu.memref_squeeze %dma_start3A_233 : memref<1x128xi32, #tpu.memory_space<vmem>> -> memref<128xi32, #tpu.memory_space<vmem>>
        %dma_start3A_235 = tpu.memref_slice %arg3[%add3A_60] : memref<327808xi32, #tpu.memory_space<hbm>> -> memref<128xi32, #tpu.memory_space<hbm>>
        %dma_start3A_236 = arith.constant 0 : i32
        %dma_start3A_237 = tpu.memref_slice %arg6[%run_scoped3A_61, %dma_start3A_236] : memref<2x128xi32, #tpu.memory_space<vmem>> -> memref<1x128xi32, #tpu.memory_space<vmem>>
        %dma_start3A_238 = tpu.memref_squeeze %dma_start3A_237 : memref<1x128xi32, #tpu.memory_space<vmem>> -> memref<128xi32, #tpu.memory_space<vmem>>
        %dma_start3A_239 = tpu.memref_slice %arg3[%add3A_60] : memref<327808xi32, #tpu.memory_space<hbm>> -> memref<128xi32, #tpu.memory_space<hbm>>
        tpu.enqueue_dma source(%dma_start3A_239 : memref<128xi32, #tpu.memory_space<hbm>>) target(%dma_start3A_238 : memref<128xi32, #tpu.memory_space<vmem>>) target_semaphore(%run_scoped3A_231 : memref<!tpu.dma_semaphore, #tpu.memory_space<semaphore_mem>>)
        %dma_wait3A_240 = arith.constant 0 : i32
        %dma_wait3A_241 = tpu.memref_slice %arg6[%run_scoped3A_61, %dma_wait3A_240] : memref<2x128xi32, #tpu.memory_space<vmem>> -> memref<1x128xi32, #tpu.memory_space<vmem>>
        %dma_wait3A_242 = tpu.memref_squeeze %dma_wait3A_241 : memref<1x128xi32, #tpu.memory_space<vmem>> -> memref<128xi32, #tpu.memory_space<vmem>>
        %dma_wait3A_243 = tpu.memref_slice %arg3[%add3A_60] : memref<327808xi32, #tpu.memory_space<hbm>> -> memref<128xi32, #tpu.memory_space<hbm>>
        %dma_wait3A_244 = arith.constant 0 : i32
        %dma_wait3A_245 = tpu.memref_slice %arg6[%run_scoped3A_61, %dma_wait3A_244] : memref<2x128xi32, #tpu.memory_space<vmem>> -> memref<1x128xi32, #tpu.memory_space<vmem>>
        %dma_wait3A_246 = tpu.memref_squeeze %dma_wait3A_245 : memref<1x128xi32, #tpu.memory_space<vmem>> -> memref<128xi32, #tpu.memory_space<vmem>>
        %dma_wait3A_247 = tpu.memref_slice %arg3[%add3A_60] : memref<327808xi32, #tpu.memory_space<hbm>> -> memref<128xi32, #tpu.memory_space<hbm>>
        tpu.wait_dma2 semaphore(%run_scoped3A_231 : memref<!tpu.dma_semaphore, #tpu.memory_space<semaphore_mem>>) src(%dma_wait3A_247 : memref<128xi32, #tpu.memory_space<hbm>>) dst(%dma_wait3A_246 : memref<128xi32, #tpu.memory_space<vmem>>)
        tpu.yield
      }) : () -> ()
      %dma_start3A_62 = arith.constant 1 : i32
      %dma_start3A_63 = arith.constant 1 : i32
      %dma_start3A_64 = arith.constant 0 : i32
      %dma_start3A_65 = arith.constant 0 : i32
      %dma_start3A_66 = tpu.memref_slice %arg7[%dma_start3A_63, %dma_start3A_64, %dma_start3A_65] : memref<2x160x128xf32, #tpu.memory_space<vmem>> -> memref<1x160x128xf32, #tpu.memory_space<vmem>>
      %dma_start3A_67 = tpu.memref_squeeze %dma_start3A_66 : memref<1x160x128xf32, #tpu.memory_space<vmem>> -> memref<160x128xf32, #tpu.memory_space<vmem>>
      %dma_start3A_68 = arith.constant 0 : i32
      %dma_start3A_69 = arith.constant 0 : i32
      %dma_start3A_70 = tpu.memref_slice %dma_start3A_67[%dma_start3A_68, %dma_start3A_69] : memref<160x128xf32, #tpu.memory_space<vmem>> -> memref<80x128xf32, #tpu.memory_space<vmem>>
      %dma_start3A_71 = arith.constant 0 : i32
      %dma_start3A_72 = tpu.memref_slice %arg5[%dma_start3A_62, %dma_start3A_71] : memref<2x128xi32, #tpu.memory_space<vmem>> -> memref<1x128xi32, #tpu.memory_space<vmem>>
      %dma_start3A_73 = tpu.memref_squeeze %dma_start3A_72 : memref<1x128xi32, #tpu.memory_space<vmem>> -> memref<128xi32, #tpu.memory_space<vmem>>
      %dma_start3A_74 = arith.constant 0 : i32
      %dma_start3A_75 = tpu.memref_slice %dma_start3A_73[%dma_start3A_74] : memref<128xi32, #tpu.memory_space<vmem>> -> memref<80xi32, #tpu.memory_space<vmem>>
      %dma_start3A_76 = arith.constant 0 : i32
      %dma_start3A_77 = arith.constant 0 : i32
      %dma_start3A_78 = tpu.memref_slice %arg2[%dma_start3A_76, %dma_start3A_77] : memref<16384x128xf32, #tpu.memory_space<hbm>> -> memref<16384x128xf32, #tpu.memory_space<hbm>>
      tpu.enqueue_indirect_dma source(%dma_start3A_78 : memref<16384x128xf32, #tpu.memory_space<hbm>>) target(%dma_start3A_70 : memref<80x128xf32, #tpu.memory_space<vmem>>) offsets(%dma_start3A_75 : memref<80xi32, #tpu.memory_space<vmem>>) semaphore(%arg9 : memref<!tpu.dma_semaphore, #tpu.memory_space<semaphore_mem>>)
      %dma_start3A_79 = arith.constant 1 : i32
      %dma_start3A_80 = arith.constant 1 : i32
      %dma_start3A_81 = arith.constant 0 : i32
      %dma_start3A_82 = arith.constant 0 : i32
      %dma_start3A_83 = tpu.memref_slice %arg7[%dma_start3A_80, %dma_start3A_81, %dma_start3A_82] : memref<2x160x128xf32, #tpu.memory_space<vmem>> -> memref<1x160x128xf32, #tpu.memory_space<vmem>>
      %dma_start3A_84 = tpu.memref_squeeze %dma_start3A_83 : memref<1x160x128xf32, #tpu.memory_space<vmem>> -> memref<160x128xf32, #tpu.memory_space<vmem>>
      %dma_start3A_85 = arith.constant 80 : i32
      %dma_start3A_86 = arith.constant 0 : i32
      %dma_start3A_87 = tpu.memref_slice %dma_start3A_84[%dma_start3A_85, %dma_start3A_86] : memref<160x128xf32, #tpu.memory_space<vmem>> -> memref<80x128xf32, #tpu.memory_space<vmem>>
      %dma_start3A_88 = arith.constant 0 : i32
      %dma_start3A_89 = tpu.memref_slice %arg6[%dma_start3A_79, %dma_start3A_88] : memref<2x128xi32, #tpu.memory_space<vmem>> -> memref<1x128xi32, #tpu.memory_space<vmem>>
      %dma_start3A_90 = tpu.memref_squeeze %dma_start3A_89 : memref<1x128xi32, #tpu.memory_space<vmem>> -> memref<128xi32, #tpu.memory_space<vmem>>
      %dma_start3A_91 = arith.constant 0 : i32
      %dma_start3A_92 = tpu.memref_slice %dma_start3A_90[%dma_start3A_91] : memref<128xi32, #tpu.memory_space<vmem>> -> memref<80xi32, #tpu.memory_space<vmem>>
      %dma_start3A_93 = arith.constant 0 : i32
      %dma_start3A_94 = arith.constant 0 : i32
      %dma_start3A_95 = tpu.memref_slice %arg2[%dma_start3A_93, %dma_start3A_94] : memref<16384x128xf32, #tpu.memory_space<hbm>> -> memref<16384x128xf32, #tpu.memory_space<hbm>>
      tpu.enqueue_indirect_dma source(%dma_start3A_95 : memref<16384x128xf32, #tpu.memory_space<hbm>>) target(%dma_start3A_87 : memref<80x128xf32, #tpu.memory_space<vmem>>) offsets(%dma_start3A_92 : memref<80xi32, #tpu.memory_space<vmem>>) semaphore(%arg9 : memref<!tpu.dma_semaphore, #tpu.memory_space<semaphore_mem>>)
      %mul3A_96 = arith.constant 8 : i32
      %mul3A_97 = arith.muli %mul3A_50, %mul3A_96 : i32
      %add3A_98 = arith.addi %mul3A_2, %mul3A_97 : i32
      %mul3A_99 = arith.constant 20 : i32
      %mul3A_100 = arith.muli %add3A_98, %mul3A_99 : i32
      %dma_wait3A = arith.constant 0 : i32
      %dma_wait3A_101 = arith.constant 0 : i32
      %dma_wait3A_102 = arith.constant 0 : i32
      %dma_wait3A_103 = arith.constant 0 : i32
      %dma_wait3A_104 = tpu.memref_slice %arg7[%dma_wait3A_101, %dma_wait3A_102, %dma_wait3A_103] : memref<2x160x128xf32, #tpu.memory_space<vmem>> -> memref<1x160x128xf32, #tpu.memory_space<vmem>>
      %dma_wait3A_105 = tpu.memref_squeeze %dma_wait3A_104 : memref<1x160x128xf32, #tpu.memory_space<vmem>> -> memref<160x128xf32, #tpu.memory_space<vmem>>
      %dma_wait3A_106 = arith.constant 0 : i32
      %dma_wait3A_107 = arith.constant 0 : i32
      %dma_wait3A_108 = tpu.memref_slice %dma_wait3A_105[%dma_wait3A_106, %dma_wait3A_107] : memref<160x128xf32, #tpu.memory_space<vmem>> -> memref<80x128xf32, #tpu.memory_space<vmem>>
      %dma_wait3A_109 = arith.constant 0 : i32
      %dma_wait3A_110 = tpu.memref_slice %arg5[%dma_wait3A, %dma_wait3A_109] : memref<2x128xi32, #tpu.memory_space<vmem>> -> memref<1x128xi32, #tpu.memory_space<vmem>>
      %dma_wait3A_111 = tpu.memref_squeeze %dma_wait3A_110 : memref<1x128xi32, #tpu.memory_space<vmem>> -> memref<128xi32, #tpu.memory_space<vmem>>
      %dma_wait3A_112 = arith.constant 0 : i32
      %dma_wait3A_113 = tpu.memref_slice %dma_wait3A_111[%dma_wait3A_112] : memref<128xi32, #tpu.memory_space<vmem>> -> memref<80xi32, #tpu.memory_space<vmem>>
      %dma_wait3A_114 = arith.constant 0 : i32
      %dma_wait3A_115 = arith.constant 0 : i32
      %dma_wait3A_116 = tpu.memref_slice %arg2[%dma_wait3A_114, %dma_wait3A_115] : memref<16384x128xf32, #tpu.memory_space<hbm>> -> memref<16384x128xf32, #tpu.memory_space<hbm>>
      tpu.wait_indirect_dma semaphore(%arg8 : memref<!tpu.dma_semaphore, #tpu.memory_space<semaphore_mem>>) src(%dma_wait3A_116 : memref<16384x128xf32, #tpu.memory_space<hbm>>) dst(%dma_wait3A_108 : memref<80x128xf32, #tpu.memory_space<vmem>>)
      %dma_wait3A_117 = arith.constant 0 : i32
      %dma_wait3A_118 = arith.constant 0 : i32
      %dma_wait3A_119 = arith.constant 0 : i32
      %dma_wait3A_120 = arith.constant 0 : i32
      %dma_wait3A_121 = tpu.memref_slice %arg7[%dma_wait3A_118, %dma_wait3A_119, %dma_wait3A_120] : memref<2x160x128xf32, #tpu.memory_space<vmem>> -> memref<1x160x128xf32, #tpu.memory_space<vmem>>
      %dma_wait3A_122 = tpu.memref_squeeze %dma_wait3A_121 : memref<1x160x128xf32, #tpu.memory_space<vmem>> -> memref<160x128xf32, #tpu.memory_space<vmem>>
      %dma_wait3A_123 = arith.constant 80 : i32
      %dma_wait3A_124 = arith.constant 0 : i32
      %dma_wait3A_125 = tpu.memref_slice %dma_wait3A_122[%dma_wait3A_123, %dma_wait3A_124] : memref<160x128xf32, #tpu.memory_space<vmem>> -> memref<80x128xf32, #tpu.memory_space<vmem>>
      %dma_wait3A_126 = arith.constant 0 : i32
      %dma_wait3A_127 = tpu.memref_slice %arg6[%dma_wait3A_117, %dma_wait3A_126] : memref<2x128xi32, #tpu.memory_space<vmem>> -> memref<1x128xi32, #tpu.memory_space<vmem>>
      %dma_wait3A_128 = tpu.memref_squeeze %dma_wait3A_127 : memref<1x128xi32, #tpu.memory_space<vmem>> -> memref<128xi32, #tpu.memory_space<vmem>>
      %dma_wait3A_129 = arith.constant 0 : i32
      %dma_wait3A_130 = tpu.memref_slice %dma_wait3A_128[%dma_wait3A_129] : memref<128xi32, #tpu.memory_space<vmem>> -> memref<80xi32, #tpu.memory_space<vmem>>
      %dma_wait3A_131 = arith.constant 0 : i32
      %dma_wait3A_132 = arith.constant 0 : i32
      %dma_wait3A_133 = tpu.memref_slice %arg2[%dma_wait3A_131, %dma_wait3A_132] : memref<16384x128xf32, #tpu.memory_space<hbm>> -> memref<16384x128xf32, #tpu.memory_space<hbm>>
      tpu.wait_indirect_dma semaphore(%arg8 : memref<!tpu.dma_semaphore, #tpu.memory_space<semaphore_mem>>) src(%dma_wait3A_133 : memref<16384x128xf32, #tpu.memory_space<hbm>>) dst(%dma_wait3A_125 : memref<80x128xf32, #tpu.memory_space<vmem>>)
      %dma_start3A_134 = arith.constant 0 : i32
      %dma_start3A_135 = arith.constant 0 : i32
      %dma_start3A_136 = arith.constant 0 : i32
      %dma_start3A_137 = tpu.memref_slice %arg7[%dma_start3A_134, %dma_start3A_135, %dma_start3A_136] : memref<2x160x128xf32, #tpu.memory_space<vmem>> -> memref<1x160x128xf32, #tpu.memory_space<vmem>>
      %dma_start3A_138 = tpu.memref_squeeze %dma_start3A_137 : memref<1x160x128xf32, #tpu.memory_space<vmem>> -> memref<160x128xf32, #tpu.memory_space<vmem>>
      %dma_start3A_139 = arith.constant 0 : i32
      %dma_start3A_140 = tpu.memref_slice %arg4[%mul3A_100, %dma_start3A_139] : memref<327680x128xf32, #tpu.memory_space<hbm>> -> memref<160x128xf32, #tpu.memory_space<hbm>>
      %dma_start3A_141 = arith.constant 0 : i32
      %dma_start3A_142 = tpu.memref_slice %arg4[%mul3A_100, %dma_start3A_141] : memref<327680x128xf32, #tpu.memory_space<hbm>> -> memref<160x128xf32, #tpu.memory_space<hbm>>
      %dma_start3A_143 = arith.constant 0 : i32
      %dma_start3A_144 = arith.constant 0 : i32
      %dma_start3A_145 = tpu.memref_slice %arg7[%dma_start3A_134, %dma_start3A_143, %dma_start3A_144] : memref<2x160x128xf32, #tpu.memory_space<vmem>> -> memref<1x160x128xf32, #tpu.memory_space<vmem>>
      %dma_start3A_146 = tpu.memref_squeeze %dma_start3A_145 : memref<1x160x128xf32, #tpu.memory_space<vmem>> -> memref<160x128xf32, #tpu.memory_space<vmem>>
      tpu.enqueue_dma source(%dma_start3A_146 : memref<160x128xf32, #tpu.memory_space<vmem>>) target(%dma_start3A_142 : memref<160x128xf32, #tpu.memory_space<hbm>>) target_semaphore(%arg10 : memref<!tpu.dma_semaphore, #tpu.memory_space<semaphore_mem>>)
      %dma_wait3A_147 = arith.constant 0 : i32
      %dma_wait3A_148 = arith.constant 0 : i32
      %dma_wait3A_149 = arith.constant 0 : i32
      %dma_wait3A_150 = tpu.memref_slice %arg7[%dma_wait3A_147, %dma_wait3A_148, %dma_wait3A_149] : memref<2x160x128xf32, #tpu.memory_space<vmem>> -> memref<1x160x128xf32, #tpu.memory_space<vmem>>
      %dma_wait3A_151 = tpu.memref_squeeze %dma_wait3A_150 : memref<1x160x128xf32, #tpu.memory_space<vmem>> -> memref<160x128xf32, #tpu.memory_space<vmem>>
      %dma_wait3A_152 = arith.constant 0 : i32
      %dma_wait3A_153 = tpu.memref_slice %arg4[%mul3A_100, %dma_wait3A_152] : memref<327680x128xf32, #tpu.memory_space<hbm>> -> memref<160x128xf32, #tpu.memory_space<hbm>>
      %dma_wait3A_154 = arith.constant 0 : i32
      %dma_wait3A_155 = tpu.memref_slice %arg4[%mul3A_100, %dma_wait3A_154] : memref<327680x128xf32, #tpu.memory_space<hbm>> -> memref<160x128xf32, #tpu.memory_space<hbm>>
      %dma_wait3A_156 = arith.constant 0 : i32
      %dma_wait3A_157 = arith.constant 0 : i32
      %dma_wait3A_158 = tpu.memref_slice %arg7[%dma_wait3A_147, %dma_wait3A_156, %dma_wait3A_157] : memref<2x160x128xf32, #tpu.memory_space<vmem>> -> memref<1x160x128xf32, #tpu.memory_space<vmem>>
      %dma_wait3A_159 = tpu.memref_squeeze %dma_wait3A_158 : memref<1x160x128xf32, #tpu.memory_space<vmem>> -> memref<160x128xf32, #tpu.memory_space<vmem>>
      tpu.wait_dma2 semaphore(%arg10 : memref<!tpu.dma_semaphore, #tpu.memory_space<semaphore_mem>>) src(%dma_wait3A_159 : memref<160x128xf32, #tpu.memory_space<vmem>>) dst(%dma_wait3A_155 : memref<160x128xf32, #tpu.memory_space<hbm>>)
      %add3A_160 = arith.constant 2 : i32
      %add3A_161 = arith.addi %mul3A_50, %add3A_160 : i32
      %lt3A = arith.constant 64 : i32
      %lt3A_162 = arith.cmpi slt, %add3A_161, %lt3A : i32
      %convert_element_type3A = arith.extui %lt3A_162 : i1 to i32
      %cond3A = arith.constant 0 : i32
      %cond3A_163 = arith.cmpi ne, %convert_element_type3A, %cond3A : i32
      scf.if %cond3A_163 {
        %add3A_231 = arith.constant 2 : i32
        %add3A_232 = arith.addi %mul3A_50, %add3A_231 : i32
        %mul3A_233 = arith.constant 8 : i32
        %mul3A_234 = arith.muli %add3A_232, %mul3A_233 : i32
        %add3A_235 = arith.addi %mul3A_2, %mul3A_234 : i32
        %mul3A_236 = arith.constant 20 : i32
        %mul3A_237 = arith.muli %add3A_235, %mul3A_236 : i32
        %run_scoped3A_238 = arith.constant 0 : i32
        "tpu.region"() ({
          %run_scoped3A_276 = tpu.sem_alloc : memref<!tpu.dma_semaphore, #tpu.memory_space<semaphore_mem>>
          %dma_start3A_277 = arith.constant 0 : i32
          %dma_start3A_278 = tpu.memref_slice %arg5[%run_scoped3A_238, %dma_start3A_277] : memref<2x128xi32, #tpu.memory_space<vmem>> -> memref<1x128xi32, #tpu.memory_space<vmem>>
          %dma_start3A_279 = tpu.memref_squeeze %dma_start3A_278 : memref<1x128xi32, #tpu.memory_space<vmem>> -> memref<128xi32, #tpu.memory_space<vmem>>
          %dma_start3A_280 = tpu.memref_slice %arg3[%mul3A_237] : memref<327808xi32, #tpu.memory_space<hbm>> -> memref<128xi32, #tpu.memory_space<hbm>>
          %dma_start3A_281 = arith.constant 0 : i32
          %dma_start3A_282 = tpu.memref_slice %arg5[%run_scoped3A_238, %dma_start3A_281] : memref<2x128xi32, #tpu.memory_space<vmem>> -> memref<1x128xi32, #tpu.memory_space<vmem>>
          %dma_start3A_283 = tpu.memref_squeeze %dma_start3A_282 : memref<1x128xi32, #tpu.memory_space<vmem>> -> memref<128xi32, #tpu.memory_space<vmem>>
          %dma_start3A_284 = tpu.memref_slice %arg3[%mul3A_237] : memref<327808xi32, #tpu.memory_space<hbm>> -> memref<128xi32, #tpu.memory_space<hbm>>
          tpu.enqueue_dma source(%dma_start3A_284 : memref<128xi32, #tpu.memory_space<hbm>>) target(%dma_start3A_283 : memref<128xi32, #tpu.memory_space<vmem>>) target_semaphore(%run_scoped3A_276 : memref<!tpu.dma_semaphore, #tpu.memory_space<semaphore_mem>>)
          %dma_wait3A_285 = arith.constant 0 : i32
          %dma_wait3A_286 = tpu.memref_slice %arg5[%run_scoped3A_238, %dma_wait3A_285] : memref<2x128xi32, #tpu.memory_space<vmem>> -> memref<1x128xi32, #tpu.memory_space<vmem>>
          %dma_wait3A_287 = tpu.memref_squeeze %dma_wait3A_286 : memref<1x128xi32, #tpu.memory_space<vmem>> -> memref<128xi32, #tpu.memory_space<vmem>>
          %dma_wait3A_288 = tpu.memref_slice %arg3[%mul3A_237] : memref<327808xi32, #tpu.memory_space<hbm>> -> memref<128xi32, #tpu.memory_space<hbm>>
          %dma_wait3A_289 = arith.constant 0 : i32
          %dma_wait3A_290 = tpu.memref_slice %arg5[%run_scoped3A_238, %dma_wait3A_289] : memref<2x128xi32, #tpu.memory_space<vmem>> -> memref<1x128xi32, #tpu.memory_space<vmem>>
          %dma_wait3A_291 = tpu.memref_squeeze %dma_wait3A_290 : memref<1x128xi32, #tpu.memory_space<vmem>> -> memref<128xi32, #tpu.memory_space<vmem>>
          %dma_wait3A_292 = tpu.memref_slice %arg3[%mul3A_237] : memref<327808xi32, #tpu.memory_space<hbm>> -> memref<128xi32, #tpu.memory_space<hbm>>
          tpu.wait_dma2 semaphore(%run_scoped3A_276 : memref<!tpu.dma_semaphore, #tpu.memory_space<semaphore_mem>>) src(%dma_wait3A_292 : memref<128xi32, #tpu.memory_space<hbm>>) dst(%dma_wait3A_291 : memref<128xi32, #tpu.memory_space<vmem>>)
          tpu.yield
        }) : () -> ()
        %add3A_239 = arith.constant 80 : i32
        %add3A_240 = arith.addi %mul3A_237, %add3A_239 : i32
        %run_scoped3A_241 = arith.constant 0 : i32
        "tpu.region"() ({
          %run_scoped3A_276 = tpu.sem_alloc : memref<!tpu.dma_semaphore, #tpu.memory_space<semaphore_mem>>
          %dma_start3A_277 = arith.constant 0 : i32
          %dma_start3A_278 = tpu.memref_slice %arg6[%run_scoped3A_241, %dma_start3A_277] : memref<2x128xi32, #tpu.memory_space<vmem>> -> memref<1x128xi32, #tpu.memory_space<vmem>>
          %dma_start3A_279 = tpu.memref_squeeze %dma_start3A_278 : memref<1x128xi32, #tpu.memory_space<vmem>> -> memref<128xi32, #tpu.memory_space<vmem>>
          %dma_start3A_280 = tpu.memref_slice %arg3[%add3A_240] : memref<327808xi32, #tpu.memory_space<hbm>> -> memref<128xi32, #tpu.memory_space<hbm>>
          %dma_start3A_281 = arith.constant 0 : i32
          %dma_start3A_282 = tpu.memref_slice %arg6[%run_scoped3A_241, %dma_start3A_281] : memref<2x128xi32, #tpu.memory_space<vmem>> -> memref<1x128xi32, #tpu.memory_space<vmem>>
          %dma_start3A_283 = tpu.memref_squeeze %dma_start3A_282 : memref<1x128xi32, #tpu.memory_space<vmem>> -> memref<128xi32, #tpu.memory_space<vmem>>
          %dma_start3A_284 = tpu.memref_slice %arg3[%add3A_240] : memref<327808xi32, #tpu.memory_space<hbm>> -> memref<128xi32, #tpu.memory_space<hbm>>
          tpu.enqueue_dma source(%dma_start3A_284 : memref<128xi32, #tpu.memory_space<hbm>>) target(%dma_start3A_283 : memref<128xi32, #tpu.memory_space<vmem>>) target_semaphore(%run_scoped3A_276 : memref<!tpu.dma_semaphore, #tpu.memory_space<semaphore_mem>>)
          %dma_wait3A_285 = arith.constant 0 : i32
          %dma_wait3A_286 = tpu.memref_slice %arg6[%run_scoped3A_241, %dma_wait3A_285] : memref<2x128xi32, #tpu.memory_space<vmem>> -> memref<1x128xi32, #tpu.memory_space<vmem>>
          %dma_wait3A_287 = tpu.memref_squeeze %dma_wait3A_286 : memref<1x128xi32, #tpu.memory_space<vmem>> -> memref<128xi32, #tpu.memory_space<vmem>>
          %dma_wait3A_288 = tpu.memref_slice %arg3[%add3A_240] : memref<327808xi32, #tpu.memory_space<hbm>> -> memref<128xi32, #tpu.memory_space<hbm>>
          %dma_wait3A_289 = arith.constant 0 : i32
          %dma_wait3A_290 = tpu.memref_slice %arg6[%run_scoped3A_241, %dma_wait3A_289] : memref<2x128xi32, #tpu.memory_space<vmem>> -> memref<1x128xi32, #tpu.memory_space<vmem>>
          %dma_wait3A_291 = tpu.memref_squeeze %dma_wait3A_290 : memref<1x128xi32, #tpu.memory_space<vmem>> -> memref<128xi32, #tpu.memory_space<vmem>>
          %dma_wait3A_292 = tpu.memref_slice %arg3[%add3A_240] : memref<327808xi32, #tpu.memory_space<hbm>> -> memref<128xi32, #tpu.memory_space<hbm>>
          tpu.wait_dma2 semaphore(%run_scoped3A_276 : memref<!tpu.dma_semaphore, #tpu.memory_space<semaphore_mem>>) src(%dma_wait3A_292 : memref<128xi32, #tpu.memory_space<hbm>>) dst(%dma_wait3A_291 : memref<128xi32, #tpu.memory_space<vmem>>)
          tpu.yield
        }) : () -> ()
        %dma_start3A_242 = arith.constant 0 : i32
        %dma_start3A_243 = arith.constant 0 : i32
        %dma_start3A_244 = arith.constant 0 : i32
        %dma_start3A_245 = arith.constant 0 : i32
        %dma_start3A_246 = tpu.memref_slice %arg7[%dma_start3A_243, %dma_start3A_244, %dma_start3A_245] : memref<2x160x128xf32, #tpu.memory_space<vmem>> -> memref<1x160x128xf32, #tpu.memory_space<vmem>>
        %dma_start3A_247 = tpu.memref_squeeze %dma_start3A_246 : memref<1x160x128xf32, #tpu.memory_space<vmem>> -> memref<160x128xf32, #tpu.memory_space<vmem>>
        %dma_start3A_248 = arith.constant 0 : i32
        %dma_start3A_249 = arith.constant 0 : i32
        %dma_start3A_250 = tpu.memref_slice %dma_start3A_247[%dma_start3A_248, %dma_start3A_249] : memref<160x128xf32, #tpu.memory_space<vmem>> -> memref<80x128xf32, #tpu.memory_space<vmem>>
        %dma_start3A_251 = arith.constant 0 : i32
        %dma_start3A_252 = tpu.memref_slice %arg5[%dma_start3A_242, %dma_start3A_251] : memref<2x128xi32, #tpu.memory_space<vmem>> -> memref<1x128xi32, #tpu.memory_space<vmem>>
        %dma_start3A_253 = tpu.memref_squeeze %dma_start3A_252 : memref<1x128xi32, #tpu.memory_space<vmem>> -> memref<128xi32, #tpu.memory_space<vmem>>
        %dma_start3A_254 = arith.constant 0 : i32
        %dma_start3A_255 = tpu.memref_slice %dma_start3A_253[%dma_start3A_254] : memref<128xi32, #tpu.memory_space<vmem>> -> memref<80xi32, #tpu.memory_space<vmem>>
        %dma_start3A_256 = arith.constant 0 : i32
        %dma_start3A_257 = arith.constant 0 : i32
        %dma_start3A_258 = tpu.memref_slice %arg2[%dma_start3A_256, %dma_start3A_257] : memref<16384x128xf32, #tpu.memory_space<hbm>> -> memref<16384x128xf32, #tpu.memory_space<hbm>>
        tpu.enqueue_indirect_dma source(%dma_start3A_258 : memref<16384x128xf32, #tpu.memory_space<hbm>>) target(%dma_start3A_250 : memref<80x128xf32, #tpu.memory_space<vmem>>) offsets(%dma_start3A_255 : memref<80xi32, #tpu.memory_space<vmem>>) semaphore(%arg8 : memref<!tpu.dma_semaphore, #tpu.memory_space<semaphore_mem>>)
        %dma_start3A_259 = arith.constant 0 : i32
        %dma_start3A_260 = arith.constant 0 : i32
        %dma_start3A_261 = arith.constant 0 : i32
        %dma_start3A_262 = arith.constant 0 : i32
        %dma_start3A_263 = tpu.memref_slice %arg7[%dma_start3A_260, %dma_start3A_261, %dma_start3A_262] : memref<2x160x128xf32, #tpu.memory_space<vmem>> -> memref<1x160x128xf32, #tpu.memory_space<vmem>>
        %dma_start3A_264 = tpu.memref_squeeze %dma_start3A_263 : memref<1x160x128xf32, #tpu.memory_space<vmem>> -> memref<160x128xf32, #tpu.memory_space<vmem>>
        %dma_start3A_265 = arith.constant 80 : i32
        %dma_start3A_266 = arith.constant 0 : i32
        %dma_start3A_267 = tpu.memref_slice %dma_start3A_264[%dma_start3A_265, %dma_start3A_266] : memref<160x128xf32, #tpu.memory_space<vmem>> -> memref<80x128xf32, #tpu.memory_space<vmem>>
        %dma_start3A_268 = arith.constant 0 : i32
        %dma_start3A_269 = tpu.memref_slice %arg6[%dma_start3A_259, %dma_start3A_268] : memref<2x128xi32, #tpu.memory_space<vmem>> -> memref<1x128xi32, #tpu.memory_space<vmem>>
        %dma_start3A_270 = tpu.memref_squeeze %dma_start3A_269 : memref<1x128xi32, #tpu.memory_space<vmem>> -> memref<128xi32, #tpu.memory_space<vmem>>
        %dma_start3A_271 = arith.constant 0 : i32
        %dma_start3A_272 = tpu.memref_slice %dma_start3A_270[%dma_start3A_271] : memref<128xi32, #tpu.memory_space<vmem>> -> memref<80xi32, #tpu.memory_space<vmem>>
        %dma_start3A_273 = arith.constant 0 : i32
        %dma_start3A_274 = arith.constant 0 : i32
        %dma_start3A_275 = tpu.memref_slice %arg2[%dma_start3A_273, %dma_start3A_274] : memref<16384x128xf32, #tpu.memory_space<hbm>> -> memref<16384x128xf32, #tpu.memory_space<hbm>>
        tpu.enqueue_indirect_dma source(%dma_start3A_275 : memref<16384x128xf32, #tpu.memory_space<hbm>>) target(%dma_start3A_267 : memref<80x128xf32, #tpu.memory_space<vmem>>) offsets(%dma_start3A_272 : memref<80xi32, #tpu.memory_space<vmem>>) semaphore(%arg8 : memref<!tpu.dma_semaphore, #tpu.memory_space<semaphore_mem>>)
      } else {
      }
      %add3A_164 = arith.constant 1 : i32
      %add3A_165 = arith.addi %mul3A_50, %add3A_164 : i32
      %mul3A_166 = arith.constant 8 : i32
      %mul3A_167 = arith.muli %add3A_165, %mul3A_166 : i32
      %add3A_168 = arith.addi %mul3A_2, %mul3A_167 : i32
      %mul3A_169 = arith.constant 20 : i32
      %mul3A_170 = arith.muli %add3A_168, %mul3A_169 : i32
      %dma_wait3A_171 = arith.constant 1 : i32
      %dma_wait3A_172 = arith.constant 1 : i32
      %dma_wait3A_173 = arith.constant 0 : i32
      %dma_wait3A_174 = arith.constant 0 : i32
      %dma_wait3A_175 = tpu.memref_slice %arg7[%dma_wait3A_172, %dma_wait3A_173, %dma_wait3A_174] : memref<2x160x128xf32, #tpu.memory_space<vmem>> -> memref<1x160x128xf32, #tpu.memory_space<vmem>>
      %dma_wait3A_176 = tpu.memref_squeeze %dma_wait3A_175 : memref<1x160x128xf32, #tpu.memory_space<vmem>> -> memref<160x128xf32, #tpu.memory_space<vmem>>
      %dma_wait3A_177 = arith.constant 0 : i32
      %dma_wait3A_178 = arith.constant 0 : i32
      %dma_wait3A_179 = tpu.memref_slice %dma_wait3A_176[%dma_wait3A_177, %dma_wait3A_178] : memref<160x128xf32, #tpu.memory_space<vmem>> -> memref<80x128xf32, #tpu.memory_space<vmem>>
      %dma_wait3A_180 = arith.constant 0 : i32
      %dma_wait3A_181 = tpu.memref_slice %arg5[%dma_wait3A_171, %dma_wait3A_180] : memref<2x128xi32, #tpu.memory_space<vmem>> -> memref<1x128xi32, #tpu.memory_space<vmem>>
      %dma_wait3A_182 = tpu.memref_squeeze %dma_wait3A_181 : memref<1x128xi32, #tpu.memory_space<vmem>> -> memref<128xi32, #tpu.memory_space<vmem>>
      %dma_wait3A_183 = arith.constant 0 : i32
      %dma_wait3A_184 = tpu.memref_slice %dma_wait3A_182[%dma_wait3A_183] : memref<128xi32, #tpu.memory_space<vmem>> -> memref<80xi32, #tpu.memory_space<vmem>>
      %dma_wait3A_185 = arith.constant 0 : i32
      %dma_wait3A_186 = arith.constant 0 : i32
      %dma_wait3A_187 = tpu.memref_slice %arg2[%dma_wait3A_185, %dma_wait3A_186] : memref<16384x128xf32, #tpu.memory_space<hbm>> -> memref<16384x128xf32, #tpu.memory_space<hbm>>
      tpu.wait_indirect_dma semaphore(%arg9 : memref<!tpu.dma_semaphore, #tpu.memory_space<semaphore_mem>>) src(%dma_wait3A_187 : memref<16384x128xf32, #tpu.memory_space<hbm>>) dst(%dma_wait3A_179 : memref<80x128xf32, #tpu.memory_space<vmem>>)
      %dma_wait3A_188 = arith.constant 1 : i32
      %dma_wait3A_189 = arith.constant 1 : i32
      %dma_wait3A_190 = arith.constant 0 : i32
      %dma_wait3A_191 = arith.constant 0 : i32
      %dma_wait3A_192 = tpu.memref_slice %arg7[%dma_wait3A_189, %dma_wait3A_190, %dma_wait3A_191] : memref<2x160x128xf32, #tpu.memory_space<vmem>> -> memref<1x160x128xf32, #tpu.memory_space<vmem>>
      %dma_wait3A_193 = tpu.memref_squeeze %dma_wait3A_192 : memref<1x160x128xf32, #tpu.memory_space<vmem>> -> memref<160x128xf32, #tpu.memory_space<vmem>>
      %dma_wait3A_194 = arith.constant 80 : i32
      %dma_wait3A_195 = arith.constant 0 : i32
      %dma_wait3A_196 = tpu.memref_slice %dma_wait3A_193[%dma_wait3A_194, %dma_wait3A_195] : memref<160x128xf32, #tpu.memory_space<vmem>> -> memref<80x128xf32, #tpu.memory_space<vmem>>
      %dma_wait3A_197 = arith.constant 0 : i32
      %dma_wait3A_198 = tpu.memref_slice %arg6[%dma_wait3A_188, %dma_wait3A_197] : memref<2x128xi32, #tpu.memory_space<vmem>> -> memref<1x128xi32, #tpu.memory_space<vmem>>
      %dma_wait3A_199 = tpu.memref_squeeze %dma_wait3A_198 : memref<1x128xi32, #tpu.memory_space<vmem>> -> memref<128xi32, #tpu.memory_space<vmem>>
      %dma_wait3A_200 = arith.constant 0 : i32
      %dma_wait3A_201 = tpu.memref_slice %dma_wait3A_199[%dma_wait3A_200] : memref<128xi32, #tpu.memory_space<vmem>> -> memref<80xi32, #tpu.memory_space<vmem>>
      %dma_wait3A_202 = arith.constant 0 : i32
      %dma_wait3A_203 = arith.constant 0 : i32
      %dma_wait3A_204 = tpu.memref_slice %arg2[%dma_wait3A_202, %dma_wait3A_203] : memref<16384x128xf32, #tpu.memory_space<hbm>> -> memref<16384x128xf32, #tpu.memory_space<hbm>>
      tpu.wait_indirect_dma semaphore(%arg9 : memref<!tpu.dma_semaphore, #tpu.memory_space<semaphore_mem>>) src(%dma_wait3A_204 : memref<16384x128xf32, #tpu.memory_space<hbm>>) dst(%dma_wait3A_196 : memref<80x128xf32, #tpu.memory_space<vmem>>)
      %dma_start3A_205 = arith.constant 1 : i32
      %dma_start3A_206 = arith.constant 0 : i32
      %dma_start3A_207 = arith.constant 0 : i32
      %dma_start3A_208 = tpu.memref_slice %arg7[%dma_start3A_205, %dma_start3A_206, %dma_start3A_207] : memref<2x160x128xf32, #tpu.memory_space<vmem>> -> memref<1x160x128xf32, #tpu.memory_space<vmem>>
      %dma_start3A_209 = tpu.memref_squeeze %dma_start3A_208 : memref<1x160x128xf32, #tpu.memory_space<vmem>> -> memref<160x128xf32, #tpu.memory_space<vmem>>
      %dma_start3A_210 = arith.constant 0 : i32
      %dma_start3A_211 = tpu.memref_slice %arg4[%mul3A_170, %dma_start3A_210] : memref<327680x128xf32, #tpu.memory_space<hbm>> -> memref<160x128xf32, #tpu.memory_space<hbm>>
      %dma_start3A_212 = arith.constant 0 : i32
      %dma_start3A_213 = tpu.memref_slice %arg4[%mul3A_170, %dma_start3A_212] : memref<327680x128xf32, #tpu.memory_space<hbm>> -> memref<160x128xf32, #tpu.memory_space<hbm>>
      %dma_start3A_214 = arith.constant 0 : i32
      %dma_start3A_215 = arith.constant 0 : i32
      %dma_start3A_216 = tpu.memref_slice %arg7[%dma_start3A_205, %dma_start3A_214, %dma_start3A_215] : memref<2x160x128xf32, #tpu.memory_space<vmem>> -> memref<1x160x128xf32, #tpu.memory_space<vmem>>
      %dma_start3A_217 = tpu.memref_squeeze %dma_start3A_216 : memref<1x160x128xf32, #tpu.memory_space<vmem>> -> memref<160x128xf32, #tpu.memory_space<vmem>>
      tpu.enqueue_dma source(%dma_start3A_217 : memref<160x128xf32, #tpu.memory_space<vmem>>) target(%dma_start3A_213 : memref<160x128xf32, #tpu.memory_space<hbm>>) target_semaphore(%arg10 : memref<!tpu.dma_semaphore, #tpu.memory_space<semaphore_mem>>)
      %dma_wait3A_218 = arith.constant 1 : i32
      %dma_wait3A_219 = arith.constant 0 : i32
      %dma_wait3A_220 = arith.constant 0 : i32
      %dma_wait3A_221 = tpu.memref_slice %arg7[%dma_wait3A_218, %dma_wait3A_219, %dma_wait3A_220] : memref<2x160x128xf32, #tpu.memory_space<vmem>> -> memref<1x160x128xf32, #tpu.memory_space<vmem>>
      %dma_wait3A_222 = tpu.memref_squeeze %dma_wait3A_221 : memref<1x160x128xf32, #tpu.memory_space<vmem>> -> memref<160x128xf32, #tpu.memory_space<vmem>>
      %dma_wait3A_223 = arith.constant 0 : i32
      %dma_wait3A_224 = tpu.memref_slice %arg4[%mul3A_170, %dma_wait3A_223] : memref<327680x128xf32, #tpu.memory_space<hbm>> -> memref<160x128xf32, #tpu.memory_space<hbm>>
      %dma_wait3A_225 = arith.constant 0 : i32
      %dma_wait3A_226 = tpu.memref_slice %arg4[%mul3A_170, %dma_wait3A_225] : memref<327680x128xf32, #tpu.memory_space<hbm>> -> memref<160x128xf32, #tpu.memory_space<hbm>>
      %dma_wait3A_227 = arith.constant 0 : i32
      %dma_wait3A_228 = arith.constant 0 : i32
      %dma_wait3A_229 = tpu.memref_slice %arg7[%dma_wait3A_218, %dma_wait3A_227, %dma_wait3A_228] : memref<2x160x128xf32, #tpu.memory_space<vmem>> -> memref<1x160x128xf32, #tpu.memory_space<vmem>>
      %dma_wait3A_230 = tpu.memref_squeeze %dma_wait3A_229 : memref<1x160x128xf32, #tpu.memory_space<vmem>> -> memref<160x128xf32, #tpu.memory_space<vmem>>
      tpu.wait_dma2 semaphore(%arg10 : memref<!tpu.dma_semaphore, #tpu.memory_space<semaphore_mem>>) src(%dma_wait3A_230 : memref<160x128xf32, #tpu.memory_space<vmem>>) dst(%dma_wait3A_226 : memref<160x128xf32, #tpu.memory_space<hbm>>)
    }
    %scan3A_47 = arith.constant 32 : i32
    return
  }
}

#map = affine_map<(d0, d1) -> (0, 0)>
#map1 = affine_map<(d0, d1) -> (0)>
module attributes {stable_mosaic.version = 14 : i64} {
  func.func @sc_kernel(%arg0: i32, %arg1: i32, %arg2: memref<16384x128xf32, #tpu.memory_space<hbm>>, %arg3: memref<327808xi32, #tpu.memory_space<hbm>>, %arg4: memref<327680x128xf32, #tpu.memory_space<hbm>>, %arg5: memref<2x128xi32, #tpu.memory_space<vmem>>, %arg6: memref<2x128xi32, #tpu.memory_space<vmem>>, %arg7: memref<2x160x128xf32, #tpu.memory_space<vmem>>, %arg8: memref<!tpu.dma_semaphore, #tpu.memory_space<semaphore_mem>>, %arg9: memref<!tpu.dma_semaphore, #tpu.memory_space<semaphore_mem>>, %arg10: memref<!tpu.dma_semaphore, #tpu.memory_space<semaphore_mem>>) attributes {dimension_semantics = [#tpu.dimension_semantics<core_parallel>, #tpu.dimension_semantics<subcore_parallel>], iteration_bounds = array<i64: 2, 16>, scalar_prefetch = 0 : i64, scratch_operands = 6 : i64, tpu.core_type = #tpu.core_type<sc_vector_subcore>, window_params = [{transform_indices = #map}, {transform_indices = #map1}, {transform_indices = #map}]} {
    %mul3A = arith.constant 2 : i32
    %mul3A_0 = arith.muli %arg1, %mul3A : i32
    %add3A = arith.addi %mul3A_0, %arg0 : i32
    %mul3A_1 = arith.constant 512 : i32
    %mul3A_2 = arith.muli %add3A, %mul3A_1 : i32
    %add3A_3 = arith.constant 0 : i32
    %add3A_4 = arith.addi %mul3A_2, %add3A_3 : i32
    %mul3A_5 = arith.constant 20 : i32
    %mul3A_6 = arith.muli %add3A_4, %mul3A_5 : i32
    %run_scoped3A = arith.constant 0 : i32
    "tpu.region"() ({
      %run_scoped3A_48 = tpu.sem_alloc : memref<!tpu.dma_semaphore, #tpu.memory_space<semaphore_mem>>
      %dma_start3A_49 = arith.constant 0 : i32
      %dma_start3A_50 = tpu.memref_slice %arg5[%run_scoped3A, %dma_start3A_49] : memref<2x128xi32, #tpu.memory_space<vmem>> -> memref<1x128xi32, #tpu.memory_space<vmem>>
      %dma_start3A_51 = tpu.memref_squeeze %dma_start3A_50 : memref<1x128xi32, #tpu.memory_space<vmem>> -> memref<128xi32, #tpu.memory_space<vmem>>
      %dma_start3A_52 = tpu.memref_slice %arg3[%mul3A_6] : memref<327808xi32, #tpu.memory_space<hbm>> -> memref<128xi32, #tpu.memory_space<hbm>>
      %dma_start3A_53 = arith.constant 0 : i32
      %dma_start3A_54 = tpu.memref_slice %arg5[%run_scoped3A, %dma_start3A_53] : memref<2x128xi32, #tpu.memory_space<vmem>> -> memref<1x128xi32, #tpu.memory_space<vmem>>
      %dma_start3A_55 = tpu.memref_squeeze %dma_start3A_54 : memref<1x128xi32, #tpu.memory_space<vmem>> -> memref<128xi32, #tpu.memory_space<vmem>>
      %dma_start3A_56 = tpu.memref_slice %arg3[%mul3A_6] : memref<327808xi32, #tpu.memory_space<hbm>> -> memref<128xi32, #tpu.memory_space<hbm>>
      tpu.enqueue_dma source(%dma_start3A_56 : memref<128xi32, #tpu.memory_space<hbm>>) target(%dma_start3A_55 : memref<128xi32, #tpu.memory_space<vmem>>) target_semaphore(%run_scoped3A_48 : memref<!tpu.dma_semaphore, #tpu.memory_space<semaphore_mem>>)
      %dma_wait3A = arith.constant 0 : i32
      %dma_wait3A_57 = tpu.memref_slice %arg5[%run_scoped3A, %dma_wait3A] : memref<2x128xi32, #tpu.memory_space<vmem>> -> memref<1x128xi32, #tpu.memory_space<vmem>>
      %dma_wait3A_58 = tpu.memref_squeeze %dma_wait3A_57 : memref<1x128xi32, #tpu.memory_space<vmem>> -> memref<128xi32, #tpu.memory_space<vmem>>
      %dma_wait3A_59 = tpu.memref_slice %arg3[%mul3A_6] : memref<327808xi32, #tpu.memory_space<hbm>> -> memref<128xi32, #tpu.memory_space<hbm>>
      %dma_wait3A_60 = arith.constant 0 : i32
      %dma_wait3A_61 = tpu.memref_slice %arg5[%run_scoped3A, %dma_wait3A_60] : memref<2x128xi32, #tpu.memory_space<vmem>> -> memref<1x128xi32, #tpu.memory_space<vmem>>
      %dma_wait3A_62 = tpu.memref_squeeze %dma_wait3A_61 : memref<1x128xi32, #tpu.memory_space<vmem>> -> memref<128xi32, #tpu.memory_space<vmem>>
      %dma_wait3A_63 = tpu.memref_slice %arg3[%mul3A_6] : memref<327808xi32, #tpu.memory_space<hbm>> -> memref<128xi32, #tpu.memory_space<hbm>>
      tpu.wait_dma2 semaphore(%run_scoped3A_48 : memref<!tpu.dma_semaphore, #tpu.memory_space<semaphore_mem>>) src(%dma_wait3A_63 : memref<128xi32, #tpu.memory_space<hbm>>) dst(%dma_wait3A_62 : memref<128xi32, #tpu.memory_space<vmem>>)
      tpu.yield
    }) : () -> ()
    %add3A_7 = arith.constant 80 : i32
    %add3A_8 = arith.addi %mul3A_6, %add3A_7 : i32
    %run_scoped3A_9 = arith.constant 0 : i32
    "tpu.region"() ({
      %run_scoped3A_48 = tpu.sem_alloc : memref<!tpu.dma_semaphore, #tpu.memory_space<semaphore_mem>>
      %dma_start3A_49 = arith.constant 0 : i32
      %dma_start3A_50 = tpu.memref_slice %arg6[%run_scoped3A_9, %dma_start3A_49] : memref<2x128xi32, #tpu.memory_space<vmem>> -> memref<1x128xi32, #tpu.memory_space<vmem>>
      %dma_start3A_51 = tpu.memref_squeeze %dma_start3A_50 : memref<1x128xi32, #tpu.memory_space<vmem>> -> memref<128xi32, #tpu.memory_space<vmem>>
      %dma_start3A_52 = tpu.memref_slice %arg3[%add3A_8] : memref<327808xi32, #tpu.memory_space<hbm>> -> memref<128xi32, #tpu.memory_space<hbm>>
      %dma_start3A_53 = arith.constant 0 : i32
      %dma_start3A_54 = tpu.memref_slice %arg6[%run_scoped3A_9, %dma_start3A_53] : memref<2x128xi32, #tpu.memory_space<vmem>> -> memref<1x128xi32, #tpu.memory_space<vmem>>
      %dma_start3A_55 = tpu.memref_squeeze %dma_start3A_54 : memref<1x128xi32, #tpu.memory_space<vmem>> -> memref<128xi32, #tpu.memory_space<vmem>>
      %dma_start3A_56 = tpu.memref_slice %arg3[%add3A_8] : memref<327808xi32, #tpu.memory_space<hbm>> -> memref<128xi32, #tpu.memory_space<hbm>>
      tpu.enqueue_dma source(%dma_start3A_56 : memref<128xi32, #tpu.memory_space<hbm>>) target(%dma_start3A_55 : memref<128xi32, #tpu.memory_space<vmem>>) target_semaphore(%run_scoped3A_48 : memref<!tpu.dma_semaphore, #tpu.memory_space<semaphore_mem>>)
      %dma_wait3A = arith.constant 0 : i32
      %dma_wait3A_57 = tpu.memref_slice %arg6[%run_scoped3A_9, %dma_wait3A] : memref<2x128xi32, #tpu.memory_space<vmem>> -> memref<1x128xi32, #tpu.memory_space<vmem>>
      %dma_wait3A_58 = tpu.memref_squeeze %dma_wait3A_57 : memref<1x128xi32, #tpu.memory_space<vmem>> -> memref<128xi32, #tpu.memory_space<vmem>>
      %dma_wait3A_59 = tpu.memref_slice %arg3[%add3A_8] : memref<327808xi32, #tpu.memory_space<hbm>> -> memref<128xi32, #tpu.memory_space<hbm>>
      %dma_wait3A_60 = arith.constant 0 : i32
      %dma_wait3A_61 = tpu.memref_slice %arg6[%run_scoped3A_9, %dma_wait3A_60] : memref<2x128xi32, #tpu.memory_space<vmem>> -> memref<1x128xi32, #tpu.memory_space<vmem>>
      %dma_wait3A_62 = tpu.memref_squeeze %dma_wait3A_61 : memref<1x128xi32, #tpu.memory_space<vmem>> -> memref<128xi32, #tpu.memory_space<vmem>>
      %dma_wait3A_63 = tpu.memref_slice %arg3[%add3A_8] : memref<327808xi32, #tpu.memory_space<hbm>> -> memref<128xi32, #tpu.memory_space<hbm>>
      tpu.wait_dma2 semaphore(%run_scoped3A_48 : memref<!tpu.dma_semaphore, #tpu.memory_space<semaphore_mem>>) src(%dma_wait3A_63 : memref<128xi32, #tpu.memory_space<hbm>>) dst(%dma_wait3A_62 : memref<128xi32, #tpu.memory_space<vmem>>)
      tpu.yield
    }) : () -> ()
    %dma_start3A = arith.constant 0 : i32
    %dma_start3A_10 = arith.constant 0 : i32
    %dma_start3A_11 = arith.constant 0 : i32
    %dma_start3A_12 = arith.constant 0 : i32
    %dma_start3A_13 = tpu.memref_slice %arg7[%dma_start3A_10, %dma_start3A_11, %dma_start3A_12] : memref<2x160x128xf32, #tpu.memory_space<vmem>> -> memref<1x160x128xf32, #tpu.memory_space<vmem>>
    %dma_start3A_14 = tpu.memref_squeeze %dma_start3A_13 : memref<1x160x128xf32, #tpu.memory_space<vmem>> -> memref<160x128xf32, #tpu.memory_space<vmem>>
    %dma_start3A_15 = arith.constant 0 : i32
    %dma_start3A_16 = arith.constant 0 : i32
    %dma_start3A_17 = tpu.memref_slice %dma_start3A_14[%dma_start3A_15, %dma_start3A_16] : memref<160x128xf32, #tpu.memory_space<vmem>> -> memref<80x128xf32, #tpu.memory_space<vmem>>
    %dma_start3A_18 = arith.constant 0 : i32
    %dma_start3A_19 = tpu.memref_slice %arg5[%dma_start3A, %dma_start3A_18] : memref<2x128xi32, #tpu.memory_space<vmem>> -> memref<1x128xi32, #tpu.memory_space<vmem>>
    %dma_start3A_20 = tpu.memref_squeeze %dma_start3A_19 : memref<1x128xi32, #tpu.memory_space<vmem>> -> memref<128xi32, #tpu.memory_space<vmem>>
    %dma_start3A_21 = arith.constant 0 : i32
    %dma_start3A_22 = tpu.memref_slice %dma_start3A_20[%dma_start3A_21] : memref<128xi32, #tpu.memory_space<vmem>> -> memref<80xi32, #tpu.memory_space<vmem>>
    %dma_start3A_23 = arith.constant 0 : i32
    %dma_start3A_24 = arith.constant 0 : i32
    %dma_start3A_25 = tpu.memref_slice %arg2[%dma_start3A_23, %dma_start3A_24] : memref<16384x128xf32, #tpu.memory_space<hbm>> -> memref<16384x128xf32, #tpu.memory_space<hbm>>
    tpu.enqueue_indirect_dma source(%dma_start3A_25 : memref<16384x128xf32, #tpu.memory_space<hbm>>) target(%dma_start3A_17 : memref<80x128xf32, #tpu.memory_space<vmem>>) offsets(%dma_start3A_22 : memref<80xi32, #tpu.memory_space<vmem>>) semaphore(%arg8 : memref<!tpu.dma_semaphore, #tpu.memory_space<semaphore_mem>>)
    %dma_start3A_26 = arith.constant 0 : i32
    %dma_start3A_27 = arith.constant 0 : i32
    %dma_start3A_28 = arith.constant 0 : i32
    %dma_start3A_29 = arith.constant 0 : i32
    %dma_start3A_30 = tpu.memref_slice %arg7[%dma_start3A_27, %dma_start3A_28, %dma_start3A_29] : memref<2x160x128xf32, #tpu.memory_space<vmem>> -> memref<1x160x128xf32, #tpu.memory_space<vmem>>
    %dma_start3A_31 = tpu.memref_squeeze %dma_start3A_30 : memref<1x160x128xf32, #tpu.memory_space<vmem>> -> memref<160x128xf32, #tpu.memory_space<vmem>>
    %dma_start3A_32 = arith.constant 80 : i32
    %dma_start3A_33 = arith.constant 0 : i32
    %dma_start3A_34 = tpu.memref_slice %dma_start3A_31[%dma_start3A_32, %dma_start3A_33] : memref<160x128xf32, #tpu.memory_space<vmem>> -> memref<80x128xf32, #tpu.memory_space<vmem>>
    %dma_start3A_35 = arith.constant 0 : i32
    %dma_start3A_36 = tpu.memref_slice %arg6[%dma_start3A_26, %dma_start3A_35] : memref<2x128xi32, #tpu.memory_space<vmem>> -> memref<1x128xi32, #tpu.memory_space<vmem>>
    %dma_start3A_37 = tpu.memref_squeeze %dma_start3A_36 : memref<1x128xi32, #tpu.memory_space<vmem>> -> memref<128xi32, #tpu.memory_space<vmem>>
    %dma_start3A_38 = arith.constant 0 : i32
    %dma_start3A_39 = tpu.memref_slice %dma_start3A_37[%dma_start3A_38] : memref<128xi32, #tpu.memory_space<vmem>> -> memref<80xi32, #tpu.memory_space<vmem>>
    %dma_start3A_40 = arith.constant 0 : i32
    %dma_start3A_41 = arith.constant 0 : i32
    %dma_start3A_42 = tpu.memref_slice %arg2[%dma_start3A_40, %dma_start3A_41] : memref<16384x128xf32, #tpu.memory_space<hbm>> -> memref<16384x128xf32, #tpu.memory_space<hbm>>
    tpu.enqueue_indirect_dma source(%dma_start3A_42 : memref<16384x128xf32, #tpu.memory_space<hbm>>) target(%dma_start3A_34 : memref<80x128xf32, #tpu.memory_space<vmem>>) offsets(%dma_start3A_39 : memref<80xi32, #tpu.memory_space<vmem>>) semaphore(%arg8 : memref<!tpu.dma_semaphore, #tpu.memory_space<semaphore_mem>>)
    %scan3A = arith.constant 0 : i32
    %scan3A_43 = arith.constant 0 : i32
    %scan3A_44 = arith.constant 32 : i32
    %scan3A_45 = arith.addi %scan3A_43, %scan3A_44 : i32
    %scan3A_46 = arith.constant 1 : i32
    scf.for %scan3A_48 = %scan3A_43 to %scan3A_45 step %scan3A_46  : i32 {
      %mul3A_49 = arith.constant 2 : i32
      %mul3A_50 = arith.muli %mul3A_49, %scan3A_48 : i32
      %add3A_51 = arith.constant 1 : i32
      %add3A_52 = arith.addi %mul3A_50, %add3A_51 : i32
      %mul3A_53 = arith.constant 8 : i32
      %mul3A_54 = arith.muli %add3A_52, %mul3A_53 : i32
      %add3A_55 = arith.addi %mul3A_2, %mul3A_54 : i32
      %mul3A_56 = arith.constant 20 : i32
      %mul3A_57 = arith.muli %add3A_55, %mul3A_56 : i32
      %run_scoped3A_58 = arith.constant 1 : i32
      "tpu.region"() ({
        %run_scoped3A_231 = tpu.sem_alloc : memref<!tpu.dma_semaphore, #tpu.memory_space<semaphore_mem>>
        %dma_start3A_232 = arith.constant 0 : i32
        %dma_start3A_233 = tpu.memref_slice %arg5[%run_scoped3A_58, %dma_start3A_232] : memref<2x128xi32, #tpu.memory_space<vmem>> -> memref<1x128xi32, #tpu.memory_space<vmem>>
        %dma_start3A_234 = tpu.memref_squeeze %dma_start3A_233 : memref<1x128xi32, #tpu.memory_space<vmem>> -> memref<128xi32, #tpu.memory_space<vmem>>
        %dma_start3A_235 = tpu.memref_slice %arg3[%mul3A_57] : memref<327808xi32, #tpu.memory_space<hbm>> -> memref<128xi32, #tpu.memory_space<hbm>>
        %dma_start3A_236 = arith.constant 0 : i32
        %dma_start3A_237 = tpu.memref_slice %arg5[%run_scoped3A_58, %dma_start3A_236] : memref<2x128xi32, #tpu.memory_space<vmem>> -> memref<1x128xi32, #tpu.memory_space<vmem>>
        %dma_start3A_238 = tpu.memref_squeeze %dma_start3A_237 : memref<1x128xi32, #tpu.memory_space<vmem>> -> memref<128xi32, #tpu.memory_space<vmem>>
        %dma_start3A_239 = tpu.memref_slice %arg3[%mul3A_57] : memref<327808xi32, #tpu.memory_space<hbm>> -> memref<128xi32, #tpu.memory_space<hbm>>
        tpu.enqueue_dma source(%dma_start3A_239 : memref<128xi32, #tpu.memory_space<hbm>>) target(%dma_start3A_238 : memref<128xi32, #tpu.memory_space<vmem>>) target_semaphore(%run_scoped3A_231 : memref<!tpu.dma_semaphore, #tpu.memory_space<semaphore_mem>>)
        %dma_wait3A_240 = arith.constant 0 : i32
        %dma_wait3A_241 = tpu.memref_slice %arg5[%run_scoped3A_58, %dma_wait3A_240] : memref<2x128xi32, #tpu.memory_space<vmem>> -> memref<1x128xi32, #tpu.memory_space<vmem>>
        %dma_wait3A_242 = tpu.memref_squeeze %dma_wait3A_241 : memref<1x128xi32, #tpu.memory_space<vmem>> -> memref<128xi32, #tpu.memory_space<vmem>>
        %dma_wait3A_243 = tpu.memref_slice %arg3[%mul3A_57] : memref<327808xi32, #tpu.memory_space<hbm>> -> memref<128xi32, #tpu.memory_space<hbm>>
        %dma_wait3A_244 = arith.constant 0 : i32
        %dma_wait3A_245 = tpu.memref_slice %arg5[%run_scoped3A_58, %dma_wait3A_244] : memref<2x128xi32, #tpu.memory_space<vmem>> -> memref<1x128xi32, #tpu.memory_space<vmem>>
        %dma_wait3A_246 = tpu.memref_squeeze %dma_wait3A_245 : memref<1x128xi32, #tpu.memory_space<vmem>> -> memref<128xi32, #tpu.memory_space<vmem>>
        %dma_wait3A_247 = tpu.memref_slice %arg3[%mul3A_57] : memref<327808xi32, #tpu.memory_space<hbm>> -> memref<128xi32, #tpu.memory_space<hbm>>
        tpu.wait_dma2 semaphore(%run_scoped3A_231 : memref<!tpu.dma_semaphore, #tpu.memory_space<semaphore_mem>>) src(%dma_wait3A_247 : memref<128xi32, #tpu.memory_space<hbm>>) dst(%dma_wait3A_246 : memref<128xi32, #tpu.memory_space<vmem>>)
        tpu.yield
      }) : () -> ()
      %add3A_59 = arith.constant 80 : i32
      %add3A_60 = arith.addi %mul3A_57, %add3A_59 : i32
      %run_scoped3A_61 = arith.constant 1 : i32
      "tpu.region"() ({
        %run_scoped3A_231 = tpu.sem_alloc : memref<!tpu.dma_semaphore, #tpu.memory_space<semaphore_mem>>
        %dma_start3A_232 = arith.constant 0 : i32
        %dma_start3A_233 = tpu.memref_slice %arg6[%run_scoped3A_61, %dma_start3A_232] : memref<2x128xi32, #tpu.memory_space<vmem>> -> memref<1x128xi32, #tpu.memory_space<vmem>>
        %dma_start3A_234 = tpu.memref_squeeze %dma_start3A_233 : memref<1x128xi32, #tpu.memory_space<vmem>> -> memref<128xi32, #tpu.memory_space<vmem>>
        %dma_start3A_235 = tpu.memref_slice %arg3[%add3A_60] : memref<327808xi32, #tpu.memory_space<hbm>> -> memref<128xi32, #tpu.memory_space<hbm>>
        %dma_start3A_236 = arith.constant 0 : i32
        %dma_start3A_237 = tpu.memref_slice %arg6[%run_scoped3A_61, %dma_start3A_236] : memref<2x128xi32, #tpu.memory_space<vmem>> -> memref<1x128xi32, #tpu.memory_space<vmem>>
        %dma_start3A_238 = tpu.memref_squeeze %dma_start3A_237 : memref<1x128xi32, #tpu.memory_space<vmem>> -> memref<128xi32, #tpu.memory_space<vmem>>
        %dma_start3A_239 = tpu.memref_slice %arg3[%add3A_60] : memref<327808xi32, #tpu.memory_space<hbm>> -> memref<128xi32, #tpu.memory_space<hbm>>
        tpu.enqueue_dma source(%dma_start3A_239 : memref<128xi32, #tpu.memory_space<hbm>>) target(%dma_start3A_238 : memref<128xi32, #tpu.memory_space<vmem>>) target_semaphore(%run_scoped3A_231 : memref<!tpu.dma_semaphore, #tpu.memory_space<semaphore_mem>>)
        %dma_wait3A_240 = arith.constant 0 : i32
        %dma_wait3A_241 = tpu.memref_slice %arg6[%run_scoped3A_61, %dma_wait3A_240] : memref<2x128xi32, #tpu.memory_space<vmem>> -> memref<1x128xi32, #tpu.memory_space<vmem>>
        %dma_wait3A_242 = tpu.memref_squeeze %dma_wait3A_241 : memref<1x128xi32, #tpu.memory_space<vmem>> -> memref<128xi32, #tpu.memory_space<vmem>>
        %dma_wait3A_243 = tpu.memref_slice %arg3[%add3A_60] : memref<327808xi32, #tpu.memory_space<hbm>> -> memref<128xi32, #tpu.memory_space<hbm>>
        %dma_wait3A_244 = arith.constant 0 : i32
        %dma_wait3A_245 = tpu.memref_slice %arg6[%run_scoped3A_61, %dma_wait3A_244] : memref<2x128xi32, #tpu.memory_space<vmem>> -> memref<1x128xi32, #tpu.memory_space<vmem>>
        %dma_wait3A_246 = tpu.memref_squeeze %dma_wait3A_245 : memref<1x128xi32, #tpu.memory_space<vmem>> -> memref<128xi32, #tpu.memory_space<vmem>>
        %dma_wait3A_247 = tpu.memref_slice %arg3[%add3A_60] : memref<327808xi32, #tpu.memory_space<hbm>> -> memref<128xi32, #tpu.memory_space<hbm>>
        tpu.wait_dma2 semaphore(%run_scoped3A_231 : memref<!tpu.dma_semaphore, #tpu.memory_space<semaphore_mem>>) src(%dma_wait3A_247 : memref<128xi32, #tpu.memory_space<hbm>>) dst(%dma_wait3A_246 : memref<128xi32, #tpu.memory_space<vmem>>)
        tpu.yield
      }) : () -> ()
      %dma_start3A_62 = arith.constant 1 : i32
      %dma_start3A_63 = arith.constant 1 : i32
      %dma_start3A_64 = arith.constant 0 : i32
      %dma_start3A_65 = arith.constant 0 : i32
      %dma_start3A_66 = tpu.memref_slice %arg7[%dma_start3A_63, %dma_start3A_64, %dma_start3A_65] : memref<2x160x128xf32, #tpu.memory_space<vmem>> -> memref<1x160x128xf32, #tpu.memory_space<vmem>>
      %dma_start3A_67 = tpu.memref_squeeze %dma_start3A_66 : memref<1x160x128xf32, #tpu.memory_space<vmem>> -> memref<160x128xf32, #tpu.memory_space<vmem>>
      %dma_start3A_68 = arith.constant 0 : i32
      %dma_start3A_69 = arith.constant 0 : i32
      %dma_start3A_70 = tpu.memref_slice %dma_start3A_67[%dma_start3A_68, %dma_start3A_69] : memref<160x128xf32, #tpu.memory_space<vmem>> -> memref<80x128xf32, #tpu.memory_space<vmem>>
      %dma_start3A_71 = arith.constant 0 : i32
      %dma_start3A_72 = tpu.memref_slice %arg5[%dma_start3A_62, %dma_start3A_71] : memref<2x128xi32, #tpu.memory_space<vmem>> -> memref<1x128xi32, #tpu.memory_space<vmem>>
      %dma_start3A_73 = tpu.memref_squeeze %dma_start3A_72 : memref<1x128xi32, #tpu.memory_space<vmem>> -> memref<128xi32, #tpu.memory_space<vmem>>
      %dma_start3A_74 = arith.constant 0 : i32
      %dma_start3A_75 = tpu.memref_slice %dma_start3A_73[%dma_start3A_74] : memref<128xi32, #tpu.memory_space<vmem>> -> memref<80xi32, #tpu.memory_space<vmem>>
      %dma_start3A_76 = arith.constant 0 : i32
      %dma_start3A_77 = arith.constant 0 : i32
      %dma_start3A_78 = tpu.memref_slice %arg2[%dma_start3A_76, %dma_start3A_77] : memref<16384x128xf32, #tpu.memory_space<hbm>> -> memref<16384x128xf32, #tpu.memory_space<hbm>>
      tpu.enqueue_indirect_dma source(%dma_start3A_78 : memref<16384x128xf32, #tpu.memory_space<hbm>>) target(%dma_start3A_70 : memref<80x128xf32, #tpu.memory_space<vmem>>) offsets(%dma_start3A_75 : memref<80xi32, #tpu.memory_space<vmem>>) semaphore(%arg9 : memref<!tpu.dma_semaphore, #tpu.memory_space<semaphore_mem>>)
      %dma_start3A_79 = arith.constant 1 : i32
      %dma_start3A_80 = arith.constant 1 : i32
      %dma_start3A_81 = arith.constant 0 : i32
      %dma_start3A_82 = arith.constant 0 : i32
      %dma_start3A_83 = tpu.memref_slice %arg7[%dma_start3A_80, %dma_start3A_81, %dma_start3A_82] : memref<2x160x128xf32, #tpu.memory_space<vmem>> -> memref<1x160x128xf32, #tpu.memory_space<vmem>>
      %dma_start3A_84 = tpu.memref_squeeze %dma_start3A_83 : memref<1x160x128xf32, #tpu.memory_space<vmem>> -> memref<160x128xf32, #tpu.memory_space<vmem>>
      %dma_start3A_85 = arith.constant 80 : i32
      %dma_start3A_86 = arith.constant 0 : i32
      %dma_start3A_87 = tpu.memref_slice %dma_start3A_84[%dma_start3A_85, %dma_start3A_86] : memref<160x128xf32, #tpu.memory_space<vmem>> -> memref<80x128xf32, #tpu.memory_space<vmem>>
      %dma_start3A_88 = arith.constant 0 : i32
      %dma_start3A_89 = tpu.memref_slice %arg6[%dma_start3A_79, %dma_start3A_88] : memref<2x128xi32, #tpu.memory_space<vmem>> -> memref<1x128xi32, #tpu.memory_space<vmem>>
      %dma_start3A_90 = tpu.memref_squeeze %dma_start3A_89 : memref<1x128xi32, #tpu.memory_space<vmem>> -> memref<128xi32, #tpu.memory_space<vmem>>
      %dma_start3A_91 = arith.constant 0 : i32
      %dma_start3A_92 = tpu.memref_slice %dma_start3A_90[%dma_start3A_91] : memref<128xi32, #tpu.memory_space<vmem>> -> memref<80xi32, #tpu.memory_space<vmem>>
      %dma_start3A_93 = arith.constant 0 : i32
      %dma_start3A_94 = arith.constant 0 : i32
      %dma_start3A_95 = tpu.memref_slice %arg2[%dma_start3A_93, %dma_start3A_94] : memref<16384x128xf32, #tpu.memory_space<hbm>> -> memref<16384x128xf32, #tpu.memory_space<hbm>>
      tpu.enqueue_indirect_dma source(%dma_start3A_95 : memref<16384x128xf32, #tpu.memory_space<hbm>>) target(%dma_start3A_87 : memref<80x128xf32, #tpu.memory_space<vmem>>) offsets(%dma_start3A_92 : memref<80xi32, #tpu.memory_space<vmem>>) semaphore(%arg9 : memref<!tpu.dma_semaphore, #tpu.memory_space<semaphore_mem>>)
      %mul3A_96 = arith.constant 8 : i32
      %mul3A_97 = arith.muli %mul3A_50, %mul3A_96 : i32
      %add3A_98 = arith.addi %mul3A_2, %mul3A_97 : i32
      %mul3A_99 = arith.constant 20 : i32
      %mul3A_100 = arith.muli %add3A_98, %mul3A_99 : i32
      %dma_wait3A = arith.constant 0 : i32
      %dma_wait3A_101 = arith.constant 0 : i32
      %dma_wait3A_102 = arith.constant 0 : i32
      %dma_wait3A_103 = arith.constant 0 : i32
      %dma_wait3A_104 = tpu.memref_slice %arg7[%dma_wait3A_101, %dma_wait3A_102, %dma_wait3A_103] : memref<2x160x128xf32, #tpu.memory_space<vmem>> -> memref<1x160x128xf32, #tpu.memory_space<vmem>>
      %dma_wait3A_105 = tpu.memref_squeeze %dma_wait3A_104 : memref<1x160x128xf32, #tpu.memory_space<vmem>> -> memref<160x128xf32, #tpu.memory_space<vmem>>
      %dma_wait3A_106 = arith.constant 0 : i32
      %dma_wait3A_107 = arith.constant 0 : i32
      %dma_wait3A_108 = tpu.memref_slice %dma_wait3A_105[%dma_wait3A_106, %dma_wait3A_107] : memref<160x128xf32, #tpu.memory_space<vmem>> -> memref<80x128xf32, #tpu.memory_space<vmem>>
      %dma_wait3A_109 = arith.constant 0 : i32
      %dma_wait3A_110 = tpu.memref_slice %arg5[%dma_wait3A, %dma_wait3A_109] : memref<2x128xi32, #tpu.memory_space<vmem>> -> memref<1x128xi32, #tpu.memory_space<vmem>>
      %dma_wait3A_111 = tpu.memref_squeeze %dma_wait3A_110 : memref<1x128xi32, #tpu.memory_space<vmem>> -> memref<128xi32, #tpu.memory_space<vmem>>
      %dma_wait3A_112 = arith.constant 0 : i32
      %dma_wait3A_113 = tpu.memref_slice %dma_wait3A_111[%dma_wait3A_112] : memref<128xi32, #tpu.memory_space<vmem>> -> memref<80xi32, #tpu.memory_space<vmem>>
      %dma_wait3A_114 = arith.constant 0 : i32
      %dma_wait3A_115 = arith.constant 0 : i32
      %dma_wait3A_116 = tpu.memref_slice %arg2[%dma_wait3A_114, %dma_wait3A_115] : memref<16384x128xf32, #tpu.memory_space<hbm>> -> memref<16384x128xf32, #tpu.memory_space<hbm>>
      tpu.wait_indirect_dma semaphore(%arg8 : memref<!tpu.dma_semaphore, #tpu.memory_space<semaphore_mem>>) src(%dma_wait3A_116 : memref<16384x128xf32, #tpu.memory_space<hbm>>) dst(%dma_wait3A_108 : memref<80x128xf32, #tpu.memory_space<vmem>>)
      %dma_wait3A_117 = arith.constant 0 : i32
      %dma_wait3A_118 = arith.constant 0 : i32
      %dma_wait3A_119 = arith.constant 0 : i32
      %dma_wait3A_120 = arith.constant 0 : i32
      %dma_wait3A_121 = tpu.memref_slice %arg7[%dma_wait3A_118, %dma_wait3A_119, %dma_wait3A_120] : memref<2x160x128xf32, #tpu.memory_space<vmem>> -> memref<1x160x128xf32, #tpu.memory_space<vmem>>
      %dma_wait3A_122 = tpu.memref_squeeze %dma_wait3A_121 : memref<1x160x128xf32, #tpu.memory_space<vmem>> -> memref<160x128xf32, #tpu.memory_space<vmem>>
      %dma_wait3A_123 = arith.constant 80 : i32
      %dma_wait3A_124 = arith.constant 0 : i32
      %dma_wait3A_125 = tpu.memref_slice %dma_wait3A_122[%dma_wait3A_123, %dma_wait3A_124] : memref<160x128xf32, #tpu.memory_space<vmem>> -> memref<80x128xf32, #tpu.memory_space<vmem>>
      %dma_wait3A_126 = arith.constant 0 : i32
      %dma_wait3A_127 = tpu.memref_slice %arg6[%dma_wait3A_117, %dma_wait3A_126] : memref<2x128xi32, #tpu.memory_space<vmem>> -> memref<1x128xi32, #tpu.memory_space<vmem>>
      %dma_wait3A_128 = tpu.memref_squeeze %dma_wait3A_127 : memref<1x128xi32, #tpu.memory_space<vmem>> -> memref<128xi32, #tpu.memory_space<vmem>>
      %dma_wait3A_129 = arith.constant 0 : i32
      %dma_wait3A_130 = tpu.memref_slice %dma_wait3A_128[%dma_wait3A_129] : memref<128xi32, #tpu.memory_space<vmem>> -> memref<80xi32, #tpu.memory_space<vmem>>
      %dma_wait3A_131 = arith.constant 0 : i32
      %dma_wait3A_132 = arith.constant 0 : i32
      %dma_wait3A_133 = tpu.memref_slice %arg2[%dma_wait3A_131, %dma_wait3A_132] : memref<16384x128xf32, #tpu.memory_space<hbm>> -> memref<16384x128xf32, #tpu.memory_space<hbm>>
      tpu.wait_indirect_dma semaphore(%arg8 : memref<!tpu.dma_semaphore, #tpu.memory_space<semaphore_mem>>) src(%dma_wait3A_133 : memref<16384x128xf32, #tpu.memory_space<hbm>>) dst(%dma_wait3A_125 : memref<80x128xf32, #tpu.memory_space<vmem>>)
      %dma_start3A_134 = arith.constant 0 : i32
      %dma_start3A_135 = arith.constant 0 : i32
      %dma_start3A_136 = arith.constant 0 : i32
      %dma_start3A_137 = tpu.memref_slice %arg7[%dma_start3A_134, %dma_start3A_135, %dma_start3A_136] : memref<2x160x128xf32, #tpu.memory_space<vmem>> -> memref<1x160x128xf32, #tpu.memory_space<vmem>>
      %dma_start3A_138 = tpu.memref_squeeze %dma_start3A_137 : memref<1x160x128xf32, #tpu.memory_space<vmem>> -> memref<160x128xf32, #tpu.memory_space<vmem>>
      %dma_start3A_139 = arith.constant 0 : i32
      %dma_start3A_140 = tpu.memref_slice %arg4[%mul3A_100, %dma_start3A_139] : memref<327680x128xf32, #tpu.memory_space<hbm>> -> memref<160x128xf32, #tpu.memory_space<hbm>>
      %dma_start3A_141 = arith.constant 0 : i32
      %dma_start3A_142 = tpu.memref_slice %arg4[%mul3A_100, %dma_start3A_141] : memref<327680x128xf32, #tpu.memory_space<hbm>> -> memref<160x128xf32, #tpu.memory_space<hbm>>
      %dma_start3A_143 = arith.constant 0 : i32
      %dma_start3A_144 = arith.constant 0 : i32
      %dma_start3A_145 = tpu.memref_slice %arg7[%dma_start3A_134, %dma_start3A_143, %dma_start3A_144] : memref<2x160x128xf32, #tpu.memory_space<vmem>> -> memref<1x160x128xf32, #tpu.memory_space<vmem>>
      %dma_start3A_146 = tpu.memref_squeeze %dma_start3A_145 : memref<1x160x128xf32, #tpu.memory_space<vmem>> -> memref<160x128xf32, #tpu.memory_space<vmem>>
      tpu.enqueue_dma source(%dma_start3A_146 : memref<160x128xf32, #tpu.memory_space<vmem>>) target(%dma_start3A_142 : memref<160x128xf32, #tpu.memory_space<hbm>>) target_semaphore(%arg10 : memref<!tpu.dma_semaphore, #tpu.memory_space<semaphore_mem>>)
      %dma_wait3A_147 = arith.constant 0 : i32
      %dma_wait3A_148 = arith.constant 0 : i32
      %dma_wait3A_149 = arith.constant 0 : i32
      %dma_wait3A_150 = tpu.memref_slice %arg7[%dma_wait3A_147, %dma_wait3A_148, %dma_wait3A_149] : memref<2x160x128xf32, #tpu.memory_space<vmem>> -> memref<1x160x128xf32, #tpu.memory_space<vmem>>
      %dma_wait3A_151 = tpu.memref_squeeze %dma_wait3A_150 : memref<1x160x128xf32, #tpu.memory_space<vmem>> -> memref<160x128xf32, #tpu.memory_space<vmem>>
      %dma_wait3A_152 = arith.constant 0 : i32
      %dma_wait3A_153 = tpu.memref_slice %arg4[%mul3A_100, %dma_wait3A_152] : memref<327680x128xf32, #tpu.memory_space<hbm>> -> memref<160x128xf32, #tpu.memory_space<hbm>>
      %dma_wait3A_154 = arith.constant 0 : i32
      %dma_wait3A_155 = tpu.memref_slice %arg4[%mul3A_100, %dma_wait3A_154] : memref<327680x128xf32, #tpu.memory_space<hbm>> -> memref<160x128xf32, #tpu.memory_space<hbm>>
      %dma_wait3A_156 = arith.constant 0 : i32
      %dma_wait3A_157 = arith.constant 0 : i32
      %dma_wait3A_158 = tpu.memref_slice %arg7[%dma_wait3A_147, %dma_wait3A_156, %dma_wait3A_157] : memref<2x160x128xf32, #tpu.memory_space<vmem>> -> memref<1x160x128xf32, #tpu.memory_space<vmem>>
      %dma_wait3A_159 = tpu.memref_squeeze %dma_wait3A_158 : memref<1x160x128xf32, #tpu.memory_space<vmem>> -> memref<160x128xf32, #tpu.memory_space<vmem>>
      tpu.wait_dma2 semaphore(%arg10 : memref<!tpu.dma_semaphore, #tpu.memory_space<semaphore_mem>>) src(%dma_wait3A_159 : memref<160x128xf32, #tpu.memory_space<vmem>>) dst(%dma_wait3A_155 : memref<160x128xf32, #tpu.memory_space<hbm>>)
      %add3A_160 = arith.constant 2 : i32
      %add3A_161 = arith.addi %mul3A_50, %add3A_160 : i32
      %lt3A = arith.constant 64 : i32
      %lt3A_162 = arith.cmpi slt, %add3A_161, %lt3A : i32
      %convert_element_type3A = arith.extui %lt3A_162 : i1 to i32
      %cond3A = arith.constant 0 : i32
      %cond3A_163 = arith.cmpi ne, %convert_element_type3A, %cond3A : i32
      scf.if %cond3A_163 {
        %add3A_231 = arith.constant 2 : i32
        %add3A_232 = arith.addi %mul3A_50, %add3A_231 : i32
        %mul3A_233 = arith.constant 8 : i32
        %mul3A_234 = arith.muli %add3A_232, %mul3A_233 : i32
        %add3A_235 = arith.addi %mul3A_2, %mul3A_234 : i32
        %mul3A_236 = arith.constant 20 : i32
        %mul3A_237 = arith.muli %add3A_235, %mul3A_236 : i32
        %run_scoped3A_238 = arith.constant 0 : i32
        "tpu.region"() ({
          %run_scoped3A_276 = tpu.sem_alloc : memref<!tpu.dma_semaphore, #tpu.memory_space<semaphore_mem>>
          %dma_start3A_277 = arith.constant 0 : i32
          %dma_start3A_278 = tpu.memref_slice %arg5[%run_scoped3A_238, %dma_start3A_277] : memref<2x128xi32, #tpu.memory_space<vmem>> -> memref<1x128xi32, #tpu.memory_space<vmem>>
          %dma_start3A_279 = tpu.memref_squeeze %dma_start3A_278 : memref<1x128xi32, #tpu.memory_space<vmem>> -> memref<128xi32, #tpu.memory_space<vmem>>
          %dma_start3A_280 = tpu.memref_slice %arg3[%mul3A_237] : memref<327808xi32, #tpu.memory_space<hbm>> -> memref<128xi32, #tpu.memory_space<hbm>>
          %dma_start3A_281 = arith.constant 0 : i32
          %dma_start3A_282 = tpu.memref_slice %arg5[%run_scoped3A_238, %dma_start3A_281] : memref<2x128xi32, #tpu.memory_space<vmem>> -> memref<1x128xi32, #tpu.memory_space<vmem>>
          %dma_start3A_283 = tpu.memref_squeeze %dma_start3A_282 : memref<1x128xi32, #tpu.memory_space<vmem>> -> memref<128xi32, #tpu.memory_space<vmem>>
          %dma_start3A_284 = tpu.memref_slice %arg3[%mul3A_237] : memref<327808xi32, #tpu.memory_space<hbm>> -> memref<128xi32, #tpu.memory_space<hbm>>
          tpu.enqueue_dma source(%dma_start3A_284 : memref<128xi32, #tpu.memory_space<hbm>>) target(%dma_start3A_283 : memref<128xi32, #tpu.memory_space<vmem>>) target_semaphore(%run_scoped3A_276 : memref<!tpu.dma_semaphore, #tpu.memory_space<semaphore_mem>>)
          %dma_wait3A_285 = arith.constant 0 : i32
          %dma_wait3A_286 = tpu.memref_slice %arg5[%run_scoped3A_238, %dma_wait3A_285] : memref<2x128xi32, #tpu.memory_space<vmem>> -> memref<1x128xi32, #tpu.memory_space<vmem>>
          %dma_wait3A_287 = tpu.memref_squeeze %dma_wait3A_286 : memref<1x128xi32, #tpu.memory_space<vmem>> -> memref<128xi32, #tpu.memory_space<vmem>>
          %dma_wait3A_288 = tpu.memref_slice %arg3[%mul3A_237] : memref<327808xi32, #tpu.memory_space<hbm>> -> memref<128xi32, #tpu.memory_space<hbm>>
          %dma_wait3A_289 = arith.constant 0 : i32
          %dma_wait3A_290 = tpu.memref_slice %arg5[%run_scoped3A_238, %dma_wait3A_289] : memref<2x128xi32, #tpu.memory_space<vmem>> -> memref<1x128xi32, #tpu.memory_space<vmem>>
          %dma_wait3A_291 = tpu.memref_squeeze %dma_wait3A_290 : memref<1x128xi32, #tpu.memory_space<vmem>> -> memref<128xi32, #tpu.memory_space<vmem>>
          %dma_wait3A_292 = tpu.memref_slice %arg3[%mul3A_237] : memref<327808xi32, #tpu.memory_space<hbm>> -> memref<128xi32, #tpu.memory_space<hbm>>
          tpu.wait_dma2 semaphore(%run_scoped3A_276 : memref<!tpu.dma_semaphore, #tpu.memory_space<semaphore_mem>>) src(%dma_wait3A_292 : memref<128xi32, #tpu.memory_space<hbm>>) dst(%dma_wait3A_291 : memref<128xi32, #tpu.memory_space<vmem>>)
          tpu.yield
        }) : () -> ()
        %add3A_239 = arith.constant 80 : i32
        %add3A_240 = arith.addi %mul3A_237, %add3A_239 : i32
        %run_scoped3A_241 = arith.constant 0 : i32
        "tpu.region"() ({
          %run_scoped3A_276 = tpu.sem_alloc : memref<!tpu.dma_semaphore, #tpu.memory_space<semaphore_mem>>
          %dma_start3A_277 = arith.constant 0 : i32
          %dma_start3A_278 = tpu.memref_slice %arg6[%run_scoped3A_241, %dma_start3A_277] : memref<2x128xi32, #tpu.memory_space<vmem>> -> memref<1x128xi32, #tpu.memory_space<vmem>>
          %dma_start3A_279 = tpu.memref_squeeze %dma_start3A_278 : memref<1x128xi32, #tpu.memory_space<vmem>> -> memref<128xi32, #tpu.memory_space<vmem>>
          %dma_start3A_280 = tpu.memref_slice %arg3[%add3A_240] : memref<327808xi32, #tpu.memory_space<hbm>> -> memref<128xi32, #tpu.memory_space<hbm>>
          %dma_start3A_281 = arith.constant 0 : i32
          %dma_start3A_282 = tpu.memref_slice %arg6[%run_scoped3A_241, %dma_start3A_281] : memref<2x128xi32, #tpu.memory_space<vmem>> -> memref<1x128xi32, #tpu.memory_space<vmem>>
          %dma_start3A_283 = tpu.memref_squeeze %dma_start3A_282 : memref<1x128xi32, #tpu.memory_space<vmem>> -> memref<128xi32, #tpu.memory_space<vmem>>
          %dma_start3A_284 = tpu.memref_slice %arg3[%add3A_240] : memref<327808xi32, #tpu.memory_space<hbm>> -> memref<128xi32, #tpu.memory_space<hbm>>
          tpu.enqueue_dma source(%dma_start3A_284 : memref<128xi32, #tpu.memory_space<hbm>>) target(%dma_start3A_283 : memref<128xi32, #tpu.memory_space<vmem>>) target_semaphore(%run_scoped3A_276 : memref<!tpu.dma_semaphore, #tpu.memory_space<semaphore_mem>>)
          %dma_wait3A_285 = arith.constant 0 : i32
          %dma_wait3A_286 = tpu.memref_slice %arg6[%run_scoped3A_241, %dma_wait3A_285] : memref<2x128xi32, #tpu.memory_space<vmem>> -> memref<1x128xi32, #tpu.memory_space<vmem>>
          %dma_wait3A_287 = tpu.memref_squeeze %dma_wait3A_286 : memref<1x128xi32, #tpu.memory_space<vmem>> -> memref<128xi32, #tpu.memory_space<vmem>>
          %dma_wait3A_288 = tpu.memref_slice %arg3[%add3A_240] : memref<327808xi32, #tpu.memory_space<hbm>> -> memref<128xi32, #tpu.memory_space<hbm>>
          %dma_wait3A_289 = arith.constant 0 : i32
          %dma_wait3A_290 = tpu.memref_slice %arg6[%run_scoped3A_241, %dma_wait3A_289] : memref<2x128xi32, #tpu.memory_space<vmem>> -> memref<1x128xi32, #tpu.memory_space<vmem>>
          %dma_wait3A_291 = tpu.memref_squeeze %dma_wait3A_290 : memref<1x128xi32, #tpu.memory_space<vmem>> -> memref<128xi32, #tpu.memory_space<vmem>>
          %dma_wait3A_292 = tpu.memref_slice %arg3[%add3A_240] : memref<327808xi32, #tpu.memory_space<hbm>> -> memref<128xi32, #tpu.memory_space<hbm>>
          tpu.wait_dma2 semaphore(%run_scoped3A_276 : memref<!tpu.dma_semaphore, #tpu.memory_space<semaphore_mem>>) src(%dma_wait3A_292 : memref<128xi32, #tpu.memory_space<hbm>>) dst(%dma_wait3A_291 : memref<128xi32, #tpu.memory_space<vmem>>)
          tpu.yield
        }) : () -> ()
        %dma_start3A_242 = arith.constant 0 : i32
        %dma_start3A_243 = arith.constant 0 : i32
        %dma_start3A_244 = arith.constant 0 : i32
        %dma_start3A_245 = arith.constant 0 : i32
        %dma_start3A_246 = tpu.memref_slice %arg7[%dma_start3A_243, %dma_start3A_244, %dma_start3A_245] : memref<2x160x128xf32, #tpu.memory_space<vmem>> -> memref<1x160x128xf32, #tpu.memory_space<vmem>>
        %dma_start3A_247 = tpu.memref_squeeze %dma_start3A_246 : memref<1x160x128xf32, #tpu.memory_space<vmem>> -> memref<160x128xf32, #tpu.memory_space<vmem>>
        %dma_start3A_248 = arith.constant 0 : i32
        %dma_start3A_249 = arith.constant 0 : i32
        %dma_start3A_250 = tpu.memref_slice %dma_start3A_247[%dma_start3A_248, %dma_start3A_249] : memref<160x128xf32, #tpu.memory_space<vmem>> -> memref<80x128xf32, #tpu.memory_space<vmem>>
        %dma_start3A_251 = arith.constant 0 : i32
        %dma_start3A_252 = tpu.memref_slice %arg5[%dma_start3A_242, %dma_start3A_251] : memref<2x128xi32, #tpu.memory_space<vmem>> -> memref<1x128xi32, #tpu.memory_space<vmem>>
        %dma_start3A_253 = tpu.memref_squeeze %dma_start3A_252 : memref<1x128xi32, #tpu.memory_space<vmem>> -> memref<128xi32, #tpu.memory_space<vmem>>
        %dma_start3A_254 = arith.constant 0 : i32
        %dma_start3A_255 = tpu.memref_slice %dma_start3A_253[%dma_start3A_254] : memref<128xi32, #tpu.memory_space<vmem>> -> memref<80xi32, #tpu.memory_space<vmem>>
        %dma_start3A_256 = arith.constant 0 : i32
        %dma_start3A_257 = arith.constant 0 : i32
        %dma_start3A_258 = tpu.memref_slice %arg2[%dma_start3A_256, %dma_start3A_257] : memref<16384x128xf32, #tpu.memory_space<hbm>> -> memref<16384x128xf32, #tpu.memory_space<hbm>>
        tpu.enqueue_indirect_dma source(%dma_start3A_258 : memref<16384x128xf32, #tpu.memory_space<hbm>>) target(%dma_start3A_250 : memref<80x128xf32, #tpu.memory_space<vmem>>) offsets(%dma_start3A_255 : memref<80xi32, #tpu.memory_space<vmem>>) semaphore(%arg8 : memref<!tpu.dma_semaphore, #tpu.memory_space<semaphore_mem>>)
        %dma_start3A_259 = arith.constant 0 : i32
        %dma_start3A_260 = arith.constant 0 : i32
        %dma_start3A_261 = arith.constant 0 : i32
        %dma_start3A_262 = arith.constant 0 : i32
        %dma_start3A_263 = tpu.memref_slice %arg7[%dma_start3A_260, %dma_start3A_261, %dma_start3A_262] : memref<2x160x128xf32, #tpu.memory_space<vmem>> -> memref<1x160x128xf32, #tpu.memory_space<vmem>>
        %dma_start3A_264 = tpu.memref_squeeze %dma_start3A_263 : memref<1x160x128xf32, #tpu.memory_space<vmem>> -> memref<160x128xf32, #tpu.memory_space<vmem>>
        %dma_start3A_265 = arith.constant 80 : i32
        %dma_start3A_266 = arith.constant 0 : i32
        %dma_start3A_267 = tpu.memref_slice %dma_start3A_264[%dma_start3A_265, %dma_start3A_266] : memref<160x128xf32, #tpu.memory_space<vmem>> -> memref<80x128xf32, #tpu.memory_space<vmem>>
        %dma_start3A_268 = arith.constant 0 : i32
        %dma_start3A_269 = tpu.memref_slice %arg6[%dma_start3A_259, %dma_start3A_268] : memref<2x128xi32, #tpu.memory_space<vmem>> -> memref<1x128xi32, #tpu.memory_space<vmem>>
        %dma_start3A_270 = tpu.memref_squeeze %dma_start3A_269 : memref<1x128xi32, #tpu.memory_space<vmem>> -> memref<128xi32, #tpu.memory_space<vmem>>
        %dma_start3A_271 = arith.constant 0 : i32
        %dma_start3A_272 = tpu.memref_slice %dma_start3A_270[%dma_start3A_271] : memref<128xi32, #tpu.memory_space<vmem>> -> memref<80xi32, #tpu.memory_space<vmem>>
        %dma_start3A_273 = arith.constant 0 : i32
        %dma_start3A_274 = arith.constant 0 : i32
        %dma_start3A_275 = tpu.memref_slice %arg2[%dma_start3A_273, %dma_start3A_274] : memref<16384x128xf32, #tpu.memory_space<hbm>> -> memref<16384x128xf32, #tpu.memory_space<hbm>>
        tpu.enqueue_indirect_dma source(%dma_start3A_275 : memref<16384x128xf32, #tpu.memory_space<hbm>>) target(%dma_start3A_267 : memref<80x128xf32, #tpu.memory_space<vmem>>) offsets(%dma_start3A_272 : memref<80xi32, #tpu.memory_space<vmem>>) semaphore(%arg8 : memref<!tpu.dma_semaphore, #tpu.memory_space<semaphore_mem>>)
      } else {
      }
      %add3A_164 = arith.constant 1 : i32
      %add3A_165 = arith.addi %mul3A_50, %add3A_164 : i32
      %mul3A_166 = arith.constant 8 : i32
      %mul3A_167 = arith.muli %add3A_165, %mul3A_166 : i32
      %add3A_168 = arith.addi %mul3A_2, %mul3A_167 : i32
      %mul3A_169 = arith.constant 20 : i32
      %mul3A_170 = arith.muli %add3A_168, %mul3A_169 : i32
      %dma_wait3A_171 = arith.constant 1 : i32
      %dma_wait3A_172 = arith.constant 1 : i32
      %dma_wait3A_173 = arith.constant 0 : i32
      %dma_wait3A_174 = arith.constant 0 : i32
      %dma_wait3A_175 = tpu.memref_slice %arg7[%dma_wait3A_172, %dma_wait3A_173, %dma_wait3A_174] : memref<2x160x128xf32, #tpu.memory_space<vmem>> -> memref<1x160x128xf32, #tpu.memory_space<vmem>>
      %dma_wait3A_176 = tpu.memref_squeeze %dma_wait3A_175 : memref<1x160x128xf32, #tpu.memory_space<vmem>> -> memref<160x128xf32, #tpu.memory_space<vmem>>
      %dma_wait3A_177 = arith.constant 0 : i32
      %dma_wait3A_178 = arith.constant 0 : i32
      %dma_wait3A_179 = tpu.memref_slice %dma_wait3A_176[%dma_wait3A_177, %dma_wait3A_178] : memref<160x128xf32, #tpu.memory_space<vmem>> -> memref<80x128xf32, #tpu.memory_space<vmem>>
      %dma_wait3A_180 = arith.constant 0 : i32
      %dma_wait3A_181 = tpu.memref_slice %arg5[%dma_wait3A_171, %dma_wait3A_180] : memref<2x128xi32, #tpu.memory_space<vmem>> -> memref<1x128xi32, #tpu.memory_space<vmem>>
      %dma_wait3A_182 = tpu.memref_squeeze %dma_wait3A_181 : memref<1x128xi32, #tpu.memory_space<vmem>> -> memref<128xi32, #tpu.memory_space<vmem>>
      %dma_wait3A_183 = arith.constant 0 : i32
      %dma_wait3A_184 = tpu.memref_slice %dma_wait3A_182[%dma_wait3A_183] : memref<128xi32, #tpu.memory_space<vmem>> -> memref<80xi32, #tpu.memory_space<vmem>>
      %dma_wait3A_185 = arith.constant 0 : i32
      %dma_wait3A_186 = arith.constant 0 : i32
      %dma_wait3A_187 = tpu.memref_slice %arg2[%dma_wait3A_185, %dma_wait3A_186] : memref<16384x128xf32, #tpu.memory_space<hbm>> -> memref<16384x128xf32, #tpu.memory_space<hbm>>
      tpu.wait_indirect_dma semaphore(%arg9 : memref<!tpu.dma_semaphore, #tpu.memory_space<semaphore_mem>>) src(%dma_wait3A_187 : memref<16384x128xf32, #tpu.memory_space<hbm>>) dst(%dma_wait3A_179 : memref<80x128xf32, #tpu.memory_space<vmem>>)
      %dma_wait3A_188 = arith.constant 1 : i32
      %dma_wait3A_189 = arith.constant 1 : i32
      %dma_wait3A_190 = arith.constant 0 : i32
      %dma_wait3A_191 = arith.constant 0 : i32
      %dma_wait3A_192 = tpu.memref_slice %arg7[%dma_wait3A_189, %dma_wait3A_190, %dma_wait3A_191] : memref<2x160x128xf32, #tpu.memory_space<vmem>> -> memref<1x160x128xf32, #tpu.memory_space<vmem>>
      %dma_wait3A_193 = tpu.memref_squeeze %dma_wait3A_192 : memref<1x160x128xf32, #tpu.memory_space<vmem>> -> memref<160x128xf32, #tpu.memory_space<vmem>>
      %dma_wait3A_194 = arith.constant 80 : i32
      %dma_wait3A_195 = arith.constant 0 : i32
      %dma_wait3A_196 = tpu.memref_slice %dma_wait3A_193[%dma_wait3A_194, %dma_wait3A_195] : memref<160x128xf32, #tpu.memory_space<vmem>> -> memref<80x128xf32, #tpu.memory_space<vmem>>
      %dma_wait3A_197 = arith.constant 0 : i32
      %dma_wait3A_198 = tpu.memref_slice %arg6[%dma_wait3A_188, %dma_wait3A_197] : memref<2x128xi32, #tpu.memory_space<vmem>> -> memref<1x128xi32, #tpu.memory_space<vmem>>
      %dma_wait3A_199 = tpu.memref_squeeze %dma_wait3A_198 : memref<1x128xi32, #tpu.memory_space<vmem>> -> memref<128xi32, #tpu.memory_space<vmem>>
      %dma_wait3A_200 = arith.constant 0 : i32
      %dma_wait3A_201 = tpu.memref_slice %dma_wait3A_199[%dma_wait3A_200] : memref<128xi32, #tpu.memory_space<vmem>> -> memref<80xi32, #tpu.memory_space<vmem>>
      %dma_wait3A_202 = arith.constant 0 : i32
      %dma_wait3A_203 = arith.constant 0 : i32
      %dma_wait3A_204 = tpu.memref_slice %arg2[%dma_wait3A_202, %dma_wait3A_203] : memref<16384x128xf32, #tpu.memory_space<hbm>> -> memref<16384x128xf32, #tpu.memory_space<hbm>>
      tpu.wait_indirect_dma semaphore(%arg9 : memref<!tpu.dma_semaphore, #tpu.memory_space<semaphore_mem>>) src(%dma_wait3A_204 : memref<16384x128xf32, #tpu.memory_space<hbm>>) dst(%dma_wait3A_196 : memref<80x128xf32, #tpu.memory_space<vmem>>)
      %dma_start3A_205 = arith.constant 1 : i32
      %dma_start3A_206 = arith.constant 0 : i32
      %dma_start3A_207 = arith.constant 0 : i32
      %dma_start3A_208 = tpu.memref_slice %arg7[%dma_start3A_205, %dma_start3A_206, %dma_start3A_207] : memref<2x160x128xf32, #tpu.memory_space<vmem>> -> memref<1x160x128xf32, #tpu.memory_space<vmem>>
      %dma_start3A_209 = tpu.memref_squeeze %dma_start3A_208 : memref<1x160x128xf32, #tpu.memory_space<vmem>> -> memref<160x128xf32, #tpu.memory_space<vmem>>
      %dma_start3A_210 = arith.constant 0 : i32
      %dma_start3A_211 = tpu.memref_slice %arg4[%mul3A_170, %dma_start3A_210] : memref<327680x128xf32, #tpu.memory_space<hbm>> -> memref<160x128xf32, #tpu.memory_space<hbm>>
      %dma_start3A_212 = arith.constant 0 : i32
      %dma_start3A_213 = tpu.memref_slice %arg4[%mul3A_170, %dma_start3A_212] : memref<327680x128xf32, #tpu.memory_space<hbm>> -> memref<160x128xf32, #tpu.memory_space<hbm>>
      %dma_start3A_214 = arith.constant 0 : i32
      %dma_start3A_215 = arith.constant 0 : i32
      %dma_start3A_216 = tpu.memref_slice %arg7[%dma_start3A_205, %dma_start3A_214, %dma_start3A_215] : memref<2x160x128xf32, #tpu.memory_space<vmem>> -> memref<1x160x128xf32, #tpu.memory_space<vmem>>
      %dma_start3A_217 = tpu.memref_squeeze %dma_start3A_216 : memref<1x160x128xf32, #tpu.memory_space<vmem>> -> memref<160x128xf32, #tpu.memory_space<vmem>>
      tpu.enqueue_dma source(%dma_start3A_217 : memref<160x128xf32, #tpu.memory_space<vmem>>) target(%dma_start3A_213 : memref<160x128xf32, #tpu.memory_space<hbm>>) target_semaphore(%arg10 : memref<!tpu.dma_semaphore, #tpu.memory_space<semaphore_mem>>)
      %dma_wait3A_218 = arith.constant 1 : i32
      %dma_wait3A_219 = arith.constant 0 : i32
      %dma_wait3A_220 = arith.constant 0 : i32
      %dma_wait3A_221 = tpu.memref_slice %arg7[%dma_wait3A_218, %dma_wait3A_219, %dma_wait3A_220] : memref<2x160x128xf32, #tpu.memory_space<vmem>> -> memref<1x160x128xf32, #tpu.memory_space<vmem>>
      %dma_wait3A_222 = tpu.memref_squeeze %dma_wait3A_221 : memref<1x160x128xf32, #tpu.memory_space<vmem>> -> memref<160x128xf32, #tpu.memory_space<vmem>>
      %dma_wait3A_223 = arith.constant 0 : i32
      %dma_wait3A_224 = tpu.memref_slice %arg4[%mul3A_170, %dma_wait3A_223] : memref<327680x128xf32, #tpu.memory_space<hbm>> -> memref<160x128xf32, #tpu.memory_space<hbm>>
      %dma_wait3A_225 = arith.constant 0 : i32
      %dma_wait3A_226 = tpu.memref_slice %arg4[%mul3A_170, %dma_wait3A_225] : memref<327680x128xf32, #tpu.memory_space<hbm>> -> memref<160x128xf32, #tpu.memory_space<hbm>>
      %dma_wait3A_227 = arith.constant 0 : i32
      %dma_wait3A_228 = arith.constant 0 : i32
      %dma_wait3A_229 = tpu.memref_slice %arg7[%dma_wait3A_218, %dma_wait3A_227, %dma_wait3A_228] : memref<2x160x128xf32, #tpu.memory_space<vmem>> -> memref<1x160x128xf32, #tpu.memory_space<vmem>>
      %dma_wait3A_230 = tpu.memref_squeeze %dma_wait3A_229 : memref<1x160x128xf32, #tpu.memory_space<vmem>> -> memref<160x128xf32, #tpu.memory_space<vmem>>
      tpu.wait_dma2 semaphore(%arg10 : memref<!tpu.dma_semaphore, #tpu.memory_space<semaphore_mem>>) src(%dma_wait3A_230 : memref<160x128xf32, #tpu.memory_space<vmem>>) dst(%dma_wait3A_226 : memref<160x128xf32, #tpu.memory_space<hbm>>)
    }
    %scan3A_47 = arith.constant 32 : i32
    return
  }
}

#map = affine_map<(d0, d1) -> (0, 0)>
#map1 = affine_map<(d0, d1) -> (0)>
module attributes {stable_mosaic.version = 14 : i64} {
  func.func @sc_kernel(%arg0: i32, %arg1: i32, %arg2: memref<16384x128xf32, #tpu.memory_space<hbm>>, %arg3: memref<327808xi32, #tpu.memory_space<hbm>>, %arg4: memref<327680x128xf32, #tpu.memory_space<hbm>>, %arg5: memref<2x128xi32, #tpu.memory_space<vmem>>, %arg6: memref<2x128xi32, #tpu.memory_space<vmem>>, %arg7: memref<2x160x128xf32, #tpu.memory_space<vmem>>, %arg8: memref<!tpu.dma_semaphore, #tpu.memory_space<semaphore_mem>>, %arg9: memref<!tpu.dma_semaphore, #tpu.memory_space<semaphore_mem>>, %arg10: memref<!tpu.dma_semaphore, #tpu.memory_space<semaphore_mem>>) attributes {dimension_semantics = [#tpu.dimension_semantics<core_parallel>, #tpu.dimension_semantics<subcore_parallel>], iteration_bounds = array<i64: 2, 16>, scalar_prefetch = 0 : i64, scratch_operands = 6 : i64, tpu.core_type = #tpu.core_type<sc_vector_subcore>, window_params = [{transform_indices = #map}, {transform_indices = #map1}, {transform_indices = #map}]} {
    %mul3A = arith.constant 2 : i32
    %mul3A_0 = arith.muli %arg1, %mul3A : i32
    %add3A = arith.addi %mul3A_0, %arg0 : i32
    %mul3A_1 = arith.constant 512 : i32
    %mul3A_2 = arith.muli %add3A, %mul3A_1 : i32
    %add3A_3 = arith.constant 0 : i32
    %add3A_4 = arith.addi %mul3A_2, %add3A_3 : i32
    %mul3A_5 = arith.constant 20 : i32
    %mul3A_6 = arith.muli %add3A_4, %mul3A_5 : i32
    %run_scoped3A = arith.constant 0 : i32
    "tpu.region"() ({
      %run_scoped3A_48 = tpu.sem_alloc : memref<!tpu.dma_semaphore, #tpu.memory_space<semaphore_mem>>
      %dma_start3A_49 = arith.constant 0 : i32
      %dma_start3A_50 = tpu.memref_slice %arg5[%run_scoped3A, %dma_start3A_49] : memref<2x128xi32, #tpu.memory_space<vmem>> -> memref<1x128xi32, #tpu.memory_space<vmem>>
      %dma_start3A_51 = tpu.memref_squeeze %dma_start3A_50 : memref<1x128xi32, #tpu.memory_space<vmem>> -> memref<128xi32, #tpu.memory_space<vmem>>
      %dma_start3A_52 = tpu.memref_slice %arg3[%mul3A_6] : memref<327808xi32, #tpu.memory_space<hbm>> -> memref<128xi32, #tpu.memory_space<hbm>>
      %dma_start3A_53 = arith.constant 0 : i32
      %dma_start3A_54 = tpu.memref_slice %arg5[%run_scoped3A, %dma_start3A_53] : memref<2x128xi32, #tpu.memory_space<vmem>> -> memref<1x128xi32, #tpu.memory_space<vmem>>
      %dma_start3A_55 = tpu.memref_squeeze %dma_start3A_54 : memref<1x128xi32, #tpu.memory_space<vmem>> -> memref<128xi32, #tpu.memory_space<vmem>>
      %dma_start3A_56 = tpu.memref_slice %arg3[%mul3A_6] : memref<327808xi32, #tpu.memory_space<hbm>> -> memref<128xi32, #tpu.memory_space<hbm>>
      tpu.enqueue_dma source(%dma_start3A_56 : memref<128xi32, #tpu.memory_space<hbm>>) target(%dma_start3A_55 : memref<128xi32, #tpu.memory_space<vmem>>) target_semaphore(%run_scoped3A_48 : memref<!tpu.dma_semaphore, #tpu.memory_space<semaphore_mem>>)
      %dma_wait3A = arith.constant 0 : i32
      %dma_wait3A_57 = tpu.memref_slice %arg5[%run_scoped3A, %dma_wait3A] : memref<2x128xi32, #tpu.memory_space<vmem>> -> memref<1x128xi32, #tpu.memory_space<vmem>>
      %dma_wait3A_58 = tpu.memref_squeeze %dma_wait3A_57 : memref<1x128xi32, #tpu.memory_space<vmem>> -> memref<128xi32, #tpu.memory_space<vmem>>
      %dma_wait3A_59 = tpu.memref_slice %arg3[%mul3A_6] : memref<327808xi32, #tpu.memory_space<hbm>> -> memref<128xi32, #tpu.memory_space<hbm>>
      %dma_wait3A_60 = arith.constant 0 : i32
      %dma_wait3A_61 = tpu.memref_slice %arg5[%run_scoped3A, %dma_wait3A_60] : memref<2x128xi32, #tpu.memory_space<vmem>> -> memref<1x128xi32, #tpu.memory_space<vmem>>
      %dma_wait3A_62 = tpu.memref_squeeze %dma_wait3A_61 : memref<1x128xi32, #tpu.memory_space<vmem>> -> memref<128xi32, #tpu.memory_space<vmem>>
      %dma_wait3A_63 = tpu.memref_slice %arg3[%mul3A_6] : memref<327808xi32, #tpu.memory_space<hbm>> -> memref<128xi32, #tpu.memory_space<hbm>>
      tpu.wait_dma2 semaphore(%run_scoped3A_48 : memref<!tpu.dma_semaphore, #tpu.memory_space<semaphore_mem>>) src(%dma_wait3A_63 : memref<128xi32, #tpu.memory_space<hbm>>) dst(%dma_wait3A_62 : memref<128xi32, #tpu.memory_space<vmem>>)
      tpu.yield
    }) : () -> ()
    %add3A_7 = arith.constant 80 : i32
    %add3A_8 = arith.addi %mul3A_6, %add3A_7 : i32
    %run_scoped3A_9 = arith.constant 0 : i32
    "tpu.region"() ({
      %run_scoped3A_48 = tpu.sem_alloc : memref<!tpu.dma_semaphore, #tpu.memory_space<semaphore_mem>>
      %dma_start3A_49 = arith.constant 0 : i32
      %dma_start3A_50 = tpu.memref_slice %arg6[%run_scoped3A_9, %dma_start3A_49] : memref<2x128xi32, #tpu.memory_space<vmem>> -> memref<1x128xi32, #tpu.memory_space<vmem>>
      %dma_start3A_51 = tpu.memref_squeeze %dma_start3A_50 : memref<1x128xi32, #tpu.memory_space<vmem>> -> memref<128xi32, #tpu.memory_space<vmem>>
      %dma_start3A_52 = tpu.memref_slice %arg3[%add3A_8] : memref<327808xi32, #tpu.memory_space<hbm>> -> memref<128xi32, #tpu.memory_space<hbm>>
      %dma_start3A_53 = arith.constant 0 : i32
      %dma_start3A_54 = tpu.memref_slice %arg6[%run_scoped3A_9, %dma_start3A_53] : memref<2x128xi32, #tpu.memory_space<vmem>> -> memref<1x128xi32, #tpu.memory_space<vmem>>
      %dma_start3A_55 = tpu.memref_squeeze %dma_start3A_54 : memref<1x128xi32, #tpu.memory_space<vmem>> -> memref<128xi32, #tpu.memory_space<vmem>>
      %dma_start3A_56 = tpu.memref_slice %arg3[%add3A_8] : memref<327808xi32, #tpu.memory_space<hbm>> -> memref<128xi32, #tpu.memory_space<hbm>>
      tpu.enqueue_dma source(%dma_start3A_56 : memref<128xi32, #tpu.memory_space<hbm>>) target(%dma_start3A_55 : memref<128xi32, #tpu.memory_space<vmem>>) target_semaphore(%run_scoped3A_48 : memref<!tpu.dma_semaphore, #tpu.memory_space<semaphore_mem>>)
      %dma_wait3A = arith.constant 0 : i32
      %dma_wait3A_57 = tpu.memref_slice %arg6[%run_scoped3A_9, %dma_wait3A] : memref<2x128xi32, #tpu.memory_space<vmem>> -> memref<1x128xi32, #tpu.memory_space<vmem>>
      %dma_wait3A_58 = tpu.memref_squeeze %dma_wait3A_57 : memref<1x128xi32, #tpu.memory_space<vmem>> -> memref<128xi32, #tpu.memory_space<vmem>>
      %dma_wait3A_59 = tpu.memref_slice %arg3[%add3A_8] : memref<327808xi32, #tpu.memory_space<hbm>> -> memref<128xi32, #tpu.memory_space<hbm>>
      %dma_wait3A_60 = arith.constant 0 : i32
      %dma_wait3A_61 = tpu.memref_slice %arg6[%run_scoped3A_9, %dma_wait3A_60] : memref<2x128xi32, #tpu.memory_space<vmem>> -> memref<1x128xi32, #tpu.memory_space<vmem>>
      %dma_wait3A_62 = tpu.memref_squeeze %dma_wait3A_61 : memref<1x128xi32, #tpu.memory_space<vmem>> -> memref<128xi32, #tpu.memory_space<vmem>>
      %dma_wait3A_63 = tpu.memref_slice %arg3[%add3A_8] : memref<327808xi32, #tpu.memory_space<hbm>> -> memref<128xi32, #tpu.memory_space<hbm>>
      tpu.wait_dma2 semaphore(%run_scoped3A_48 : memref<!tpu.dma_semaphore, #tpu.memory_space<semaphore_mem>>) src(%dma_wait3A_63 : memref<128xi32, #tpu.memory_space<hbm>>) dst(%dma_wait3A_62 : memref<128xi32, #tpu.memory_space<vmem>>)
      tpu.yield
    }) : () -> ()
    %dma_start3A = arith.constant 0 : i32
    %dma_start3A_10 = arith.constant 0 : i32
    %dma_start3A_11 = arith.constant 0 : i32
    %dma_start3A_12 = arith.constant 0 : i32
    %dma_start3A_13 = tpu.memref_slice %arg7[%dma_start3A_10, %dma_start3A_11, %dma_start3A_12] : memref<2x160x128xf32, #tpu.memory_space<vmem>> -> memref<1x160x128xf32, #tpu.memory_space<vmem>>
    %dma_start3A_14 = tpu.memref_squeeze %dma_start3A_13 : memref<1x160x128xf32, #tpu.memory_space<vmem>> -> memref<160x128xf32, #tpu.memory_space<vmem>>
    %dma_start3A_15 = arith.constant 0 : i32
    %dma_start3A_16 = arith.constant 0 : i32
    %dma_start3A_17 = tpu.memref_slice %dma_start3A_14[%dma_start3A_15, %dma_start3A_16] : memref<160x128xf32, #tpu.memory_space<vmem>> -> memref<80x128xf32, #tpu.memory_space<vmem>>
    %dma_start3A_18 = arith.constant 0 : i32
    %dma_start3A_19 = tpu.memref_slice %arg5[%dma_start3A, %dma_start3A_18] : memref<2x128xi32, #tpu.memory_space<vmem>> -> memref<1x128xi32, #tpu.memory_space<vmem>>
    %dma_start3A_20 = tpu.memref_squeeze %dma_start3A_19 : memref<1x128xi32, #tpu.memory_space<vmem>> -> memref<128xi32, #tpu.memory_space<vmem>>
    %dma_start3A_21 = arith.constant 0 : i32
    %dma_start3A_22 = tpu.memref_slice %dma_start3A_20[%dma_start3A_21] : memref<128xi32, #tpu.memory_space<vmem>> -> memref<80xi32, #tpu.memory_space<vmem>>
    %dma_start3A_23 = arith.constant 0 : i32
    %dma_start3A_24 = arith.constant 0 : i32
    %dma_start3A_25 = tpu.memref_slice %arg2[%dma_start3A_23, %dma_start3A_24] : memref<16384x128xf32, #tpu.memory_space<hbm>> -> memref<16384x128xf32, #tpu.memory_space<hbm>>
    tpu.enqueue_indirect_dma source(%dma_start3A_25 : memref<16384x128xf32, #tpu.memory_space<hbm>>) target(%dma_start3A_17 : memref<80x128xf32, #tpu.memory_space<vmem>>) offsets(%dma_start3A_22 : memref<80xi32, #tpu.memory_space<vmem>>) semaphore(%arg8 : memref<!tpu.dma_semaphore, #tpu.memory_space<semaphore_mem>>)
    %dma_start3A_26 = arith.constant 0 : i32
    %dma_start3A_27 = arith.constant 0 : i32
    %dma_start3A_28 = arith.constant 0 : i32
    %dma_start3A_29 = arith.constant 0 : i32
    %dma_start3A_30 = tpu.memref_slice %arg7[%dma_start3A_27, %dma_start3A_28, %dma_start3A_29] : memref<2x160x128xf32, #tpu.memory_space<vmem>> -> memref<1x160x128xf32, #tpu.memory_space<vmem>>
    %dma_start3A_31 = tpu.memref_squeeze %dma_start3A_30 : memref<1x160x128xf32, #tpu.memory_space<vmem>> -> memref<160x128xf32, #tpu.memory_space<vmem>>
    %dma_start3A_32 = arith.constant 80 : i32
    %dma_start3A_33 = arith.constant 0 : i32
    %dma_start3A_34 = tpu.memref_slice %dma_start3A_31[%dma_start3A_32, %dma_start3A_33] : memref<160x128xf32, #tpu.memory_space<vmem>> -> memref<80x128xf32, #tpu.memory_space<vmem>>
    %dma_start3A_35 = arith.constant 0 : i32
    %dma_start3A_36 = tpu.memref_slice %arg6[%dma_start3A_26, %dma_start3A_35] : memref<2x128xi32, #tpu.memory_space<vmem>> -> memref<1x128xi32, #tpu.memory_space<vmem>>
    %dma_start3A_37 = tpu.memref_squeeze %dma_start3A_36 : memref<1x128xi32, #tpu.memory_space<vmem>> -> memref<128xi32, #tpu.memory_space<vmem>>
    %dma_start3A_38 = arith.constant 0 : i32
    %dma_start3A_39 = tpu.memref_slice %dma_start3A_37[%dma_start3A_38] : memref<128xi32, #tpu.memory_space<vmem>> -> memref<80xi32, #tpu.memory_space<vmem>>
    %dma_start3A_40 = arith.constant 0 : i32
    %dma_start3A_41 = arith.constant 0 : i32
    %dma_start3A_42 = tpu.memref_slice %arg2[%dma_start3A_40, %dma_start3A_41] : memref<16384x128xf32, #tpu.memory_space<hbm>> -> memref<16384x128xf32, #tpu.memory_space<hbm>>
    tpu.enqueue_indirect_dma source(%dma_start3A_42 : memref<16384x128xf32, #tpu.memory_space<hbm>>) target(%dma_start3A_34 : memref<80x128xf32, #tpu.memory_space<vmem>>) offsets(%dma_start3A_39 : memref<80xi32, #tpu.memory_space<vmem>>) semaphore(%arg8 : memref<!tpu.dma_semaphore, #tpu.memory_space<semaphore_mem>>)
    %scan3A = arith.constant 0 : i32
    %scan3A_43 = arith.constant 0 : i32
    %scan3A_44 = arith.constant 32 : i32
    %scan3A_45 = arith.addi %scan3A_43, %scan3A_44 : i32
    %scan3A_46 = arith.constant 1 : i32
    scf.for %scan3A_48 = %scan3A_43 to %scan3A_45 step %scan3A_46  : i32 {
      %mul3A_49 = arith.constant 2 : i32
      %mul3A_50 = arith.muli %mul3A_49, %scan3A_48 : i32
      %add3A_51 = arith.constant 1 : i32
      %add3A_52 = arith.addi %mul3A_50, %add3A_51 : i32
      %mul3A_53 = arith.constant 8 : i32
      %mul3A_54 = arith.muli %add3A_52, %mul3A_53 : i32
      %add3A_55 = arith.addi %mul3A_2, %mul3A_54 : i32
      %mul3A_56 = arith.constant 20 : i32
      %mul3A_57 = arith.muli %add3A_55, %mul3A_56 : i32
      %run_scoped3A_58 = arith.constant 1 : i32
      "tpu.region"() ({
        %run_scoped3A_231 = tpu.sem_alloc : memref<!tpu.dma_semaphore, #tpu.memory_space<semaphore_mem>>
        %dma_start3A_232 = arith.constant 0 : i32
        %dma_start3A_233 = tpu.memref_slice %arg5[%run_scoped3A_58, %dma_start3A_232] : memref<2x128xi32, #tpu.memory_space<vmem>> -> memref<1x128xi32, #tpu.memory_space<vmem>>
        %dma_start3A_234 = tpu.memref_squeeze %dma_start3A_233 : memref<1x128xi32, #tpu.memory_space<vmem>> -> memref<128xi32, #tpu.memory_space<vmem>>
        %dma_start3A_235 = tpu.memref_slice %arg3[%mul3A_57] : memref<327808xi32, #tpu.memory_space<hbm>> -> memref<128xi32, #tpu.memory_space<hbm>>
        %dma_start3A_236 = arith.constant 0 : i32
        %dma_start3A_237 = tpu.memref_slice %arg5[%run_scoped3A_58, %dma_start3A_236] : memref<2x128xi32, #tpu.memory_space<vmem>> -> memref<1x128xi32, #tpu.memory_space<vmem>>
        %dma_start3A_238 = tpu.memref_squeeze %dma_start3A_237 : memref<1x128xi32, #tpu.memory_space<vmem>> -> memref<128xi32, #tpu.memory_space<vmem>>
        %dma_start3A_239 = tpu.memref_slice %arg3[%mul3A_57] : memref<327808xi32, #tpu.memory_space<hbm>> -> memref<128xi32, #tpu.memory_space<hbm>>
        tpu.enqueue_dma source(%dma_start3A_239 : memref<128xi32, #tpu.memory_space<hbm>>) target(%dma_start3A_238 : memref<128xi32, #tpu.memory_space<vmem>>) target_semaphore(%run_scoped3A_231 : memref<!tpu.dma_semaphore, #tpu.memory_space<semaphore_mem>>)
        %dma_wait3A_240 = arith.constant 0 : i32
        %dma_wait3A_241 = tpu.memref_slice %arg5[%run_scoped3A_58, %dma_wait3A_240] : memref<2x128xi32, #tpu.memory_space<vmem>> -> memref<1x128xi32, #tpu.memory_space<vmem>>
        %dma_wait3A_242 = tpu.memref_squeeze %dma_wait3A_241 : memref<1x128xi32, #tpu.memory_space<vmem>> -> memref<128xi32, #tpu.memory_space<vmem>>
        %dma_wait3A_243 = tpu.memref_slice %arg3[%mul3A_57] : memref<327808xi32, #tpu.memory_space<hbm>> -> memref<128xi32, #tpu.memory_space<hbm>>
        %dma_wait3A_244 = arith.constant 0 : i32
        %dma_wait3A_245 = tpu.memref_slice %arg5[%run_scoped3A_58, %dma_wait3A_244] : memref<2x128xi32, #tpu.memory_space<vmem>> -> memref<1x128xi32, #tpu.memory_space<vmem>>
        %dma_wait3A_246 = tpu.memref_squeeze %dma_wait3A_245 : memref<1x128xi32, #tpu.memory_space<vmem>> -> memref<128xi32, #tpu.memory_space<vmem>>
        %dma_wait3A_247 = tpu.memref_slice %arg3[%mul3A_57] : memref<327808xi32, #tpu.memory_space<hbm>> -> memref<128xi32, #tpu.memory_space<hbm>>
        tpu.wait_dma2 semaphore(%run_scoped3A_231 : memref<!tpu.dma_semaphore, #tpu.memory_space<semaphore_mem>>) src(%dma_wait3A_247 : memref<128xi32, #tpu.memory_space<hbm>>) dst(%dma_wait3A_246 : memref<128xi32, #tpu.memory_space<vmem>>)
        tpu.yield
      }) : () -> ()
      %add3A_59 = arith.constant 80 : i32
      %add3A_60 = arith.addi %mul3A_57, %add3A_59 : i32
      %run_scoped3A_61 = arith.constant 1 : i32
      "tpu.region"() ({
        %run_scoped3A_231 = tpu.sem_alloc : memref<!tpu.dma_semaphore, #tpu.memory_space<semaphore_mem>>
        %dma_start3A_232 = arith.constant 0 : i32
        %dma_start3A_233 = tpu.memref_slice %arg6[%run_scoped3A_61, %dma_start3A_232] : memref<2x128xi32, #tpu.memory_space<vmem>> -> memref<1x128xi32, #tpu.memory_space<vmem>>
        %dma_start3A_234 = tpu.memref_squeeze %dma_start3A_233 : memref<1x128xi32, #tpu.memory_space<vmem>> -> memref<128xi32, #tpu.memory_space<vmem>>
        %dma_start3A_235 = tpu.memref_slice %arg3[%add3A_60] : memref<327808xi32, #tpu.memory_space<hbm>> -> memref<128xi32, #tpu.memory_space<hbm>>
        %dma_start3A_236 = arith.constant 0 : i32
        %dma_start3A_237 = tpu.memref_slice %arg6[%run_scoped3A_61, %dma_start3A_236] : memref<2x128xi32, #tpu.memory_space<vmem>> -> memref<1x128xi32, #tpu.memory_space<vmem>>
        %dma_start3A_238 = tpu.memref_squeeze %dma_start3A_237 : memref<1x128xi32, #tpu.memory_space<vmem>> -> memref<128xi32, #tpu.memory_space<vmem>>
        %dma_start3A_239 = tpu.memref_slice %arg3[%add3A_60] : memref<327808xi32, #tpu.memory_space<hbm>> -> memref<128xi32, #tpu.memory_space<hbm>>
        tpu.enqueue_dma source(%dma_start3A_239 : memref<128xi32, #tpu.memory_space<hbm>>) target(%dma_start3A_238 : memref<128xi32, #tpu.memory_space<vmem>>) target_semaphore(%run_scoped3A_231 : memref<!tpu.dma_semaphore, #tpu.memory_space<semaphore_mem>>)
        %dma_wait3A_240 = arith.constant 0 : i32
        %dma_wait3A_241 = tpu.memref_slice %arg6[%run_scoped3A_61, %dma_wait3A_240] : memref<2x128xi32, #tpu.memory_space<vmem>> -> memref<1x128xi32, #tpu.memory_space<vmem>>
        %dma_wait3A_242 = tpu.memref_squeeze %dma_wait3A_241 : memref<1x128xi32, #tpu.memory_space<vmem>> -> memref<128xi32, #tpu.memory_space<vmem>>
        %dma_wait3A_243 = tpu.memref_slice %arg3[%add3A_60] : memref<327808xi32, #tpu.memory_space<hbm>> -> memref<128xi32, #tpu.memory_space<hbm>>
        %dma_wait3A_244 = arith.constant 0 : i32
        %dma_wait3A_245 = tpu.memref_slice %arg6[%run_scoped3A_61, %dma_wait3A_244] : memref<2x128xi32, #tpu.memory_space<vmem>> -> memref<1x128xi32, #tpu.memory_space<vmem>>
        %dma_wait3A_246 = tpu.memref_squeeze %dma_wait3A_245 : memref<1x128xi32, #tpu.memory_space<vmem>> -> memref<128xi32, #tpu.memory_space<vmem>>
        %dma_wait3A_247 = tpu.memref_slice %arg3[%add3A_60] : memref<327808xi32, #tpu.memory_space<hbm>> -> memref<128xi32, #tpu.memory_space<hbm>>
        tpu.wait_dma2 semaphore(%run_scoped3A_231 : memref<!tpu.dma_semaphore, #tpu.memory_space<semaphore_mem>>) src(%dma_wait3A_247 : memref<128xi32, #tpu.memory_space<hbm>>) dst(%dma_wait3A_246 : memref<128xi32, #tpu.memory_space<vmem>>)
        tpu.yield
      }) : () -> ()
      %dma_start3A_62 = arith.constant 1 : i32
      %dma_start3A_63 = arith.constant 1 : i32
      %dma_start3A_64 = arith.constant 0 : i32
      %dma_start3A_65 = arith.constant 0 : i32
      %dma_start3A_66 = tpu.memref_slice %arg7[%dma_start3A_63, %dma_start3A_64, %dma_start3A_65] : memref<2x160x128xf32, #tpu.memory_space<vmem>> -> memref<1x160x128xf32, #tpu.memory_space<vmem>>
      %dma_start3A_67 = tpu.memref_squeeze %dma_start3A_66 : memref<1x160x128xf32, #tpu.memory_space<vmem>> -> memref<160x128xf32, #tpu.memory_space<vmem>>
      %dma_start3A_68 = arith.constant 0 : i32
      %dma_start3A_69 = arith.constant 0 : i32
      %dma_start3A_70 = tpu.memref_slice %dma_start3A_67[%dma_start3A_68, %dma_start3A_69] : memref<160x128xf32, #tpu.memory_space<vmem>> -> memref<80x128xf32, #tpu.memory_space<vmem>>
      %dma_start3A_71 = arith.constant 0 : i32
      %dma_start3A_72 = tpu.memref_slice %arg5[%dma_start3A_62, %dma_start3A_71] : memref<2x128xi32, #tpu.memory_space<vmem>> -> memref<1x128xi32, #tpu.memory_space<vmem>>
      %dma_start3A_73 = tpu.memref_squeeze %dma_start3A_72 : memref<1x128xi32, #tpu.memory_space<vmem>> -> memref<128xi32, #tpu.memory_space<vmem>>
      %dma_start3A_74 = arith.constant 0 : i32
      %dma_start3A_75 = tpu.memref_slice %dma_start3A_73[%dma_start3A_74] : memref<128xi32, #tpu.memory_space<vmem>> -> memref<80xi32, #tpu.memory_space<vmem>>
      %dma_start3A_76 = arith.constant 0 : i32
      %dma_start3A_77 = arith.constant 0 : i32
      %dma_start3A_78 = tpu.memref_slice %arg2[%dma_start3A_76, %dma_start3A_77] : memref<16384x128xf32, #tpu.memory_space<hbm>> -> memref<16384x128xf32, #tpu.memory_space<hbm>>
      tpu.enqueue_indirect_dma source(%dma_start3A_78 : memref<16384x128xf32, #tpu.memory_space<hbm>>) target(%dma_start3A_70 : memref<80x128xf32, #tpu.memory_space<vmem>>) offsets(%dma_start3A_75 : memref<80xi32, #tpu.memory_space<vmem>>) semaphore(%arg9 : memref<!tpu.dma_semaphore, #tpu.memory_space<semaphore_mem>>)
      %dma_start3A_79 = arith.constant 1 : i32
      %dma_start3A_80 = arith.constant 1 : i32
      %dma_start3A_81 = arith.constant 0 : i32
      %dma_start3A_82 = arith.constant 0 : i32
      %dma_start3A_83 = tpu.memref_slice %arg7[%dma_start3A_80, %dma_start3A_81, %dma_start3A_82] : memref<2x160x128xf32, #tpu.memory_space<vmem>> -> memref<1x160x128xf32, #tpu.memory_space<vmem>>
      %dma_start3A_84 = tpu.memref_squeeze %dma_start3A_83 : memref<1x160x128xf32, #tpu.memory_space<vmem>> -> memref<160x128xf32, #tpu.memory_space<vmem>>
      %dma_start3A_85 = arith.constant 80 : i32
      %dma_start3A_86 = arith.constant 0 : i32
      %dma_start3A_87 = tpu.memref_slice %dma_start3A_84[%dma_start3A_85, %dma_start3A_86] : memref<160x128xf32, #tpu.memory_space<vmem>> -> memref<80x128xf32, #tpu.memory_space<vmem>>
      %dma_start3A_88 = arith.constant 0 : i32
      %dma_start3A_89 = tpu.memref_slice %arg6[%dma_start3A_79, %dma_start3A_88] : memref<2x128xi32, #tpu.memory_space<vmem>> -> memref<1x128xi32, #tpu.memory_space<vmem>>
      %dma_start3A_90 = tpu.memref_squeeze %dma_start3A_89 : memref<1x128xi32, #tpu.memory_space<vmem>> -> memref<128xi32, #tpu.memory_space<vmem>>
      %dma_start3A_91 = arith.constant 0 : i32
      %dma_start3A_92 = tpu.memref_slice %dma_start3A_90[%dma_start3A_91] : memref<128xi32, #tpu.memory_space<vmem>> -> memref<80xi32, #tpu.memory_space<vmem>>
      %dma_start3A_93 = arith.constant 0 : i32
      %dma_start3A_94 = arith.constant 0 : i32
      %dma_start3A_95 = tpu.memref_slice %arg2[%dma_start3A_93, %dma_start3A_94] : memref<16384x128xf32, #tpu.memory_space<hbm>> -> memref<16384x128xf32, #tpu.memory_space<hbm>>
      tpu.enqueue_indirect_dma source(%dma_start3A_95 : memref<16384x128xf32, #tpu.memory_space<hbm>>) target(%dma_start3A_87 : memref<80x128xf32, #tpu.memory_space<vmem>>) offsets(%dma_start3A_92 : memref<80xi32, #tpu.memory_space<vmem>>) semaphore(%arg9 : memref<!tpu.dma_semaphore, #tpu.memory_space<semaphore_mem>>)
      %mul3A_96 = arith.constant 8 : i32
      %mul3A_97 = arith.muli %mul3A_50, %mul3A_96 : i32
      %add3A_98 = arith.addi %mul3A_2, %mul3A_97 : i32
      %mul3A_99 = arith.constant 20 : i32
      %mul3A_100 = arith.muli %add3A_98, %mul3A_99 : i32
      %dma_wait3A = arith.constant 0 : i32
      %dma_wait3A_101 = arith.constant 0 : i32
      %dma_wait3A_102 = arith.constant 0 : i32
      %dma_wait3A_103 = arith.constant 0 : i32
      %dma_wait3A_104 = tpu.memref_slice %arg7[%dma_wait3A_101, %dma_wait3A_102, %dma_wait3A_103] : memref<2x160x128xf32, #tpu.memory_space<vmem>> -> memref<1x160x128xf32, #tpu.memory_space<vmem>>
      %dma_wait3A_105 = tpu.memref_squeeze %dma_wait3A_104 : memref<1x160x128xf32, #tpu.memory_space<vmem>> -> memref<160x128xf32, #tpu.memory_space<vmem>>
      %dma_wait3A_106 = arith.constant 0 : i32
      %dma_wait3A_107 = arith.constant 0 : i32
      %dma_wait3A_108 = tpu.memref_slice %dma_wait3A_105[%dma_wait3A_106, %dma_wait3A_107] : memref<160x128xf32, #tpu.memory_space<vmem>> -> memref<80x128xf32, #tpu.memory_space<vmem>>
      %dma_wait3A_109 = arith.constant 0 : i32
      %dma_wait3A_110 = tpu.memref_slice %arg5[%dma_wait3A, %dma_wait3A_109] : memref<2x128xi32, #tpu.memory_space<vmem>> -> memref<1x128xi32, #tpu.memory_space<vmem>>
      %dma_wait3A_111 = tpu.memref_squeeze %dma_wait3A_110 : memref<1x128xi32, #tpu.memory_space<vmem>> -> memref<128xi32, #tpu.memory_space<vmem>>
      %dma_wait3A_112 = arith.constant 0 : i32
      %dma_wait3A_113 = tpu.memref_slice %dma_wait3A_111[%dma_wait3A_112] : memref<128xi32, #tpu.memory_space<vmem>> -> memref<80xi32, #tpu.memory_space<vmem>>
      %dma_wait3A_114 = arith.constant 0 : i32
      %dma_wait3A_115 = arith.constant 0 : i32
      %dma_wait3A_116 = tpu.memref_slice %arg2[%dma_wait3A_114, %dma_wait3A_115] : memref<16384x128xf32, #tpu.memory_space<hbm>> -> memref<16384x128xf32, #tpu.memory_space<hbm>>
      tpu.wait_indirect_dma semaphore(%arg8 : memref<!tpu.dma_semaphore, #tpu.memory_space<semaphore_mem>>) src(%dma_wait3A_116 : memref<16384x128xf32, #tpu.memory_space<hbm>>) dst(%dma_wait3A_108 : memref<80x128xf32, #tpu.memory_space<vmem>>)
      %dma_wait3A_117 = arith.constant 0 : i32
      %dma_wait3A_118 = arith.constant 0 : i32
      %dma_wait3A_119 = arith.constant 0 : i32
      %dma_wait3A_120 = arith.constant 0 : i32
      %dma_wait3A_121 = tpu.memref_slice %arg7[%dma_wait3A_118, %dma_wait3A_119, %dma_wait3A_120] : memref<2x160x128xf32, #tpu.memory_space<vmem>> -> memref<1x160x128xf32, #tpu.memory_space<vmem>>
      %dma_wait3A_122 = tpu.memref_squeeze %dma_wait3A_121 : memref<1x160x128xf32, #tpu.memory_space<vmem>> -> memref<160x128xf32, #tpu.memory_space<vmem>>
      %dma_wait3A_123 = arith.constant 80 : i32
      %dma_wait3A_124 = arith.constant 0 : i32
      %dma_wait3A_125 = tpu.memref_slice %dma_wait3A_122[%dma_wait3A_123, %dma_wait3A_124] : memref<160x128xf32, #tpu.memory_space<vmem>> -> memref<80x128xf32, #tpu.memory_space<vmem>>
      %dma_wait3A_126 = arith.constant 0 : i32
      %dma_wait3A_127 = tpu.memref_slice %arg6[%dma_wait3A_117, %dma_wait3A_126] : memref<2x128xi32, #tpu.memory_space<vmem>> -> memref<1x128xi32, #tpu.memory_space<vmem>>
      %dma_wait3A_128 = tpu.memref_squeeze %dma_wait3A_127 : memref<1x128xi32, #tpu.memory_space<vmem>> -> memref<128xi32, #tpu.memory_space<vmem>>
      %dma_wait3A_129 = arith.constant 0 : i32
      %dma_wait3A_130 = tpu.memref_slice %dma_wait3A_128[%dma_wait3A_129] : memref<128xi32, #tpu.memory_space<vmem>> -> memref<80xi32, #tpu.memory_space<vmem>>
      %dma_wait3A_131 = arith.constant 0 : i32
      %dma_wait3A_132 = arith.constant 0 : i32
      %dma_wait3A_133 = tpu.memref_slice %arg2[%dma_wait3A_131, %dma_wait3A_132] : memref<16384x128xf32, #tpu.memory_space<hbm>> -> memref<16384x128xf32, #tpu.memory_space<hbm>>
      tpu.wait_indirect_dma semaphore(%arg8 : memref<!tpu.dma_semaphore, #tpu.memory_space<semaphore_mem>>) src(%dma_wait3A_133 : memref<16384x128xf32, #tpu.memory_space<hbm>>) dst(%dma_wait3A_125 : memref<80x128xf32, #tpu.memory_space<vmem>>)
      %dma_start3A_134 = arith.constant 0 : i32
      %dma_start3A_135 = arith.constant 0 : i32
      %dma_start3A_136 = arith.constant 0 : i32
      %dma_start3A_137 = tpu.memref_slice %arg7[%dma_start3A_134, %dma_start3A_135, %dma_start3A_136] : memref<2x160x128xf32, #tpu.memory_space<vmem>> -> memref<1x160x128xf32, #tpu.memory_space<vmem>>
      %dma_start3A_138 = tpu.memref_squeeze %dma_start3A_137 : memref<1x160x128xf32, #tpu.memory_space<vmem>> -> memref<160x128xf32, #tpu.memory_space<vmem>>
      %dma_start3A_139 = arith.constant 0 : i32
      %dma_start3A_140 = tpu.memref_slice %arg4[%mul3A_100, %dma_start3A_139] : memref<327680x128xf32, #tpu.memory_space<hbm>> -> memref<160x128xf32, #tpu.memory_space<hbm>>
      %dma_start3A_141 = arith.constant 0 : i32
      %dma_start3A_142 = tpu.memref_slice %arg4[%mul3A_100, %dma_start3A_141] : memref<327680x128xf32, #tpu.memory_space<hbm>> -> memref<160x128xf32, #tpu.memory_space<hbm>>
      %dma_start3A_143 = arith.constant 0 : i32
      %dma_start3A_144 = arith.constant 0 : i32
      %dma_start3A_145 = tpu.memref_slice %arg7[%dma_start3A_134, %dma_start3A_143, %dma_start3A_144] : memref<2x160x128xf32, #tpu.memory_space<vmem>> -> memref<1x160x128xf32, #tpu.memory_space<vmem>>
      %dma_start3A_146 = tpu.memref_squeeze %dma_start3A_145 : memref<1x160x128xf32, #tpu.memory_space<vmem>> -> memref<160x128xf32, #tpu.memory_space<vmem>>
      tpu.enqueue_dma source(%dma_start3A_146 : memref<160x128xf32, #tpu.memory_space<vmem>>) target(%dma_start3A_142 : memref<160x128xf32, #tpu.memory_space<hbm>>) target_semaphore(%arg10 : memref<!tpu.dma_semaphore, #tpu.memory_space<semaphore_mem>>)
      %dma_wait3A_147 = arith.constant 0 : i32
      %dma_wait3A_148 = arith.constant 0 : i32
      %dma_wait3A_149 = arith.constant 0 : i32
      %dma_wait3A_150 = tpu.memref_slice %arg7[%dma_wait3A_147, %dma_wait3A_148, %dma_wait3A_149] : memref<2x160x128xf32, #tpu.memory_space<vmem>> -> memref<1x160x128xf32, #tpu.memory_space<vmem>>
      %dma_wait3A_151 = tpu.memref_squeeze %dma_wait3A_150 : memref<1x160x128xf32, #tpu.memory_space<vmem>> -> memref<160x128xf32, #tpu.memory_space<vmem>>
      %dma_wait3A_152 = arith.constant 0 : i32
      %dma_wait3A_153 = tpu.memref_slice %arg4[%mul3A_100, %dma_wait3A_152] : memref<327680x128xf32, #tpu.memory_space<hbm>> -> memref<160x128xf32, #tpu.memory_space<hbm>>
      %dma_wait3A_154 = arith.constant 0 : i32
      %dma_wait3A_155 = tpu.memref_slice %arg4[%mul3A_100, %dma_wait3A_154] : memref<327680x128xf32, #tpu.memory_space<hbm>> -> memref<160x128xf32, #tpu.memory_space<hbm>>
      %dma_wait3A_156 = arith.constant 0 : i32
      %dma_wait3A_157 = arith.constant 0 : i32
      %dma_wait3A_158 = tpu.memref_slice %arg7[%dma_wait3A_147, %dma_wait3A_156, %dma_wait3A_157] : memref<2x160x128xf32, #tpu.memory_space<vmem>> -> memref<1x160x128xf32, #tpu.memory_space<vmem>>
      %dma_wait3A_159 = tpu.memref_squeeze %dma_wait3A_158 : memref<1x160x128xf32, #tpu.memory_space<vmem>> -> memref<160x128xf32, #tpu.memory_space<vmem>>
      tpu.wait_dma2 semaphore(%arg10 : memref<!tpu.dma_semaphore, #tpu.memory_space<semaphore_mem>>) src(%dma_wait3A_159 : memref<160x128xf32, #tpu.memory_space<vmem>>) dst(%dma_wait3A_155 : memref<160x128xf32, #tpu.memory_space<hbm>>)
      %add3A_160 = arith.constant 2 : i32
      %add3A_161 = arith.addi %mul3A_50, %add3A_160 : i32
      %lt3A = arith.constant 64 : i32
      %lt3A_162 = arith.cmpi slt, %add3A_161, %lt3A : i32
      %convert_element_type3A = arith.extui %lt3A_162 : i1 to i32
      %cond3A = arith.constant 0 : i32
      %cond3A_163 = arith.cmpi ne, %convert_element_type3A, %cond3A : i32
      scf.if %cond3A_163 {
        %add3A_231 = arith.constant 2 : i32
        %add3A_232 = arith.addi %mul3A_50, %add3A_231 : i32
        %mul3A_233 = arith.constant 8 : i32
        %mul3A_234 = arith.muli %add3A_232, %mul3A_233 : i32
        %add3A_235 = arith.addi %mul3A_2, %mul3A_234 : i32
        %mul3A_236 = arith.constant 20 : i32
        %mul3A_237 = arith.muli %add3A_235, %mul3A_236 : i32
        %run_scoped3A_238 = arith.constant 0 : i32
        "tpu.region"() ({
          %run_scoped3A_276 = tpu.sem_alloc : memref<!tpu.dma_semaphore, #tpu.memory_space<semaphore_mem>>
          %dma_start3A_277 = arith.constant 0 : i32
          %dma_start3A_278 = tpu.memref_slice %arg5[%run_scoped3A_238, %dma_start3A_277] : memref<2x128xi32, #tpu.memory_space<vmem>> -> memref<1x128xi32, #tpu.memory_space<vmem>>
          %dma_start3A_279 = tpu.memref_squeeze %dma_start3A_278 : memref<1x128xi32, #tpu.memory_space<vmem>> -> memref<128xi32, #tpu.memory_space<vmem>>
          %dma_start3A_280 = tpu.memref_slice %arg3[%mul3A_237] : memref<327808xi32, #tpu.memory_space<hbm>> -> memref<128xi32, #tpu.memory_space<hbm>>
          %dma_start3A_281 = arith.constant 0 : i32
          %dma_start3A_282 = tpu.memref_slice %arg5[%run_scoped3A_238, %dma_start3A_281] : memref<2x128xi32, #tpu.memory_space<vmem>> -> memref<1x128xi32, #tpu.memory_space<vmem>>
          %dma_start3A_283 = tpu.memref_squeeze %dma_start3A_282 : memref<1x128xi32, #tpu.memory_space<vmem>> -> memref<128xi32, #tpu.memory_space<vmem>>
          %dma_start3A_284 = tpu.memref_slice %arg3[%mul3A_237] : memref<327808xi32, #tpu.memory_space<hbm>> -> memref<128xi32, #tpu.memory_space<hbm>>
          tpu.enqueue_dma source(%dma_start3A_284 : memref<128xi32, #tpu.memory_space<hbm>>) target(%dma_start3A_283 : memref<128xi32, #tpu.memory_space<vmem>>) target_semaphore(%run_scoped3A_276 : memref<!tpu.dma_semaphore, #tpu.memory_space<semaphore_mem>>)
          %dma_wait3A_285 = arith.constant 0 : i32
          %dma_wait3A_286 = tpu.memref_slice %arg5[%run_scoped3A_238, %dma_wait3A_285] : memref<2x128xi32, #tpu.memory_space<vmem>> -> memref<1x128xi32, #tpu.memory_space<vmem>>
          %dma_wait3A_287 = tpu.memref_squeeze %dma_wait3A_286 : memref<1x128xi32, #tpu.memory_space<vmem>> -> memref<128xi32, #tpu.memory_space<vmem>>
          %dma_wait3A_288 = tpu.memref_slice %arg3[%mul3A_237] : memref<327808xi32, #tpu.memory_space<hbm>> -> memref<128xi32, #tpu.memory_space<hbm>>
          %dma_wait3A_289 = arith.constant 0 : i32
          %dma_wait3A_290 = tpu.memref_slice %arg5[%run_scoped3A_238, %dma_wait3A_289] : memref<2x128xi32, #tpu.memory_space<vmem>> -> memref<1x128xi32, #tpu.memory_space<vmem>>
          %dma_wait3A_291 = tpu.memref_squeeze %dma_wait3A_290 : memref<1x128xi32, #tpu.memory_space<vmem>> -> memref<128xi32, #tpu.memory_space<vmem>>
          %dma_wait3A_292 = tpu.memref_slice %arg3[%mul3A_237] : memref<327808xi32, #tpu.memory_space<hbm>> -> memref<128xi32, #tpu.memory_space<hbm>>
          tpu.wait_dma2 semaphore(%run_scoped3A_276 : memref<!tpu.dma_semaphore, #tpu.memory_space<semaphore_mem>>) src(%dma_wait3A_292 : memref<128xi32, #tpu.memory_space<hbm>>) dst(%dma_wait3A_291 : memref<128xi32, #tpu.memory_space<vmem>>)
          tpu.yield
        }) : () -> ()
        %add3A_239 = arith.constant 80 : i32
        %add3A_240 = arith.addi %mul3A_237, %add3A_239 : i32
        %run_scoped3A_241 = arith.constant 0 : i32
        "tpu.region"() ({
          %run_scoped3A_276 = tpu.sem_alloc : memref<!tpu.dma_semaphore, #tpu.memory_space<semaphore_mem>>
          %dma_start3A_277 = arith.constant 0 : i32
          %dma_start3A_278 = tpu.memref_slice %arg6[%run_scoped3A_241, %dma_start3A_277] : memref<2x128xi32, #tpu.memory_space<vmem>> -> memref<1x128xi32, #tpu.memory_space<vmem>>
          %dma_start3A_279 = tpu.memref_squeeze %dma_start3A_278 : memref<1x128xi32, #tpu.memory_space<vmem>> -> memref<128xi32, #tpu.memory_space<vmem>>
          %dma_start3A_280 = tpu.memref_slice %arg3[%add3A_240] : memref<327808xi32, #tpu.memory_space<hbm>> -> memref<128xi32, #tpu.memory_space<hbm>>
          %dma_start3A_281 = arith.constant 0 : i32
          %dma_start3A_282 = tpu.memref_slice %arg6[%run_scoped3A_241, %dma_start3A_281] : memref<2x128xi32, #tpu.memory_space<vmem>> -> memref<1x128xi32, #tpu.memory_space<vmem>>
          %dma_start3A_283 = tpu.memref_squeeze %dma_start3A_282 : memref<1x128xi32, #tpu.memory_space<vmem>> -> memref<128xi32, #tpu.memory_space<vmem>>
          %dma_start3A_284 = tpu.memref_slice %arg3[%add3A_240] : memref<327808xi32, #tpu.memory_space<hbm>> -> memref<128xi32, #tpu.memory_space<hbm>>
          tpu.enqueue_dma source(%dma_start3A_284 : memref<128xi32, #tpu.memory_space<hbm>>) target(%dma_start3A_283 : memref<128xi32, #tpu.memory_space<vmem>>) target_semaphore(%run_scoped3A_276 : memref<!tpu.dma_semaphore, #tpu.memory_space<semaphore_mem>>)
          %dma_wait3A_285 = arith.constant 0 : i32
          %dma_wait3A_286 = tpu.memref_slice %arg6[%run_scoped3A_241, %dma_wait3A_285] : memref<2x128xi32, #tpu.memory_space<vmem>> -> memref<1x128xi32, #tpu.memory_space<vmem>>
          %dma_wait3A_287 = tpu.memref_squeeze %dma_wait3A_286 : memref<1x128xi32, #tpu.memory_space<vmem>> -> memref<128xi32, #tpu.memory_space<vmem>>
          %dma_wait3A_288 = tpu.memref_slice %arg3[%add3A_240] : memref<327808xi32, #tpu.memory_space<hbm>> -> memref<128xi32, #tpu.memory_space<hbm>>
          %dma_wait3A_289 = arith.constant 0 : i32
          %dma_wait3A_290 = tpu.memref_slice %arg6[%run_scoped3A_241, %dma_wait3A_289] : memref<2x128xi32, #tpu.memory_space<vmem>> -> memref<1x128xi32, #tpu.memory_space<vmem>>
          %dma_wait3A_291 = tpu.memref_squeeze %dma_wait3A_290 : memref<1x128xi32, #tpu.memory_space<vmem>> -> memref<128xi32, #tpu.memory_space<vmem>>
          %dma_wait3A_292 = tpu.memref_slice %arg3[%add3A_240] : memref<327808xi32, #tpu.memory_space<hbm>> -> memref<128xi32, #tpu.memory_space<hbm>>
          tpu.wait_dma2 semaphore(%run_scoped3A_276 : memref<!tpu.dma_semaphore, #tpu.memory_space<semaphore_mem>>) src(%dma_wait3A_292 : memref<128xi32, #tpu.memory_space<hbm>>) dst(%dma_wait3A_291 : memref<128xi32, #tpu.memory_space<vmem>>)
          tpu.yield
        }) : () -> ()
        %dma_start3A_242 = arith.constant 0 : i32
        %dma_start3A_243 = arith.constant 0 : i32
        %dma_start3A_244 = arith.constant 0 : i32
        %dma_start3A_245 = arith.constant 0 : i32
        %dma_start3A_246 = tpu.memref_slice %arg7[%dma_start3A_243, %dma_start3A_244, %dma_start3A_245] : memref<2x160x128xf32, #tpu.memory_space<vmem>> -> memref<1x160x128xf32, #tpu.memory_space<vmem>>
        %dma_start3A_247 = tpu.memref_squeeze %dma_start3A_246 : memref<1x160x128xf32, #tpu.memory_space<vmem>> -> memref<160x128xf32, #tpu.memory_space<vmem>>
        %dma_start3A_248 = arith.constant 0 : i32
        %dma_start3A_249 = arith.constant 0 : i32
        %dma_start3A_250 = tpu.memref_slice %dma_start3A_247[%dma_start3A_248, %dma_start3A_249] : memref<160x128xf32, #tpu.memory_space<vmem>> -> memref<80x128xf32, #tpu.memory_space<vmem>>
        %dma_start3A_251 = arith.constant 0 : i32
        %dma_start3A_252 = tpu.memref_slice %arg5[%dma_start3A_242, %dma_start3A_251] : memref<2x128xi32, #tpu.memory_space<vmem>> -> memref<1x128xi32, #tpu.memory_space<vmem>>
        %dma_start3A_253 = tpu.memref_squeeze %dma_start3A_252 : memref<1x128xi32, #tpu.memory_space<vmem>> -> memref<128xi32, #tpu.memory_space<vmem>>
        %dma_start3A_254 = arith.constant 0 : i32
        %dma_start3A_255 = tpu.memref_slice %dma_start3A_253[%dma_start3A_254] : memref<128xi32, #tpu.memory_space<vmem>> -> memref<80xi32, #tpu.memory_space<vmem>>
        %dma_start3A_256 = arith.constant 0 : i32
        %dma_start3A_257 = arith.constant 0 : i32
        %dma_start3A_258 = tpu.memref_slice %arg2[%dma_start3A_256, %dma_start3A_257] : memref<16384x128xf32, #tpu.memory_space<hbm>> -> memref<16384x128xf32, #tpu.memory_space<hbm>>
        tpu.enqueue_indirect_dma source(%dma_start3A_258 : memref<16384x128xf32, #tpu.memory_space<hbm>>) target(%dma_start3A_250 : memref<80x128xf32, #tpu.memory_space<vmem>>) offsets(%dma_start3A_255 : memref<80xi32, #tpu.memory_space<vmem>>) semaphore(%arg8 : memref<!tpu.dma_semaphore, #tpu.memory_space<semaphore_mem>>)
        %dma_start3A_259 = arith.constant 0 : i32
        %dma_start3A_260 = arith.constant 0 : i32
        %dma_start3A_261 = arith.constant 0 : i32
        %dma_start3A_262 = arith.constant 0 : i32
        %dma_start3A_263 = tpu.memref_slice %arg7[%dma_start3A_260, %dma_start3A_261, %dma_start3A_262] : memref<2x160x128xf32, #tpu.memory_space<vmem>> -> memref<1x160x128xf32, #tpu.memory_space<vmem>>
        %dma_start3A_264 = tpu.memref_squeeze %dma_start3A_263 : memref<1x160x128xf32, #tpu.memory_space<vmem>> -> memref<160x128xf32, #tpu.memory_space<vmem>>
        %dma_start3A_265 = arith.constant 80 : i32
        %dma_start3A_266 = arith.constant 0 : i32
        %dma_start3A_267 = tpu.memref_slice %dma_start3A_264[%dma_start3A_265, %dma_start3A_266] : memref<160x128xf32, #tpu.memory_space<vmem>> -> memref<80x128xf32, #tpu.memory_space<vmem>>
        %dma_start3A_268 = arith.constant 0 : i32
        %dma_start3A_269 = tpu.memref_slice %arg6[%dma_start3A_259, %dma_start3A_268] : memref<2x128xi32, #tpu.memory_space<vmem>> -> memref<1x128xi32, #tpu.memory_space<vmem>>
        %dma_start3A_270 = tpu.memref_squeeze %dma_start3A_269 : memref<1x128xi32, #tpu.memory_space<vmem>> -> memref<128xi32, #tpu.memory_space<vmem>>
        %dma_start3A_271 = arith.constant 0 : i32
        %dma_start3A_272 = tpu.memref_slice %dma_start3A_270[%dma_start3A_271] : memref<128xi32, #tpu.memory_space<vmem>> -> memref<80xi32, #tpu.memory_space<vmem>>
        %dma_start3A_273 = arith.constant 0 : i32
        %dma_start3A_274 = arith.constant 0 : i32
        %dma_start3A_275 = tpu.memref_slice %arg2[%dma_start3A_273, %dma_start3A_274] : memref<16384x128xf32, #tpu.memory_space<hbm>> -> memref<16384x128xf32, #tpu.memory_space<hbm>>
        tpu.enqueue_indirect_dma source(%dma_start3A_275 : memref<16384x128xf32, #tpu.memory_space<hbm>>) target(%dma_start3A_267 : memref<80x128xf32, #tpu.memory_space<vmem>>) offsets(%dma_start3A_272 : memref<80xi32, #tpu.memory_space<vmem>>) semaphore(%arg8 : memref<!tpu.dma_semaphore, #tpu.memory_space<semaphore_mem>>)
      } else {
      }
      %add3A_164 = arith.constant 1 : i32
      %add3A_165 = arith.addi %mul3A_50, %add3A_164 : i32
      %mul3A_166 = arith.constant 8 : i32
      %mul3A_167 = arith.muli %add3A_165, %mul3A_166 : i32
      %add3A_168 = arith.addi %mul3A_2, %mul3A_167 : i32
      %mul3A_169 = arith.constant 20 : i32
      %mul3A_170 = arith.muli %add3A_168, %mul3A_169 : i32
      %dma_wait3A_171 = arith.constant 1 : i32
      %dma_wait3A_172 = arith.constant 1 : i32
      %dma_wait3A_173 = arith.constant 0 : i32
      %dma_wait3A_174 = arith.constant 0 : i32
      %dma_wait3A_175 = tpu.memref_slice %arg7[%dma_wait3A_172, %dma_wait3A_173, %dma_wait3A_174] : memref<2x160x128xf32, #tpu.memory_space<vmem>> -> memref<1x160x128xf32, #tpu.memory_space<vmem>>
      %dma_wait3A_176 = tpu.memref_squeeze %dma_wait3A_175 : memref<1x160x128xf32, #tpu.memory_space<vmem>> -> memref<160x128xf32, #tpu.memory_space<vmem>>
      %dma_wait3A_177 = arith.constant 0 : i32
      %dma_wait3A_178 = arith.constant 0 : i32
      %dma_wait3A_179 = tpu.memref_slice %dma_wait3A_176[%dma_wait3A_177, %dma_wait3A_178] : memref<160x128xf32, #tpu.memory_space<vmem>> -> memref<80x128xf32, #tpu.memory_space<vmem>>
      %dma_wait3A_180 = arith.constant 0 : i32
      %dma_wait3A_181 = tpu.memref_slice %arg5[%dma_wait3A_171, %dma_wait3A_180] : memref<2x128xi32, #tpu.memory_space<vmem>> -> memref<1x128xi32, #tpu.memory_space<vmem>>
      %dma_wait3A_182 = tpu.memref_squeeze %dma_wait3A_181 : memref<1x128xi32, #tpu.memory_space<vmem>> -> memref<128xi32, #tpu.memory_space<vmem>>
      %dma_wait3A_183 = arith.constant 0 : i32
      %dma_wait3A_184 = tpu.memref_slice %dma_wait3A_182[%dma_wait3A_183] : memref<128xi32, #tpu.memory_space<vmem>> -> memref<80xi32, #tpu.memory_space<vmem>>
      %dma_wait3A_185 = arith.constant 0 : i32
      %dma_wait3A_186 = arith.constant 0 : i32
      %dma_wait3A_187 = tpu.memref_slice %arg2[%dma_wait3A_185, %dma_wait3A_186] : memref<16384x128xf32, #tpu.memory_space<hbm>> -> memref<16384x128xf32, #tpu.memory_space<hbm>>
      tpu.wait_indirect_dma semaphore(%arg9 : memref<!tpu.dma_semaphore, #tpu.memory_space<semaphore_mem>>) src(%dma_wait3A_187 : memref<16384x128xf32, #tpu.memory_space<hbm>>) dst(%dma_wait3A_179 : memref<80x128xf32, #tpu.memory_space<vmem>>)
      %dma_wait3A_188 = arith.constant 1 : i32
      %dma_wait3A_189 = arith.constant 1 : i32
      %dma_wait3A_190 = arith.constant 0 : i32
      %dma_wait3A_191 = arith.constant 0 : i32
      %dma_wait3A_192 = tpu.memref_slice %arg7[%dma_wait3A_189, %dma_wait3A_190, %dma_wait3A_191] : memref<2x160x128xf32, #tpu.memory_space<vmem>> -> memref<1x160x128xf32, #tpu.memory_space<vmem>>
      %dma_wait3A_193 = tpu.memref_squeeze %dma_wait3A_192 : memref<1x160x128xf32, #tpu.memory_space<vmem>> -> memref<160x128xf32, #tpu.memory_space<vmem>>
      %dma_wait3A_194 = arith.constant 80 : i32
      %dma_wait3A_195 = arith.constant 0 : i32
      %dma_wait3A_196 = tpu.memref_slice %dma_wait3A_193[%dma_wait3A_194, %dma_wait3A_195] : memref<160x128xf32, #tpu.memory_space<vmem>> -> memref<80x128xf32, #tpu.memory_space<vmem>>
      %dma_wait3A_197 = arith.constant 0 : i32
      %dma_wait3A_198 = tpu.memref_slice %arg6[%dma_wait3A_188, %dma_wait3A_197] : memref<2x128xi32, #tpu.memory_space<vmem>> -> memref<1x128xi32, #tpu.memory_space<vmem>>
      %dma_wait3A_199 = tpu.memref_squeeze %dma_wait3A_198 : memref<1x128xi32, #tpu.memory_space<vmem>> -> memref<128xi32, #tpu.memory_space<vmem>>
      %dma_wait3A_200 = arith.constant 0 : i32
      %dma_wait3A_201 = tpu.memref_slice %dma_wait3A_199[%dma_wait3A_200] : memref<128xi32, #tpu.memory_space<vmem>> -> memref<80xi32, #tpu.memory_space<vmem>>
      %dma_wait3A_202 = arith.constant 0 : i32
      %dma_wait3A_203 = arith.constant 0 : i32
      %dma_wait3A_204 = tpu.memref_slice %arg2[%dma_wait3A_202, %dma_wait3A_203] : memref<16384x128xf32, #tpu.memory_space<hbm>> -> memref<16384x128xf32, #tpu.memory_space<hbm>>
      tpu.wait_indirect_dma semaphore(%arg9 : memref<!tpu.dma_semaphore, #tpu.memory_space<semaphore_mem>>) src(%dma_wait3A_204 : memref<16384x128xf32, #tpu.memory_space<hbm>>) dst(%dma_wait3A_196 : memref<80x128xf32, #tpu.memory_space<vmem>>)
      %dma_start3A_205 = arith.constant 1 : i32
      %dma_start3A_206 = arith.constant 0 : i32
      %dma_start3A_207 = arith.constant 0 : i32
      %dma_start3A_208 = tpu.memref_slice %arg7[%dma_start3A_205, %dma_start3A_206, %dma_start3A_207] : memref<2x160x128xf32, #tpu.memory_space<vmem>> -> memref<1x160x128xf32, #tpu.memory_space<vmem>>
      %dma_start3A_209 = tpu.memref_squeeze %dma_start3A_208 : memref<1x160x128xf32, #tpu.memory_space<vmem>> -> memref<160x128xf32, #tpu.memory_space<vmem>>
      %dma_start3A_210 = arith.constant 0 : i32
      %dma_start3A_211 = tpu.memref_slice %arg4[%mul3A_170, %dma_start3A_210] : memref<327680x128xf32, #tpu.memory_space<hbm>> -> memref<160x128xf32, #tpu.memory_space<hbm>>
      %dma_start3A_212 = arith.constant 0 : i32
      %dma_start3A_213 = tpu.memref_slice %arg4[%mul3A_170, %dma_start3A_212] : memref<327680x128xf32, #tpu.memory_space<hbm>> -> memref<160x128xf32, #tpu.memory_space<hbm>>
      %dma_start3A_214 = arith.constant 0 : i32
      %dma_start3A_215 = arith.constant 0 : i32
      %dma_start3A_216 = tpu.memref_slice %arg7[%dma_start3A_205, %dma_start3A_214, %dma_start3A_215] : memref<2x160x128xf32, #tpu.memory_space<vmem>> -> memref<1x160x128xf32, #tpu.memory_space<vmem>>
      %dma_start3A_217 = tpu.memref_squeeze %dma_start3A_216 : memref<1x160x128xf32, #tpu.memory_space<vmem>> -> memref<160x128xf32, #tpu.memory_space<vmem>>
      tpu.enqueue_dma source(%dma_start3A_217 : memref<160x128xf32, #tpu.memory_space<vmem>>) target(%dma_start3A_213 : memref<160x128xf32, #tpu.memory_space<hbm>>) target_semaphore(%arg10 : memref<!tpu.dma_semaphore, #tpu.memory_space<semaphore_mem>>)
      %dma_wait3A_218 = arith.constant 1 : i32
      %dma_wait3A_219 = arith.constant 0 : i32
      %dma_wait3A_220 = arith.constant 0 : i32
      %dma_wait3A_221 = tpu.memref_slice %arg7[%dma_wait3A_218, %dma_wait3A_219, %dma_wait3A_220] : memref<2x160x128xf32, #tpu.memory_space<vmem>> -> memref<1x160x128xf32, #tpu.memory_space<vmem>>
      %dma_wait3A_222 = tpu.memref_squeeze %dma_wait3A_221 : memref<1x160x128xf32, #tpu.memory_space<vmem>> -> memref<160x128xf32, #tpu.memory_space<vmem>>
      %dma_wait3A_223 = arith.constant 0 : i32
      %dma_wait3A_224 = tpu.memref_slice %arg4[%mul3A_170, %dma_wait3A_223] : memref<327680x128xf32, #tpu.memory_space<hbm>> -> memref<160x128xf32, #tpu.memory_space<hbm>>
      %dma_wait3A_225 = arith.constant 0 : i32
      %dma_wait3A_226 = tpu.memref_slice %arg4[%mul3A_170, %dma_wait3A_225] : memref<327680x128xf32, #tpu.memory_space<hbm>> -> memref<160x128xf32, #tpu.memory_space<hbm>>
      %dma_wait3A_227 = arith.constant 0 : i32
      %dma_wait3A_228 = arith.constant 0 : i32
      %dma_wait3A_229 = tpu.memref_slice %arg7[%dma_wait3A_218, %dma_wait3A_227, %dma_wait3A_228] : memref<2x160x128xf32, #tpu.memory_space<vmem>> -> memref<1x160x128xf32, #tpu.memory_space<vmem>>
      %dma_wait3A_230 = tpu.memref_squeeze %dma_wait3A_229 : memref<1x160x128xf32, #tpu.memory_space<vmem>> -> memref<160x128xf32, #tpu.memory_space<vmem>>
      tpu.wait_dma2 semaphore(%arg10 : memref<!tpu.dma_semaphore, #tpu.memory_space<semaphore_mem>>) src(%dma_wait3A_230 : memref<160x128xf32, #tpu.memory_space<vmem>>) dst(%dma_wait3A_226 : memref<160x128xf32, #tpu.memory_space<hbm>>)
    }
    %scan3A_47 = arith.constant 32 : i32
    return
  }
}

#map = affine_map<(d0, d1) -> (0, 0)>
#map1 = affine_map<(d0, d1) -> (0)>
module attributes {stable_mosaic.version = 14 : i64} {
  func.func @sc_kernel(%arg0: i32, %arg1: i32, %arg2: memref<16384x128xf32, #tpu.memory_space<hbm>>, %arg3: memref<327808xi32, #tpu.memory_space<hbm>>, %arg4: memref<327680x128xf32, #tpu.memory_space<hbm>>, %arg5: memref<2x128xi32, #tpu.memory_space<vmem>>, %arg6: memref<2x128xi32, #tpu.memory_space<vmem>>, %arg7: memref<2x160x128xf32, #tpu.memory_space<vmem>>, %arg8: memref<!tpu.dma_semaphore, #tpu.memory_space<semaphore_mem>>, %arg9: memref<!tpu.dma_semaphore, #tpu.memory_space<semaphore_mem>>, %arg10: memref<!tpu.dma_semaphore, #tpu.memory_space<semaphore_mem>>) attributes {dimension_semantics = [#tpu.dimension_semantics<core_parallel>, #tpu.dimension_semantics<subcore_parallel>], iteration_bounds = array<i64: 2, 16>, scalar_prefetch = 0 : i64, scratch_operands = 6 : i64, tpu.core_type = #tpu.core_type<sc_vector_subcore>, window_params = [{transform_indices = #map}, {transform_indices = #map1}, {transform_indices = #map}]} {
    %mul3A = arith.constant 2 : i32
    %mul3A_0 = arith.muli %arg1, %mul3A : i32
    %add3A = arith.addi %mul3A_0, %arg0 : i32
    %mul3A_1 = arith.constant 512 : i32
    %mul3A_2 = arith.muli %add3A, %mul3A_1 : i32
    %add3A_3 = arith.constant 0 : i32
    %add3A_4 = arith.addi %mul3A_2, %add3A_3 : i32
    %mul3A_5 = arith.constant 20 : i32
    %mul3A_6 = arith.muli %add3A_4, %mul3A_5 : i32
    %run_scoped3A = arith.constant 0 : i32
    "tpu.region"() ({
      %run_scoped3A_48 = tpu.sem_alloc : memref<!tpu.dma_semaphore, #tpu.memory_space<semaphore_mem>>
      %dma_start3A_49 = arith.constant 0 : i32
      %dma_start3A_50 = tpu.memref_slice %arg5[%run_scoped3A, %dma_start3A_49] : memref<2x128xi32, #tpu.memory_space<vmem>> -> memref<1x128xi32, #tpu.memory_space<vmem>>
      %dma_start3A_51 = tpu.memref_squeeze %dma_start3A_50 : memref<1x128xi32, #tpu.memory_space<vmem>> -> memref<128xi32, #tpu.memory_space<vmem>>
      %dma_start3A_52 = tpu.memref_slice %arg3[%mul3A_6] : memref<327808xi32, #tpu.memory_space<hbm>> -> memref<128xi32, #tpu.memory_space<hbm>>
      %dma_start3A_53 = arith.constant 0 : i32
      %dma_start3A_54 = tpu.memref_slice %arg5[%run_scoped3A, %dma_start3A_53] : memref<2x128xi32, #tpu.memory_space<vmem>> -> memref<1x128xi32, #tpu.memory_space<vmem>>
      %dma_start3A_55 = tpu.memref_squeeze %dma_start3A_54 : memref<1x128xi32, #tpu.memory_space<vmem>> -> memref<128xi32, #tpu.memory_space<vmem>>
      %dma_start3A_56 = tpu.memref_slice %arg3[%mul3A_6] : memref<327808xi32, #tpu.memory_space<hbm>> -> memref<128xi32, #tpu.memory_space<hbm>>
      tpu.enqueue_dma source(%dma_start3A_56 : memref<128xi32, #tpu.memory_space<hbm>>) target(%dma_start3A_55 : memref<128xi32, #tpu.memory_space<vmem>>) target_semaphore(%run_scoped3A_48 : memref<!tpu.dma_semaphore, #tpu.memory_space<semaphore_mem>>)
      %dma_wait3A = arith.constant 0 : i32
      %dma_wait3A_57 = tpu.memref_slice %arg5[%run_scoped3A, %dma_wait3A] : memref<2x128xi32, #tpu.memory_space<vmem>> -> memref<1x128xi32, #tpu.memory_space<vmem>>
      %dma_wait3A_58 = tpu.memref_squeeze %dma_wait3A_57 : memref<1x128xi32, #tpu.memory_space<vmem>> -> memref<128xi32, #tpu.memory_space<vmem>>
      %dma_wait3A_59 = tpu.memref_slice %arg3[%mul3A_6] : memref<327808xi32, #tpu.memory_space<hbm>> -> memref<128xi32, #tpu.memory_space<hbm>>
      %dma_wait3A_60 = arith.constant 0 : i32
      %dma_wait3A_61 = tpu.memref_slice %arg5[%run_scoped3A, %dma_wait3A_60] : memref<2x128xi32, #tpu.memory_space<vmem>> -> memref<1x128xi32, #tpu.memory_space<vmem>>
      %dma_wait3A_62 = tpu.memref_squeeze %dma_wait3A_61 : memref<1x128xi32, #tpu.memory_space<vmem>> -> memref<128xi32, #tpu.memory_space<vmem>>
      %dma_wait3A_63 = tpu.memref_slice %arg3[%mul3A_6] : memref<327808xi32, #tpu.memory_space<hbm>> -> memref<128xi32, #tpu.memory_space<hbm>>
      tpu.wait_dma2 semaphore(%run_scoped3A_48 : memref<!tpu.dma_semaphore, #tpu.memory_space<semaphore_mem>>) src(%dma_wait3A_63 : memref<128xi32, #tpu.memory_space<hbm>>) dst(%dma_wait3A_62 : memref<128xi32, #tpu.memory_space<vmem>>)
      tpu.yield
    }) : () -> ()
    %add3A_7 = arith.constant 80 : i32
    %add3A_8 = arith.addi %mul3A_6, %add3A_7 : i32
    %run_scoped3A_9 = arith.constant 0 : i32
    "tpu.region"() ({
      %run_scoped3A_48 = tpu.sem_alloc : memref<!tpu.dma_semaphore, #tpu.memory_space<semaphore_mem>>
      %dma_start3A_49 = arith.constant 0 : i32
      %dma_start3A_50 = tpu.memref_slice %arg6[%run_scoped3A_9, %dma_start3A_49] : memref<2x128xi32, #tpu.memory_space<vmem>> -> memref<1x128xi32, #tpu.memory_space<vmem>>
      %dma_start3A_51 = tpu.memref_squeeze %dma_start3A_50 : memref<1x128xi32, #tpu.memory_space<vmem>> -> memref<128xi32, #tpu.memory_space<vmem>>
      %dma_start3A_52 = tpu.memref_slice %arg3[%add3A_8] : memref<327808xi32, #tpu.memory_space<hbm>> -> memref<128xi32, #tpu.memory_space<hbm>>
      %dma_start3A_53 = arith.constant 0 : i32
      %dma_start3A_54 = tpu.memref_slice %arg6[%run_scoped3A_9, %dma_start3A_53] : memref<2x128xi32, #tpu.memory_space<vmem>> -> memref<1x128xi32, #tpu.memory_space<vmem>>
      %dma_start3A_55 = tpu.memref_squeeze %dma_start3A_54 : memref<1x128xi32, #tpu.memory_space<vmem>> -> memref<128xi32, #tpu.memory_space<vmem>>
      %dma_start3A_56 = tpu.memref_slice %arg3[%add3A_8] : memref<327808xi32, #tpu.memory_space<hbm>> -> memref<128xi32, #tpu.memory_space<hbm>>
      tpu.enqueue_dma source(%dma_start3A_56 : memref<128xi32, #tpu.memory_space<hbm>>) target(%dma_start3A_55 : memref<128xi32, #tpu.memory_space<vmem>>) target_semaphore(%run_scoped3A_48 : memref<!tpu.dma_semaphore, #tpu.memory_space<semaphore_mem>>)
      %dma_wait3A = arith.constant 0 : i32
      %dma_wait3A_57 = tpu.memref_slice %arg6[%run_scoped3A_9, %dma_wait3A] : memref<2x128xi32, #tpu.memory_space<vmem>> -> memref<1x128xi32, #tpu.memory_space<vmem>>
      %dma_wait3A_58 = tpu.memref_squeeze %dma_wait3A_57 : memref<1x128xi32, #tpu.memory_space<vmem>> -> memref<128xi32, #tpu.memory_space<vmem>>
      %dma_wait3A_59 = tpu.memref_slice %arg3[%add3A_8] : memref<327808xi32, #tpu.memory_space<hbm>> -> memref<128xi32, #tpu.memory_space<hbm>>
      %dma_wait3A_60 = arith.constant 0 : i32
      %dma_wait3A_61 = tpu.memref_slice %arg6[%run_scoped3A_9, %dma_wait3A_60] : memref<2x128xi32, #tpu.memory_space<vmem>> -> memref<1x128xi32, #tpu.memory_space<vmem>>
      %dma_wait3A_62 = tpu.memref_squeeze %dma_wait3A_61 : memref<1x128xi32, #tpu.memory_space<vmem>> -> memref<128xi32, #tpu.memory_space<vmem>>
      %dma_wait3A_63 = tpu.memref_slice %arg3[%add3A_8] : memref<327808xi32, #tpu.memory_space<hbm>> -> memref<128xi32, #tpu.memory_space<hbm>>
      tpu.wait_dma2 semaphore(%run_scoped3A_48 : memref<!tpu.dma_semaphore, #tpu.memory_space<semaphore_mem>>) src(%dma_wait3A_63 : memref<128xi32, #tpu.memory_space<hbm>>) dst(%dma_wait3A_62 : memref<128xi32, #tpu.memory_space<vmem>>)
      tpu.yield
    }) : () -> ()
    %dma_start3A = arith.constant 0 : i32
    %dma_start3A_10 = arith.constant 0 : i32
    %dma_start3A_11 = arith.constant 0 : i32
    %dma_start3A_12 = arith.constant 0 : i32
    %dma_start3A_13 = tpu.memref_slice %arg7[%dma_start3A_10, %dma_start3A_11, %dma_start3A_12] : memref<2x160x128xf32, #tpu.memory_space<vmem>> -> memref<1x160x128xf32, #tpu.memory_space<vmem>>
    %dma_start3A_14 = tpu.memref_squeeze %dma_start3A_13 : memref<1x160x128xf32, #tpu.memory_space<vmem>> -> memref<160x128xf32, #tpu.memory_space<vmem>>
    %dma_start3A_15 = arith.constant 0 : i32
    %dma_start3A_16 = arith.constant 0 : i32
    %dma_start3A_17 = tpu.memref_slice %dma_start3A_14[%dma_start3A_15, %dma_start3A_16] : memref<160x128xf32, #tpu.memory_space<vmem>> -> memref<80x128xf32, #tpu.memory_space<vmem>>
    %dma_start3A_18 = arith.constant 0 : i32
    %dma_start3A_19 = tpu.memref_slice %arg5[%dma_start3A, %dma_start3A_18] : memref<2x128xi32, #tpu.memory_space<vmem>> -> memref<1x128xi32, #tpu.memory_space<vmem>>
    %dma_start3A_20 = tpu.memref_squeeze %dma_start3A_19 : memref<1x128xi32, #tpu.memory_space<vmem>> -> memref<128xi32, #tpu.memory_space<vmem>>
    %dma_start3A_21 = arith.constant 0 : i32
    %dma_start3A_22 = tpu.memref_slice %dma_start3A_20[%dma_start3A_21] : memref<128xi32, #tpu.memory_space<vmem>> -> memref<80xi32, #tpu.memory_space<vmem>>
    %dma_start3A_23 = arith.constant 0 : i32
    %dma_start3A_24 = arith.constant 0 : i32
    %dma_start3A_25 = tpu.memref_slice %arg2[%dma_start3A_23, %dma_start3A_24] : memref<16384x128xf32, #tpu.memory_space<hbm>> -> memref<16384x128xf32, #tpu.memory_space<hbm>>
    tpu.enqueue_indirect_dma source(%dma_start3A_25 : memref<16384x128xf32, #tpu.memory_space<hbm>>) target(%dma_start3A_17 : memref<80x128xf32, #tpu.memory_space<vmem>>) offsets(%dma_start3A_22 : memref<80xi32, #tpu.memory_space<vmem>>) semaphore(%arg8 : memref<!tpu.dma_semaphore, #tpu.memory_space<semaphore_mem>>)
    %dma_start3A_26 = arith.constant 0 : i32
    %dma_start3A_27 = arith.constant 0 : i32
    %dma_start3A_28 = arith.constant 0 : i32
    %dma_start3A_29 = arith.constant 0 : i32
    %dma_start3A_30 = tpu.memref_slice %arg7[%dma_start3A_27, %dma_start3A_28, %dma_start3A_29] : memref<2x160x128xf32, #tpu.memory_space<vmem>> -> memref<1x160x128xf32, #tpu.memory_space<vmem>>
    %dma_start3A_31 = tpu.memref_squeeze %dma_start3A_30 : memref<1x160x128xf32, #tpu.memory_space<vmem>> -> memref<160x128xf32, #tpu.memory_space<vmem>>
    %dma_start3A_32 = arith.constant 80 : i32
    %dma_start3A_33 = arith.constant 0 : i32
    %dma_start3A_34 = tpu.memref_slice %dma_start3A_31[%dma_start3A_32, %dma_start3A_33] : memref<160x128xf32, #tpu.memory_space<vmem>> -> memref<80x128xf32, #tpu.memory_space<vmem>>
    %dma_start3A_35 = arith.constant 0 : i32
    %dma_start3A_36 = tpu.memref_slice %arg6[%dma_start3A_26, %dma_start3A_35] : memref<2x128xi32, #tpu.memory_space<vmem>> -> memref<1x128xi32, #tpu.memory_space<vmem>>
    %dma_start3A_37 = tpu.memref_squeeze %dma_start3A_36 : memref<1x128xi32, #tpu.memory_space<vmem>> -> memref<128xi32, #tpu.memory_space<vmem>>
    %dma_start3A_38 = arith.constant 0 : i32
    %dma_start3A_39 = tpu.memref_slice %dma_start3A_37[%dma_start3A_38] : memref<128xi32, #tpu.memory_space<vmem>> -> memref<80xi32, #tpu.memory_space<vmem>>
    %dma_start3A_40 = arith.constant 0 : i32
    %dma_start3A_41 = arith.constant 0 : i32
    %dma_start3A_42 = tpu.memref_slice %arg2[%dma_start3A_40, %dma_start3A_41] : memref<16384x128xf32, #tpu.memory_space<hbm>> -> memref<16384x128xf32, #tpu.memory_space<hbm>>
    tpu.enqueue_indirect_dma source(%dma_start3A_42 : memref<16384x128xf32, #tpu.memory_space<hbm>>) target(%dma_start3A_34 : memref<80x128xf32, #tpu.memory_space<vmem>>) offsets(%dma_start3A_39 : memref<80xi32, #tpu.memory_space<vmem>>) semaphore(%arg8 : memref<!tpu.dma_semaphore, #tpu.memory_space<semaphore_mem>>)
    %scan3A = arith.constant 0 : i32
    %scan3A_43 = arith.constant 0 : i32
    %scan3A_44 = arith.constant 32 : i32
    %scan3A_45 = arith.addi %scan3A_43, %scan3A_44 : i32
    %scan3A_46 = arith.constant 1 : i32
    scf.for %scan3A_48 = %scan3A_43 to %scan3A_45 step %scan3A_46  : i32 {
      %mul3A_49 = arith.constant 2 : i32
      %mul3A_50 = arith.muli %mul3A_49, %scan3A_48 : i32
      %add3A_51 = arith.constant 1 : i32
      %add3A_52 = arith.addi %mul3A_50, %add3A_51 : i32
      %mul3A_53 = arith.constant 8 : i32
      %mul3A_54 = arith.muli %add3A_52, %mul3A_53 : i32
      %add3A_55 = arith.addi %mul3A_2, %mul3A_54 : i32
      %mul3A_56 = arith.constant 20 : i32
      %mul3A_57 = arith.muli %add3A_55, %mul3A_56 : i32
      %run_scoped3A_58 = arith.constant 1 : i32
      "tpu.region"() ({
        %run_scoped3A_231 = tpu.sem_alloc : memref<!tpu.dma_semaphore, #tpu.memory_space<semaphore_mem>>
        %dma_start3A_232 = arith.constant 0 : i32
        %dma_start3A_233 = tpu.memref_slice %arg5[%run_scoped3A_58, %dma_start3A_232] : memref<2x128xi32, #tpu.memory_space<vmem>> -> memref<1x128xi32, #tpu.memory_space<vmem>>
        %dma_start3A_234 = tpu.memref_squeeze %dma_start3A_233 : memref<1x128xi32, #tpu.memory_space<vmem>> -> memref<128xi32, #tpu.memory_space<vmem>>
        %dma_start3A_235 = tpu.memref_slice %arg3[%mul3A_57] : memref<327808xi32, #tpu.memory_space<hbm>> -> memref<128xi32, #tpu.memory_space<hbm>>
        %dma_start3A_236 = arith.constant 0 : i32
        %dma_start3A_237 = tpu.memref_slice %arg5[%run_scoped3A_58, %dma_start3A_236] : memref<2x128xi32, #tpu.memory_space<vmem>> -> memref<1x128xi32, #tpu.memory_space<vmem>>
        %dma_start3A_238 = tpu.memref_squeeze %dma_start3A_237 : memref<1x128xi32, #tpu.memory_space<vmem>> -> memref<128xi32, #tpu.memory_space<vmem>>
        %dma_start3A_239 = tpu.memref_slice %arg3[%mul3A_57] : memref<327808xi32, #tpu.memory_space<hbm>> -> memref<128xi32, #tpu.memory_space<hbm>>
        tpu.enqueue_dma source(%dma_start3A_239 : memref<128xi32, #tpu.memory_space<hbm>>) target(%dma_start3A_238 : memref<128xi32, #tpu.memory_space<vmem>>) target_semaphore(%run_scoped3A_231 : memref<!tpu.dma_semaphore, #tpu.memory_space<semaphore_mem>>)
        %dma_wait3A_240 = arith.constant 0 : i32
        %dma_wait3A_241 = tpu.memref_slice %arg5[%run_scoped3A_58, %dma_wait3A_240] : memref<2x128xi32, #tpu.memory_space<vmem>> -> memref<1x128xi32, #tpu.memory_space<vmem>>
        %dma_wait3A_242 = tpu.memref_squeeze %dma_wait3A_241 : memref<1x128xi32, #tpu.memory_space<vmem>> -> memref<128xi32, #tpu.memory_space<vmem>>
        %dma_wait3A_243 = tpu.memref_slice %arg3[%mul3A_57] : memref<327808xi32, #tpu.memory_space<hbm>> -> memref<128xi32, #tpu.memory_space<hbm>>
        %dma_wait3A_244 = arith.constant 0 : i32
        %dma_wait3A_245 = tpu.memref_slice %arg5[%run_scoped3A_58, %dma_wait3A_244] : memref<2x128xi32, #tpu.memory_space<vmem>> -> memref<1x128xi32, #tpu.memory_space<vmem>>
        %dma_wait3A_246 = tpu.memref_squeeze %dma_wait3A_245 : memref<1x128xi32, #tpu.memory_space<vmem>> -> memref<128xi32, #tpu.memory_space<vmem>>
        %dma_wait3A_247 = tpu.memref_slice %arg3[%mul3A_57] : memref<327808xi32, #tpu.memory_space<hbm>> -> memref<128xi32, #tpu.memory_space<hbm>>
        tpu.wait_dma2 semaphore(%run_scoped3A_231 : memref<!tpu.dma_semaphore, #tpu.memory_space<semaphore_mem>>) src(%dma_wait3A_247 : memref<128xi32, #tpu.memory_space<hbm>>) dst(%dma_wait3A_246 : memref<128xi32, #tpu.memory_space<vmem>>)
        tpu.yield
      }) : () -> ()
      %add3A_59 = arith.constant 80 : i32
      %add3A_60 = arith.addi %mul3A_57, %add3A_59 : i32
      %run_scoped3A_61 = arith.constant 1 : i32
      "tpu.region"() ({
        %run_scoped3A_231 = tpu.sem_alloc : memref<!tpu.dma_semaphore, #tpu.memory_space<semaphore_mem>>
        %dma_start3A_232 = arith.constant 0 : i32
        %dma_start3A_233 = tpu.memref_slice %arg6[%run_scoped3A_61, %dma_start3A_232] : memref<2x128xi32, #tpu.memory_space<vmem>> -> memref<1x128xi32, #tpu.memory_space<vmem>>
        %dma_start3A_234 = tpu.memref_squeeze %dma_start3A_233 : memref<1x128xi32, #tpu.memory_space<vmem>> -> memref<128xi32, #tpu.memory_space<vmem>>
        %dma_start3A_235 = tpu.memref_slice %arg3[%add3A_60] : memref<327808xi32, #tpu.memory_space<hbm>> -> memref<128xi32, #tpu.memory_space<hbm>>
        %dma_start3A_236 = arith.constant 0 : i32
        %dma_start3A_237 = tpu.memref_slice %arg6[%run_scoped3A_61, %dma_start3A_236] : memref<2x128xi32, #tpu.memory_space<vmem>> -> memref<1x128xi32, #tpu.memory_space<vmem>>
        %dma_start3A_238 = tpu.memref_squeeze %dma_start3A_237 : memref<1x128xi32, #tpu.memory_space<vmem>> -> memref<128xi32, #tpu.memory_space<vmem>>
        %dma_start3A_239 = tpu.memref_slice %arg3[%add3A_60] : memref<327808xi32, #tpu.memory_space<hbm>> -> memref<128xi32, #tpu.memory_space<hbm>>
        tpu.enqueue_dma source(%dma_start3A_239 : memref<128xi32, #tpu.memory_space<hbm>>) target(%dma_start3A_238 : memref<128xi32, #tpu.memory_space<vmem>>) target_semaphore(%run_scoped3A_231 : memref<!tpu.dma_semaphore, #tpu.memory_space<semaphore_mem>>)
        %dma_wait3A_240 = arith.constant 0 : i32
        %dma_wait3A_241 = tpu.memref_slice %arg6[%run_scoped3A_61, %dma_wait3A_240] : memref<2x128xi32, #tpu.memory_space<vmem>> -> memref<1x128xi32, #tpu.memory_space<vmem>>
        %dma_wait3A_242 = tpu.memref_squeeze %dma_wait3A_241 : memref<1x128xi32, #tpu.memory_space<vmem>> -> memref<128xi32, #tpu.memory_space<vmem>>
        %dma_wait3A_243 = tpu.memref_slice %arg3[%add3A_60] : memref<327808xi32, #tpu.memory_space<hbm>> -> memref<128xi32, #tpu.memory_space<hbm>>
        %dma_wait3A_244 = arith.constant 0 : i32
        %dma_wait3A_245 = tpu.memref_slice %arg6[%run_scoped3A_61, %dma_wait3A_244] : memref<2x128xi32, #tpu.memory_space<vmem>> -> memref<1x128xi32, #tpu.memory_space<vmem>>
        %dma_wait3A_246 = tpu.memref_squeeze %dma_wait3A_245 : memref<1x128xi32, #tpu.memory_space<vmem>> -> memref<128xi32, #tpu.memory_space<vmem>>
        %dma_wait3A_247 = tpu.memref_slice %arg3[%add3A_60] : memref<327808xi32, #tpu.memory_space<hbm>> -> memref<128xi32, #tpu.memory_space<hbm>>
        tpu.wait_dma2 semaphore(%run_scoped3A_231 : memref<!tpu.dma_semaphore, #tpu.memory_space<semaphore_mem>>) src(%dma_wait3A_247 : memref<128xi32, #tpu.memory_space<hbm>>) dst(%dma_wait3A_246 : memref<128xi32, #tpu.memory_space<vmem>>)
        tpu.yield
      }) : () -> ()
      %dma_start3A_62 = arith.constant 1 : i32
      %dma_start3A_63 = arith.constant 1 : i32
      %dma_start3A_64 = arith.constant 0 : i32
      %dma_start3A_65 = arith.constant 0 : i32
      %dma_start3A_66 = tpu.memref_slice %arg7[%dma_start3A_63, %dma_start3A_64, %dma_start3A_65] : memref<2x160x128xf32, #tpu.memory_space<vmem>> -> memref<1x160x128xf32, #tpu.memory_space<vmem>>
      %dma_start3A_67 = tpu.memref_squeeze %dma_start3A_66 : memref<1x160x128xf32, #tpu.memory_space<vmem>> -> memref<160x128xf32, #tpu.memory_space<vmem>>
      %dma_start3A_68 = arith.constant 0 : i32
      %dma_start3A_69 = arith.constant 0 : i32
      %dma_start3A_70 = tpu.memref_slice %dma_start3A_67[%dma_start3A_68, %dma_start3A_69] : memref<160x128xf32, #tpu.memory_space<vmem>> -> memref<80x128xf32, #tpu.memory_space<vmem>>
      %dma_start3A_71 = arith.constant 0 : i32
      %dma_start3A_72 = tpu.memref_slice %arg5[%dma_start3A_62, %dma_start3A_71] : memref<2x128xi32, #tpu.memory_space<vmem>> -> memref<1x128xi32, #tpu.memory_space<vmem>>
      %dma_start3A_73 = tpu.memref_squeeze %dma_start3A_72 : memref<1x128xi32, #tpu.memory_space<vmem>> -> memref<128xi32, #tpu.memory_space<vmem>>
      %dma_start3A_74 = arith.constant 0 : i32
      %dma_start3A_75 = tpu.memref_slice %dma_start3A_73[%dma_start3A_74] : memref<128xi32, #tpu.memory_space<vmem>> -> memref<80xi32, #tpu.memory_space<vmem>>
      %dma_start3A_76 = arith.constant 0 : i32
      %dma_start3A_77 = arith.constant 0 : i32
      %dma_start3A_78 = tpu.memref_slice %arg2[%dma_start3A_76, %dma_start3A_77] : memref<16384x128xf32, #tpu.memory_space<hbm>> -> memref<16384x128xf32, #tpu.memory_space<hbm>>
      tpu.enqueue_indirect_dma source(%dma_start3A_78 : memref<16384x128xf32, #tpu.memory_space<hbm>>) target(%dma_start3A_70 : memref<80x128xf32, #tpu.memory_space<vmem>>) offsets(%dma_start3A_75 : memref<80xi32, #tpu.memory_space<vmem>>) semaphore(%arg9 : memref<!tpu.dma_semaphore, #tpu.memory_space<semaphore_mem>>)
      %dma_start3A_79 = arith.constant 1 : i32
      %dma_start3A_80 = arith.constant 1 : i32
      %dma_start3A_81 = arith.constant 0 : i32
      %dma_start3A_82 = arith.constant 0 : i32
      %dma_start3A_83 = tpu.memref_slice %arg7[%dma_start3A_80, %dma_start3A_81, %dma_start3A_82] : memref<2x160x128xf32, #tpu.memory_space<vmem>> -> memref<1x160x128xf32, #tpu.memory_space<vmem>>
      %dma_start3A_84 = tpu.memref_squeeze %dma_start3A_83 : memref<1x160x128xf32, #tpu.memory_space<vmem>> -> memref<160x128xf32, #tpu.memory_space<vmem>>
      %dma_start3A_85 = arith.constant 80 : i32
      %dma_start3A_86 = arith.constant 0 : i32
      %dma_start3A_87 = tpu.memref_slice %dma_start3A_84[%dma_start3A_85, %dma_start3A_86] : memref<160x128xf32, #tpu.memory_space<vmem>> -> memref<80x128xf32, #tpu.memory_space<vmem>>
      %dma_start3A_88 = arith.constant 0 : i32
      %dma_start3A_89 = tpu.memref_slice %arg6[%dma_start3A_79, %dma_start3A_88] : memref<2x128xi32, #tpu.memory_space<vmem>> -> memref<1x128xi32, #tpu.memory_space<vmem>>
      %dma_start3A_90 = tpu.memref_squeeze %dma_start3A_89 : memref<1x128xi32, #tpu.memory_space<vmem>> -> memref<128xi32, #tpu.memory_space<vmem>>
      %dma_start3A_91 = arith.constant 0 : i32
      %dma_start3A_92 = tpu.memref_slice %dma_start3A_90[%dma_start3A_91] : memref<128xi32, #tpu.memory_space<vmem>> -> memref<80xi32, #tpu.memory_space<vmem>>
      %dma_start3A_93 = arith.constant 0 : i32
      %dma_start3A_94 = arith.constant 0 : i32
      %dma_start3A_95 = tpu.memref_slice %arg2[%dma_start3A_93, %dma_start3A_94] : memref<16384x128xf32, #tpu.memory_space<hbm>> -> memref<16384x128xf32, #tpu.memory_space<hbm>>
      tpu.enqueue_indirect_dma source(%dma_start3A_95 : memref<16384x128xf32, #tpu.memory_space<hbm>>) target(%dma_start3A_87 : memref<80x128xf32, #tpu.memory_space<vmem>>) offsets(%dma_start3A_92 : memref<80xi32, #tpu.memory_space<vmem>>) semaphore(%arg9 : memref<!tpu.dma_semaphore, #tpu.memory_space<semaphore_mem>>)
      %mul3A_96 = arith.constant 8 : i32
      %mul3A_97 = arith.muli %mul3A_50, %mul3A_96 : i32
      %add3A_98 = arith.addi %mul3A_2, %mul3A_97 : i32
      %mul3A_99 = arith.constant 20 : i32
      %mul3A_100 = arith.muli %add3A_98, %mul3A_99 : i32
      %dma_wait3A = arith.constant 0 : i32
      %dma_wait3A_101 = arith.constant 0 : i32
      %dma_wait3A_102 = arith.constant 0 : i32
      %dma_wait3A_103 = arith.constant 0 : i32
      %dma_wait3A_104 = tpu.memref_slice %arg7[%dma_wait3A_101, %dma_wait3A_102, %dma_wait3A_103] : memref<2x160x128xf32, #tpu.memory_space<vmem>> -> memref<1x160x128xf32, #tpu.memory_space<vmem>>
      %dma_wait3A_105 = tpu.memref_squeeze %dma_wait3A_104 : memref<1x160x128xf32, #tpu.memory_space<vmem>> -> memref<160x128xf32, #tpu.memory_space<vmem>>
      %dma_wait3A_106 = arith.constant 0 : i32
      %dma_wait3A_107 = arith.constant 0 : i32
      %dma_wait3A_108 = tpu.memref_slice %dma_wait3A_105[%dma_wait3A_106, %dma_wait3A_107] : memref<160x128xf32, #tpu.memory_space<vmem>> -> memref<80x128xf32, #tpu.memory_space<vmem>>
      %dma_wait3A_109 = arith.constant 0 : i32
      %dma_wait3A_110 = tpu.memref_slice %arg5[%dma_wait3A, %dma_wait3A_109] : memref<2x128xi32, #tpu.memory_space<vmem>> -> memref<1x128xi32, #tpu.memory_space<vmem>>
      %dma_wait3A_111 = tpu.memref_squeeze %dma_wait3A_110 : memref<1x128xi32, #tpu.memory_space<vmem>> -> memref<128xi32, #tpu.memory_space<vmem>>
      %dma_wait3A_112 = arith.constant 0 : i32
      %dma_wait3A_113 = tpu.memref_slice %dma_wait3A_111[%dma_wait3A_112] : memref<128xi32, #tpu.memory_space<vmem>> -> memref<80xi32, #tpu.memory_space<vmem>>
      %dma_wait3A_114 = arith.constant 0 : i32
      %dma_wait3A_115 = arith.constant 0 : i32
      %dma_wait3A_116 = tpu.memref_slice %arg2[%dma_wait3A_114, %dma_wait3A_115] : memref<16384x128xf32, #tpu.memory_space<hbm>> -> memref<16384x128xf32, #tpu.memory_space<hbm>>
      tpu.wait_indirect_dma semaphore(%arg8 : memref<!tpu.dma_semaphore, #tpu.memory_space<semaphore_mem>>) src(%dma_wait3A_116 : memref<16384x128xf32, #tpu.memory_space<hbm>>) dst(%dma_wait3A_108 : memref<80x128xf32, #tpu.memory_space<vmem>>)
      %dma_wait3A_117 = arith.constant 0 : i32
      %dma_wait3A_118 = arith.constant 0 : i32
      %dma_wait3A_119 = arith.constant 0 : i32
      %dma_wait3A_120 = arith.constant 0 : i32
      %dma_wait3A_121 = tpu.memref_slice %arg7[%dma_wait3A_118, %dma_wait3A_119, %dma_wait3A_120] : memref<2x160x128xf32, #tpu.memory_space<vmem>> -> memref<1x160x128xf32, #tpu.memory_space<vmem>>
      %dma_wait3A_122 = tpu.memref_squeeze %dma_wait3A_121 : memref<1x160x128xf32, #tpu.memory_space<vmem>> -> memref<160x128xf32, #tpu.memory_space<vmem>>
      %dma_wait3A_123 = arith.constant 80 : i32
      %dma_wait3A_124 = arith.constant 0 : i32
      %dma_wait3A_125 = tpu.memref_slice %dma_wait3A_122[%dma_wait3A_123, %dma_wait3A_124] : memref<160x128xf32, #tpu.memory_space<vmem>> -> memref<80x128xf32, #tpu.memory_space<vmem>>
      %dma_wait3A_126 = arith.constant 0 : i32
      %dma_wait3A_127 = tpu.memref_slice %arg6[%dma_wait3A_117, %dma_wait3A_126] : memref<2x128xi32, #tpu.memory_space<vmem>> -> memref<1x128xi32, #tpu.memory_space<vmem>>
      %dma_wait3A_128 = tpu.memref_squeeze %dma_wait3A_127 : memref<1x128xi32, #tpu.memory_space<vmem>> -> memref<128xi32, #tpu.memory_space<vmem>>
      %dma_wait3A_129 = arith.constant 0 : i32
      %dma_wait3A_130 = tpu.memref_slice %dma_wait3A_128[%dma_wait3A_129] : memref<128xi32, #tpu.memory_space<vmem>> -> memref<80xi32, #tpu.memory_space<vmem>>
      %dma_wait3A_131 = arith.constant 0 : i32
      %dma_wait3A_132 = arith.constant 0 : i32
      %dma_wait3A_133 = tpu.memref_slice %arg2[%dma_wait3A_131, %dma_wait3A_132] : memref<16384x128xf32, #tpu.memory_space<hbm>> -> memref<16384x128xf32, #tpu.memory_space<hbm>>
      tpu.wait_indirect_dma semaphore(%arg8 : memref<!tpu.dma_semaphore, #tpu.memory_space<semaphore_mem>>) src(%dma_wait3A_133 : memref<16384x128xf32, #tpu.memory_space<hbm>>) dst(%dma_wait3A_125 : memref<80x128xf32, #tpu.memory_space<vmem>>)
      %dma_start3A_134 = arith.constant 0 : i32
      %dma_start3A_135 = arith.constant 0 : i32
      %dma_start3A_136 = arith.constant 0 : i32
      %dma_start3A_137 = tpu.memref_slice %arg7[%dma_start3A_134, %dma_start3A_135, %dma_start3A_136] : memref<2x160x128xf32, #tpu.memory_space<vmem>> -> memref<1x160x128xf32, #tpu.memory_space<vmem>>
      %dma_start3A_138 = tpu.memref_squeeze %dma_start3A_137 : memref<1x160x128xf32, #tpu.memory_space<vmem>> -> memref<160x128xf32, #tpu.memory_space<vmem>>
      %dma_start3A_139 = arith.constant 0 : i32
      %dma_start3A_140 = tpu.memref_slice %arg4[%mul3A_100, %dma_start3A_139] : memref<327680x128xf32, #tpu.memory_space<hbm>> -> memref<160x128xf32, #tpu.memory_space<hbm>>
      %dma_start3A_141 = arith.constant 0 : i32
      %dma_start3A_142 = tpu.memref_slice %arg4[%mul3A_100, %dma_start3A_141] : memref<327680x128xf32, #tpu.memory_space<hbm>> -> memref<160x128xf32, #tpu.memory_space<hbm>>
      %dma_start3A_143 = arith.constant 0 : i32
      %dma_start3A_144 = arith.constant 0 : i32
      %dma_start3A_145 = tpu.memref_slice %arg7[%dma_start3A_134, %dma_start3A_143, %dma_start3A_144] : memref<2x160x128xf32, #tpu.memory_space<vmem>> -> memref<1x160x128xf32, #tpu.memory_space<vmem>>
      %dma_start3A_146 = tpu.memref_squeeze %dma_start3A_145 : memref<1x160x128xf32, #tpu.memory_space<vmem>> -> memref<160x128xf32, #tpu.memory_space<vmem>>
      tpu.enqueue_dma source(%dma_start3A_146 : memref<160x128xf32, #tpu.memory_space<vmem>>) target(%dma_start3A_142 : memref<160x128xf32, #tpu.memory_space<hbm>>) target_semaphore(%arg10 : memref<!tpu.dma_semaphore, #tpu.memory_space<semaphore_mem>>)
      %dma_wait3A_147 = arith.constant 0 : i32
      %dma_wait3A_148 = arith.constant 0 : i32
      %dma_wait3A_149 = arith.constant 0 : i32
      %dma_wait3A_150 = tpu.memref_slice %arg7[%dma_wait3A_147, %dma_wait3A_148, %dma_wait3A_149] : memref<2x160x128xf32, #tpu.memory_space<vmem>> -> memref<1x160x128xf32, #tpu.memory_space<vmem>>
      %dma_wait3A_151 = tpu.memref_squeeze %dma_wait3A_150 : memref<1x160x128xf32, #tpu.memory_space<vmem>> -> memref<160x128xf32, #tpu.memory_space<vmem>>
      %dma_wait3A_152 = arith.constant 0 : i32
      %dma_wait3A_153 = tpu.memref_slice %arg4[%mul3A_100, %dma_wait3A_152] : memref<327680x128xf32, #tpu.memory_space<hbm>> -> memref<160x128xf32, #tpu.memory_space<hbm>>
      %dma_wait3A_154 = arith.constant 0 : i32
      %dma_wait3A_155 = tpu.memref_slice %arg4[%mul3A_100, %dma_wait3A_154] : memref<327680x128xf32, #tpu.memory_space<hbm>> -> memref<160x128xf32, #tpu.memory_space<hbm>>
      %dma_wait3A_156 = arith.constant 0 : i32
      %dma_wait3A_157 = arith.constant 0 : i32
      %dma_wait3A_158 = tpu.memref_slice %arg7[%dma_wait3A_147, %dma_wait3A_156, %dma_wait3A_157] : memref<2x160x128xf32, #tpu.memory_space<vmem>> -> memref<1x160x128xf32, #tpu.memory_space<vmem>>
      %dma_wait3A_159 = tpu.memref_squeeze %dma_wait3A_158 : memref<1x160x128xf32, #tpu.memory_space<vmem>> -> memref<160x128xf32, #tpu.memory_space<vmem>>
      tpu.wait_dma2 semaphore(%arg10 : memref<!tpu.dma_semaphore, #tpu.memory_space<semaphore_mem>>) src(%dma_wait3A_159 : memref<160x128xf32, #tpu.memory_space<vmem>>) dst(%dma_wait3A_155 : memref<160x128xf32, #tpu.memory_space<hbm>>)
      %add3A_160 = arith.constant 2 : i32
      %add3A_161 = arith.addi %mul3A_50, %add3A_160 : i32
      %lt3A = arith.constant 64 : i32
      %lt3A_162 = arith.cmpi slt, %add3A_161, %lt3A : i32
      %convert_element_type3A = arith.extui %lt3A_162 : i1 to i32
      %cond3A = arith.constant 0 : i32
      %cond3A_163 = arith.cmpi ne, %convert_element_type3A, %cond3A : i32
      scf.if %cond3A_163 {
        %add3A_231 = arith.constant 2 : i32
        %add3A_232 = arith.addi %mul3A_50, %add3A_231 : i32
        %mul3A_233 = arith.constant 8 : i32
        %mul3A_234 = arith.muli %add3A_232, %mul3A_233 : i32
        %add3A_235 = arith.addi %mul3A_2, %mul3A_234 : i32
        %mul3A_236 = arith.constant 20 : i32
        %mul3A_237 = arith.muli %add3A_235, %mul3A_236 : i32
        %run_scoped3A_238 = arith.constant 0 : i32
        "tpu.region"() ({
          %run_scoped3A_276 = tpu.sem_alloc : memref<!tpu.dma_semaphore, #tpu.memory_space<semaphore_mem>>
          %dma_start3A_277 = arith.constant 0 : i32
          %dma_start3A_278 = tpu.memref_slice %arg5[%run_scoped3A_238, %dma_start3A_277] : memref<2x128xi32, #tpu.memory_space<vmem>> -> memref<1x128xi32, #tpu.memory_space<vmem>>
          %dma_start3A_279 = tpu.memref_squeeze %dma_start3A_278 : memref<1x128xi32, #tpu.memory_space<vmem>> -> memref<128xi32, #tpu.memory_space<vmem>>
          %dma_start3A_280 = tpu.memref_slice %arg3[%mul3A_237] : memref<327808xi32, #tpu.memory_space<hbm>> -> memref<128xi32, #tpu.memory_space<hbm>>
          %dma_start3A_281 = arith.constant 0 : i32
          %dma_start3A_282 = tpu.memref_slice %arg5[%run_scoped3A_238, %dma_start3A_281] : memref<2x128xi32, #tpu.memory_space<vmem>> -> memref<1x128xi32, #tpu.memory_space<vmem>>
          %dma_start3A_283 = tpu.memref_squeeze %dma_start3A_282 : memref<1x128xi32, #tpu.memory_space<vmem>> -> memref<128xi32, #tpu.memory_space<vmem>>
          %dma_start3A_284 = tpu.memref_slice %arg3[%mul3A_237] : memref<327808xi32, #tpu.memory_space<hbm>> -> memref<128xi32, #tpu.memory_space<hbm>>
          tpu.enqueue_dma source(%dma_start3A_284 : memref<128xi32, #tpu.memory_space<hbm>>) target(%dma_start3A_283 : memref<128xi32, #tpu.memory_space<vmem>>) target_semaphore(%run_scoped3A_276 : memref<!tpu.dma_semaphore, #tpu.memory_space<semaphore_mem>>)
          %dma_wait3A_285 = arith.constant 0 : i32
          %dma_wait3A_286 = tpu.memref_slice %arg5[%run_scoped3A_238, %dma_wait3A_285] : memref<2x128xi32, #tpu.memory_space<vmem>> -> memref<1x128xi32, #tpu.memory_space<vmem>>
          %dma_wait3A_287 = tpu.memref_squeeze %dma_wait3A_286 : memref<1x128xi32, #tpu.memory_space<vmem>> -> memref<128xi32, #tpu.memory_space<vmem>>
          %dma_wait3A_288 = tpu.memref_slice %arg3[%mul3A_237] : memref<327808xi32, #tpu.memory_space<hbm>> -> memref<128xi32, #tpu.memory_space<hbm>>
          %dma_wait3A_289 = arith.constant 0 : i32
          %dma_wait3A_290 = tpu.memref_slice %arg5[%run_scoped3A_238, %dma_wait3A_289] : memref<2x128xi32, #tpu.memory_space<vmem>> -> memref<1x128xi32, #tpu.memory_space<vmem>>
          %dma_wait3A_291 = tpu.memref_squeeze %dma_wait3A_290 : memref<1x128xi32, #tpu.memory_space<vmem>> -> memref<128xi32, #tpu.memory_space<vmem>>
          %dma_wait3A_292 = tpu.memref_slice %arg3[%mul3A_237] : memref<327808xi32, #tpu.memory_space<hbm>> -> memref<128xi32, #tpu.memory_space<hbm>>
          tpu.wait_dma2 semaphore(%run_scoped3A_276 : memref<!tpu.dma_semaphore, #tpu.memory_space<semaphore_mem>>) src(%dma_wait3A_292 : memref<128xi32, #tpu.memory_space<hbm>>) dst(%dma_wait3A_291 : memref<128xi32, #tpu.memory_space<vmem>>)
          tpu.yield
        }) : () -> ()
        %add3A_239 = arith.constant 80 : i32
        %add3A_240 = arith.addi %mul3A_237, %add3A_239 : i32
        %run_scoped3A_241 = arith.constant 0 : i32
        "tpu.region"() ({
          %run_scoped3A_276 = tpu.sem_alloc : memref<!tpu.dma_semaphore, #tpu.memory_space<semaphore_mem>>
          %dma_start3A_277 = arith.constant 0 : i32
          %dma_start3A_278 = tpu.memref_slice %arg6[%run_scoped3A_241, %dma_start3A_277] : memref<2x128xi32, #tpu.memory_space<vmem>> -> memref<1x128xi32, #tpu.memory_space<vmem>>
          %dma_start3A_279 = tpu.memref_squeeze %dma_start3A_278 : memref<1x128xi32, #tpu.memory_space<vmem>> -> memref<128xi32, #tpu.memory_space<vmem>>
          %dma_start3A_280 = tpu.memref_slice %arg3[%add3A_240] : memref<327808xi32, #tpu.memory_space<hbm>> -> memref<128xi32, #tpu.memory_space<hbm>>
          %dma_start3A_281 = arith.constant 0 : i32
          %dma_start3A_282 = tpu.memref_slice %arg6[%run_scoped3A_241, %dma_start3A_281] : memref<2x128xi32, #tpu.memory_space<vmem>> -> memref<1x128xi32, #tpu.memory_space<vmem>>
          %dma_start3A_283 = tpu.memref_squeeze %dma_start3A_282 : memref<1x128xi32, #tpu.memory_space<vmem>> -> memref<128xi32, #tpu.memory_space<vmem>>
          %dma_start3A_284 = tpu.memref_slice %arg3[%add3A_240] : memref<327808xi32, #tpu.memory_space<hbm>> -> memref<128xi32, #tpu.memory_space<hbm>>
          tpu.enqueue_dma source(%dma_start3A_284 : memref<128xi32, #tpu.memory_space<hbm>>) target(%dma_start3A_283 : memref<128xi32, #tpu.memory_space<vmem>>) target_semaphore(%run_scoped3A_276 : memref<!tpu.dma_semaphore, #tpu.memory_space<semaphore_mem>>)
          %dma_wait3A_285 = arith.constant 0 : i32
          %dma_wait3A_286 = tpu.memref_slice %arg6[%run_scoped3A_241, %dma_wait3A_285] : memref<2x128xi32, #tpu.memory_space<vmem>> -> memref<1x128xi32, #tpu.memory_space<vmem>>
          %dma_wait3A_287 = tpu.memref_squeeze %dma_wait3A_286 : memref<1x128xi32, #tpu.memory_space<vmem>> -> memref<128xi32, #tpu.memory_space<vmem>>
          %dma_wait3A_288 = tpu.memref_slice %arg3[%add3A_240] : memref<327808xi32, #tpu.memory_space<hbm>> -> memref<128xi32, #tpu.memory_space<hbm>>
          %dma_wait3A_289 = arith.constant 0 : i32
          %dma_wait3A_290 = tpu.memref_slice %arg6[%run_scoped3A_241, %dma_wait3A_289] : memref<2x128xi32, #tpu.memory_space<vmem>> -> memref<1x128xi32, #tpu.memory_space<vmem>>
          %dma_wait3A_291 = tpu.memref_squeeze %dma_wait3A_290 : memref<1x128xi32, #tpu.memory_space<vmem>> -> memref<128xi32, #tpu.memory_space<vmem>>
          %dma_wait3A_292 = tpu.memref_slice %arg3[%add3A_240] : memref<327808xi32, #tpu.memory_space<hbm>> -> memref<128xi32, #tpu.memory_space<hbm>>
          tpu.wait_dma2 semaphore(%run_scoped3A_276 : memref<!tpu.dma_semaphore, #tpu.memory_space<semaphore_mem>>) src(%dma_wait3A_292 : memref<128xi32, #tpu.memory_space<hbm>>) dst(%dma_wait3A_291 : memref<128xi32, #tpu.memory_space<vmem>>)
          tpu.yield
        }) : () -> ()
        %dma_start3A_242 = arith.constant 0 : i32
        %dma_start3A_243 = arith.constant 0 : i32
        %dma_start3A_244 = arith.constant 0 : i32
        %dma_start3A_245 = arith.constant 0 : i32
        %dma_start3A_246 = tpu.memref_slice %arg7[%dma_start3A_243, %dma_start3A_244, %dma_start3A_245] : memref<2x160x128xf32, #tpu.memory_space<vmem>> -> memref<1x160x128xf32, #tpu.memory_space<vmem>>
        %dma_start3A_247 = tpu.memref_squeeze %dma_start3A_246 : memref<1x160x128xf32, #tpu.memory_space<vmem>> -> memref<160x128xf32, #tpu.memory_space<vmem>>
        %dma_start3A_248 = arith.constant 0 : i32
        %dma_start3A_249 = arith.constant 0 : i32
        %dma_start3A_250 = tpu.memref_slice %dma_start3A_247[%dma_start3A_248, %dma_start3A_249] : memref<160x128xf32, #tpu.memory_space<vmem>> -> memref<80x128xf32, #tpu.memory_space<vmem>>
        %dma_start3A_251 = arith.constant 0 : i32
        %dma_start3A_252 = tpu.memref_slice %arg5[%dma_start3A_242, %dma_start3A_251] : memref<2x128xi32, #tpu.memory_space<vmem>> -> memref<1x128xi32, #tpu.memory_space<vmem>>
        %dma_start3A_253 = tpu.memref_squeeze %dma_start3A_252 : memref<1x128xi32, #tpu.memory_space<vmem>> -> memref<128xi32, #tpu.memory_space<vmem>>
        %dma_start3A_254 = arith.constant 0 : i32
        %dma_start3A_255 = tpu.memref_slice %dma_start3A_253[%dma_start3A_254] : memref<128xi32, #tpu.memory_space<vmem>> -> memref<80xi32, #tpu.memory_space<vmem>>
        %dma_start3A_256 = arith.constant 0 : i32
        %dma_start3A_257 = arith.constant 0 : i32
        %dma_start3A_258 = tpu.memref_slice %arg2[%dma_start3A_256, %dma_start3A_257] : memref<16384x128xf32, #tpu.memory_space<hbm>> -> memref<16384x128xf32, #tpu.memory_space<hbm>>
        tpu.enqueue_indirect_dma source(%dma_start3A_258 : memref<16384x128xf32, #tpu.memory_space<hbm>>) target(%dma_start3A_250 : memref<80x128xf32, #tpu.memory_space<vmem>>) offsets(%dma_start3A_255 : memref<80xi32, #tpu.memory_space<vmem>>) semaphore(%arg8 : memref<!tpu.dma_semaphore, #tpu.memory_space<semaphore_mem>>)
        %dma_start3A_259 = arith.constant 0 : i32
        %dma_start3A_260 = arith.constant 0 : i32
        %dma_start3A_261 = arith.constant 0 : i32
        %dma_start3A_262 = arith.constant 0 : i32
        %dma_start3A_263 = tpu.memref_slice %arg7[%dma_start3A_260, %dma_start3A_261, %dma_start3A_262] : memref<2x160x128xf32, #tpu.memory_space<vmem>> -> memref<1x160x128xf32, #tpu.memory_space<vmem>>
        %dma_start3A_264 = tpu.memref_squeeze %dma_start3A_263 : memref<1x160x128xf32, #tpu.memory_space<vmem>> -> memref<160x128xf32, #tpu.memory_space<vmem>>
        %dma_start3A_265 = arith.constant 80 : i32
        %dma_start3A_266 = arith.constant 0 : i32
        %dma_start3A_267 = tpu.memref_slice %dma_start3A_264[%dma_start3A_265, %dma_start3A_266] : memref<160x128xf32, #tpu.memory_space<vmem>> -> memref<80x128xf32, #tpu.memory_space<vmem>>
        %dma_start3A_268 = arith.constant 0 : i32
        %dma_start3A_269 = tpu.memref_slice %arg6[%dma_start3A_259, %dma_start3A_268] : memref<2x128xi32, #tpu.memory_space<vmem>> -> memref<1x128xi32, #tpu.memory_space<vmem>>
        %dma_start3A_270 = tpu.memref_squeeze %dma_start3A_269 : memref<1x128xi32, #tpu.memory_space<vmem>> -> memref<128xi32, #tpu.memory_space<vmem>>
        %dma_start3A_271 = arith.constant 0 : i32
        %dma_start3A_272 = tpu.memref_slice %dma_start3A_270[%dma_start3A_271] : memref<128xi32, #tpu.memory_space<vmem>> -> memref<80xi32, #tpu.memory_space<vmem>>
        %dma_start3A_273 = arith.constant 0 : i32
        %dma_start3A_274 = arith.constant 0 : i32
        %dma_start3A_275 = tpu.memref_slice %arg2[%dma_start3A_273, %dma_start3A_274] : memref<16384x128xf32, #tpu.memory_space<hbm>> -> memref<16384x128xf32, #tpu.memory_space<hbm>>
        tpu.enqueue_indirect_dma source(%dma_start3A_275 : memref<16384x128xf32, #tpu.memory_space<hbm>>) target(%dma_start3A_267 : memref<80x128xf32, #tpu.memory_space<vmem>>) offsets(%dma_start3A_272 : memref<80xi32, #tpu.memory_space<vmem>>) semaphore(%arg8 : memref<!tpu.dma_semaphore, #tpu.memory_space<semaphore_mem>>)
      } else {
      }
      %add3A_164 = arith.constant 1 : i32
      %add3A_165 = arith.addi %mul3A_50, %add3A_164 : i32
      %mul3A_166 = arith.constant 8 : i32
      %mul3A_167 = arith.muli %add3A_165, %mul3A_166 : i32
      %add3A_168 = arith.addi %mul3A_2, %mul3A_167 : i32
      %mul3A_169 = arith.constant 20 : i32
      %mul3A_170 = arith.muli %add3A_168, %mul3A_169 : i32
      %dma_wait3A_171 = arith.constant 1 : i32
      %dma_wait3A_172 = arith.constant 1 : i32
      %dma_wait3A_173 = arith.constant 0 : i32
      %dma_wait3A_174 = arith.constant 0 : i32
      %dma_wait3A_175 = tpu.memref_slice %arg7[%dma_wait3A_172, %dma_wait3A_173, %dma_wait3A_174] : memref<2x160x128xf32, #tpu.memory_space<vmem>> -> memref<1x160x128xf32, #tpu.memory_space<vmem>>
      %dma_wait3A_176 = tpu.memref_squeeze %dma_wait3A_175 : memref<1x160x128xf32, #tpu.memory_space<vmem>> -> memref<160x128xf32, #tpu.memory_space<vmem>>
      %dma_wait3A_177 = arith.constant 0 : i32
      %dma_wait3A_178 = arith.constant 0 : i32
      %dma_wait3A_179 = tpu.memref_slice %dma_wait3A_176[%dma_wait3A_177, %dma_wait3A_178] : memref<160x128xf32, #tpu.memory_space<vmem>> -> memref<80x128xf32, #tpu.memory_space<vmem>>
      %dma_wait3A_180 = arith.constant 0 : i32
      %dma_wait3A_181 = tpu.memref_slice %arg5[%dma_wait3A_171, %dma_wait3A_180] : memref<2x128xi32, #tpu.memory_space<vmem>> -> memref<1x128xi32, #tpu.memory_space<vmem>>
      %dma_wait3A_182 = tpu.memref_squeeze %dma_wait3A_181 : memref<1x128xi32, #tpu.memory_space<vmem>> -> memref<128xi32, #tpu.memory_space<vmem>>
      %dma_wait3A_183 = arith.constant 0 : i32
      %dma_wait3A_184 = tpu.memref_slice %dma_wait3A_182[%dma_wait3A_183] : memref<128xi32, #tpu.memory_space<vmem>> -> memref<80xi32, #tpu.memory_space<vmem>>
      %dma_wait3A_185 = arith.constant 0 : i32
      %dma_wait3A_186 = arith.constant 0 : i32
      %dma_wait3A_187 = tpu.memref_slice %arg2[%dma_wait3A_185, %dma_wait3A_186] : memref<16384x128xf32, #tpu.memory_space<hbm>> -> memref<16384x128xf32, #tpu.memory_space<hbm>>
      tpu.wait_indirect_dma semaphore(%arg9 : memref<!tpu.dma_semaphore, #tpu.memory_space<semaphore_mem>>) src(%dma_wait3A_187 : memref<16384x128xf32, #tpu.memory_space<hbm>>) dst(%dma_wait3A_179 : memref<80x128xf32, #tpu.memory_space<vmem>>)
      %dma_wait3A_188 = arith.constant 1 : i32
      %dma_wait3A_189 = arith.constant 1 : i32
      %dma_wait3A_190 = arith.constant 0 : i32
      %dma_wait3A_191 = arith.constant 0 : i32
      %dma_wait3A_192 = tpu.memref_slice %arg7[%dma_wait3A_189, %dma_wait3A_190, %dma_wait3A_191] : memref<2x160x128xf32, #tpu.memory_space<vmem>> -> memref<1x160x128xf32, #tpu.memory_space<vmem>>
      %dma_wait3A_193 = tpu.memref_squeeze %dma_wait3A_192 : memref<1x160x128xf32, #tpu.memory_space<vmem>> -> memref<160x128xf32, #tpu.memory_space<vmem>>
      %dma_wait3A_194 = arith.constant 80 : i32
      %dma_wait3A_195 = arith.constant 0 : i32
      %dma_wait3A_196 = tpu.memref_slice %dma_wait3A_193[%dma_wait3A_194, %dma_wait3A_195] : memref<160x128xf32, #tpu.memory_space<vmem>> -> memref<80x128xf32, #tpu.memory_space<vmem>>
      %dma_wait3A_197 = arith.constant 0 : i32
      %dma_wait3A_198 = tpu.memref_slice %arg6[%dma_wait3A_188, %dma_wait3A_197] : memref<2x128xi32, #tpu.memory_space<vmem>> -> memref<1x128xi32, #tpu.memory_space<vmem>>
      %dma_wait3A_199 = tpu.memref_squeeze %dma_wait3A_198 : memref<1x128xi32, #tpu.memory_space<vmem>> -> memref<128xi32, #tpu.memory_space<vmem>>
      %dma_wait3A_200 = arith.constant 0 : i32
      %dma_wait3A_201 = tpu.memref_slice %dma_wait3A_199[%dma_wait3A_200] : memref<128xi32, #tpu.memory_space<vmem>> -> memref<80xi32, #tpu.memory_space<vmem>>
      %dma_wait3A_202 = arith.constant 0 : i32
      %dma_wait3A_203 = arith.constant 0 : i32
      %dma_wait3A_204 = tpu.memref_slice %arg2[%dma_wait3A_202, %dma_wait3A_203] : memref<16384x128xf32, #tpu.memory_space<hbm>> -> memref<16384x128xf32, #tpu.memory_space<hbm>>
      tpu.wait_indirect_dma semaphore(%arg9 : memref<!tpu.dma_semaphore, #tpu.memory_space<semaphore_mem>>) src(%dma_wait3A_204 : memref<16384x128xf32, #tpu.memory_space<hbm>>) dst(%dma_wait3A_196 : memref<80x128xf32, #tpu.memory_space<vmem>>)
      %dma_start3A_205 = arith.constant 1 : i32
      %dma_start3A_206 = arith.constant 0 : i32
      %dma_start3A_207 = arith.constant 0 : i32
      %dma_start3A_208 = tpu.memref_slice %arg7[%dma_start3A_205, %dma_start3A_206, %dma_start3A_207] : memref<2x160x128xf32, #tpu.memory_space<vmem>> -> memref<1x160x128xf32, #tpu.memory_space<vmem>>
      %dma_start3A_209 = tpu.memref_squeeze %dma_start3A_208 : memref<1x160x128xf32, #tpu.memory_space<vmem>> -> memref<160x128xf32, #tpu.memory_space<vmem>>
      %dma_start3A_210 = arith.constant 0 : i32
      %dma_start3A_211 = tpu.memref_slice %arg4[%mul3A_170, %dma_start3A_210] : memref<327680x128xf32, #tpu.memory_space<hbm>> -> memref<160x128xf32, #tpu.memory_space<hbm>>
      %dma_start3A_212 = arith.constant 0 : i32
      %dma_start3A_213 = tpu.memref_slice %arg4[%mul3A_170, %dma_start3A_212] : memref<327680x128xf32, #tpu.memory_space<hbm>> -> memref<160x128xf32, #tpu.memory_space<hbm>>
      %dma_start3A_214 = arith.constant 0 : i32
      %dma_start3A_215 = arith.constant 0 : i32
      %dma_start3A_216 = tpu.memref_slice %arg7[%dma_start3A_205, %dma_start3A_214, %dma_start3A_215] : memref<2x160x128xf32, #tpu.memory_space<vmem>> -> memref<1x160x128xf32, #tpu.memory_space<vmem>>
      %dma_start3A_217 = tpu.memref_squeeze %dma_start3A_216 : memref<1x160x128xf32, #tpu.memory_space<vmem>> -> memref<160x128xf32, #tpu.memory_space<vmem>>
      tpu.enqueue_dma source(%dma_start3A_217 : memref<160x128xf32, #tpu.memory_space<vmem>>) target(%dma_start3A_213 : memref<160x128xf32, #tpu.memory_space<hbm>>) target_semaphore(%arg10 : memref<!tpu.dma_semaphore, #tpu.memory_space<semaphore_mem>>)
      %dma_wait3A_218 = arith.constant 1 : i32
      %dma_wait3A_219 = arith.constant 0 : i32
      %dma_wait3A_220 = arith.constant 0 : i32
      %dma_wait3A_221 = tpu.memref_slice %arg7[%dma_wait3A_218, %dma_wait3A_219, %dma_wait3A_220] : memref<2x160x128xf32, #tpu.memory_space<vmem>> -> memref<1x160x128xf32, #tpu.memory_space<vmem>>
      %dma_wait3A_222 = tpu.memref_squeeze %dma_wait3A_221 : memref<1x160x128xf32, #tpu.memory_space<vmem>> -> memref<160x128xf32, #tpu.memory_space<vmem>>
      %dma_wait3A_223 = arith.constant 0 : i32
      %dma_wait3A_224 = tpu.memref_slice %arg4[%mul3A_170, %dma_wait3A_223] : memref<327680x128xf32, #tpu.memory_space<hbm>> -> memref<160x128xf32, #tpu.memory_space<hbm>>
      %dma_wait3A_225 = arith.constant 0 : i32
      %dma_wait3A_226 = tpu.memref_slice %arg4[%mul3A_170, %dma_wait3A_225] : memref<327680x128xf32, #tpu.memory_space<hbm>> -> memref<160x128xf32, #tpu.memory_space<hbm>>
      %dma_wait3A_227 = arith.constant 0 : i32
      %dma_wait3A_228 = arith.constant 0 : i32
      %dma_wait3A_229 = tpu.memref_slice %arg7[%dma_wait3A_218, %dma_wait3A_227, %dma_wait3A_228] : memref<2x160x128xf32, #tpu.memory_space<vmem>> -> memref<1x160x128xf32, #tpu.memory_space<vmem>>
      %dma_wait3A_230 = tpu.memref_squeeze %dma_wait3A_229 : memref<1x160x128xf32, #tpu.memory_space<vmem>> -> memref<160x128xf32, #tpu.memory_space<vmem>>
      tpu.wait_dma2 semaphore(%arg10 : memref<!tpu.dma_semaphore, #tpu.memory_space<semaphore_mem>>) src(%dma_wait3A_230 : memref<160x128xf32, #tpu.memory_space<vmem>>) dst(%dma_wait3A_226 : memref<160x128xf32, #tpu.memory_space<hbm>>)
    }
    %scan3A_47 = arith.constant 32 : i32
    return
  }
}

module attributes {stable_mosaic.version = 14 : i64} {
  func.func @_knn_body(%arg0: i32, %arg1: i32, %arg2: memref<1x256x128xf32, #tpu.memory_space<vmem>>, %arg3: memref<1x2048x128xf32, #tpu.memory_space<vmem>>, %arg4: memref<1x1x256x20xi32, #tpu.memory_space<vmem>>) attributes {dimension_semantics = [#tpu.dimension_semantics<arbitrary>, #tpu.dimension_semantics<arbitrary>], iteration_bounds = array<i64: 8, 8>, scalar_prefetch = 0 : i64, scratch_operands = 0 : i64, tpu.core_type = #tpu.core_type<tc>, window_params = [{transform_indices = @transform_0, window_bounds = array<i64: 1, 256, 128>}, {transform_indices = @transform_1, window_bounds = array<i64: 1, 2048, 128>}, {transform_indices = @transform_2, window_bounds = array<i64: 1, 1, 256, 20>}]} {
    %get3A = arith.constant 0 : index
    %get3A_0 = arith.constant 0 : index
    %get3A_1 = arith.constant 0 : index
    %get3A_2 = vector.load %arg2[%get3A, %get3A_0, %get3A_1] : memref<1x256x128xf32, #tpu.memory_space<vmem>>, vector<1x256x128xf32>
    %get3A_3 = vector.shape_cast %get3A_2 : vector<1x256x128xf32> to vector<256x128xf32>
    %get3A_4 = arith.constant 0 : index
    %get3A_5 = arith.constant 0 : index
    %get3A_6 = arith.constant 0 : index
    %get3A_7 = vector.load %arg3[%get3A_4, %get3A_5, %get3A_6] : memref<1x2048x128xf32, #tpu.memory_space<vmem>>, vector<1x2048x128xf32>
    %get3A_8 = vector.shape_cast %get3A_7 : vector<1x2048x128xf32> to vector<2048x128xf32>
    %dot_general3A = arith.constant dense<0.000000e+00> : vector<256x2048xf32>
    %dot_general3A_9 = tpu.matmul %get3A_3, %get3A_8, %dot_general3A {dimension_numbers = #tpu.dot_dimension_numbers<[1], [1], [0], [0], [0, 0, 1, 0], [], []>, transpose_lhs_hint = false} : vector<256x128xf32>, vector<2048x128xf32>, vector<256x2048xf32> -> vector<256x2048xf32>
    %mul3A = arith.mulf %get3A_8, %get3A_8 : vector<2048x128xf32>
    %broadcast_in_dim3A = arith.constant 1.000000e+00 : f32
    %broadcast_in_dim3A_10 = vector.broadcast %broadcast_in_dim3A : f32 to vector<8x128xf32>
    %dot_general3A_11 = arith.constant dense<0.000000e+00> : vector<8x2048xf32>
    %dot_general3A_12 = tpu.matmul %broadcast_in_dim3A_10, %mul3A, %dot_general3A_11 {dimension_numbers = #tpu.dot_dimension_numbers<[1], [1], [0], [0], [0, 0, 1, 0], [], []>, precision = #tpu.contract_precision<fp32>, transpose_lhs_hint = false} : vector<8x128xf32>, vector<2048x128xf32>, vector<8x2048xf32> -> vector<8x2048xf32>
    %slice3A = vector.extract_strided_slice %dot_general3A_12 {offsets = [0, 0], sizes = [1, 2048], strides = [1, 1]} : vector<8x2048xf32> to vector<1x2048xf32>
    %mul3A_13 = arith.mulf %get3A_3, %get3A_3 : vector<256x128xf32>
    %reduce_sum3A = arith.constant dense<0.000000e+00> : vector<256xf32>
    %reduce_sum3A_14 = vector.multi_reduction <add>, %mul3A_13, %reduce_sum3A [1] : vector<256x128xf32> to vector<256xf32>
    %broadcast_in_dim3A_15 = vector.shape_cast %reduce_sum3A_14 : vector<256xf32> to vector<256x1xf32>
    %mul3A_16 = arith.constant 2.000000e+00 : f32
    %mul3A_17 = vector.broadcast %mul3A_16 : f32 to vector<256x2048xf32>
    %mul3A_18 = arith.mulf %mul3A_17, %dot_general3A_9 : vector<256x2048xf32>
    %sub3A = vector.broadcast %slice3A : vector<1x2048xf32> to vector<256x2048xf32>
    %sub3A_19 = arith.subf %mul3A_18, %sub3A : vector<256x2048xf32>
    %sub3A_20 = vector.broadcast %broadcast_in_dim3A_15 : vector<256x1xf32> to vector<256x2048xf32>
    %sub3A_21 = arith.subf %sub3A_19, %sub3A_20 : vector<256x2048xf32>
    %iota3A = tpu.iota {dimensions = array<i32: 1>} : vector<256x2048xi32>
    %mul3A_22 = arith.constant 2048 : i32
    %mul3A_23 = arith.muli %arg0, %mul3A_22 : i32
    %reduce_max3A = arith.constant dense<0xFF800000> : vector<256xf32>
    %reduce_max3A_24 = vector.multi_reduction <maximumf>, %sub3A_21, %reduce_max3A [1] : vector<256x2048xf32> to vector<256xf32>
    %broadcast_in_dim3A_25 = vector.shape_cast %reduce_max3A_24 : vector<256xf32> to vector<256x1xf32>
    %ge3A = vector.broadcast %broadcast_in_dim3A_25 : vector<256x1xf32> to vector<256x2048xf32>
    %ge3A_26 = arith.cmpf oge, %sub3A_21, %ge3A : vector<256x2048xf32>
    %jit3A = arith.constant 2048 : i32
    %broadcast_in_dim3A_27 = vector.broadcast %jit3A : i32 to vector<256x2048xi32>
    %select_n3A = arith.select %ge3A_26, %iota3A, %broadcast_in_dim3A_27 : vector<256x2048xi1>, vector<256x2048xi32>
    %reduce_min3A = arith.constant dense<2147483647> : vector<256xi32>
    %reduce_min3A_28 = vector.multi_reduction <minsi>, %select_n3A, %reduce_min3A [1] : vector<256x2048xi32> to vector<256xi32>
    %broadcast_in_dim3A_29 = vector.shape_cast %reduce_min3A_28 : vector<256xi32> to vector<256x1xi32>
    %add3A = vector.broadcast %mul3A_23 : i32 to vector<256x1xi32>
    %add3A_30 = arith.addi %broadcast_in_dim3A_29, %add3A : vector<256x1xi32>
    %swap3A = arith.constant 0 : index
    %swap3A_31 = arith.constant 0 : index
    %swap3A_32 = arith.constant 0 : index
    %swap3A_33 = arith.constant 0 : index
    %swap3A_34 = vector.load %arg4[%swap3A, %swap3A_31, %swap3A_32, %swap3A_33] : memref<1x1x256x20xi32, #tpu.memory_space<vmem>>, vector<1x1x256x1xi32>
    %swap3A_35 = vector.shape_cast %swap3A_34 : vector<1x1x256x1xi32> to vector<256x1xi32>
    %swap3A_36 = vector.shape_cast %add3A_30 : vector<256x1xi32> to vector<1x1x256x1xi32>
    tpu.vector_store %arg4[%swap3A, %swap3A_31, %swap3A_32, %swap3A_33], %swap3A_36 {strides = array<i32>} : memref<1x1x256x20xi32, #tpu.memory_space<vmem>>, vector<1x1x256x1xi32>,
    %eq3A = vector.broadcast %broadcast_in_dim3A_29 : vector<256x1xi32> to vector<256x2048xi32>
    %eq3A_37 = arith.cmpi eq, %iota3A, %eq3A : vector<256x2048xi32>
    %jit3A_38 = arith.constant 0xFF800000 : f32
    %broadcast_in_dim3A_39 = vector.broadcast %jit3A_38 : f32 to vector<256x2048xf32>
    %select_n3A_40 = arith.select %eq3A_37, %broadcast_in_dim3A_39, %sub3A_21 : vector<256x2048xi1>, vector<256x2048xf32>
    %reduce_max3A_41 = arith.constant dense<0xFF800000> : vector<256xf32>
    %reduce_max3A_42 = vector.multi_reduction <maximumf>, %select_n3A_40, %reduce_max3A_41 [1] : vector<256x2048xf32> to vector<256xf32>
    %broadcast_in_dim3A_43 = vector.shape_cast %reduce_max3A_42 : vector<256xf32> to vector<256x1xf32>
    %ge3A_44 = vector.broadcast %broadcast_in_dim3A_43 : vector<256x1xf32> to vector<256x2048xf32>
    %ge3A_45 = arith.cmpf oge, %select_n3A_40, %ge3A_44 : vector<256x2048xf32>
    %jit3A_46 = arith.constant 2048 : i32
    %broadcast_in_dim3A_47 = vector.broadcast %jit3A_46 : i32 to vector<256x2048xi32>
    %select_n3A_48 = arith.select %ge3A_45, %iota3A, %broadcast_in_dim3A_47 : vector<256x2048xi1>, vector<256x2048xi32>
    %reduce_min3A_49 = arith.constant dense<2147483647> : vector<256xi32>
    %reduce_min3A_50 = vector.multi_reduction <minsi>, %select_n3A_48, %reduce_min3A_49 [1] : vector<256x2048xi32> to vector<256xi32>
    %broadcast_in_dim3A_51 = vector.shape_cast %reduce_min3A_50 : vector<256xi32> to vector<256x1xi32>
    %add3A_52 = vector.broadcast %mul3A_23 : i32 to vector<256x1xi32>
    %add3A_53 = arith.addi %broadcast_in_dim3A_51, %add3A_52 : vector<256x1xi32>
    %swap3A_54 = arith.constant 0 : index
    %swap3A_55 = arith.constant 0 : index
    %swap3A_56 = arith.constant 0 : index
    %swap3A_57 = arith.constant 1 : index
    %swap3A_58 = vector.load %arg4[%swap3A_54, %swap3A_55, %swap3A_56, %swap3A_57] : memref<1x1x256x20xi32, #tpu.memory_space<vmem>>, vector<1x1x256x1xi32>
    %swap3A_59 = vector.shape_cast %swap3A_58 : vector<1x1x256x1xi32> to vector<256x1xi32>
    %swap3A_60 = vector.shape_cast %add3A_53 : vector<256x1xi32> to vector<1x1x256x1xi32>
    tpu.vector_store %arg4[%swap3A_54, %swap3A_55, %swap3A_56, %swap3A_57], %swap3A_60 {strides = array<i32>} : memref<1x1x256x20xi32, #tpu.memory_space<vmem>>, vector<1x1x256x1xi32>,
    %eq3A_61 = vector.broadcast %broadcast_in_dim3A_51 : vector<256x1xi32> to vector<256x2048xi32>
    %eq3A_62 = arith.cmpi eq, %iota3A, %eq3A_61 : vector<256x2048xi32>
    %jit3A_63 = arith.constant 0xFF800000 : f32
    %broadcast_in_dim3A_64 = vector.broadcast %jit3A_63 : f32 to vector<256x2048xf32>
    %select_n3A_65 = arith.select %eq3A_62, %broadcast_in_dim3A_64, %select_n3A_40 : vector<256x2048xi1>, vector<256x2048xf32>
    %reduce_max3A_66 = arith.constant dense<0xFF800000> : vector<256xf32>
    %reduce_max3A_67 = vector.multi_reduction <maximumf>, %select_n3A_65, %reduce_max3A_66 [1] : vector<256x2048xf32> to vector<256xf32>
    %broadcast_in_dim3A_68 = vector.shape_cast %reduce_max3A_67 : vector<256xf32> to vector<256x1xf32>
    %ge3A_69 = vector.broadcast %broadcast_in_dim3A_68 : vector<256x1xf32> to vector<256x2048xf32>
    %ge3A_70 = arith.cmpf oge, %select_n3A_65, %ge3A_69 : vector<256x2048xf32>
    %jit3A_71 = arith.constant 2048 : i32
    %broadcast_in_dim3A_72 = vector.broadcast %jit3A_71 : i32 to vector<256x2048xi32>
    %select_n3A_73 = arith.select %ge3A_70, %iota3A, %broadcast_in_dim3A_72 : vector<256x2048xi1>, vector<256x2048xi32>
    %reduce_min3A_74 = arith.constant dense<2147483647> : vector<256xi32>
    %reduce_min3A_75 = vector.multi_reduction <minsi>, %select_n3A_73, %reduce_min3A_74 [1] : vector<256x2048xi32> to vector<256xi32>
    %broadcast_in_dim3A_76 = vector.shape_cast %reduce_min3A_75 : vector<256xi32> to vector<256x1xi32>
    %add3A_77 = vector.broadcast %mul3A_23 : i32 to vector<256x1xi32>
    %add3A_78 = arith.addi %broadcast_in_dim3A_76, %add3A_77 : vector<256x1xi32>
    %swap3A_79 = arith.constant 0 : index
    %swap3A_80 = arith.constant 0 : index
    %swap3A_81 = arith.constant 0 : index
    %swap3A_82 = arith.constant 2 : index
    %swap3A_83 = vector.load %arg4[%swap3A_79, %swap3A_80, %swap3A_81, %swap3A_82] : memref<1x1x256x20xi32, #tpu.memory_space<vmem>>, vector<1x1x256x1xi32>
    %swap3A_84 = vector.shape_cast %swap3A_83 : vector<1x1x256x1xi32> to vector<256x1xi32>
    %swap3A_85 = vector.shape_cast %add3A_78 : vector<256x1xi32> to vector<1x1x256x1xi32>
    tpu.vector_store %arg4[%swap3A_79, %swap3A_80, %swap3A_81, %swap3A_82], %swap3A_85 {strides = array<i32>} : memref<1x1x256x20xi32, #tpu.memory_space<vmem>>, vector<1x1x256x1xi32>,
    %eq3A_86 = vector.broadcast %broadcast_in_dim3A_76 : vector<256x1xi32> to vector<256x2048xi32>
    %eq3A_87 = arith.cmpi eq, %iota3A, %eq3A_86 : vector<256x2048xi32>
    %jit3A_88 = arith.constant 0xFF800000 : f32
    %broadcast_in_dim3A_89 = vector.broadcast %jit3A_88 : f32 to vector<256x2048xf32>
    %select_n3A_90 = arith.select %eq3A_87, %broadcast_in_dim3A_89, %select_n3A_65 : vector<256x2048xi1>, vector<256x2048xf32>
    %reduce_max3A_91 = arith.constant dense<0xFF800000> : vector<256xf32>
    %reduce_max3A_92 = vector.multi_reduction <maximumf>, %select_n3A_90, %reduce_max3A_91 [1] : vector<256x2048xf32> to vector<256xf32>
    %broadcast_in_dim3A_93 = vector.shape_cast %reduce_max3A_92 : vector<256xf32> to vector<256x1xf32>
    %ge3A_94 = vector.broadcast %broadcast_in_dim3A_93 : vector<256x1xf32> to vector<256x2048xf32>
    %ge3A_95 = arith.cmpf oge, %select_n3A_90, %ge3A_94 : vector<256x2048xf32>
    %jit3A_96 = arith.constant 2048 : i32
    %broadcast_in_dim3A_97 = vector.broadcast %jit3A_96 : i32 to vector<256x2048xi32>
    %select_n3A_98 = arith.select %ge3A_95, %iota3A, %broadcast_in_dim3A_97 : vector<256x2048xi1>, vector<256x2048xi32>
    %reduce_min3A_99 = arith.constant dense<2147483647> : vector<256xi32>
    %reduce_min3A_100 = vector.multi_reduction <minsi>, %select_n3A_98, %reduce_min3A_99 [1] : vector<256x2048xi32> to vector<256xi32>
    %broadcast_in_dim3A_101 = vector.shape_cast %reduce_min3A_100 : vector<256xi32> to vector<256x1xi32>
    %add3A_102 = vector.broadcast %mul3A_23 : i32 to vector<256x1xi32>
    %add3A_103 = arith.addi %broadcast_in_dim3A_101, %add3A_102 : vector<256x1xi32>
    %swap3A_104 = arith.constant 0 : index
    %swap3A_105 = arith.constant 0 : index
    %swap3A_106 = arith.constant 0 : index
    %swap3A_107 = arith.constant 3 : index
    %swap3A_108 = vector.load %arg4[%swap3A_104, %swap3A_105, %swap3A_106, %swap3A_107] : memref<1x1x256x20xi32, #tpu.memory_space<vmem>>, vector<1x1x256x1xi32>
    %swap3A_109 = vector.shape_cast %swap3A_108 : vector<1x1x256x1xi32> to vector<256x1xi32>
    %swap3A_110 = vector.shape_cast %add3A_103 : vector<256x1xi32> to vector<1x1x256x1xi32>
    tpu.vector_store %arg4[%swap3A_104, %swap3A_105, %swap3A_106, %swap3A_107], %swap3A_110 {strides = array<i32>} : memref<1x1x256x20xi32, #tpu.memory_space<vmem>>, vector<1x1x256x1xi32>,
    %eq3A_111 = vector.broadcast %broadcast_in_dim3A_101 : vector<256x1xi32> to vector<256x2048xi32>
    %eq3A_112 = arith.cmpi eq, %iota3A, %eq3A_111 : vector<256x2048xi32>
    %jit3A_113 = arith.constant 0xFF800000 : f32
    %broadcast_in_dim3A_114 = vector.broadcast %jit3A_113 : f32 to vector<256x2048xf32>
    %select_n3A_115 = arith.select %eq3A_112, %broadcast_in_dim3A_114, %select_n3A_90 : vector<256x2048xi1>, vector<256x2048xf32>
    %reduce_max3A_116 = arith.constant dense<0xFF800000> : vector<256xf32>
    %reduce_max3A_117 = vector.multi_reduction <maximumf>, %select_n3A_115, %reduce_max3A_116 [1] : vector<256x2048xf32> to vector<256xf32>
    %broadcast_in_dim3A_118 = vector.shape_cast %reduce_max3A_117 : vector<256xf32> to vector<256x1xf32>
    %ge3A_119 = vector.broadcast %broadcast_in_dim3A_118 : vector<256x1xf32> to vector<256x2048xf32>
    %ge3A_120 = arith.cmpf oge, %select_n3A_115, %ge3A_119 : vector<256x2048xf32>
    %jit3A_121 = arith.constant 2048 : i32
    %broadcast_in_dim3A_122 = vector.broadcast %jit3A_121 : i32 to vector<256x2048xi32>
    %select_n3A_123 = arith.select %ge3A_120, %iota3A, %broadcast_in_dim3A_122 : vector<256x2048xi1>, vector<256x2048xi32>
    %reduce_min3A_124 = arith.constant dense<2147483647> : vector<256xi32>
    %reduce_min3A_125 = vector.multi_reduction <minsi>, %select_n3A_123, %reduce_min3A_124 [1] : vector<256x2048xi32> to vector<256xi32>
    %broadcast_in_dim3A_126 = vector.shape_cast %reduce_min3A_125 : vector<256xi32> to vector<256x1xi32>
    %add3A_127 = vector.broadcast %mul3A_23 : i32 to vector<256x1xi32>
    %add3A_128 = arith.addi %broadcast_in_dim3A_126, %add3A_127 : vector<256x1xi32>
    %swap3A_129 = arith.constant 0 : index
    %swap3A_130 = arith.constant 0 : index
    %swap3A_131 = arith.constant 0 : index
    %swap3A_132 = arith.constant 4 : index
    %swap3A_133 = vector.load %arg4[%swap3A_129, %swap3A_130, %swap3A_131, %swap3A_132] : memref<1x1x256x20xi32, #tpu.memory_space<vmem>>, vector<1x1x256x1xi32>
    %swap3A_134 = vector.shape_cast %swap3A_133 : vector<1x1x256x1xi32> to vector<256x1xi32>
    %swap3A_135 = vector.shape_cast %add3A_128 : vector<256x1xi32> to vector<1x1x256x1xi32>
    tpu.vector_store %arg4[%swap3A_129, %swap3A_130, %swap3A_131, %swap3A_132], %swap3A_135 {strides = array<i32>} : memref<1x1x256x20xi32, #tpu.memory_space<vmem>>, vector<1x1x256x1xi32>,
    %eq3A_136 = vector.broadcast %broadcast_in_dim3A_126 : vector<256x1xi32> to vector<256x2048xi32>
    %eq3A_137 = arith.cmpi eq, %iota3A, %eq3A_136 : vector<256x2048xi32>
    %jit3A_138 = arith.constant 0xFF800000 : f32
    %broadcast_in_dim3A_139 = vector.broadcast %jit3A_138 : f32 to vector<256x2048xf32>
    %select_n3A_140 = arith.select %eq3A_137, %broadcast_in_dim3A_139, %select_n3A_115 : vector<256x2048xi1>, vector<256x2048xf32>
    %reduce_max3A_141 = arith.constant dense<0xFF800000> : vector<256xf32>
    %reduce_max3A_142 = vector.multi_reduction <maximumf>, %select_n3A_140, %reduce_max3A_141 [1] : vector<256x2048xf32> to vector<256xf32>
    %broadcast_in_dim3A_143 = vector.shape_cast %reduce_max3A_142 : vector<256xf32> to vector<256x1xf32>
    %ge3A_144 = vector.broadcast %broadcast_in_dim3A_143 : vector<256x1xf32> to vector<256x2048xf32>
    %ge3A_145 = arith.cmpf oge, %select_n3A_140, %ge3A_144 : vector<256x2048xf32>
    %jit3A_146 = arith.constant 2048 : i32
    %broadcast_in_dim3A_147 = vector.broadcast %jit3A_146 : i32 to vector<256x2048xi32>
    %select_n3A_148 = arith.select %ge3A_145, %iota3A, %broadcast_in_dim3A_147 : vector<256x2048xi1>, vector<256x2048xi32>
    %reduce_min3A_149 = arith.constant dense<2147483647> : vector<256xi32>
    %reduce_min3A_150 = vector.multi_reduction <minsi>, %select_n3A_148, %reduce_min3A_149 [1] : vector<256x2048xi32> to vector<256xi32>
    %broadcast_in_dim3A_151 = vector.shape_cast %reduce_min3A_150 : vector<256xi32> to vector<256x1xi32>
    %add3A_152 = vector.broadcast %mul3A_23 : i32 to vector<256x1xi32>
    %add3A_153 = arith.addi %broadcast_in_dim3A_151, %add3A_152 : vector<256x1xi32>
    %swap3A_154 = arith.constant 0 : index
    %swap3A_155 = arith.constant 0 : index
    %swap3A_156 = arith.constant 0 : index
    %swap3A_157 = arith.constant 5 : index
    %swap3A_158 = vector.load %arg4[%swap3A_154, %swap3A_155, %swap3A_156, %swap3A_157] : memref<1x1x256x20xi32, #tpu.memory_space<vmem>>, vector<1x1x256x1xi32>
    %swap3A_159 = vector.shape_cast %swap3A_158 : vector<1x1x256x1xi32> to vector<256x1xi32>
    %swap3A_160 = vector.shape_cast %add3A_153 : vector<256x1xi32> to vector<1x1x256x1xi32>
    tpu.vector_store %arg4[%swap3A_154, %swap3A_155, %swap3A_156, %swap3A_157], %swap3A_160 {strides = array<i32>} : memref<1x1x256x20xi32, #tpu.memory_space<vmem>>, vector<1x1x256x1xi32>,
    %eq3A_161 = vector.broadcast %broadcast_in_dim3A_151 : vector<256x1xi32> to vector<256x2048xi32>
    %eq3A_162 = arith.cmpi eq, %iota3A, %eq3A_161 : vector<256x2048xi32>
    %jit3A_163 = arith.constant 0xFF800000 : f32
    %broadcast_in_dim3A_164 = vector.broadcast %jit3A_163 : f32 to vector<256x2048xf32>
    %select_n3A_165 = arith.select %eq3A_162, %broadcast_in_dim3A_164, %select_n3A_140 : vector<256x2048xi1>, vector<256x2048xf32>
    %reduce_max3A_166 = arith.constant dense<0xFF800000> : vector<256xf32>
    %reduce_max3A_167 = vector.multi_reduction <maximumf>, %select_n3A_165, %reduce_max3A_166 [1] : vector<256x2048xf32> to vector<256xf32>
    %broadcast_in_dim3A_168 = vector.shape_cast %reduce_max3A_167 : vector<256xf32> to vector<256x1xf32>
    %ge3A_169 = vector.broadcast %broadcast_in_dim3A_168 : vector<256x1xf32> to vector<256x2048xf32>
    %ge3A_170 = arith.cmpf oge, %select_n3A_165, %ge3A_169 : vector<256x2048xf32>
    %jit3A_171 = arith.constant 2048 : i32
    %broadcast_in_dim3A_172 = vector.broadcast %jit3A_171 : i32 to vector<256x2048xi32>
    %select_n3A_173 = arith.select %ge3A_170, %iota3A, %broadcast_in_dim3A_172 : vector<256x2048xi1>, vector<256x2048xi32>
    %reduce_min3A_174 = arith.constant dense<2147483647> : vector<256xi32>
    %reduce_min3A_175 = vector.multi_reduction <minsi>, %select_n3A_173, %reduce_min3A_174 [1] : vector<256x2048xi32> to vector<256xi32>
    %broadcast_in_dim3A_176 = vector.shape_cast %reduce_min3A_175 : vector<256xi32> to vector<256x1xi32>
    %add3A_177 = vector.broadcast %mul3A_23 : i32 to vector<256x1xi32>
    %add3A_178 = arith.addi %broadcast_in_dim3A_176, %add3A_177 : vector<256x1xi32>
    %swap3A_179 = arith.constant 0 : index
    %swap3A_180 = arith.constant 0 : index
    %swap3A_181 = arith.constant 0 : index
    %swap3A_182 = arith.constant 6 : index
    %swap3A_183 = vector.load %arg4[%swap3A_179, %swap3A_180, %swap3A_181, %swap3A_182] : memref<1x1x256x20xi32, #tpu.memory_space<vmem>>, vector<1x1x256x1xi32>
    %swap3A_184 = vector.shape_cast %swap3A_183 : vector<1x1x256x1xi32> to vector<256x1xi32>
    %swap3A_185 = vector.shape_cast %add3A_178 : vector<256x1xi32> to vector<1x1x256x1xi32>
    tpu.vector_store %arg4[%swap3A_179, %swap3A_180, %swap3A_181, %swap3A_182], %swap3A_185 {strides = array<i32>} : memref<1x1x256x20xi32, #tpu.memory_space<vmem>>, vector<1x1x256x1xi32>,
    %eq3A_186 = vector.broadcast %broadcast_in_dim3A_176 : vector<256x1xi32> to vector<256x2048xi32>
    %eq3A_187 = arith.cmpi eq, %iota3A, %eq3A_186 : vector<256x2048xi32>
    %jit3A_188 = arith.constant 0xFF800000 : f32
    %broadcast_in_dim3A_189 = vector.broadcast %jit3A_188 : f32 to vector<256x2048xf32>
    %select_n3A_190 = arith.select %eq3A_187, %broadcast_in_dim3A_189, %select_n3A_165 : vector<256x2048xi1>, vector<256x2048xf32>
    %reduce_max3A_191 = arith.constant dense<0xFF800000> : vector<256xf32>
    %reduce_max3A_192 = vector.multi_reduction <maximumf>, %select_n3A_190, %reduce_max3A_191 [1] : vector<256x2048xf32> to vector<256xf32>
    %broadcast_in_dim3A_193 = vector.shape_cast %reduce_max3A_192 : vector<256xf32> to vector<256x1xf32>
    %ge3A_194 = vector.broadcast %broadcast_in_dim3A_193 : vector<256x1xf32> to vector<256x2048xf32>
    %ge3A_195 = arith.cmpf oge, %select_n3A_190, %ge3A_194 : vector<256x2048xf32>
    %jit3A_196 = arith.constant 2048 : i32
    %broadcast_in_dim3A_197 = vector.broadcast %jit3A_196 : i32 to vector<256x2048xi32>
    %select_n3A_198 = arith.select %ge3A_195, %iota3A, %broadcast_in_dim3A_197 : vector<256x2048xi1>, vector<256x2048xi32>
    %reduce_min3A_199 = arith.constant dense<2147483647> : vector<256xi32>
    %reduce_min3A_200 = vector.multi_reduction <minsi>, %select_n3A_198, %reduce_min3A_199 [1] : vector<256x2048xi32> to vector<256xi32>
    %broadcast_in_dim3A_201 = vector.shape_cast %reduce_min3A_200 : vector<256xi32> to vector<256x1xi32>
    %add3A_202 = vector.broadcast %mul3A_23 : i32 to vector<256x1xi32>
    %add3A_203 = arith.addi %broadcast_in_dim3A_201, %add3A_202 : vector<256x1xi32>
    %swap3A_204 = arith.constant 0 : index
    %swap3A_205 = arith.constant 0 : index
    %swap3A_206 = arith.constant 0 : index
    %swap3A_207 = arith.constant 7 : index
    %swap3A_208 = vector.load %arg4[%swap3A_204, %swap3A_205, %swap3A_206, %swap3A_207] : memref<1x1x256x20xi32, #tpu.memory_space<vmem>>, vector<1x1x256x1xi32>
    %swap3A_209 = vector.shape_cast %swap3A_208 : vector<1x1x256x1xi32> to vector<256x1xi32>
    %swap3A_210 = vector.shape_cast %add3A_203 : vector<256x1xi32> to vector<1x1x256x1xi32>
    tpu.vector_store %arg4[%swap3A_204, %swap3A_205, %swap3A_206, %swap3A_207], %swap3A_210 {strides = array<i32>} : memref<1x1x256x20xi32, #tpu.memory_space<vmem>>, vector<1x1x256x1xi32>,
    %eq3A_211 = vector.broadcast %broadcast_in_dim3A_201 : vector<256x1xi32> to vector<256x2048xi32>
    %eq3A_212 = arith.cmpi eq, %iota3A, %eq3A_211 : vector<256x2048xi32>
    %jit3A_213 = arith.constant 0xFF800000 : f32
    %broadcast_in_dim3A_214 = vector.broadcast %jit3A_213 : f32 to vector<256x2048xf32>
    %select_n3A_215 = arith.select %eq3A_212, %broadcast_in_dim3A_214, %select_n3A_190 : vector<256x2048xi1>, vector<256x2048xf32>
    %reduce_max3A_216 = arith.constant dense<0xFF800000> : vector<256xf32>
    %reduce_max3A_217 = vector.multi_reduction <maximumf>, %select_n3A_215, %reduce_max3A_216 [1] : vector<256x2048xf32> to vector<256xf32>
    %broadcast_in_dim3A_218 = vector.shape_cast %reduce_max3A_217 : vector<256xf32> to vector<256x1xf32>
    %ge3A_219 = vector.broadcast %broadcast_in_dim3A_218 : vector<256x1xf32> to vector<256x2048xf32>
    %ge3A_220 = arith.cmpf oge, %select_n3A_215, %ge3A_219 : vector<256x2048xf32>
    %jit3A_221 = arith.constant 2048 : i32
    %broadcast_in_dim3A_222 = vector.broadcast %jit3A_221 : i32 to vector<256x2048xi32>
    %select_n3A_223 = arith.select %ge3A_220, %iota3A, %broadcast_in_dim3A_222 : vector<256x2048xi1>, vector<256x2048xi32>
    %reduce_min3A_224 = arith.constant dense<2147483647> : vector<256xi32>
    %reduce_min3A_225 = vector.multi_reduction <minsi>, %select_n3A_223, %reduce_min3A_224 [1] : vector<256x2048xi32> to vector<256xi32>
    %broadcast_in_dim3A_226 = vector.shape_cast %reduce_min3A_225 : vector<256xi32> to vector<256x1xi32>
    %add3A_227 = vector.broadcast %mul3A_23 : i32 to vector<256x1xi32>
    %add3A_228 = arith.addi %broadcast_in_dim3A_226, %add3A_227 : vector<256x1xi32>
    %swap3A_229 = arith.constant 0 : index
    %swap3A_230 = arith.constant 0 : index
    %swap3A_231 = arith.constant 0 : index
    %swap3A_232 = arith.constant 8 : index
    %swap3A_233 = vector.load %arg4[%swap3A_229, %swap3A_230, %swap3A_231, %swap3A_232] : memref<1x1x256x20xi32, #tpu.memory_space<vmem>>, vector<1x1x256x1xi32>
    %swap3A_234 = vector.shape_cast %swap3A_233 : vector<1x1x256x1xi32> to vector<256x1xi32>
    %swap3A_235 = vector.shape_cast %add3A_228 : vector<256x1xi32> to vector<1x1x256x1xi32>
    tpu.vector_store %arg4[%swap3A_229, %swap3A_230, %swap3A_231, %swap3A_232], %swap3A_235 {strides = array<i32>} : memref<1x1x256x20xi32, #tpu.memory_space<vmem>>, vector<1x1x256x1xi32>,
    %eq3A_236 = vector.broadcast %broadcast_in_dim3A_226 : vector<256x1xi32> to vector<256x2048xi32>
    %eq3A_237 = arith.cmpi eq, %iota3A, %eq3A_236 : vector<256x2048xi32>
    %jit3A_238 = arith.constant 0xFF800000 : f32
    %broadcast_in_dim3A_239 = vector.broadcast %jit3A_238 : f32 to vector<256x2048xf32>
    %select_n3A_240 = arith.select %eq3A_237, %broadcast_in_dim3A_239, %select_n3A_215 : vector<256x2048xi1>, vector<256x2048xf32>
    %reduce_max3A_241 = arith.constant dense<0xFF800000> : vector<256xf32>
    %reduce_max3A_242 = vector.multi_reduction <maximumf>, %select_n3A_240, %reduce_max3A_241 [1] : vector<256x2048xf32> to vector<256xf32>
    %broadcast_in_dim3A_243 = vector.shape_cast %reduce_max3A_242 : vector<256xf32> to vector<256x1xf32>
    %ge3A_244 = vector.broadcast %broadcast_in_dim3A_243 : vector<256x1xf32> to vector<256x2048xf32>
    %ge3A_245 = arith.cmpf oge, %select_n3A_240, %ge3A_244 : vector<256x2048xf32>
    %jit3A_246 = arith.constant 2048 : i32
    %broadcast_in_dim3A_247 = vector.broadcast %jit3A_246 : i32 to vector<256x2048xi32>
    %select_n3A_248 = arith.select %ge3A_245, %iota3A, %broadcast_in_dim3A_247 : vector<256x2048xi1>, vector<256x2048xi32>
    %reduce_min3A_249 = arith.constant dense<2147483647> : vector<256xi32>
    %reduce_min3A_250 = vector.multi_reduction <minsi>, %select_n3A_248, %reduce_min3A_249 [1] : vector<256x2048xi32> to vector<256xi32>
    %broadcast_in_dim3A_251 = vector.shape_cast %reduce_min3A_250 : vector<256xi32> to vector<256x1xi32>
    %add3A_252 = vector.broadcast %mul3A_23 : i32 to vector<256x1xi32>
    %add3A_253 = arith.addi %broadcast_in_dim3A_251, %add3A_252 : vector<256x1xi32>
    %swap3A_254 = arith.constant 0 : index
    %swap3A_255 = arith.constant 0 : index
    %swap3A_256 = arith.constant 0 : index
    %swap3A_257 = arith.constant 9 : index
    %swap3A_258 = vector.load %arg4[%swap3A_254, %swap3A_255, %swap3A_256, %swap3A_257] : memref<1x1x256x20xi32, #tpu.memory_space<vmem>>, vector<1x1x256x1xi32>
    %swap3A_259 = vector.shape_cast %swap3A_258 : vector<1x1x256x1xi32> to vector<256x1xi32>
    %swap3A_260 = vector.shape_cast %add3A_253 : vector<256x1xi32> to vector<1x1x256x1xi32>
    tpu.vector_store %arg4[%swap3A_254, %swap3A_255, %swap3A_256, %swap3A_257], %swap3A_260 {strides = array<i32>} : memref<1x1x256x20xi32, #tpu.memory_space<vmem>>, vector<1x1x256x1xi32>,
    %eq3A_261 = vector.broadcast %broadcast_in_dim3A_251 : vector<256x1xi32> to vector<256x2048xi32>
    %eq3A_262 = arith.cmpi eq, %iota3A, %eq3A_261 : vector<256x2048xi32>
    %jit3A_263 = arith.constant 0xFF800000 : f32
    %broadcast_in_dim3A_264 = vector.broadcast %jit3A_263 : f32 to vector<256x2048xf32>
    %select_n3A_265 = arith.select %eq3A_262, %broadcast_in_dim3A_264, %select_n3A_240 : vector<256x2048xi1>, vector<256x2048xf32>
    %reduce_max3A_266 = arith.constant dense<0xFF800000> : vector<256xf32>
    %reduce_max3A_267 = vector.multi_reduction <maximumf>, %select_n3A_265, %reduce_max3A_266 [1] : vector<256x2048xf32> to vector<256xf32>
    %broadcast_in_dim3A_268 = vector.shape_cast %reduce_max3A_267 : vector<256xf32> to vector<256x1xf32>
    %ge3A_269 = vector.broadcast %broadcast_in_dim3A_268 : vector<256x1xf32> to vector<256x2048xf32>
    %ge3A_270 = arith.cmpf oge, %select_n3A_265, %ge3A_269 : vector<256x2048xf32>
    %jit3A_271 = arith.constant 2048 : i32
    %broadcast_in_dim3A_272 = vector.broadcast %jit3A_271 : i32 to vector<256x2048xi32>
    %select_n3A_273 = arith.select %ge3A_270, %iota3A, %broadcast_in_dim3A_272 : vector<256x2048xi1>, vector<256x2048xi32>
    %reduce_min3A_274 = arith.constant dense<2147483647> : vector<256xi32>
    %reduce_min3A_275 = vector.multi_reduction <minsi>, %select_n3A_273, %reduce_min3A_274 [1] : vector<256x2048xi32> to vector<256xi32>
    %broadcast_in_dim3A_276 = vector.shape_cast %reduce_min3A_275 : vector<256xi32> to vector<256x1xi32>
    %add3A_277 = vector.broadcast %mul3A_23 : i32 to vector<256x1xi32>
    %add3A_278 = arith.addi %broadcast_in_dim3A_276, %add3A_277 : vector<256x1xi32>
    %swap3A_279 = arith.constant 0 : index
    %swap3A_280 = arith.constant 0 : index
    %swap3A_281 = arith.constant 0 : index
    %swap3A_282 = arith.constant 10 : index
    %swap3A_283 = vector.load %arg4[%swap3A_279, %swap3A_280, %swap3A_281, %swap3A_282] : memref<1x1x256x20xi32, #tpu.memory_space<vmem>>, vector<1x1x256x1xi32>
    %swap3A_284 = vector.shape_cast %swap3A_283 : vector<1x1x256x1xi32> to vector<256x1xi32>
    %swap3A_285 = vector.shape_cast %add3A_278 : vector<256x1xi32> to vector<1x1x256x1xi32>
    tpu.vector_store %arg4[%swap3A_279, %swap3A_280, %swap3A_281, %swap3A_282], %swap3A_285 {strides = array<i32>} : memref<1x1x256x20xi32, #tpu.memory_space<vmem>>, vector<1x1x256x1xi32>,
    %eq3A_286 = vector.broadcast %broadcast_in_dim3A_276 : vector<256x1xi32> to vector<256x2048xi32>
    %eq3A_287 = arith.cmpi eq, %iota3A, %eq3A_286 : vector<256x2048xi32>
    %jit3A_288 = arith.constant 0xFF800000 : f32
    %broadcast_in_dim3A_289 = vector.broadcast %jit3A_288 : f32 to vector<256x2048xf32>
    %select_n3A_290 = arith.select %eq3A_287, %broadcast_in_dim3A_289, %select_n3A_265 : vector<256x2048xi1>, vector<256x2048xf32>
    %reduce_max3A_291 = arith.constant dense<0xFF800000> : vector<256xf32>
    %reduce_max3A_292 = vector.multi_reduction <maximumf>, %select_n3A_290, %reduce_max3A_291 [1] : vector<256x2048xf32> to vector<256xf32>
    %broadcast_in_dim3A_293 = vector.shape_cast %reduce_max3A_292 : vector<256xf32> to vector<256x1xf32>
    %ge3A_294 = vector.broadcast %broadcast_in_dim3A_293 : vector<256x1xf32> to vector<256x2048xf32>
    %ge3A_295 = arith.cmpf oge, %select_n3A_290, %ge3A_294 : vector<256x2048xf32>
    %jit3A_296 = arith.constant 2048 : i32
    %broadcast_in_dim3A_297 = vector.broadcast %jit3A_296 : i32 to vector<256x2048xi32>
    %select_n3A_298 = arith.select %ge3A_295, %iota3A, %broadcast_in_dim3A_297 : vector<256x2048xi1>, vector<256x2048xi32>
    %reduce_min3A_299 = arith.constant dense<2147483647> : vector<256xi32>
    %reduce_min3A_300 = vector.multi_reduction <minsi>, %select_n3A_298, %reduce_min3A_299 [1] : vector<256x2048xi32> to vector<256xi32>
    %broadcast_in_dim3A_301 = vector.shape_cast %reduce_min3A_300 : vector<256xi32> to vector<256x1xi32>
    %add3A_302 = vector.broadcast %mul3A_23 : i32 to vector<256x1xi32>
    %add3A_303 = arith.addi %broadcast_in_dim3A_301, %add3A_302 : vector<256x1xi32>
    %swap3A_304 = arith.constant 0 : index
    %swap3A_305 = arith.constant 0 : index
    %swap3A_306 = arith.constant 0 : index
    %swap3A_307 = arith.constant 11 : index
    %swap3A_308 = vector.load %arg4[%swap3A_304, %swap3A_305, %swap3A_306, %swap3A_307] : memref<1x1x256x20xi32, #tpu.memory_space<vmem>>, vector<1x1x256x1xi32>
    %swap3A_309 = vector.shape_cast %swap3A_308 : vector<1x1x256x1xi32> to vector<256x1xi32>
    %swap3A_310 = vector.shape_cast %add3A_303 : vector<256x1xi32> to vector<1x1x256x1xi32>
    tpu.vector_store %arg4[%swap3A_304, %swap3A_305, %swap3A_306, %swap3A_307], %swap3A_310 {strides = array<i32>} : memref<1x1x256x20xi32, #tpu.memory_space<vmem>>, vector<1x1x256x1xi32>,
    %eq3A_311 = vector.broadcast %broadcast_in_dim3A_301 : vector<256x1xi32> to vector<256x2048xi32>
    %eq3A_312 = arith.cmpi eq, %iota3A, %eq3A_311 : vector<256x2048xi32>
    %jit3A_313 = arith.constant 0xFF800000 : f32
    %broadcast_in_dim3A_314 = vector.broadcast %jit3A_313 : f32 to vector<256x2048xf32>
    %select_n3A_315 = arith.select %eq3A_312, %broadcast_in_dim3A_314, %select_n3A_290 : vector<256x2048xi1>, vector<256x2048xf32>
    %reduce_max3A_316 = arith.constant dense<0xFF800000> : vector<256xf32>
    %reduce_max3A_317 = vector.multi_reduction <maximumf>, %select_n3A_315, %reduce_max3A_316 [1] : vector<256x2048xf32> to vector<256xf32>
    %broadcast_in_dim3A_318 = vector.shape_cast %reduce_max3A_317 : vector<256xf32> to vector<256x1xf32>
    %ge3A_319 = vector.broadcast %broadcast_in_dim3A_318 : vector<256x1xf32> to vector<256x2048xf32>
    %ge3A_320 = arith.cmpf oge, %select_n3A_315, %ge3A_319 : vector<256x2048xf32>
    %jit3A_321 = arith.constant 2048 : i32
    %broadcast_in_dim3A_322 = vector.broadcast %jit3A_321 : i32 to vector<256x2048xi32>
    %select_n3A_323 = arith.select %ge3A_320, %iota3A, %broadcast_in_dim3A_322 : vector<256x2048xi1>, vector<256x2048xi32>
    %reduce_min3A_324 = arith.constant dense<2147483647> : vector<256xi32>
    %reduce_min3A_325 = vector.multi_reduction <minsi>, %select_n3A_323, %reduce_min3A_324 [1] : vector<256x2048xi32> to vector<256xi32>
    %broadcast_in_dim3A_326 = vector.shape_cast %reduce_min3A_325 : vector<256xi32> to vector<256x1xi32>
    %add3A_327 = vector.broadcast %mul3A_23 : i32 to vector<256x1xi32>
    %add3A_328 = arith.addi %broadcast_in_dim3A_326, %add3A_327 : vector<256x1xi32>
    %swap3A_329 = arith.constant 0 : index
    %swap3A_330 = arith.constant 0 : index
    %swap3A_331 = arith.constant 0 : index
    %swap3A_332 = arith.constant 12 : index
    %swap3A_333 = vector.load %arg4[%swap3A_329, %swap3A_330, %swap3A_331, %swap3A_332] : memref<1x1x256x20xi32, #tpu.memory_space<vmem>>, vector<1x1x256x1xi32>
    %swap3A_334 = vector.shape_cast %swap3A_333 : vector<1x1x256x1xi32> to vector<256x1xi32>
    %swap3A_335 = vector.shape_cast %add3A_328 : vector<256x1xi32> to vector<1x1x256x1xi32>
    tpu.vector_store %arg4[%swap3A_329, %swap3A_330, %swap3A_331, %swap3A_332], %swap3A_335 {strides = array<i32>} : memref<1x1x256x20xi32, #tpu.memory_space<vmem>>, vector<1x1x256x1xi32>,
    %eq3A_336 = vector.broadcast %broadcast_in_dim3A_326 : vector<256x1xi32> to vector<256x2048xi32>
    %eq3A_337 = arith.cmpi eq, %iota3A, %eq3A_336 : vector<256x2048xi32>
    %jit3A_338 = arith.constant 0xFF800000 : f32
    %broadcast_in_dim3A_339 = vector.broadcast %jit3A_338 : f32 to vector<256x2048xf32>
    %select_n3A_340 = arith.select %eq3A_337, %broadcast_in_dim3A_339, %select_n3A_315 : vector<256x2048xi1>, vector<256x2048xf32>
    %reduce_max3A_341 = arith.constant dense<0xFF800000> : vector<256xf32>
    %reduce_max3A_342 = vector.multi_reduction <maximumf>, %select_n3A_340, %reduce_max3A_341 [1] : vector<256x2048xf32> to vector<256xf32>
    %broadcast_in_dim3A_343 = vector.shape_cast %reduce_max3A_342 : vector<256xf32> to vector<256x1xf32>
    %ge3A_344 = vector.broadcast %broadcast_in_dim3A_343 : vector<256x1xf32> to vector<256x2048xf32>
    %ge3A_345 = arith.cmpf oge, %select_n3A_340, %ge3A_344 : vector<256x2048xf32>
    %jit3A_346 = arith.constant 2048 : i32
    %broadcast_in_dim3A_347 = vector.broadcast %jit3A_346 : i32 to vector<256x2048xi32>
    %select_n3A_348 = arith.select %ge3A_345, %iota3A, %broadcast_in_dim3A_347 : vector<256x2048xi1>, vector<256x2048xi32>
    %reduce_min3A_349 = arith.constant dense<2147483647> : vector<256xi32>
    %reduce_min3A_350 = vector.multi_reduction <minsi>, %select_n3A_348, %reduce_min3A_349 [1] : vector<256x2048xi32> to vector<256xi32>
    %broadcast_in_dim3A_351 = vector.shape_cast %reduce_min3A_350 : vector<256xi32> to vector<256x1xi32>
    %add3A_352 = vector.broadcast %mul3A_23 : i32 to vector<256x1xi32>
    %add3A_353 = arith.addi %broadcast_in_dim3A_351, %add3A_352 : vector<256x1xi32>
    %swap3A_354 = arith.constant 0 : index
    %swap3A_355 = arith.constant 0 : index
    %swap3A_356 = arith.constant 0 : index
    %swap3A_357 = arith.constant 13 : index
    %swap3A_358 = vector.load %arg4[%swap3A_354, %swap3A_355, %swap3A_356, %swap3A_357] : memref<1x1x256x20xi32, #tpu.memory_space<vmem>>, vector<1x1x256x1xi32>
    %swap3A_359 = vector.shape_cast %swap3A_358 : vector<1x1x256x1xi32> to vector<256x1xi32>
    %swap3A_360 = vector.shape_cast %add3A_353 : vector<256x1xi32> to vector<1x1x256x1xi32>
    tpu.vector_store %arg4[%swap3A_354, %swap3A_355, %swap3A_356, %swap3A_357], %swap3A_360 {strides = array<i32>} : memref<1x1x256x20xi32, #tpu.memory_space<vmem>>, vector<1x1x256x1xi32>,
    %eq3A_361 = vector.broadcast %broadcast_in_dim3A_351 : vector<256x1xi32> to vector<256x2048xi32>
    %eq3A_362 = arith.cmpi eq, %iota3A, %eq3A_361 : vector<256x2048xi32>
    %jit3A_363 = arith.constant 0xFF800000 : f32
    %broadcast_in_dim3A_364 = vector.broadcast %jit3A_363 : f32 to vector<256x2048xf32>
    %select_n3A_365 = arith.select %eq3A_362, %broadcast_in_dim3A_364, %select_n3A_340 : vector<256x2048xi1>, vector<256x2048xf32>
    %reduce_max3A_366 = arith.constant dense<0xFF800000> : vector<256xf32>
    %reduce_max3A_367 = vector.multi_reduction <maximumf>, %select_n3A_365, %reduce_max3A_366 [1] : vector<256x2048xf32> to vector<256xf32>
    %broadcast_in_dim3A_368 = vector.shape_cast %reduce_max3A_367 : vector<256xf32> to vector<256x1xf32>
    %ge3A_369 = vector.broadcast %broadcast_in_dim3A_368 : vector<256x1xf32> to vector<256x2048xf32>
    %ge3A_370 = arith.cmpf oge, %select_n3A_365, %ge3A_369 : vector<256x2048xf32>
    %jit3A_371 = arith.constant 2048 : i32
    %broadcast_in_dim3A_372 = vector.broadcast %jit3A_371 : i32 to vector<256x2048xi32>
    %select_n3A_373 = arith.select %ge3A_370, %iota3A, %broadcast_in_dim3A_372 : vector<256x2048xi1>, vector<256x2048xi32>
    %reduce_min3A_374 = arith.constant dense<2147483647> : vector<256xi32>
    %reduce_min3A_375 = vector.multi_reduction <minsi>, %select_n3A_373, %reduce_min3A_374 [1] : vector<256x2048xi32> to vector<256xi32>
    %broadcast_in_dim3A_376 = vector.shape_cast %reduce_min3A_375 : vector<256xi32> to vector<256x1xi32>
    %add3A_377 = vector.broadcast %mul3A_23 : i32 to vector<256x1xi32>
    %add3A_378 = arith.addi %broadcast_in_dim3A_376, %add3A_377 : vector<256x1xi32>
    %swap3A_379 = arith.constant 0 : index
    %swap3A_380 = arith.constant 0 : index
    %swap3A_381 = arith.constant 0 : index
    %swap3A_382 = arith.constant 14 : index
    %swap3A_383 = vector.load %arg4[%swap3A_379, %swap3A_380, %swap3A_381, %swap3A_382] : memref<1x1x256x20xi32, #tpu.memory_space<vmem>>, vector<1x1x256x1xi32>
    %swap3A_384 = vector.shape_cast %swap3A_383 : vector<1x1x256x1xi32> to vector<256x1xi32>
    %swap3A_385 = vector.shape_cast %add3A_378 : vector<256x1xi32> to vector<1x1x256x1xi32>
    tpu.vector_store %arg4[%swap3A_379, %swap3A_380, %swap3A_381, %swap3A_382], %swap3A_385 {strides = array<i32>} : memref<1x1x256x20xi32, #tpu.memory_space<vmem>>, vector<1x1x256x1xi32>,
    %eq3A_386 = vector.broadcast %broadcast_in_dim3A_376 : vector<256x1xi32> to vector<256x2048xi32>
    %eq3A_387 = arith.cmpi eq, %iota3A, %eq3A_386 : vector<256x2048xi32>
    %jit3A_388 = arith.constant 0xFF800000 : f32
    %broadcast_in_dim3A_389 = vector.broadcast %jit3A_388 : f32 to vector<256x2048xf32>
    %select_n3A_390 = arith.select %eq3A_387, %broadcast_in_dim3A_389, %select_n3A_365 : vector<256x2048xi1>, vector<256x2048xf32>
    %reduce_max3A_391 = arith.constant dense<0xFF800000> : vector<256xf32>
    %reduce_max3A_392 = vector.multi_reduction <maximumf>, %select_n3A_390, %reduce_max3A_391 [1] : vector<256x2048xf32> to vector<256xf32>
    %broadcast_in_dim3A_393 = vector.shape_cast %reduce_max3A_392 : vector<256xf32> to vector<256x1xf32>
    %ge3A_394 = vector.broadcast %broadcast_in_dim3A_393 : vector<256x1xf32> to vector<256x2048xf32>
    %ge3A_395 = arith.cmpf oge, %select_n3A_390, %ge3A_394 : vector<256x2048xf32>
    %jit3A_396 = arith.constant 2048 : i32
    %broadcast_in_dim3A_397 = vector.broadcast %jit3A_396 : i32 to vector<256x2048xi32>
    %select_n3A_398 = arith.select %ge3A_395, %iota3A, %broadcast_in_dim3A_397 : vector<256x2048xi1>, vector<256x2048xi32>
    %reduce_min3A_399 = arith.constant dense<2147483647> : vector<256xi32>
    %reduce_min3A_400 = vector.multi_reduction <minsi>, %select_n3A_398, %reduce_min3A_399 [1] : vector<256x2048xi32> to vector<256xi32>
    %broadcast_in_dim3A_401 = vector.shape_cast %reduce_min3A_400 : vector<256xi32> to vector<256x1xi32>
    %add3A_402 = vector.broadcast %mul3A_23 : i32 to vector<256x1xi32>
    %add3A_403 = arith.addi %broadcast_in_dim3A_401, %add3A_402 : vector<256x1xi32>
    %swap3A_404 = arith.constant 0 : index
    %swap3A_405 = arith.constant 0 : index
    %swap3A_406 = arith.constant 0 : index
    %swap3A_407 = arith.constant 15 : index
    %swap3A_408 = vector.load %arg4[%swap3A_404, %swap3A_405, %swap3A_406, %swap3A_407] : memref<1x1x256x20xi32, #tpu.memory_space<vmem>>, vector<1x1x256x1xi32>
    %swap3A_409 = vector.shape_cast %swap3A_408 : vector<1x1x256x1xi32> to vector<256x1xi32>
    %swap3A_410 = vector.shape_cast %add3A_403 : vector<256x1xi32> to vector<1x1x256x1xi32>
    tpu.vector_store %arg4[%swap3A_404, %swap3A_405, %swap3A_406, %swap3A_407], %swap3A_410 {strides = array<i32>} : memref<1x1x256x20xi32, #tpu.memory_space<vmem>>, vector<1x1x256x1xi32>,
    %eq3A_411 = vector.broadcast %broadcast_in_dim3A_401 : vector<256x1xi32> to vector<256x2048xi32>
    %eq3A_412 = arith.cmpi eq, %iota3A, %eq3A_411 : vector<256x2048xi32>
    %jit3A_413 = arith.constant 0xFF800000 : f32
    %broadcast_in_dim3A_414 = vector.broadcast %jit3A_413 : f32 to vector<256x2048xf32>
    %select_n3A_415 = arith.select %eq3A_412, %broadcast_in_dim3A_414, %select_n3A_390 : vector<256x2048xi1>, vector<256x2048xf32>
    %reduce_max3A_416 = arith.constant dense<0xFF800000> : vector<256xf32>
    %reduce_max3A_417 = vector.multi_reduction <maximumf>, %select_n3A_415, %reduce_max3A_416 [1] : vector<256x2048xf32> to vector<256xf32>
    %broadcast_in_dim3A_418 = vector.shape_cast %reduce_max3A_417 : vector<256xf32> to vector<256x1xf32>
    %ge3A_419 = vector.broadcast %broadcast_in_dim3A_418 : vector<256x1xf32> to vector<256x2048xf32>
    %ge3A_420 = arith.cmpf oge, %select_n3A_415, %ge3A_419 : vector<256x2048xf32>
    %jit3A_421 = arith.constant 2048 : i32
    %broadcast_in_dim3A_422 = vector.broadcast %jit3A_421 : i32 to vector<256x2048xi32>
    %select_n3A_423 = arith.select %ge3A_420, %iota3A, %broadcast_in_dim3A_422 : vector<256x2048xi1>, vector<256x2048xi32>
    %reduce_min3A_424 = arith.constant dense<2147483647> : vector<256xi32>
    %reduce_min3A_425 = vector.multi_reduction <minsi>, %select_n3A_423, %reduce_min3A_424 [1] : vector<256x2048xi32> to vector<256xi32>
    %broadcast_in_dim3A_426 = vector.shape_cast %reduce_min3A_425 : vector<256xi32> to vector<256x1xi32>
    %add3A_427 = vector.broadcast %mul3A_23 : i32 to vector<256x1xi32>
    %add3A_428 = arith.addi %broadcast_in_dim3A_426, %add3A_427 : vector<256x1xi32>
    %swap3A_429 = arith.constant 0 : index
    %swap3A_430 = arith.constant 0 : index
    %swap3A_431 = arith.constant 0 : index
    %swap3A_432 = arith.constant 16 : index
    %swap3A_433 = vector.load %arg4[%swap3A_429, %swap3A_430, %swap3A_431, %swap3A_432] : memref<1x1x256x20xi32, #tpu.memory_space<vmem>>, vector<1x1x256x1xi32>
    %swap3A_434 = vector.shape_cast %swap3A_433 : vector<1x1x256x1xi32> to vector<256x1xi32>
    %swap3A_435 = vector.shape_cast %add3A_428 : vector<256x1xi32> to vector<1x1x256x1xi32>
    tpu.vector_store %arg4[%swap3A_429, %swap3A_430, %swap3A_431, %swap3A_432], %swap3A_435 {strides = array<i32>} : memref<1x1x256x20xi32, #tpu.memory_space<vmem>>, vector<1x1x256x1xi32>,
    %eq3A_436 = vector.broadcast %broadcast_in_dim3A_426 : vector<256x1xi32> to vector<256x2048xi32>
    %eq3A_437 = arith.cmpi eq, %iota3A, %eq3A_436 : vector<256x2048xi32>
    %jit3A_438 = arith.constant 0xFF800000 : f32
    %broadcast_in_dim3A_439 = vector.broadcast %jit3A_438 : f32 to vector<256x2048xf32>
    %select_n3A_440 = arith.select %eq3A_437, %broadcast_in_dim3A_439, %select_n3A_415 : vector<256x2048xi1>, vector<256x2048xf32>
    %reduce_max3A_441 = arith.constant dense<0xFF800000> : vector<256xf32>
    %reduce_max3A_442 = vector.multi_reduction <maximumf>, %select_n3A_440, %reduce_max3A_441 [1] : vector<256x2048xf32> to vector<256xf32>
    %broadcast_in_dim3A_443 = vector.shape_cast %reduce_max3A_442 : vector<256xf32> to vector<256x1xf32>
    %ge3A_444 = vector.broadcast %broadcast_in_dim3A_443 : vector<256x1xf32> to vector<256x2048xf32>
    %ge3A_445 = arith.cmpf oge, %select_n3A_440, %ge3A_444 : vector<256x2048xf32>
    %jit3A_446 = arith.constant 2048 : i32
    %broadcast_in_dim3A_447 = vector.broadcast %jit3A_446 : i32 to vector<256x2048xi32>
    %select_n3A_448 = arith.select %ge3A_445, %iota3A, %broadcast_in_dim3A_447 : vector<256x2048xi1>, vector<256x2048xi32>
    %reduce_min3A_449 = arith.constant dense<2147483647> : vector<256xi32>
    %reduce_min3A_450 = vector.multi_reduction <minsi>, %select_n3A_448, %reduce_min3A_449 [1] : vector<256x2048xi32> to vector<256xi32>
    %broadcast_in_dim3A_451 = vector.shape_cast %reduce_min3A_450 : vector<256xi32> to vector<256x1xi32>
    %add3A_452 = vector.broadcast %mul3A_23 : i32 to vector<256x1xi32>
    %add3A_453 = arith.addi %broadcast_in_dim3A_451, %add3A_452 : vector<256x1xi32>
    %swap3A_454 = arith.constant 0 : index
    %swap3A_455 = arith.constant 0 : index
    %swap3A_456 = arith.constant 0 : index
    %swap3A_457 = arith.constant 17 : index
    %swap3A_458 = vector.load %arg4[%swap3A_454, %swap3A_455, %swap3A_456, %swap3A_457] : memref<1x1x256x20xi32, #tpu.memory_space<vmem>>, vector<1x1x256x1xi32>
    %swap3A_459 = vector.shape_cast %swap3A_458 : vector<1x1x256x1xi32> to vector<256x1xi32>
    %swap3A_460 = vector.shape_cast %add3A_453 : vector<256x1xi32> to vector<1x1x256x1xi32>
    tpu.vector_store %arg4[%swap3A_454, %swap3A_455, %swap3A_456, %swap3A_457], %swap3A_460 {strides = array<i32>} : memref<1x1x256x20xi32, #tpu.memory_space<vmem>>, vector<1x1x256x1xi32>,
    %eq3A_461 = vector.broadcast %broadcast_in_dim3A_451 : vector<256x1xi32> to vector<256x2048xi32>
    %eq3A_462 = arith.cmpi eq, %iota3A, %eq3A_461 : vector<256x2048xi32>
    %jit3A_463 = arith.constant 0xFF800000 : f32
    %broadcast_in_dim3A_464 = vector.broadcast %jit3A_463 : f32 to vector<256x2048xf32>
    %select_n3A_465 = arith.select %eq3A_462, %broadcast_in_dim3A_464, %select_n3A_440 : vector<256x2048xi1>, vector<256x2048xf32>
    %reduce_max3A_466 = arith.constant dense<0xFF800000> : vector<256xf32>
    %reduce_max3A_467 = vector.multi_reduction <maximumf>, %select_n3A_465, %reduce_max3A_466 [1] : vector<256x2048xf32> to vector<256xf32>
    %broadcast_in_dim3A_468 = vector.shape_cast %reduce_max3A_467 : vector<256xf32> to vector<256x1xf32>
    %ge3A_469 = vector.broadcast %broadcast_in_dim3A_468 : vector<256x1xf32> to vector<256x2048xf32>
    %ge3A_470 = arith.cmpf oge, %select_n3A_465, %ge3A_469 : vector<256x2048xf32>
    %jit3A_471 = arith.constant 2048 : i32
    %broadcast_in_dim3A_472 = vector.broadcast %jit3A_471 : i32 to vector<256x2048xi32>
    %select_n3A_473 = arith.select %ge3A_470, %iota3A, %broadcast_in_dim3A_472 : vector<256x2048xi1>, vector<256x2048xi32>
    %reduce_min3A_474 = arith.constant dense<2147483647> : vector<256xi32>
    %reduce_min3A_475 = vector.multi_reduction <minsi>, %select_n3A_473, %reduce_min3A_474 [1] : vector<256x2048xi32> to vector<256xi32>
    %broadcast_in_dim3A_476 = vector.shape_cast %reduce_min3A_475 : vector<256xi32> to vector<256x1xi32>
    %add3A_477 = vector.broadcast %mul3A_23 : i32 to vector<256x1xi32>
    %add3A_478 = arith.addi %broadcast_in_dim3A_476, %add3A_477 : vector<256x1xi32>
    %swap3A_479 = arith.constant 0 : index
    %swap3A_480 = arith.constant 0 : index
    %swap3A_481 = arith.constant 0 : index
    %swap3A_482 = arith.constant 18 : index
    %swap3A_483 = vector.load %arg4[%swap3A_479, %swap3A_480, %swap3A_481, %swap3A_482] : memref<1x1x256x20xi32, #tpu.memory_space<vmem>>, vector<1x1x256x1xi32>
    %swap3A_484 = vector.shape_cast %swap3A_483 : vector<1x1x256x1xi32> to vector<256x1xi32>
    %swap3A_485 = vector.shape_cast %add3A_478 : vector<256x1xi32> to vector<1x1x256x1xi32>
    tpu.vector_store %arg4[%swap3A_479, %swap3A_480, %swap3A_481, %swap3A_482], %swap3A_485 {strides = array<i32>} : memref<1x1x256x20xi32, #tpu.memory_space<vmem>>, vector<1x1x256x1xi32>,
    %eq3A_486 = vector.broadcast %broadcast_in_dim3A_476 : vector<256x1xi32> to vector<256x2048xi32>
    %eq3A_487 = arith.cmpi eq, %iota3A, %eq3A_486 : vector<256x2048xi32>
    %jit3A_488 = arith.constant 0xFF800000 : f32
    %broadcast_in_dim3A_489 = vector.broadcast %jit3A_488 : f32 to vector<256x2048xf32>
    %select_n3A_490 = arith.select %eq3A_487, %broadcast_in_dim3A_489, %select_n3A_465 : vector<256x2048xi1>, vector<256x2048xf32>
    %reduce_max3A_491 = arith.constant dense<0xFF800000> : vector<256xf32>
    %reduce_max3A_492 = vector.multi_reduction <maximumf>, %select_n3A_490, %reduce_max3A_491 [1] : vector<256x2048xf32> to vector<256xf32>
    %broadcast_in_dim3A_493 = vector.shape_cast %reduce_max3A_492 : vector<256xf32> to vector<256x1xf32>
    %ge3A_494 = vector.broadcast %broadcast_in_dim3A_493 : vector<256x1xf32> to vector<256x2048xf32>
    %ge3A_495 = arith.cmpf oge, %select_n3A_490, %ge3A_494 : vector<256x2048xf32>
    %jit3A_496 = arith.constant 2048 : i32
    %broadcast_in_dim3A_497 = vector.broadcast %jit3A_496 : i32 to vector<256x2048xi32>
    %select_n3A_498 = arith.select %ge3A_495, %iota3A, %broadcast_in_dim3A_497 : vector<256x2048xi1>, vector<256x2048xi32>
    %reduce_min3A_499 = arith.constant dense<2147483647> : vector<256xi32>
    %reduce_min3A_500 = vector.multi_reduction <minsi>, %select_n3A_498, %reduce_min3A_499 [1] : vector<256x2048xi32> to vector<256xi32>
    %broadcast_in_dim3A_501 = vector.shape_cast %reduce_min3A_500 : vector<256xi32> to vector<256x1xi32>
    %add3A_502 = vector.broadcast %mul3A_23 : i32 to vector<256x1xi32>
    %add3A_503 = arith.addi %broadcast_in_dim3A_501, %add3A_502 : vector<256x1xi32>
    %swap3A_504 = arith.constant 0 : index
    %swap3A_505 = arith.constant 0 : index
    %swap3A_506 = arith.constant 0 : index
    %swap3A_507 = arith.constant 19 : index
    %swap3A_508 = vector.load %arg4[%swap3A_504, %swap3A_505, %swap3A_506, %swap3A_507] : memref<1x1x256x20xi32, #tpu.memory_space<vmem>>, vector<1x1x256x1xi32>
    %swap3A_509 = vector.shape_cast %swap3A_508 : vector<1x1x256x1xi32> to vector<256x1xi32>
    %swap3A_510 = vector.shape_cast %add3A_503 : vector<256x1xi32> to vector<1x1x256x1xi32>
    tpu.vector_store %arg4[%swap3A_504, %swap3A_505, %swap3A_506, %swap3A_507], %swap3A_510 {strides = array<i32>} : memref<1x1x256x20xi32, #tpu.memory_space<vmem>>, vector<1x1x256x1xi32>,
    return
  }
  func.func @transform_0(%arg0: i32, %arg1: i32) -> (i32, i32, i32) {
    %c0_i32 = arith.constant 0 : i32
    %c0_i32_0 = arith.constant 0 : i32
    return %arg0, %arg1, %c0_i32 : i32, i32, i32
  }
  func.func @transform_1(%arg0: i32, %arg1: i32) -> (i32, i32, i32) {
    %c0_i32 = arith.constant 0 : i32
    %c0_i32_0 = arith.constant 0 : i32
    %c0_i32_1 = arith.constant 0 : i32
    return %arg0, %c0_i32, %c0_i32_0 : i32, i32, i32
  }
  func.func @transform_2(%arg0: i32, %arg1: i32) -> (i32, i32, i32, i32) {
    %c0_i32 = arith.constant 0 : i32
    %c0_i32_0 = arith.constant 0 : i32
    %c0_i32_1 = arith.constant 0 : i32
    return %arg0, %arg1, %c0_i32, %c0_i32_0 : i32, i32, i32, i32
  }
}

module attributes {stable_mosaic.version = 14 : i64} {
  func.func @_edge_body(%arg0: i32, %arg1: i32, %arg2: memref<1x5120x128xf32, #tpu.memory_space<vmem>>, %arg3: memref<1x256x128xf32, #tpu.memory_space<vmem>>, %arg4: memref<128x64xf32, #tpu.memory_space<vmem>>, %arg5: memref<128x64xf32, #tpu.memory_space<vmem>>, %arg6: memref<1x256x64xf32, #tpu.memory_space<vmem>>, %arg7: memref<1x1x2x64xf32, #tpu.memory_space<vmem>>) attributes {dimension_semantics = [#tpu.dimension_semantics<arbitrary>, #tpu.dimension_semantics<arbitrary>], iteration_bounds = array<i64: 8, 8>, scalar_prefetch = 0 : i64, scratch_operands = 0 : i64, tpu.core_type = #tpu.core_type<tc>, window_params = [{transform_indices = @transform_0, window_bounds = array<i64: 1, 5120, 128>}, {transform_indices = @transform_1, window_bounds = array<i64: 1, 256, 128>}, {pipeline_mode = #tpu.pipeline_mode<synchronous>, transform_indices = @transform_2, window_bounds = array<i64: 128, 64>}, {pipeline_mode = #tpu.pipeline_mode<synchronous>, transform_indices = @transform_3, window_bounds = array<i64: 128, 64>}, {transform_indices = @transform_4, window_bounds = array<i64: 1, 256, 64>}, {transform_indices = @transform_5, window_bounds = array<i64: 1, 1, 2, 64>}]} {
    %get3A = arith.constant 0 : index
    %get3A_0 = arith.constant 0 : index
    %get3A_1 = arith.constant 0 : index
    %get3A_2 = vector.load %arg3[%get3A, %get3A_0, %get3A_1] : memref<1x256x128xf32, #tpu.memory_space<vmem>>, vector<1x256x128xf32>
    %get3A_3 = vector.shape_cast %get3A_2 : vector<1x256x128xf32> to vector<256x128xf32>
    %get3A_4 = arith.constant 0 : index
    %get3A_5 = arith.constant 0 : index
    %get3A_6 = arith.constant 0 : index
    %get3A_7 = vector.load %arg2[%get3A_4, %get3A_5, %get3A_6] : memref<1x5120x128xf32, #tpu.memory_space<vmem>>, vector<1x5120x128xf32>
    %get3A_8 = vector.shape_cast %get3A_7 : vector<1x5120x128xf32> to vector<5120x128xf32>
    %broadcast_in_dim3A = vector.shape_cast %get3A_3 : vector<256x128xf32> to vector<256x1x128xf32>
    %broadcast_in_dim3A_9 = vector.shape_cast %broadcast_in_dim3A : vector<256x1x128xf32> to vector<256x1x128xf32>
    %broadcast_in_dim3A_10 = vector.broadcast %broadcast_in_dim3A_9 : vector<256x1x128xf32> to vector<256x20x128xf32>
    %reshape3A = vector.shape_cast %broadcast_in_dim3A_10 : vector<256x20x128xf32> to vector<5120x128xf32>
    %sub3A = arith.subf %get3A_8, %reshape3A : vector<5120x128xf32>
    %get3A_11 = arith.constant 0 : index
    %get3A_12 = arith.constant 0 : index
    %get3A_13 = vector.load %arg4[%get3A_11, %get3A_12] : memref<128x64xf32, #tpu.memory_space<vmem>>, vector<128x64xf32>
    %dot_general3A = arith.constant dense<0.000000e+00> : vector<5120x64xf32>
    %dot_general3A_14 = tpu.matmul %sub3A, %get3A_13, %dot_general3A {dimension_numbers = #tpu.dot_dimension_numbers<[1], [0], [0], [1], [0, 0, 1, 1], [], []>, transpose_lhs_hint = false} : vector<5120x128xf32>, vector<128x64xf32>, vector<5120x64xf32> -> vector<5120x64xf32>
    %get3A_15 = arith.constant 0 : index
    %get3A_16 = arith.constant 0 : index
    %get3A_17 = vector.load %arg5[%get3A_15, %get3A_16] : memref<128x64xf32, #tpu.memory_space<vmem>>, vector<128x64xf32>
    %dot_general3A_18 = arith.constant dense<0.000000e+00> : vector<5120x64xf32>
    %dot_general3A_19 = tpu.matmul %reshape3A, %get3A_17, %dot_general3A_18 {dimension_numbers = #tpu.dot_dimension_numbers<[1], [0], [0], [1], [0, 0, 1, 1], [], []>, transpose_lhs_hint = false} : vector<5120x128xf32>, vector<128x64xf32>, vector<5120x64xf32> -> vector<5120x64xf32>
    %add3A = arith.addf %dot_general3A_14, %dot_general3A_19 : vector<5120x64xf32>
    %reshape3A_20 = vector.shape_cast %add3A : vector<5120x64xf32> to vector<256x20x64xf32>
    %reduce_max3A = arith.constant dense<0xFF800000> : vector<256x64xf32>
    %reduce_max3A_21 = vector.multi_reduction <maximumf>, %reshape3A_20, %reduce_max3A [1] : vector<256x20x64xf32> to vector<256x64xf32>
    %swap3A = arith.constant 0 : index
    %swap3A_22 = arith.constant 0 : index
    %swap3A_23 = arith.constant 0 : index
    %swap3A_24 = vector.load %arg6[%swap3A, %swap3A_22, %swap3A_23] : memref<1x256x64xf32, #tpu.memory_space<vmem>>, vector<1x256x64xf32>
    %swap3A_25 = vector.shape_cast %swap3A_24 : vector<1x256x64xf32> to vector<256x64xf32>
    %swap3A_26 = vector.shape_cast %reduce_max3A_21 : vector<256x64xf32> to vector<1x256x64xf32>
    tpu.vector_store %arg6[%swap3A, %swap3A_22, %swap3A_23], %swap3A_26 {strides = array<i32>} : memref<1x256x64xf32, #tpu.memory_space<vmem>>, vector<1x256x64xf32>,
    %reduce_sum3A = arith.constant dense<0.000000e+00> : vector<64xf32>
    %reduce_sum3A_27 = vector.multi_reduction <add>, %add3A, %reduce_sum3A [0] : vector<5120x64xf32> to vector<64xf32>
    %broadcast_in_dim3A_28 = vector.shape_cast %reduce_sum3A_27 : vector<64xf32> to vector<1x64xf32>
    %mul3A = arith.mulf %add3A, %add3A : vector<5120x64xf32>
    %reduce_sum3A_29 = arith.constant dense<0.000000e+00> : vector<64xf32>
    %reduce_sum3A_30 = vector.multi_reduction <add>, %mul3A, %reduce_sum3A_29 [0] : vector<5120x64xf32> to vector<64xf32>
    %broadcast_in_dim3A_31 = vector.shape_cast %reduce_sum3A_30 : vector<64xf32> to vector<1x64xf32>
    %concatenate3A = tpu.concatenate %broadcast_in_dim3A_28, %broadcast_in_dim3A_31 in 0 : vector<1x64xf32>, vector<1x64xf32> -> vector<2x64xf32>
    %swap3A_32 = arith.constant 0 : index
    %swap3A_33 = arith.constant 0 : index
    %swap3A_34 = arith.constant 0 : index
    %swap3A_35 = arith.constant 0 : index
    %swap3A_36 = vector.load %arg7[%swap3A_32, %swap3A_33, %swap3A_34, %swap3A_35] : memref<1x1x2x64xf32, #tpu.memory_space<vmem>>, vector<1x1x2x64xf32>
    %swap3A_37 = vector.shape_cast %swap3A_36 : vector<1x1x2x64xf32> to vector<2x64xf32>
    %swap3A_38 = vector.shape_cast %concatenate3A : vector<2x64xf32> to vector<1x1x2x64xf32>
    tpu.vector_store %arg7[%swap3A_32, %swap3A_33, %swap3A_34, %swap3A_35], %swap3A_38 {strides = array<i32>} : memref<1x1x2x64xf32, #tpu.memory_space<vmem>>, vector<1x1x2x64xf32>,
    return
  }
  func.func @transform_0(%arg0: i32, %arg1: i32) -> (i32, i32, i32) {
    %c0_i32 = arith.constant 0 : i32
    %c0_i32_0 = arith.constant 0 : i32
    return %arg0, %arg1, %c0_i32 : i32, i32, i32
  }
  func.func @transform_1(%arg0: i32, %arg1: i32) -> (i32, i32, i32) {
    %c0_i32 = arith.constant 0 : i32
    %c0_i32_0 = arith.constant 0 : i32
    return %arg0, %arg1, %c0_i32 : i32, i32, i32
  }
  func.func @transform_2(%arg0: i32, %arg1: i32) -> (i32, i32) {
    %c0_i32 = arith.constant 0 : i32
    %c0_i32_0 = arith.constant 0 : i32
    %c0_i32_1 = arith.constant 0 : i32
    return %c0_i32, %c0_i32_0 : i32, i32
  }
  func.func @transform_3(%arg0: i32, %arg1: i32) -> (i32, i32) {
    %c0_i32 = arith.constant 0 : i32
    %c0_i32_0 = arith.constant 0 : i32
    %c0_i32_1 = arith.constant 0 : i32
    return %c0_i32, %c0_i32_0 : i32, i32
  }
  func.func @transform_4(%arg0: i32, %arg1: i32) -> (i32, i32, i32) {
    %c0_i32 = arith.constant 0 : i32
    %c0_i32_0 = arith.constant 0 : i32
    return %arg0, %arg1, %c0_i32 : i32, i32, i32
  }
  func.func @transform_5(%arg0: i32, %arg1: i32) -> (i32, i32, i32, i32) {
    %c0_i32 = arith.constant 0 : i32
    %c0_i32_0 = arith.constant 0 : i32
    %c0_i32_1 = arith.constant 0 : i32
    return %arg0, %arg1, %c0_i32, %c0_i32_0 : i32, i32, i32, i32
  }
}

module attributes {stable_mosaic.version = 14 : i64} {
  func.func @_finish_body(%arg0: i32, %arg1: memref<2x128xf32, #tpu.memory_space<vmem>>, %arg2: memref<1024x64xf32, #tpu.memory_space<vmem>>, %arg3: memref<1024x128xf32, #tpu.memory_space<vmem>>) attributes {dimension_semantics = [#tpu.dimension_semantics<arbitrary>], iteration_bounds = array<i64: 16>, scalar_prefetch = 0 : i64, scratch_operands = 0 : i64, tpu.core_type = #tpu.core_type<tc>, window_params = [{pipeline_mode = #tpu.pipeline_mode<synchronous>, transform_indices = @transform_0, window_bounds = array<i64: 2, 128>}, {transform_indices = @transform_1, window_bounds = array<i64: 1024, 64>}, {transform_indices = @transform_2, window_bounds = array<i64: 1024, 128>}]} {
    %get3A = arith.constant 0 : index
    %get3A_0 = arith.constant 0 : index
    %get3A_1 = vector.load %arg1[%get3A, %get3A_0] : memref<2x128xf32, #tpu.memory_space<vmem>>, vector<2x128xf32>
    %get3A_2 = arith.constant 0 : index
    %get3A_3 = arith.constant 0 : index
    %get3A_4 = vector.load %arg2[%get3A_2, %get3A_3] : memref<1024x64xf32, #tpu.memory_space<vmem>>, vector<1024x64xf32>
    %slice3A = vector.extract_strided_slice %get3A_1 {offsets = [0, 0], sizes = [1, 64], strides = [1, 1]} : vector<2x128xf32> to vector<1x64xf32>
    %mul3A = vector.broadcast %slice3A : vector<1x64xf32> to vector<1024x64xf32>
    %mul3A_5 = arith.mulf %get3A_4, %mul3A : vector<1024x64xf32>
    %slice3A_6 = vector.extract_strided_slice %get3A_1 {offsets = [1, 0], sizes = [1, 64], strides = [1, 1]} : vector<2x128xf32> to vector<1x64xf32>
    %add3A = vector.broadcast %slice3A_6 : vector<1x64xf32> to vector<1024x64xf32>
    %add3A_7 = arith.addf %mul3A_5, %add3A : vector<1024x64xf32>
    %ge3A = arith.constant 0.000000e+00 : f32
    %ge3A_8 = vector.broadcast %ge3A : f32 to vector<1024x64xf32>
    %ge3A_9 = arith.cmpf oge, %add3A_7, %ge3A_8 : vector<1024x64xf32>
    %mul3A_10 = arith.constant 2.000000e-01 : f32
    %mul3A_11 = vector.broadcast %mul3A_10 : f32 to vector<1024x64xf32>
    %mul3A_12 = arith.mulf %mul3A_11, %add3A_7 : vector<1024x64xf32>
    %select_n3A = arith.select %ge3A_9, %add3A_7, %mul3A_12 : vector<1024x64xi1>, vector<1024x64xf32>
    %broadcast_in_dim3A = arith.constant 0.000000e+00 : f32
    %broadcast_in_dim3A_13 = vector.broadcast %broadcast_in_dim3A : f32 to vector<1024x64xf32>
    %concatenate3A = tpu.concatenate %select_n3A, %broadcast_in_dim3A_13 in 1 : vector<1024x64xf32>, vector<1024x64xf32> -> vector<1024x128xf32>
    %swap3A = arith.constant 0 : index
    %swap3A_14 = arith.constant 0 : index
    %swap3A_15 = vector.load %arg3[%swap3A, %swap3A_14] : memref<1024x128xf32, #tpu.memory_space<vmem>>, vector<1024x128xf32>
    tpu.vector_store %arg3[%swap3A, %swap3A_14], %concatenate3A {strides = array<i32>} : memref<1024x128xf32, #tpu.memory_space<vmem>>, vector<1024x128xf32>,
    return
  }
  func.func @transform_0(%arg0: i32) -> (i32, i32) {
    %c0_i32 = arith.constant 0 : i32
    %c0_i32_0 = arith.constant 0 : i32
    %c0_i32_1 = arith.constant 0 : i32
    return %c0_i32, %c0_i32_0 : i32, i32
  }
  func.func @transform_1(%arg0: i32) -> (i32, i32) {
    %c0_i32 = arith.constant 0 : i32
    %c0_i32_0 = arith.constant 0 : i32
    return %arg0, %c0_i32 : i32, i32
  }
  func.func @transform_2(%arg0: i32) -> (i32, i32) {
    %c0_i32 = arith.constant 0 : i32
    %c0_i32_0 = arith.constant 0 : i32
    return %arg0, %c0_i32 : i32, i32
  }
}

module attributes {stable_mosaic.version = 14 : i64} {
  func.func @_edge_body(%arg0: i32, %arg1: i32, %arg2: memref<1x5120x128xf32, #tpu.memory_space<vmem>>, %arg3: memref<1x256x128xf32, #tpu.memory_space<vmem>>, %arg4: memref<128x128xf32, #tpu.memory_space<vmem>>, %arg5: memref<128x128xf32, #tpu.memory_space<vmem>>, %arg6: memref<1x256x128xf32, #tpu.memory_space<vmem>>, %arg7: memref<1x1x2x128xf32, #tpu.memory_space<vmem>>) attributes {dimension_semantics = [#tpu.dimension_semantics<arbitrary>, #tpu.dimension_semantics<arbitrary>], iteration_bounds = array<i64: 8, 8>, scalar_prefetch = 0 : i64, scratch_operands = 0 : i64, tpu.core_type = #tpu.core_type<tc>, window_params = [{transform_indices = @transform_0, window_bounds = array<i64: 1, 5120, 128>}, {transform_indices = @transform_1, window_bounds = array<i64: 1, 256, 128>}, {pipeline_mode = #tpu.pipeline_mode<synchronous>, transform_indices = @transform_2, window_bounds = array<i64: 128, 128>}, {pipeline_mode = #tpu.pipeline_mode<synchronous>, transform_indices = @transform_3, window_bounds = array<i64: 128, 128>}, {transform_indices = @transform_4, window_bounds = array<i64: 1, 256, 128>}, {transform_indices = @transform_5, window_bounds = array<i64: 1, 1, 2, 128>}]} {
    %get3A = arith.constant 0 : index
    %get3A_0 = arith.constant 0 : index
    %get3A_1 = arith.constant 0 : index
    %get3A_2 = vector.load %arg3[%get3A, %get3A_0, %get3A_1] : memref<1x256x128xf32, #tpu.memory_space<vmem>>, vector<1x256x128xf32>
    %get3A_3 = vector.shape_cast %get3A_2 : vector<1x256x128xf32> to vector<256x128xf32>
    %get3A_4 = arith.constant 0 : index
    %get3A_5 = arith.constant 0 : index
    %get3A_6 = arith.constant 0 : index
    %get3A_7 = vector.load %arg2[%get3A_4, %get3A_5, %get3A_6] : memref<1x5120x128xf32, #tpu.memory_space<vmem>>, vector<1x5120x128xf32>
    %get3A_8 = vector.shape_cast %get3A_7 : vector<1x5120x128xf32> to vector<5120x128xf32>
    %broadcast_in_dim3A = vector.shape_cast %get3A_3 : vector<256x128xf32> to vector<256x1x128xf32>
    %broadcast_in_dim3A_9 = vector.shape_cast %broadcast_in_dim3A : vector<256x1x128xf32> to vector<256x1x128xf32>
    %broadcast_in_dim3A_10 = vector.broadcast %broadcast_in_dim3A_9 : vector<256x1x128xf32> to vector<256x20x128xf32>
    %reshape3A = vector.shape_cast %broadcast_in_dim3A_10 : vector<256x20x128xf32> to vector<5120x128xf32>
    %sub3A = arith.subf %get3A_8, %reshape3A : vector<5120x128xf32>
    %get3A_11 = arith.constant 0 : index
    %get3A_12 = arith.constant 0 : index
    %get3A_13 = vector.load %arg4[%get3A_11, %get3A_12] : memref<128x128xf32, #tpu.memory_space<vmem>>, vector<128x128xf32>
    %dot_general3A = arith.constant dense<0.000000e+00> : vector<5120x128xf32>
    %dot_general3A_14 = tpu.matmul %sub3A, %get3A_13, %dot_general3A {dimension_numbers = #tpu.dot_dimension_numbers<[1], [0], [0], [1], [0, 0, 1, 1], [], []>, transpose_lhs_hint = false} : vector<5120x128xf32>, vector<128x128xf32>, vector<5120x128xf32> -> vector<5120x128xf32>
    %get3A_15 = arith.constant 0 : index
    %get3A_16 = arith.constant 0 : index
    %get3A_17 = vector.load %arg5[%get3A_15, %get3A_16] : memref<128x128xf32, #tpu.memory_space<vmem>>, vector<128x128xf32>
    %dot_general3A_18 = arith.constant dense<0.000000e+00> : vector<5120x128xf32>
    %dot_general3A_19 = tpu.matmul %reshape3A, %get3A_17, %dot_general3A_18 {dimension_numbers = #tpu.dot_dimension_numbers<[1], [0], [0], [1], [0, 0, 1, 1], [], []>, transpose_lhs_hint = false} : vector<5120x128xf32>, vector<128x128xf32>, vector<5120x128xf32> -> vector<5120x128xf32>
    %add3A = arith.addf %dot_general3A_14, %dot_general3A_19 : vector<5120x128xf32>
    %reshape3A_20 = vector.shape_cast %add3A : vector<5120x128xf32> to vector<256x20x128xf32>
    %reduce_max3A = arith.constant dense<0xFF800000> : vector<256x128xf32>
    %reduce_max3A_21 = vector.multi_reduction <maximumf>, %reshape3A_20, %reduce_max3A [1] : vector<256x20x128xf32> to vector<256x128xf32>
    %swap3A = arith.constant 0 : index
    %swap3A_22 = arith.constant 0 : index
    %swap3A_23 = arith.constant 0 : index
    %swap3A_24 = vector.load %arg6[%swap3A, %swap3A_22, %swap3A_23] : memref<1x256x128xf32, #tpu.memory_space<vmem>>, vector<1x256x128xf32>
    %swap3A_25 = vector.shape_cast %swap3A_24 : vector<1x256x128xf32> to vector<256x128xf32>
    %swap3A_26 = vector.shape_cast %reduce_max3A_21 : vector<256x128xf32> to vector<1x256x128xf32>
    tpu.vector_store %arg6[%swap3A, %swap3A_22, %swap3A_23], %swap3A_26 {strides = array<i32>} : memref<1x256x128xf32, #tpu.memory_space<vmem>>, vector<1x256x128xf32>,
    %reduce_sum3A = arith.constant dense<0.000000e+00> : vector<128xf32>
    %reduce_sum3A_27 = vector.multi_reduction <add>, %add3A, %reduce_sum3A [0] : vector<5120x128xf32> to vector<128xf32>
    %broadcast_in_dim3A_28 = vector.shape_cast %reduce_sum3A_27 : vector<128xf32> to vector<1x128xf32>
    %mul3A = arith.mulf %add3A, %add3A : vector<5120x128xf32>
    %reduce_sum3A_29 = arith.constant dense<0.000000e+00> : vector<128xf32>
    %reduce_sum3A_30 = vector.multi_reduction <add>, %mul3A, %reduce_sum3A_29 [0] : vector<5120x128xf32> to vector<128xf32>
    %broadcast_in_dim3A_31 = vector.shape_cast %reduce_sum3A_30 : vector<128xf32> to vector<1x128xf32>
    %concatenate3A = tpu.concatenate %broadcast_in_dim3A_28, %broadcast_in_dim3A_31 in 0 : vector<1x128xf32>, vector<1x128xf32> -> vector<2x128xf32>
    %swap3A_32 = arith.constant 0 : index
    %swap3A_33 = arith.constant 0 : index
    %swap3A_34 = arith.constant 0 : index
    %swap3A_35 = arith.constant 0 : index
    %swap3A_36 = vector.load %arg7[%swap3A_32, %swap3A_33, %swap3A_34, %swap3A_35] : memref<1x1x2x128xf32, #tpu.memory_space<vmem>>, vector<1x1x2x128xf32>
    %swap3A_37 = vector.shape_cast %swap3A_36 : vector<1x1x2x128xf32> to vector<2x128xf32>
    %swap3A_38 = vector.shape_cast %concatenate3A : vector<2x128xf32> to vector<1x1x2x128xf32>
    tpu.vector_store %arg7[%swap3A_32, %swap3A_33, %swap3A_34, %swap3A_35], %swap3A_38 {strides = array<i32>} : memref<1x1x2x128xf32, #tpu.memory_space<vmem>>, vector<1x1x2x128xf32>,
    return
  }
  func.func @transform_0(%arg0: i32, %arg1: i32) -> (i32, i32, i32) {
    %c0_i32 = arith.constant 0 : i32
    %c0_i32_0 = arith.constant 0 : i32
    return %arg0, %arg1, %c0_i32 : i32, i32, i32
  }
  func.func @transform_1(%arg0: i32, %arg1: i32) -> (i32, i32, i32) {
    %c0_i32 = arith.constant 0 : i32
    %c0_i32_0 = arith.constant 0 : i32
    return %arg0, %arg1, %c0_i32 : i32, i32, i32
  }
  func.func @transform_2(%arg0: i32, %arg1: i32) -> (i32, i32) {
    %c0_i32 = arith.constant 0 : i32
    %c0_i32_0 = arith.constant 0 : i32
    %c0_i32_1 = arith.constant 0 : i32
    return %c0_i32, %c0_i32_0 : i32, i32
  }
  func.func @transform_3(%arg0: i32, %arg1: i32) -> (i32, i32) {
    %c0_i32 = arith.constant 0 : i32
    %c0_i32_0 = arith.constant 0 : i32
    %c0_i32_1 = arith.constant 0 : i32
    return %c0_i32, %c0_i32_0 : i32, i32
  }
  func.func @transform_4(%arg0: i32, %arg1: i32) -> (i32, i32, i32) {
    %c0_i32 = arith.constant 0 : i32
    %c0_i32_0 = arith.constant 0 : i32
    return %arg0, %arg1, %c0_i32 : i32, i32, i32
  }
  func.func @transform_5(%arg0: i32, %arg1: i32) -> (i32, i32, i32, i32) {
    %c0_i32 = arith.constant 0 : i32
    %c0_i32_0 = arith.constant 0 : i32
    %c0_i32_1 = arith.constant 0 : i32
    return %arg0, %arg1, %c0_i32, %c0_i32_0 : i32, i32, i32, i32
  }
}

module attributes {stable_mosaic.version = 14 : i64} {
  func.func @_finish_body(%arg0: i32, %arg1: memref<2x128xf32, #tpu.memory_space<vmem>>, %arg2: memref<1024x128xf32, #tpu.memory_space<vmem>>, %arg3: memref<1024x128xf32, #tpu.memory_space<vmem>>) attributes {dimension_semantics = [#tpu.dimension_semantics<arbitrary>], iteration_bounds = array<i64: 16>, scalar_prefetch = 0 : i64, scratch_operands = 0 : i64, tpu.core_type = #tpu.core_type<tc>, window_params = [{pipeline_mode = #tpu.pipeline_mode<synchronous>, transform_indices = @transform_0, window_bounds = array<i64: 2, 128>}, {transform_indices = @transform_1, window_bounds = array<i64: 1024, 128>}, {transform_indices = @transform_2, window_bounds = array<i64: 1024, 128>}]} {
    %get3A = arith.constant 0 : index
    %get3A_0 = arith.constant 0 : index
    %get3A_1 = vector.load %arg1[%get3A, %get3A_0] : memref<2x128xf32, #tpu.memory_space<vmem>>, vector<2x128xf32>
    %get3A_2 = arith.constant 0 : index
    %get3A_3 = arith.constant 0 : index
    %get3A_4 = vector.load %arg2[%get3A_2, %get3A_3] : memref<1024x128xf32, #tpu.memory_space<vmem>>, vector<1024x128xf32>
    %slice3A = vector.extract_strided_slice %get3A_1 {offsets = [0, 0], sizes = [1, 128], strides = [1, 1]} : vector<2x128xf32> to vector<1x128xf32>
    %mul3A = vector.broadcast %slice3A : vector<1x128xf32> to vector<1024x128xf32>
    %mul3A_5 = arith.mulf %get3A_4, %mul3A : vector<1024x128xf32>
    %slice3A_6 = vector.extract_strided_slice %get3A_1 {offsets = [1, 0], sizes = [1, 128], strides = [1, 1]} : vector<2x128xf32> to vector<1x128xf32>
    %add3A = vector.broadcast %slice3A_6 : vector<1x128xf32> to vector<1024x128xf32>
    %add3A_7 = arith.addf %mul3A_5, %add3A : vector<1024x128xf32>
    %ge3A = arith.constant 0.000000e+00 : f32
    %ge3A_8 = vector.broadcast %ge3A : f32 to vector<1024x128xf32>
    %ge3A_9 = arith.cmpf oge, %add3A_7, %ge3A_8 : vector<1024x128xf32>
    %mul3A_10 = arith.constant 2.000000e-01 : f32
    %mul3A_11 = vector.broadcast %mul3A_10 : f32 to vector<1024x128xf32>
    %mul3A_12 = arith.mulf %mul3A_11, %add3A_7 : vector<1024x128xf32>
    %select_n3A = arith.select %ge3A_9, %add3A_7, %mul3A_12 : vector<1024x128xi1>, vector<1024x128xf32>
    %swap3A = arith.constant 0 : index
    %swap3A_13 = arith.constant 0 : index
    %swap3A_14 = vector.load %arg3[%swap3A, %swap3A_13] : memref<1024x128xf32, #tpu.memory_space<vmem>>, vector<1024x128xf32>
    tpu.vector_store %arg3[%swap3A, %swap3A_13], %select_n3A {strides = array<i32>} : memref<1024x128xf32, #tpu.memory_space<vmem>>, vector<1024x128xf32>,
    return
  }
  func.func @transform_0(%arg0: i32) -> (i32, i32) {
    %c0_i32 = arith.constant 0 : i32
    %c0_i32_0 = arith.constant 0 : i32
    %c0_i32_1 = arith.constant 0 : i32
    return %c0_i32, %c0_i32_0 : i32, i32
  }
  func.func @transform_1(%arg0: i32) -> (i32, i32) {
    %c0_i32 = arith.constant 0 : i32
    %c0_i32_0 = arith.constant 0 : i32
    return %arg0, %c0_i32 : i32, i32
  }
  func.func @transform_2(%arg0: i32) -> (i32, i32) {
    %c0_i32 = arith.constant 0 : i32
    %c0_i32_0 = arith.constant 0 : i32
    return %arg0, %c0_i32 : i32, i32
  }
}

module attributes {stable_mosaic.version = 14 : i64} {
  func.func @_edge_body(%arg0: i32, %arg1: i32, %arg2: memref<1x5120x128xf32, #tpu.memory_space<vmem>>, %arg3: memref<1x256x128xf32, #tpu.memory_space<vmem>>, %arg4: memref<128x256xf32, #tpu.memory_space<vmem>>, %arg5: memref<128x256xf32, #tpu.memory_space<vmem>>, %arg6: memref<1x256x256xf32, #tpu.memory_space<vmem>>, %arg7: memref<1x1x2x256xf32, #tpu.memory_space<vmem>>) attributes {dimension_semantics = [#tpu.dimension_semantics<arbitrary>, #tpu.dimension_semantics<arbitrary>], iteration_bounds = array<i64: 8, 8>, scalar_prefetch = 0 : i64, scratch_operands = 0 : i64, tpu.core_type = #tpu.core_type<tc>, window_params = [{transform_indices = @transform_0, window_bounds = array<i64: 1, 5120, 128>}, {transform_indices = @transform_1, window_bounds = array<i64: 1, 256, 128>}, {pipeline_mode = #tpu.pipeline_mode<synchronous>, transform_indices = @transform_2, window_bounds = array<i64: 128, 256>}, {pipeline_mode = #tpu.pipeline_mode<synchronous>, transform_indices = @transform_3, window_bounds = array<i64: 128, 256>}, {transform_indices = @transform_4, window_bounds = array<i64: 1, 256, 256>}, {transform_indices = @transform_5, window_bounds = array<i64: 1, 1, 2, 256>}]} {
    %get3A = arith.constant 0 : index
    %get3A_0 = arith.constant 0 : index
    %get3A_1 = arith.constant 0 : index
    %get3A_2 = vector.load %arg3[%get3A, %get3A_0, %get3A_1] : memref<1x256x128xf32, #tpu.memory_space<vmem>>, vector<1x256x128xf32>
    %get3A_3 = vector.shape_cast %get3A_2 : vector<1x256x128xf32> to vector<256x128xf32>
    %get3A_4 = arith.constant 0 : index
    %get3A_5 = arith.constant 0 : index
    %get3A_6 = arith.constant 0 : index
    %get3A_7 = vector.load %arg2[%get3A_4, %get3A_5, %get3A_6] : memref<1x5120x128xf32, #tpu.memory_space<vmem>>, vector<1x5120x128xf32>
    %get3A_8 = vector.shape_cast %get3A_7 : vector<1x5120x128xf32> to vector<5120x128xf32>
    %broadcast_in_dim3A = vector.shape_cast %get3A_3 : vector<256x128xf32> to vector<256x1x128xf32>
    %broadcast_in_dim3A_9 = vector.shape_cast %broadcast_in_dim3A : vector<256x1x128xf32> to vector<256x1x128xf32>
    %broadcast_in_dim3A_10 = vector.broadcast %broadcast_in_dim3A_9 : vector<256x1x128xf32> to vector<256x20x128xf32>
    %reshape3A = vector.shape_cast %broadcast_in_dim3A_10 : vector<256x20x128xf32> to vector<5120x128xf32>
    %sub3A = arith.subf %get3A_8, %reshape3A : vector<5120x128xf32>
    %get3A_11 = arith.constant 0 : index
    %get3A_12 = arith.constant 0 : index
    %get3A_13 = vector.load %arg4[%get3A_11, %get3A_12] : memref<128x256xf32, #tpu.memory_space<vmem>>, vector<128x256xf32>
    %dot_general3A = arith.constant dense<0.000000e+00> : vector<5120x256xf32>
    %dot_general3A_14 = tpu.matmul %sub3A, %get3A_13, %dot_general3A {dimension_numbers = #tpu.dot_dimension_numbers<[1], [0], [0], [1], [0, 0, 1, 1], [], []>, transpose_lhs_hint = false} : vector<5120x128xf32>, vector<128x256xf32>, vector<5120x256xf32> -> vector<5120x256xf32>
    %get3A_15 = arith.constant 0 : index
    %get3A_16 = arith.constant 0 : index
    %get3A_17 = vector.load %arg5[%get3A_15, %get3A_16] : memref<128x256xf32, #tpu.memory_space<vmem>>, vector<128x256xf32>
    %dot_general3A_18 = arith.constant dense<0.000000e+00> : vector<5120x256xf32>
    %dot_general3A_19 = tpu.matmul %reshape3A, %get3A_17, %dot_general3A_18 {dimension_numbers = #tpu.dot_dimension_numbers<[1], [0], [0], [1], [0, 0, 1, 1], [], []>, transpose_lhs_hint = false} : vector<5120x128xf32>, vector<128x256xf32>, vector<5120x256xf32> -> vector<5120x256xf32>
    %add3A = arith.addf %dot_general3A_14, %dot_general3A_19 : vector<5120x256xf32>
    %reshape3A_20 = vector.shape_cast %add3A : vector<5120x256xf32> to vector<256x20x256xf32>
    %reduce_max3A = arith.constant dense<0xFF800000> : vector<256x256xf32>
    %reduce_max3A_21 = vector.multi_reduction <maximumf>, %reshape3A_20, %reduce_max3A [1] : vector<256x20x256xf32> to vector<256x256xf32>
    %swap3A = arith.constant 0 : index
    %swap3A_22 = arith.constant 0 : index
    %swap3A_23 = arith.constant 0 : index
    %swap3A_24 = vector.load %arg6[%swap3A, %swap3A_22, %swap3A_23] : memref<1x256x256xf32, #tpu.memory_space<vmem>>, vector<1x256x256xf32>
    %swap3A_25 = vector.shape_cast %swap3A_24 : vector<1x256x256xf32> to vector<256x256xf32>
    %swap3A_26 = vector.shape_cast %reduce_max3A_21 : vector<256x256xf32> to vector<1x256x256xf32>
    tpu.vector_store %arg6[%swap3A, %swap3A_22, %swap3A_23], %swap3A_26 {strides = array<i32>} : memref<1x256x256xf32, #tpu.memory_space<vmem>>, vector<1x256x256xf32>,
    %reduce_sum3A = arith.constant dense<0.000000e+00> : vector<256xf32>
    %reduce_sum3A_27 = vector.multi_reduction <add>, %add3A, %reduce_sum3A [0] : vector<5120x256xf32> to vector<256xf32>
    %broadcast_in_dim3A_28 = vector.shape_cast %reduce_sum3A_27 : vector<256xf32> to vector<1x256xf32>
    %mul3A = arith.mulf %add3A, %add3A : vector<5120x256xf32>
    %reduce_sum3A_29 = arith.constant dense<0.000000e+00> : vector<256xf32>
    %reduce_sum3A_30 = vector.multi_reduction <add>, %mul3A, %reduce_sum3A_29 [0] : vector<5120x256xf32> to vector<256xf32>
    %broadcast_in_dim3A_31 = vector.shape_cast %reduce_sum3A_30 : vector<256xf32> to vector<1x256xf32>
    %concatenate3A = tpu.concatenate %broadcast_in_dim3A_28, %broadcast_in_dim3A_31 in 0 : vector<1x256xf32>, vector<1x256xf32> -> vector<2x256xf32>
    %swap3A_32 = arith.constant 0 : index
    %swap3A_33 = arith.constant 0 : index
    %swap3A_34 = arith.constant 0 : index
    %swap3A_35 = arith.constant 0 : index
    %swap3A_36 = vector.load %arg7[%swap3A_32, %swap3A_33, %swap3A_34, %swap3A_35] : memref<1x1x2x256xf32, #tpu.memory_space<vmem>>, vector<1x1x2x256xf32>
    %swap3A_37 = vector.shape_cast %swap3A_36 : vector<1x1x2x256xf32> to vector<2x256xf32>
    %swap3A_38 = vector.shape_cast %concatenate3A : vector<2x256xf32> to vector<1x1x2x256xf32>
    tpu.vector_store %arg7[%swap3A_32, %swap3A_33, %swap3A_34, %swap3A_35], %swap3A_38 {strides = array<i32>} : memref<1x1x2x256xf32, #tpu.memory_space<vmem>>, vector<1x1x2x256xf32>,
    return
  }
  func.func @transform_0(%arg0: i32, %arg1: i32) -> (i32, i32, i32) {
    %c0_i32 = arith.constant 0 : i32
    %c0_i32_0 = arith.constant 0 : i32
    return %arg0, %arg1, %c0_i32 : i32, i32, i32
  }
  func.func @transform_1(%arg0: i32, %arg1: i32) -> (i32, i32, i32) {
    %c0_i32 = arith.constant 0 : i32
    %c0_i32_0 = arith.constant 0 : i32
    return %arg0, %arg1, %c0_i32 : i32, i32, i32
  }
  func.func @transform_2(%arg0: i32, %arg1: i32) -> (i32, i32) {
    %c0_i32 = arith.constant 0 : i32
    %c0_i32_0 = arith.constant 0 : i32
    %c0_i32_1 = arith.constant 0 : i32
    return %c0_i32, %c0_i32_0 : i32, i32
  }
  func.func @transform_3(%arg0: i32, %arg1: i32) -> (i32, i32) {
    %c0_i32 = arith.constant 0 : i32
    %c0_i32_0 = arith.constant 0 : i32
    %c0_i32_1 = arith.constant 0 : i32
    return %c0_i32, %c0_i32_0 : i32, i32
  }
  func.func @transform_4(%arg0: i32, %arg1: i32) -> (i32, i32, i32) {
    %c0_i32 = arith.constant 0 : i32
    %c0_i32_0 = arith.constant 0 : i32
    return %arg0, %arg1, %c0_i32 : i32, i32, i32
  }
  func.func @transform_5(%arg0: i32, %arg1: i32) -> (i32, i32, i32, i32) {
    %c0_i32 = arith.constant 0 : i32
    %c0_i32_0 = arith.constant 0 : i32
    %c0_i32_1 = arith.constant 0 : i32
    return %arg0, %arg1, %c0_i32, %c0_i32_0 : i32, i32, i32, i32
  }
}

module attributes {stable_mosaic.version = 14 : i64} {
  func.func @_finish_body(%arg0: i32, %arg1: memref<2x256xf32, #tpu.memory_space<vmem>>, %arg2: memref<1024x256xf32, #tpu.memory_space<vmem>>, %arg3: memref<1024x256xf32, #tpu.memory_space<vmem>>) attributes {dimension_semantics = [#tpu.dimension_semantics<arbitrary>], iteration_bounds = array<i64: 16>, scalar_prefetch = 0 : i64, scratch_operands = 0 : i64, tpu.core_type = #tpu.core_type<tc>, window_params = [{pipeline_mode = #tpu.pipeline_mode<synchronous>, transform_indices = @transform_0, window_bounds = array<i64: 2, 256>}, {transform_indices = @transform_1, window_bounds = array<i64: 1024, 256>}, {transform_indices = @transform_2, window_bounds = array<i64: 1024, 256>}]} {
    %get3A = arith.constant 0 : index
    %get3A_0 = arith.constant 0 : index
    %get3A_1 = vector.load %arg1[%get3A, %get3A_0] : memref<2x256xf32, #tpu.memory_space<vmem>>, vector<2x256xf32>
    %get3A_2 = arith.constant 0 : index
    %get3A_3 = arith.constant 0 : index
    %get3A_4 = vector.load %arg2[%get3A_2, %get3A_3] : memref<1024x256xf32, #tpu.memory_space<vmem>>, vector<1024x256xf32>
    %slice3A = vector.extract_strided_slice %get3A_1 {offsets = [0, 0], sizes = [1, 256], strides = [1, 1]} : vector<2x256xf32> to vector<1x256xf32>
    %mul3A = vector.broadcast %slice3A : vector<1x256xf32> to vector<1024x256xf32>
    %mul3A_5 = arith.mulf %get3A_4, %mul3A : vector<1024x256xf32>
    %slice3A_6 = vector.extract_strided_slice %get3A_1 {offsets = [1, 0], sizes = [1, 256], strides = [1, 1]} : vector<2x256xf32> to vector<1x256xf32>
    %add3A = vector.broadcast %slice3A_6 : vector<1x256xf32> to vector<1024x256xf32>
    %add3A_7 = arith.addf %mul3A_5, %add3A : vector<1024x256xf32>
    %ge3A = arith.constant 0.000000e+00 : f32
    %ge3A_8 = vector.broadcast %ge3A : f32 to vector<1024x256xf32>
    %ge3A_9 = arith.cmpf oge, %add3A_7, %ge3A_8 : vector<1024x256xf32>
    %mul3A_10 = arith.constant 2.000000e-01 : f32
    %mul3A_11 = vector.broadcast %mul3A_10 : f32 to vector<1024x256xf32>
    %mul3A_12 = arith.mulf %mul3A_11, %add3A_7 : vector<1024x256xf32>
    %select_n3A = arith.select %ge3A_9, %add3A_7, %mul3A_12 : vector<1024x256xi1>, vector<1024x256xf32>
    %swap3A = arith.constant 0 : index
    %swap3A_13 = arith.constant 0 : index
    %swap3A_14 = vector.load %arg3[%swap3A, %swap3A_13] : memref<1024x256xf32, #tpu.memory_space<vmem>>, vector<1024x256xf32>
    tpu.vector_store %arg3[%swap3A, %swap3A_13], %select_n3A {strides = array<i32>} : memref<1024x256xf32, #tpu.memory_space<vmem>>, vector<1024x256xf32>,
    return
  }
  func.func @transform_0(%arg0: i32) -> (i32, i32) {
    %c0_i32 = arith.constant 0 : i32
    %c0_i32_0 = arith.constant 0 : i32
    %c0_i32_1 = arith.constant 0 : i32
    return %c0_i32, %c0_i32_0 : i32, i32
  }
  func.func @transform_1(%arg0: i32) -> (i32, i32) {
    %c0_i32 = arith.constant 0 : i32
    %c0_i32_0 = arith.constant 0 : i32
    return %arg0, %c0_i32 : i32, i32
  }
  func.func @transform_2(%arg0: i32) -> (i32, i32) {
    %c0_i32 = arith.constant 0 : i32
    %c0_i32_0 = arith.constant 0 : i32
    return %arg0, %c0_i32 : i32, i32
  }
}

module attributes {stable_mosaic.version = 14 : i64} {
  func.func @_final_body(%arg0: i32, %arg1: i32, %arg2: memref<1x256x128xf32, #tpu.memory_space<vmem>>, %arg3: memref<1x256x128xf32, #tpu.memory_space<vmem>>, %arg4: memref<1x256x128xf32, #tpu.memory_space<vmem>>, %arg5: memref<1x256x256xf32, #tpu.memory_space<vmem>>, %arg6: memref<512x512xf32, #tpu.memory_space<vmem>>, %arg7: memref<1x1x1x512xf32, #tpu.memory_space<vmem>>, %arg8: memref<1x1x2x512xf32, #tpu.memory_space<vmem>>) attributes {dimension_semantics = [#tpu.dimension_semantics<arbitrary>, #tpu.dimension_semantics<arbitrary>], iteration_bounds = array<i64: 8, 8>, scalar_prefetch = 0 : i64, scratch_operands = 0 : i64, tpu.core_type = #tpu.core_type<tc>, window_params = [{transform_indices = @transform_0, window_bounds = array<i64: 1, 256, 128>}, {transform_indices = @transform_1, window_bounds = array<i64: 1, 256, 128>}, {transform_indices = @transform_2, window_bounds = array<i64: 1, 256, 128>}, {transform_indices = @transform_3, window_bounds = array<i64: 1, 256, 256>}, {pipeline_mode = #tpu.pipeline_mode<synchronous>, transform_indices = @transform_4, window_bounds = array<i64: 512, 512>}, {transform_indices = @transform_5, window_bounds = array<i64: 1, 1, 1, 512>}, {transform_indices = @transform_6, window_bounds = array<i64: 1, 1, 2, 512>}]} {
    %get3A = arith.constant 0 : index
    %get3A_0 = arith.constant 0 : index
    %get3A_1 = arith.constant 0 : index
    %get3A_2 = vector.load %arg2[%get3A, %get3A_0, %get3A_1] : memref<1x256x128xf32, #tpu.memory_space<vmem>>, vector<1x256x128xf32>
    %get3A_3 = vector.shape_cast %get3A_2 : vector<1x256x128xf32> to vector<256x128xf32>
    %slice3A = vector.extract_strided_slice %get3A_3 {offsets = [0, 0], sizes = [256, 64], strides = [1, 1]} : vector<256x128xf32> to vector<256x64xf32>
    %get3A_4 = arith.constant 0 : index
    %get3A_5 = arith.constant 0 : index
    %get3A_6 = arith.constant 0 : index
    %get3A_7 = vector.load %arg3[%get3A_4, %get3A_5, %get3A_6] : memref<1x256x128xf32, #tpu.memory_space<vmem>>, vector<1x256x128xf32>
    %get3A_8 = vector.shape_cast %get3A_7 : vector<1x256x128xf32> to vector<256x128xf32>
    %slice3A_9 = vector.extract_strided_slice %get3A_8 {offsets = [0, 0], sizes = [256, 64], strides = [1, 1]} : vector<256x128xf32> to vector<256x64xf32>
    %get3A_10 = arith.constant 0 : index
    %get3A_11 = arith.constant 0 : index
    %get3A_12 = arith.constant 0 : index
    %get3A_13 = vector.load %arg4[%get3A_10, %get3A_11, %get3A_12] : memref<1x256x128xf32, #tpu.memory_space<vmem>>, vector<1x256x128xf32>
    %get3A_14 = vector.shape_cast %get3A_13 : vector<1x256x128xf32> to vector<256x128xf32>
    %get3A_15 = arith.constant 0 : index
    %get3A_16 = arith.constant 0 : index
    %get3A_17 = arith.constant 0 : index
    %get3A_18 = vector.load %arg5[%get3A_15, %get3A_16, %get3A_17] : memref<1x256x256xf32, #tpu.memory_space<vmem>>, vector<1x256x256xf32>
    %get3A_19 = vector.shape_cast %get3A_18 : vector<1x256x256xf32> to vector<256x256xf32>
    %concatenate3A = tpu.concatenate %slice3A, %slice3A_9, %get3A_14, %get3A_19 in 1 : vector<256x64xf32>, vector<256x64xf32>, vector<256x128xf32>, vector<256x256xf32> -> vector<256x512xf32>
    %get3A_20 = arith.constant 0 : index
    %get3A_21 = arith.constant 0 : index
    %get3A_22 = vector.load %arg6[%get3A_20, %get3A_21] : memref<512x512xf32, #tpu.memory_space<vmem>>, vector<512x512xf32>
    %dot_general3A = arith.constant dense<0.000000e+00> : vector<256x512xf32>
    %dot_general3A_23 = tpu.matmul %concatenate3A, %get3A_22, %dot_general3A {dimension_numbers = #tpu.dot_dimension_numbers<[1], [0], [0], [1], [0, 0, 1, 1], [], []>, transpose_lhs_hint = false} : vector<256x512xf32>, vector<512x512xf32>, vector<256x512xf32> -> vector<256x512xf32>
    %reduce_max3A = arith.constant dense<0xFF800000> : vector<512xf32>
    %reduce_max3A_24 = vector.multi_reduction <maximumf>, %dot_general3A_23, %reduce_max3A [0] : vector<256x512xf32> to vector<512xf32>
    %broadcast_in_dim3A = vector.shape_cast %reduce_max3A_24 : vector<512xf32> to vector<1x512xf32>
    %swap3A = arith.constant 0 : index
    %swap3A_25 = arith.constant 0 : index
    %swap3A_26 = arith.constant 0 : index
    %swap3A_27 = arith.constant 0 : index
    %swap3A_28 = vector.load %arg7[%swap3A, %swap3A_25, %swap3A_26, %swap3A_27] : memref<1x1x1x512xf32, #tpu.memory_space<vmem>>, vector<1x1x1x512xf32>
    %swap3A_29 = vector.shape_cast %swap3A_28 : vector<1x1x1x512xf32> to vector<1x512xf32>
    %swap3A_30 = vector.shape_cast %broadcast_in_dim3A : vector<1x512xf32> to vector<1x1x1x512xf32>
    tpu.vector_store %arg7[%swap3A, %swap3A_25, %swap3A_26, %swap3A_27], %swap3A_30 {strides = array<i32>} : memref<1x1x1x512xf32, #tpu.memory_space<vmem>>, vector<1x1x1x512xf32>,
    %reduce_sum3A = arith.constant dense<0.000000e+00> : vector<512xf32>
    %reduce_sum3A_31 = vector.multi_reduction <add>, %dot_general3A_23, %reduce_sum3A [0] : vector<256x512xf32> to vector<512xf32>
    %broadcast_in_dim3A_32 = vector.shape_cast %reduce_sum3A_31 : vector<512xf32> to vector<1x512xf32>
    %mul3A = arith.mulf %dot_general3A_23, %dot_general3A_23 : vector<256x512xf32>
    %reduce_sum3A_33 = arith.constant dense<0.000000e+00> : vector<512xf32>
    %reduce_sum3A_34 = vector.multi_reduction <add>, %mul3A, %reduce_sum3A_33 [0] : vector<256x512xf32> to vector<512xf32>
    %broadcast_in_dim3A_35 = vector.shape_cast %reduce_sum3A_34 : vector<512xf32> to vector<1x512xf32>
    %concatenate3A_36 = tpu.concatenate %broadcast_in_dim3A_32, %broadcast_in_dim3A_35 in 0 : vector<1x512xf32>, vector<1x512xf32> -> vector<2x512xf32>
    %swap3A_37 = arith.constant 0 : index
    %swap3A_38 = arith.constant 0 : index
    %swap3A_39 = arith.constant 0 : index
    %swap3A_40 = arith.constant 0 : index
    %swap3A_41 = vector.load %arg8[%swap3A_37, %swap3A_38, %swap3A_39, %swap3A_40] : memref<1x1x2x512xf32, #tpu.memory_space<vmem>>, vector<1x1x2x512xf32>
    %swap3A_42 = vector.shape_cast %swap3A_41 : vector<1x1x2x512xf32> to vector<2x512xf32>
    %swap3A_43 = vector.shape_cast %concatenate3A_36 : vector<2x512xf32> to vector<1x1x2x512xf32>
    tpu.vector_store %arg8[%swap3A_37, %swap3A_38, %swap3A_39, %swap3A_40], %swap3A_43 {strides = array<i32>} : memref<1x1x2x512xf32, #tpu.memory_space<vmem>>, vector<1x1x2x512xf32>,
    return
  }
  func.func @transform_0(%arg0: i32, %arg1: i32) -> (i32, i32, i32) {
    %c0_i32 = arith.constant 0 : i32
    %c0_i32_0 = arith.constant 0 : i32
    return %arg0, %arg1, %c0_i32 : i32, i32, i32
  }
  func.func @transform_1(%arg0: i32, %arg1: i32) -> (i32, i32, i32) {
    %c0_i32 = arith.constant 0 : i32
    %c0_i32_0 = arith.constant 0 : i32
    return %arg0, %arg1, %c0_i32 : i32, i32, i32
  }
  func.func @transform_2(%arg0: i32, %arg1: i32) -> (i32, i32, i32) {
    %c0_i32 = arith.constant 0 : i32
    %c0_i32_0 = arith.constant 0 : i32
    return %arg0, %arg1, %c0_i32 : i32, i32, i32
  }
  func.func @transform_3(%arg0: i32, %arg1: i32) -> (i32, i32, i32) {
    %c0_i32 = arith.constant 0 : i32
    %c0_i32_0 = arith.constant 0 : i32
    return %arg0, %arg1, %c0_i32 : i32, i32, i32
  }
  func.func @transform_4(%arg0: i32, %arg1: i32) -> (i32, i32) {
    %c0_i32 = arith.constant 0 : i32
    %c0_i32_0 = arith.constant 0 : i32
    %c0_i32_1 = arith.constant 0 : i32
    return %c0_i32, %c0_i32_0 : i32, i32
  }
  func.func @transform_5(%arg0: i32, %arg1: i32) -> (i32, i32, i32, i32) {
    %c0_i32 = arith.constant 0 : i32
    %c0_i32_0 = arith.constant 0 : i32
    %c0_i32_1 = arith.constant 0 : i32
    return %arg0, %arg1, %c0_i32, %c0_i32_0 : i32, i32, i32, i32
  }
  func.func @transform_6(%arg0: i32, %arg1: i32) -> (i32, i32, i32, i32) {
    %c0_i32 = arith.constant 0 : i32
    %c0_i32_0 = arith.constant 0 : i32
    %c0_i32_1 = arith.constant 0 : i32
    return %arg0, %arg1, %c0_i32, %c0_i32_0 : i32, i32, i32, i32
  }
}

</mosaic_0001>

<sc_bundles>
// kernel: kernel.19.cloned.1.call-start
scs
__scs_entry_jumppad:
0x0: {  	(pc) =	sbr.rel $0x88, $3  }
0x1: {  	(tag) =	ssettag $0x0;
	lr =	simm.s32 $0x1  }
0x2: {  	[smem:$0x3F91] =	sst lr;
	_ =	strace $0xD0000000  }
0x3: {  	_ = 	snop  }
0x4: {  	_ = 	snop  }
0x5: {  	_ = 	snop  }
0x6: {  	_ = 	snop  }
0x7: {  	_ = 	snop  }
__scs_overlays_trampoline_lowered:
0x8: {  	[smem:$0x3FA0] =	sst s0  }
0x9: {  	[smem:$0x3FA1] =	sst s1  }
0xa: {  	[smem:$0x3FA2] =	sst s2  }
0xb: {  	[smem:$0x3FA3] =	sst s3  }
0xc: {  	[smem:$0x3FA4] =	sst s4  }
0xd: {  	[smem:$0x3FA5] =	sst s5  }
0xe: {  	[smem:$0x3FA6] =	sst s6  }
0xf: {  	[smem:$0x3FA7] =	sst s7  }
0x10: {  	[smem:$0x3FA8] =	sst s8  }
0x11: {  	[smem:$0x3FA9] =	sst s9;
	s0 =	simm.s32 @!p0 $0x0  }
0x12: {  	s1 =	sld [smem:$0x3F8F];
	s0 =	simm.s32 @p0 $0x1  }
0x13: {  	[smem:$0x3FAA] =	sst s0;
	s0 =	simm.s32 @!p1 $0x0  }
0x14: {  	s2 =	sld [smem:$0x3F8E];
	s0 =	simm.s32 @p1 $0x1  }
0x15: {  	[smem:$0x3FAB] =	sst s0;
	s0 =	simm.s32 @!p2 $0x0  }
0x16: {  	s3 =	sld [smem:$0x3FDB];
	s0 =	simm.s32 @p2 $0x1  }
0x17: {  	s4 =	simm.s32 $0x1BF5;
	[smem:$0x3FAD] =	sst s0  }
0x18: {  	s0 =	sld [smem:$0x3F90];
	_ =	swait.ge [sflag:s4], $0x0  }
0x19: {  	s7 =	sld [smem:$0x3F91]  }
0x1a: {  	s8 =	sadd.s32 $0xFFFFE003, lr  }
0x1b: {  	s9 =	sadd.s32 $0xFFFFFEF7, lr;
	s5 =	simm.s32 $0xFFFFFFFF;
	p2 =	slt.u32 s8, $0xFFFFF086  }
0x1c: {  	p1 =	slt.u32 s9, $0xF7A;
	s5 =	simm.s32 @!p2 $0x0  }
0x1d: {  	s5 =	simm.s32 @p1 $0x1;
	p0 =	seq.s32 s7, s2  }
0x1e: {  	s7 =	smul.u32 @!p0 $0xF7A, s2;
	p2 =	seq.s32 @!p0 s5, $0x0  }
0x1f: {  	s9 =	smul.u32 $0xF7A, s1;
	s8 =	simm.s32 @!p0 $0x1BF5;
	p2 =	por !p2, p0  }
0x20: {  	[sflag:s8] =	ssyncset.s32 @!p0 $0xFFFFF086;
	s6 =	sadd.s32 @!p0 s3, s7;
	s7 =	simm.s32 @!p0 $0x108  }
0x21: {  	s3 =	sadd.s32 s3, s9;
	s6 =	sadd.s32 @!p0 $0x88, s6;
	s7 =	simm.s32 @p2 $0x1082  }
0x22: {  	[simem:s7], [sflag:s8] =	dma.local @!p0 [hbm:s6], $0xF7A  }
0x23: {  	s9 =	sor.u32 $0xD0000000, s2;
	s6 =	simm.s32 $0x108;
	_ =	swait.ge @!p0 [sflag:s8], $0x0  }
0x24: {  	s3 =	sadd.s32 $0x88, s3;
	s6 =	simm.s32 @!p1 $0x1082;
	[sflag:s4] =	ssyncset.s32 $0xFFFFF086  }
0x25: {  	[simem:s6], [sflag:s4] =	dma.local [hbm:s3], $0xF7A  }
0x26: {  	[smem:$0x3F91] =	sst s1;
	(tag) =	ssettag s2;
	_ =	strace s9  }
0x27: {  	s1 =	sld [smem:$0x3FA1]  }
0x28: {  	s2 =	sld [smem:$0x3FA2]  }
0x29: {  	s4 =	sld [smem:$0x3FA4]  }
0x2a: {  	p0 =	seq.s32 s5, $0x0;
	s5 =	sld [smem:$0x3FA5]  }
0x2b: {  	s6 =	sld [smem:$0x3FA6]  }
0x2c: {  	s7 =	sld [smem:$0x3FA7]  }
0x2d: {  	s3 =	simm.s32 $0x108;
	s8 =	sld [smem:$0x3FA8]  }
0x2e: {  	s3 =	simm.s32 @!p0 $0x1082;
	s9 =	sld [smem:$0x3FA9]  }
0x2f: {  	lr =	sadd.s32 s0, s3;
	s0 =	sld [smem:$0x3FA0]  }
0x30: {  	s3 =	sld [smem:$0x3FA3]  }
0x31: {  	[smem:$0x3FAC] =	sst s10  }
0x32: {  	s10 =	sld [smem:$0x3FAA];
	_ =	sdelay $0x3  }
0x33: {  	p0 =	seq.s32 s10, $0x1;
	s10 =	sld [smem:$0x3FAC];
	_ =	sdelay $0x3  }
0x34: {  	[smem:$0x3FAC] =	sst s10  }
0x35: {  	s10 =	sld [smem:$0x3FAB];
	_ =	sdelay $0x3  }
0x36: {  	p1 =	seq.s32 s10, $0x1;
	s10 =	sld [smem:$0x3FAC];
	_ =	sdelay $0x3  }
0x37: {  	[smem:$0x3FAC] =	sst s10  }
0x38: {  	s10 =	sld [smem:$0x3FAD]  }
0x39: {  	_ = 	snop;
	(pc) =	sbr.ind lr, $3  }
0x3a: {  	_ = 	snop  }
0x3b: {  	_ = 	snop  }
0x3c: {  	p2 =	seq.s32 s10, $0x1;
	s10 =	sld [smem:$0x3FAC]  }
0x3d: {  	_ =	shalt  }
0x3e: {  	_ =	shalt  }
0x3f: {  	_ =	shalt  }
0x40: {  	_ =	shalt  }
0x41: {  	_ =	shalt  }
0x42: {  	_ =	shalt  }
0x43: {  	_ =	shalt  }
0x44: {  	_ =	shalt  }
0x45: {  	_ =	shalt  }
0x46: {  	_ =	shalt  }
0x47: {  	_ =	shalt  }
0x48: {  	_ =	shalt  }
0x49: {  	_ =	shalt  }
0x4a: {  	_ =	shalt  }
0x4b: {  	_ =	shalt  }
0x4c: {  	_ =	shalt  }
0x4d: {  	_ =	shalt  }
0x4e: {  	_ =	shalt  }
0x4f: {  	_ =	shalt  }
0x50: {  	_ =	shalt  }
0x51: {  	_ =	shalt  }
0x52: {  	_ =	shalt  }
0x53: {  	_ =	shalt  }
0x54: {  	_ =	shalt  }
0x55: {  	_ =	shalt  }
0x56: {  	_ =	shalt  }
0x57: {  	_ =	shalt  }
0x58: {  	_ =	shalt  }
0x59: {  	_ =	shalt  }
0x5a: {  	_ =	shalt  }
0x5b: {  	_ =	shalt  }
0x5c: {  	_ =	shalt  }
0x5d: {  	_ =	shalt  }
0x5e: {  	_ =	shalt  }
0x5f: {  	_ =	shalt  }
0x60: {  	_ =	shalt  }
0x61: {  	_ =	shalt  }
0x62: {  	_ =	shalt  }
0x63: {  	_ =	shalt  }
0x64: {  	_ =	shalt  }
0x65: {  	_ =	shalt  }
0x66: {  	_ =	shalt  }
0x67: {  	_ =	shalt  }
0x68: {  	_ =	shalt  }
0x69: {  	_ =	shalt  }
0x6a: {  	_ =	shalt  }
0x6b: {  	_ =	shalt  }
0x6c: {  	_ =	shalt  }
0x6d: {  	_ =	shalt  }
0x6e: {  	_ =	shalt  }
0x6f: {  	_ =	shalt  }
0x70: {  	_ =	shalt  }
0x71: {  	_ =	shalt  }
0x72: {  	_ =	shalt  }
0x73: {  	_ =	shalt  }
0x74: {  	_ =	shalt  }
0x75: {  	_ =	shalt  }
0x76: {  	_ =	shalt  }
0x77: {  	_ =	shalt  }
0x78: {  	_ =	shalt  }
0x79: {  	_ =	shalt  }
0x7a: {  	_ =	shalt  }
0x7b: {  	_ =	shalt  }
0x7c: {  	_ =	shalt  }
0x7d: {  	_ =	shalt  }
0x7e: {  	_ =	shalt  }
0x7f: {  	_ =	shalt  }
0x80: {  	_ =	shalt  }
0x81: {  	_ =	shalt  }
0x82: {  	_ =	shalt  }
0x83: {  	_ =	shalt  }
0x84: {  	_ =	shalt  }
0x85: {  	_ =	shalt  }
0x86: {  	_ =	shalt  }
0x87: {  	_ =	shalt  }
.Lfunc_end0:
.L_simem_size_0:
called_computation_lowered:
.L_overlay_start_0:
0x88: {  	s2 =	sld [smem:$0x3FD9]  }
0x89: {  	s3 =	sld [smem:$0x3FFE];
	_ =	sdelay $0x1  }
0x8a: {  	s1 =	srdreg.scid  }
0x8b: {  	s0 =	sand.u32 $0x1, s1  }
0x8c: {  	s16 =	sshll.u32 s0, $0xA;
	s2 =	sadd.s32 s3, s2  }
0x8d: {  	s2 =	sadd.s32 s2, s16  }
0x8e: {  	[smem:$0x3FB8] =	sst s2  }
0x8f: {  	_ = 	snop  }
0x90: {  	(tm) =	ssettm $0x1  }
0x91: {  	s17 =	sld [smem:$0x3FFB];
	_ =	sdelay $0x3  }
0x92: {  	_ =	strace s17  }
0x93: {  	s2 =	sld [smem:$0x3FFC];
	_ =	sdelay $0x3  }
0x94: {  	_ =	strace s2  }
0x95: {  	s2 =	sld [smem:$0x3FFD];
	_ =	sdelay $0x3  }
0x96: {  	_ =	strace s2  }
0x97: {  	_ =	strace $0x8FFFFFFF  }
0x98: {  	s18 =	sld [smem:$0x3FDB];
	_ =	sdelay $0x1  }
0x99: {  	s19 =	simm.s32 $_scs_section_size  }
0x9a: {  	s4 =	simm.s32 $_size__tile_overlayer_lowered;
	s5 =	simm.s32 $_tile_overlayer_lowered  }
0x9b: {  	s22 =	simm.s32 $0x1BFF;
	s21 =	sshll.u32 s5, $0x1;
	s2 =	sadd.s32 s19, s18  }
0x9c: {  	s6 =	simm.s32 $0x0;
	s20 =	sshll.u32 s4, $0x1;
	s4 =	sadd.s32 s21, s2  }
0x9d: {  	[timem:s6], [sflag:s22] =	dma.local [hbm:s4], s20  }
0x9e: {  	_ =	swait.ge [sflag:s22], s20  }
0x9f: {  	s3 =	ssub.s32 $0x0, s20;
	[sflag:s22] =	ssyncset.done $0x0  }
0xa0: {  	[sflag:s22] =	ssyncadd.s32 s3;
	_ =	sdelay $0x1  }
0xa1: {  	s23 =	simm.s32 $0x1B8B  }
0xa2: {  	_ =	swait.ge [sflag:s23], $0x1  }
0xa3: {  	[sflag:s23] =	ssyncset.done $0x0  }
0xa4: {  	s25 =	simm.s32 $0x1B8E;
	s24 =	sld [smem:$0x3FFE];
	[sflag:s23] =	ssyncadd.s32 $0xFFFFFFFF  }
0xa5: {  	s26 =	simm.s32 $execute0_lowered;
	[smem:$0x3FD2] =	sst s25  }
0xa6: {  	s4 =	sshll.u32 s26, $0x1;
	_ =	strace $0x80000046;
	[dreg:$0x1] =	wrdreg $0xFFFFFFFF  }
0xa7: {  	s28 =	simm.s32 $_size_execute0_lowered;
	s2 =	sadd.s32 s2, s4;
	[dreg:$0x0] =	wrdreg $0x0  }
0xa8: {  	s4 =	sshll.u32 s28, $0x1;
	[dreg:$0x2] =	wrdreg s2  }
0xa9: {  	[dreg:$0x3] =	wrdreg s4  }
0xaa: {  	[dreg:$0x4] =	wrdreg $0xC0  }
0xab: {  	_ =	task [dreg:s6], $0x5FFFF  }
0xac: {  	[dreg:$0x1] =	wrdreg $0xFFFFFFFF  }
0xad: {  	[dreg:$0x0] =	wrdreg $0x60  }
0xae: {  	[dreg:$0x2] =	wrdreg s24  }
0xaf: {  	[dreg:$0x3] =	wrdreg $0x9  }
0xb0: {  	_ =	task.clear_ibuf [dreg:s6], $0x4FFFF;
	_ =	strace $0x90000046  }
0xb1: {  	s29 =	simm.s32 $0x9;
	_ =	strace $0x80000048  }
0xb2: {  	_ =	swait.ge [sflag:s29], $0x1  }
0xb3: {  	[sflag:s29] =	ssyncadd.s32 $0xFFFFFFFF  }
0xb4: {  	_ =	strace $0x90000048  }
0xb5: {  	_ =	sfence  }
0xb6: {  	s30 =	sld [smem:$0x0];
	_ =	sdelay $0x2  }
0xb7: {  	s31 =	sshll.u32 s1, $0xD;
	s1 =	sshrl.u32 s1, $0x2  }
0xb8: {  	s3 =	sand.u32 $0x4000, s31;
	s1 =	sadd.s32 s1, s30  }
0xb9: {  	s0 =	sor.u32 s3, s0;
	s1 =	sshll.u32 s1, $0x11  }
0xba: {  	s0 =	sor.u32 s1, s0  }
0xbb: {  	s0 =	sadd.s32 $0x8F2B, s0  }
0xbc: {  	[sflag:s0] =	ssyncadd.remote.s32 $0x1  }
0xbd: {  	_ =	sfence.sel $0xFFFF  }
0xbe: {  	[dreg:$0x0] =	wrdreg $0xFFFFFFFF;
	(pc) =	sbr.abs _section_cstart, $3  }
0xbf: {  	[dreg:$0x1] =	wrdreg $0xFFFFFFFF  }
0xc0: {  	_ =	task.clear_ibuf [dreg:s6], $0x2FFFF;
	_ =	strace $0x9FFFFFFF  }
0xc1: {  	(tm) =	ssettm $0x7FFFFFFF  }
tec
execute0_lowered:
.L_overlay_start_1:
0x0: {  	(tag) =	ssettag $0x1  }
0x1: {  	s4 =	rddreg [dreg:$0x0]  }
0x2: {  	s2 =	simm.s32 $0x0;
	s0 =	stileid.u32;
	s3 =	srdreg.scid  }
0x3: {  	s14 =	simm.s32 $0x50;
	s15 =	simm.s32 $0x200;
	s16 =	simm.s32 $0x2A00  }
0x4: {  	s17 =	simm.s32 $0x80;
	s18 =	simm.s32 $0x180;
	s19 =	simm.s32 $0x5200  }
0x5: {  	s20 =	simm.s32 $0x7A00;
	[smem:$0x7FF] =	sst s2;
	s5 =	sand.u32 $0x1, s3  }
0x6: {  	s21 =	sshll.u32 s0, $0x1;
	s6 =	smul.u32 $0x50000, s0;
	s8 =	sshll.u32 s0, $0xA  }
0x7: {  	s11 =	sadd.s32 $0x43A00, s4;
	s13 =	smul.u32 $0x5000, s0;
	_ =	strace $0x80000047  }
0x8: {  	s3 =	sor.u32 s5, s21;
	s9 =	sshll.u32 s5, $0x9;
	s10 =	smul.u32 $0x28000, s5  }
0x9: {  	s22 =	ssub.s32 $0x2, s5;
	s26 =	smul.u32 $0x2800, s5;
	s21 =	simm.s32 $0x1  }
0xa: {  	s7 =	smul.u32 $0x500, s3;
	s3 =	sadd.s32 $0x3A00, s4;
	s8 =	sor.u32 s9, s8  }
0xb: {  	s23 =	sadd.s32 s6, s4;
	s24 =	sshrl.u32 s22, $0x1;
	s12 =	smul.u32 $0x5, s8  }
0xc: {  	s25 =	ssub.s32 s22, s24;
	s8 =	sadd.s32 s10, s23;
	s29 =	sadd.s32 s26, s13  }
0xd: {  	s13 =	simm.s32 $0x100;
	s22 =	simm.s32 $0x3;
	s23 =	simm.s32 $0x2  }
0xe: {  	s24 =	simm.s32 $0x0;
	s4 =	sadd.s32 s11, s7;
	s6 =	smax.u32 s25, $0x1  }
0xf: {  	s7 =	sadd.s32 $0x4E600, s8;
	s30 =	sor.u32 $0xF0, s29;
	s10 =	sor.u32 $0x190, s29  }
0x10: {  	s5 =	sadd.s32 $0xA, s4;
	s28 =	sor.u32 $0x28, s12;
	s12 =	sor.u32 $0x50, s12  }
0x11: {  	s31 =	sshrl.u32 s10, $0x3;
	s9 =	sshrl.u32 s28, $0x1;
	s12 =	sshrl.u32 s12, $0x1  }
0x12: {  	s8 =	sadd.s32 s9, s11;
	s9 =	sshrl.u32 s30, $0x3;
	s10 =	sadd.s32 s12, s11  }
0x13: {  	s12 =	simm.s32 $0x4;
	s9 =	sadd.s32 s9, s11;
	s11 =	sadd.s32 s31, s11  }
.LBB2_1:
0x14: {  	[tilespmem:s2], [sflag:$0x4] =	stream.linear.gather [hbm4b:s4+s2], $0x80, $0x38;
	[tilespmem:$0xA200] =	vst v63  }
0x15: {  	_ =	swait.ge [sflag:s12], $0x80  }
0x16: {  	[sflag:s12] =	ssyncset.done $0x0  }
0x17: {  	[sflag:s12] =	ssyncadd.s32 $0xFFFFFF80  }
0x18: {  	[tilespmem:s13], [sflag:$0x4] =	stream.linear.gather [hbm4b:s5+s2], $0x80, $0x38;
	[tilespmem:$0xA200] =	vst v63  }
0x19: {  	_ =	swait.ge [sflag:s12], $0x80  }
0x1a: {  	[sflag:s12] =	ssyncset.done $0x0  }
0x1b: {  	[sflag:s12] =	ssyncadd.s32 $0xFFFFFF80  }
0x1c: {  	[tilespmem:s15], [sflag:$0x1] =	stream.indirect.gather [hbm4b:s3+s14], $0x80, s2, s14, $0xb8;
	[tilespmem:$0xA200] =	vst v63  }
0x1d: {  	_ = 	snop  }
0x1e: {  	[tilespmem:s16], [sflag:$0x1] =	stream.indirect.gather [hbm4b:s3+s14], $0x80, s13, s14, $0xb8;
	[tilespmem:$0xA200] =	vst v63  }
0x1f: {  	s25 =	sadd.s32 $0x0, s8  }
0x20: {  	[tilespmem:s17], [sflag:$0x4] =	stream.linear.gather [hbm4b:s25+s2], $0x80, $0x38;
	[tilespmem:$0xA200] =	vst v63  }
0x21: {  	_ =	swait.ge [sflag:s12], $0x80  }
0x22: {  	[sflag:s12] =	ssyncset.done $0x0  }
0x23: {  	s30 =	sadd.s32 $0x0, s9;
	[sflag:s12] =	ssyncadd.s32 $0xFFFFFF80  }
0x24: {  	[tilespmem:s18], [sflag:$0x4] =	stream.linear.gather [hbm4b:s30+s2], $0x80, $0x38;
	[tilespmem:$0xA200] =	vst v63  }
0x25: {  	_ =	swait.ge [sflag:s12], $0x80  }
0x26: {  	[sflag:s12] =	ssyncset.done $0x0  }
0x27: {  	[sflag:s12] =	ssyncadd.s32 $0xFFFFFF80  }
0x28: {  	[tilespmem:s19], [sflag:$0x2] =	stream.indirect.gather [hbm4b:s3+s14], $0x80, s17, s14, $0xb8;
	[tilespmem:$0xA200] =	vst v63  }
0x29: {  	_ = 	snop  }
0x2a: {  	[tilespmem:s20], [sflag:$0x2] =	stream.indirect.gather [hbm4b:s3+s14], $0x80, s18, s14, $0xb8;
	[tilespmem:$0xA200] =	vst v63  }
0x2b: {  	_ =	swait.ge [sflag:s21], $0x2800  }
0x2c: {  	[sflag:s21] =	ssyncset.done $0x0  }
0x2d: {  	[sflag:s21] =	ssyncadd.s32 $0xFFFFD800  }
0x2e: {  	_ =	swait.ge [sflag:s21], $0x2800  }
0x2f: {  	[sflag:s21] =	ssyncset.done $0x0  }
0x30: {  	s31 =	sadd.s32 $0xFFFFF600, s7;
	[sflag:s21] =	ssyncadd.s32 $0xFFFFD800  }
0x31: {  	[hbm4b:s31+s2] =	stream.linear.scatter [tilespmem:s15], [sflag:$0x3], $0x5000, $0x38;
	[tilespmem:$0xA200] =	vst v63  }
0x32: {  	p0 =	por $0x0, $0x0;
	_ =	swait.ge [sflag:s22], $0x5000  }
0x33: {  	s26 =	simm.s32 @!p0 $0x0;
	[sflag:s22] =	ssyncset.done $0x0  }
0x34: {  	s28 =	simm.s32 @!p0 $0x4;
	s25 =	sadd.s32 @!p0 $0x0, s10;
	[sflag:s22] =	ssyncadd.s32 $0xFFFFB000  }
0x35: {  	[tilespmem:s26], [sflag:$0x4] =	stream.linear.gather @!p0 [hbm4b:s25+s26], $0x80, $0x38;
	[tilespmem:$0xA200] =	vst v63  }
0x36: {  	_ =	swait.ge @!p0 [sflag:s28], $0x80  }
0x37: {  	[sflag:s28] =	ssyncset.done @!p0 $0x0  }
0x38: {  	s29 =	simm.s32 @!p0 $0x100;
	s25 =	sadd.s32 @!p0 $0x0, s11;
	[sflag:s28] =	ssyncadd.s32 @!p0 $0xFFFFFF80  }
0x39: {  	[tilespmem:s29], [sflag:$0x4] =	stream.linear.gather @!p0 [hbm4b:s25+s26], $0x80, $0x38;
	[tilespmem:$0xA200] =	vst v63  }
0x3a: {  	_ =	swait.ge @!p0 [sflag:s28], $0x80  }
0x3b: {  	[sflag:s28] =	ssyncset.done @!p0 $0x0  }
0x3c: {  	s25 =	simm.s32 @!p0 $0x50;
	[sflag:s28] =	ssyncadd.s32 @!p0 $0xFFFFFF80;
	s28 =	simm.s32 @!p0 $0x200  }
0x3d: {  	[tilespmem:s28], [sflag:$0x1] =	stream.indirect.gather @!p0 [hbm4b:s3+s25], $0x80, s26, s25, $0xb8;
	[tilespmem:$0xA200] =	vst v63  }
0x3e: {  	s26 =	simm.s32 @!p0 $0x2A00  }
0x3f: {  	[tilespmem:s26], [sflag:$0x1] =	stream.indirect.gather @!p0 [hbm4b:s3+s25], $0x80, s29, s25, $0xb8;
	[tilespmem:$0xA200] =	vst v63  }
0x40: {  	_ =	swait.ge [sflag:s23], $0x2800  }
0x41: {  	[sflag:s23] =	ssyncset.done $0x0  }
0x42: {  	[sflag:s23] =	ssyncadd.s32 $0xFFFFD800  }
0x43: {  	_ =	swait.ge [sflag:s23], $0x2800  }
0x44: {  	[sflag:s23] =	ssyncset.done $0x0  }
0x45: {  	s28 =	simm.s32 $0x50;
	[sflag:s23] =	ssyncadd.s32 $0xFFFFD800  }
0x46: {  	[hbm4b:s7+s2] =	stream.linear.scatter [tilespmem:s19], [sflag:$0x3], $0x5000, $0x38;
	[tilespmem:$0xA200] =	vst v63  }
0x47: {  	s26 =	simm.s32 $0x28;
	s25 =	sadd.s32 $0x1400, s7;
	_ =	swait.ge [sflag:s22], $0x5000  }
.LBB2_2:
0x48: {  	s29 =	sadd.s32 s26, s8  }
0x49: {  	[sflag:s22] =	ssyncset.done $0x0;
	s30 =	smov.u32 s28;
	s28 =	sadd.s32 $0x28, s28  }
0x4a: {  	p0 =	sne.s32 s28, $0x500;
	[sflag:s22] =	ssyncadd.s32 $0xFFFFB000  }
0x4b: {  	[tilespmem:s17], [sflag:$0x4] =	stream.linear.gather [hbm4b:s29+s2], $0x80, $0x38;
	[tilespmem:$0xA200] =	vst v63  }
0x4c: {  	_ =	swait.ge [sflag:s12], $0x80  }
0x4d: {  	s29 =	sadd.s32 s26, s9;
	[sflag:s12] =	ssyncset.done $0x0  }
0x4e: {  	[sflag:s12] =	ssyncadd.s32 $0xFFFFFF80  }
0x4f: {  	[tilespmem:s18], [sflag:$0x4] =	stream.linear.gather [hbm4b:s29+s2], $0x80, $0x38;
	[tilespmem:$0xA200] =	vst v63  }
0x50: {  	_ =	swait.ge [sflag:s12], $0x80  }
0x51: {  	[sflag:s12] =	ssyncset.done $0x0  }
0x52: {  	[sflag:s12] =	ssyncadd.s32 $0xFFFFFF80  }
0x53: {  	[tilespmem:s19], [sflag:$0x2] =	stream.indirect.gather [hbm4b:s3+s14], $0x80, s17, s14, $0xb8;
	[tilespmem:$0xA200] =	vst v63  }
0x54: {  	_ = 	snop  }
0x55: {  	[tilespmem:s20], [sflag:$0x2] =	stream.indirect.gather [hbm4b:s3+s14], $0x80, s18, s14, $0xb8;
	[tilespmem:$0xA200] =	vst v63  }
0x56: {  	_ =	swait.ge [sflag:s21], $0x2800  }
0x57: {  	[sflag:s21] =	ssyncset.done $0x0  }
0x58: {  	[sflag:s21] =	ssyncadd.s32 $0xFFFFD800  }
0x59: {  	_ =	swait.ge [sflag:s21], $0x2800  }
0x5a: {  	s29 =	sadd.s32 $0xFFFFF600, s25;
	[sflag:s21] =	ssyncset.done $0x0  }
0x5b: {  	[sflag:s21] =	ssyncadd.s32 $0xFFFFD800  }
0x5c: {  	[hbm4b:s29+s2] =	stream.linear.scatter [tilespmem:s15], [sflag:$0x3], $0x5000, $0x38;
	[tilespmem:$0xA200] =	vst v63  }
0x5d: {  	p1 =	seq.s32 s26, $0x4D8;
	_ =	swait.ge [sflag:s22], $0x5000  }
0x5e: {  	s31 =	simm.s32 @!p1 $0x0;
	s29 =	sadd.s32 @!p1 s26, s10;
	[sflag:s22] =	ssyncset.done $0x0  }
0x5f: {  	s0 =	simm.s32 @!p1 $0x4;
	[sflag:s22] =	ssyncadd.s32 $0xFFFFB000  }
0x60: {  	[tilespmem:s31], [sflag:$0x4] =	stream.linear.gather @!p1 [hbm4b:s29+s31], $0x80, $0x38;
	[tilespmem:$0xA200] =	vst v63  }
0x61: {  	_ =	swait.ge @!p1 [sflag:s0], $0x80  }
0x62: {  	s1 =	simm.s32 @!p1 $0x100;
	s29 =	sadd.s32 @!p1 s26, s11;
	[sflag:s0] =	ssyncset.done @!p1 $0x0  }
0x63: {  	s26 =	smov.u32 s30;
	[sflag:s0] =	ssyncadd.s32 @!p1 $0xFFFFFF80  }
0x64: {  	[tilespmem:s1], [sflag:$0x4] =	stream.linear.gather @!p1 [hbm4b:s29+s31], $0x80, $0x38;
	[tilespmem:$0xA200] =	vst v63  }
0x65: {  	_ =	swait.ge @!p1 [sflag:s0], $0x80  }
0x66: {  	s30 =	simm.s32 @!p1 $0x200;
	s29 =	simm.s32 @!p1 $0x50;
	[sflag:s0] =	ssyncset.done @!p1 $0x0  }
0x67: {  	[sflag:s0] =	ssyncadd.s32 @!p1 $0xFFFFFF80;
	s0 =	simm.s32 @!p1 $0x2A00  }
0x68: {  	[tilespmem:s30], [sflag:$0x1] =	stream.indirect.gather @!p1 [hbm4b:s3+s29], $0x80, s31, s29, $0xb8;
	[tilespmem:$0xA200] =	vst v63  }
0x69: {  	_ = 	snop  }
0x6a: {  	[tilespmem:s0], [sflag:$0x1] =	stream.indirect.gather @!p1 [hbm4b:s3+s29], $0x80, s1, s29, $0xb8;
	[tilespmem:$0xA200] =	vst v63  }
0x6b: {  	_ =	swait.ge [sflag:s23], $0x2800  }
0x6c: {  	[sflag:s23] =	ssyncset.done $0x0  }
0x6d: {  	[sflag:s23] =	ssyncadd.s32 $0xFFFFD800  }
.Ltmp0:
0x6e: {  	_ =	swait.ge [sflag:s23], $0x2800;
	(pc) =	sbr.rel @p0 .LBB2_2-.Ltmp0, $4  }
0x6f: {  	[sflag:s23] =	ssyncset.done $0x0  }
0x70: {  	[sflag:s23] =	ssyncadd.s32 $0xFFFFD800  }
0x71: {  	[hbm4b:s25+s2] =	stream.linear.scatter [tilespmem:s19], [sflag:$0x3], $0x5000, $0x38;
	[tilespmem:$0xA200] =	vst v63  }
0x72: {  	s25 =	sadd.s32 $0x1400, s25;
	_ =	swait.ge [sflag:s22], $0x5000  }
0x73: {  	[sflag:s22] =	ssyncset.done $0x0  }
0x74: {  	s0 =	sadd.s32 s26, s8;
	[sflag:s22] =	ssyncadd.s32 $0xFFFFB000  }
0x75: {  	[tilespmem:s17], [sflag:$0x4] =	stream.linear.gather [hbm4b:s0+s2], $0x80, $0x38;
	[tilespmem:$0xA200] =	vst v63  }
0x76: {  	_ =	swait.ge [sflag:s12], $0x80  }
0x77: {  	[sflag:s12] =	ssyncset.done $0x0  }
0x78: {  	s30 =	sadd.s32 s26, s9;
	[sflag:s12] =	ssyncadd.s32 $0xFFFFFF80  }
0x79: {  	[tilespmem:s18], [sflag:$0x4] =	stream.linear.gather [hbm4b:s30+s2], $0x80, $0x38;
	[tilespmem:$0xA200] =	vst v63  }
0x7a: {  	_ =	swait.ge [sflag:s12], $0x80  }
0x7b: {  	[sflag:s12] =	ssyncset.done $0x0  }
0x7c: {  	[sflag:s12] =	ssyncadd.s32 $0xFFFFFF80  }
0x7d: {  	[tilespmem:s19], [sflag:$0x2] =	stream.indirect.gather [hbm4b:s3+s14], $0x80, s17, s14, $0xb8;
	[tilespmem:$0xA200] =	vst v63  }
0x7e: {  	_ = 	snop  }
0x7f: {  	[tilespmem:s20], [sflag:$0x2] =	stream.indirect.gather [hbm4b:s3+s14], $0x80, s18, s14, $0xb8;
	[tilespmem:$0xA200] =	vst v63  }
0x80: {  	_ =	swait.ge [sflag:s21], $0x2800  }
0x81: {  	[sflag:s21] =	ssyncset.done $0x0  }
0x82: {  	[sflag:s21] =	ssyncadd.s32 $0xFFFFD800  }
0x83: {  	_ =	swait.ge [sflag:s21], $0x2800  }
0x84: {  	[sflag:s21] =	ssyncset.done $0x0  }
0x85: {  	s31 =	sadd.s32 $0xFFFFF600, s25;
	[sflag:s21] =	ssyncadd.s32 $0xFFFFD800  }
0x86: {  	[hbm4b:s31+s2] =	stream.linear.scatter [tilespmem:s15], [sflag:$0x3], $0x5000, $0x38;
	[tilespmem:$0xA200] =	vst v63  }
0x87: {  	p0 =	seq.s32 s26, $0x4D8;
	_ =	swait.ge [sflag:s22], $0x5000  }
0x88: {  	s1 =	simm.s32 @!p0 $0x0;
	[sflag:s22] =	ssyncset.done $0x0  }
0x89: {  	s28 =	simm.s32 @!p0 $0x4;
	s0 =	sadd.s32 @!p0 s26, s10;
	[sflag:s22] =	ssyncadd.s32 $0xFFFFB000  }
0x8a: {  	[tilespmem:s1], [sflag:$0x4] =	stream.linear.gather @!p0 [hbm4b:s0+s1], $0x80, $0x38;
	[tilespmem:$0xA200] =	vst v63  }
0x8b: {  	_ =	swait.ge @!p0 [sflag:s28], $0x80  }
0x8c: {  	[sflag:s28] =	ssyncset.done @!p0 $0x0  }
0x8d: {  	s0 =	sadd.s32 @!p0 s26, s11;
	s26 =	simm.s32 @!p0 $0x100;
	[sflag:s28] =	ssyncadd.s32 @!p0 $0xFFFFFF80  }
0x8e: {  	[tilespmem:s26], [sflag:$0x4] =	stream.linear.gather @!p0 [hbm4b:s0+s1], $0x80, $0x38;
	[tilespmem:$0xA200] =	vst v63  }
0x8f: {  	_ =	swait.ge @!p0 [sflag:s28], $0x80  }
0x90: {  	[sflag:s28] =	ssyncset.done @!p0 $0x0  }
0x91: {  	s29 =	simm.s32 @!p0 $0x200;
	s0 =	simm.s32 @!p0 $0x50;
	[sflag:s28] =	ssyncadd.s32 @!p0 $0xFFFFFF80  }
0x92: {  	[tilespmem:s29], [sflag:$0x1] =	stream.indirect.gather @!p0 [hbm4b:s3+s0], $0x80, s1, s0, $0xb8;
	[tilespmem:$0xA200] =	vst v63  }
0x93: {  	s1 =	simm.s32 @!p0 $0x2A00  }
0x94: {  	[tilespmem:s1], [sflag:$0x1] =	stream.indirect.gather @!p0 [hbm4b:s3+s0], $0x80, s26, s0, $0xb8;
	[tilespmem:$0xA200] =	vst v63  }
0x95: {  	_ =	swait.ge [sflag:s23], $0x2800  }
0x96: {  	[sflag:s23] =	ssyncset.done $0x0  }
0x97: {  	[sflag:s23] =	ssyncadd.s32 $0xFFFFD800  }
0x98: {  	s24 =	sadd.s32 $0x1, s24;
	_ =	swait.ge [sflag:s23], $0x2800  }
0x99: {  	p0 =	sne.s32 s24, s6;
	[sflag:s23] =	ssyncset.done $0x0  }
.Ltmp1:
0x9a: {  	[sflag:s23] =	ssyncadd.s32 $0xFFFFD800;
	(pc) =	sbr.rel @p0 .LBB2_1-.Ltmp1, $4  }
0x9b: {  	[hbm4b:s25+s2] =	stream.linear.scatter [tilespmem:s19], [sflag:$0x3], $0x5000, $0x38;
	[tilespmem:$0xA200] =	vst v63  }
0x9c: {  	_ =	swait.ge [sflag:s22], $0x5000  }
0x9d: {  	[sflag:s22] =	ssyncset.done $0x0  }
0x9e: {  	[sflag:s22] =	ssyncadd.s32 $0xFFFFB000  }
0x9f: {  	_ =	sfence.sel $0x180000  }
0xa0: {  	[bflag:$0x0] =	sbarrier.arrive $0xFFFF  }
0xa1: {  	_ =	strace $0x90000047  }
0xa2: {  	s0 =	stileid.u32;
	[bflag:$0x2] =	sbarrier.arrive $0xFFFF  }
0xa3: {  	p0 =	sne.s32 s0, $0x0;
	s0 =	rddreg [dreg:$0x1]  }
0xa4: {  	s0 =	sadd.s32 @!p0 $0x100000, s0  }
0xa5: {  	[sflag:s0] =	ssyncadd.tile.s32 @!p0 $0x1;
	_ =	shalt  }
.Lfunc_end2:
_tile_overlayer_lowered:
.L_overlay_start_2:
0xa6: {  	(tag) =	ssettag $0x2  }
0xa7: {  	s0 =	rddreg [dreg:$0x0];
	s2 =	stileid.u32  }
0xa8: {  	s1 =	rddreg [dreg:$0x1];
	p0 =	sne.s32 s2, $0x0  }
0xa9: {  	s3 =	rddreg [dreg:$0x2];
	[bflag:$0x3] =	sbarrier.arrive $0xFFFF;
	s2 =	simm.s32 @!p0 $0x1C04  }
0xaa: {  	[timem:s3], [sflag:s2] =	dma.local @!p0 [hbm:s0], s1  }
0xab: {  	s0 =	simm.s32 @!p0 $0x4  }
0xac: {  	_ =	swait.ge @!p0 [sflag:s0], s1  }
0xad: {  	s1 =	ssub.s32 @!p0 $0x0, s1;
	[sflag:s0] =	ssyncset.done @!p0 $0x0  }
0xae: {  	[sflag:s0] =	ssyncadd.s32 @!p0 s1  }
0xaf: {  	[bflag:$0x3] =	sbarrier.arrive $0xFFFF  }
0xb0: {  	_ =	shalt  }

// kernel: kernel.22.cloned.1.call-start
scs
__scs_entry_jumppad:
0x0: {  	(pc) =	sbr.rel $0x88, $3  }
0x1: {  	(tag) =	ssettag $0x0;
	lr =	simm.s32 $0x1  }
0x2: {  	[smem:$0x3F91] =	sst lr;
	_ =	strace $0xD0000000  }
0x3: {  	_ = 	snop  }
0x4: {  	_ = 	snop  }
0x5: {  	_ = 	snop  }
0x6: {  	_ = 	snop  }
0x7: {  	_ = 	snop  }
__scs_overlays_trampoline_lowered:
0x8: {  	[smem:$0x3FA0] =	sst s0  }
0x9: {  	[smem:$0x3FA1] =	sst s1  }
0xa: {  	[smem:$0x3FA2] =	sst s2  }
0xb: {  	[smem:$0x3FA3] =	sst s3  }
0xc: {  	[smem:$0x3FA4] =	sst s4  }
0xd: {  	[smem:$0x3FA5] =	sst s5  }
0xe: {  	[smem:$0x3FA6] =	sst s6  }
0xf: {  	[smem:$0x3FA7] =	sst s7  }
0x10: {  	[smem:$0x3FA8] =	sst s8  }
0x11: {  	[smem:$0x3FA9] =	sst s9;
	s0 =	simm.s32 @!p0 $0x0  }
0x12: {  	s1 =	sld [smem:$0x3F8F];
	s0 =	simm.s32 @p0 $0x1  }
0x13: {  	[smem:$0x3FAA] =	sst s0;
	s0 =	simm.s32 @!p1 $0x0  }
0x14: {  	s2 =	sld [smem:$0x3F8E];
	s0 =	simm.s32 @p1 $0x1  }
0x15: {  	[smem:$0x3FAB] =	sst s0;
	s0 =	simm.s32 @!p2 $0x0  }
0x16: {  	s3 =	sld [smem:$0x3FDB];
	s0 =	simm.s32 @p2 $0x1  }
0x17: {  	s4 =	simm.s32 $0x1BF5;
	[smem:$0x3FAD] =	sst s0  }
0x18: {  	s0 =	sld [smem:$0x3F90];
	_ =	swait.ge [sflag:s4], $0x0  }
0x19: {  	s7 =	sld [smem:$0x3F91]  }
0x1a: {  	s8 =	sadd.s32 $0xFFFFE003, lr  }
0x1b: {  	s9 =	sadd.s32 $0xFFFFFEF7, lr;
	s5 =	simm.s32 $0xFFFFFFFF;
	p2 =	slt.u32 s8, $0xFFFFF086  }
0x1c: {  	p1 =	slt.u32 s9, $0xF7A;
	s5 =	simm.s32 @!p2 $0x0  }
0x1d: {  	s5 =	simm.s32 @p1 $0x1;
	p0 =	seq.s32 s7, s2  }
0x1e: {  	s7 =	smul.u32 @!p0 $0xF7A, s2;
	p2 =	seq.s32 @!p0 s5, $0x0  }
0x1f: {  	s9 =	smul.u32 $0xF7A, s1;
	s8 =	simm.s32 @!p0 $0x1BF5;
	p2 =	por !p2, p0  }
0x20: {  	[sflag:s8] =	ssyncset.s32 @!p0 $0xFFFFF086;
	s6 =	sadd.s32 @!p0 s3, s7;
	s7 =	simm.s32 @!p0 $0x108  }
0x21: {  	s3 =	sadd.s32 s3, s9;
	s6 =	sadd.s32 @!p0 $0x88, s6;
	s7 =	simm.s32 @p2 $0x1082  }
0x22: {  	[simem:s7], [sflag:s8] =	dma.local @!p0 [hbm:s6], $0xF7A  }
0x23: {  	s9 =	sor.u32 $0xD0000000, s2;
	s6 =	simm.s32 $0x108;
	_ =	swait.ge @!p0 [sflag:s8], $0x0  }
0x24: {  	s3 =	sadd.s32 $0x88, s3;
	s6 =	simm.s32 @!p1 $0x1082;
	[sflag:s4] =	ssyncset.s32 $0xFFFFF086  }
0x25: {  	[simem:s6], [sflag:s4] =	dma.local [hbm:s3], $0xF7A  }
0x26: {  	[smem:$0x3F91] =	sst s1;
	(tag) =	ssettag s2;
	_ =	strace s9  }
0x27: {  	s1 =	sld [smem:$0x3FA1]  }
0x28: {  	s2 =	sld [smem:$0x3FA2]  }
0x29: {  	s4 =	sld [smem:$0x3FA4]  }
0x2a: {  	p0 =	seq.s32 s5, $0x0;
	s5 =	sld [smem:$0x3FA5]  }
0x2b: {  	s6 =	sld [smem:$0x3FA6]  }
0x2c: {  	s7 =	sld [smem:$0x3FA7]  }
0x2d: {  	s3 =	simm.s32 $0x108;
	s8 =	sld [smem:$0x3FA8]  }
0x2e: {  	s3 =	simm.s32 @!p0 $0x1082;
	s9 =	sld [smem:$0x3FA9]  }
0x2f: {  	lr =	sadd.s32 s0, s3;
	s0 =	sld [smem:$0x3FA0]  }
0x30: {  	s3 =	sld [smem:$0x3FA3]  }
0x31: {  	[smem:$0x3FAC] =	sst s10  }
0x32: {  	s10 =	sld [smem:$0x3FAA];
	_ =	sdelay $0x3  }
0x33: {  	p0 =	seq.s32 s10, $0x1;
	s10 =	sld [smem:$0x3FAC];
	_ =	sdelay $0x3  }
0x34: {  	[smem:$0x3FAC] =	sst s10  }
0x35: {  	s10 =	sld [smem:$0x3FAB];
	_ =	sdelay $0x3  }
0x36: {  	p1 =	seq.s32 s10, $0x1;
	s10 =	sld [smem:$0x3FAC];
	_ =	sdelay $0x3  }
0x37: {  	[smem:$0x3FAC] =	sst s10  }
0x38: {  	s10 =	sld [smem:$0x3FAD]  }
0x39: {  	_ = 	snop;
	(pc) =	sbr.ind lr, $3  }
0x3a: {  	_ = 	snop  }
0x3b: {  	_ = 	snop  }
0x3c: {  	p2 =	seq.s32 s10, $0x1;
	s10 =	sld [smem:$0x3FAC]  }
0x3d: {  	_ =	shalt  }
0x3e: {  	_ =	shalt  }
0x3f: {  	_ =	shalt  }
0x40: {  	_ =	shalt  }
0x41: {  	_ =	shalt  }
0x42: {  	_ =	shalt  }
0x43: {  	_ =	shalt  }
0x44: {  	_ =	shalt  }
0x45: {  	_ =	shalt  }
0x46: {  	_ =	shalt  }
0x47: {  	_ =	shalt  }
0x48: {  	_ =	shalt  }
0x49: {  	_ =	shalt  }
0x4a: {  	_ =	shalt  }
0x4b: {  	_ =	shalt  }
0x4c: {  	_ =	shalt  }
0x4d: {  	_ =	shalt  }
0x4e: {  	_ =	shalt  }
0x4f: {  	_ =	shalt  }
0x50: {  	_ =	shalt  }
0x51: {  	_ =	shalt  }
0x52: {  	_ =	shalt  }
0x53: {  	_ =	shalt  }
0x54: {  	_ =	shalt  }
0x55: {  	_ =	shalt  }
0x56: {  	_ =	shalt  }
0x57: {  	_ =	shalt  }
0x58: {  	_ =	shalt  }
0x59: {  	_ =	shalt  }
0x5a: {  	_ =	shalt  }
0x5b: {  	_ =	shalt  }
0x5c: {  	_ =	shalt  }
0x5d: {  	_ =	shalt  }
0x5e: {  	_ =	shalt  }
0x5f: {  	_ =	shalt  }
0x60: {  	_ =	shalt  }
0x61: {  	_ =	shalt  }
0x62: {  	_ =	shalt  }
0x63: {  	_ =	shalt  }
0x64: {  	_ =	shalt  }
0x65: {  	_ =	shalt  }
0x66: {  	_ =	shalt  }
0x67: {  	_ =	shalt  }
0x68: {  	_ =	shalt  }
0x69: {  	_ =	shalt  }
0x6a: {  	_ =	shalt  }
0x6b: {  	_ =	shalt  }
0x6c: {  	_ =	shalt  }
0x6d: {  	_ =	shalt  }
0x6e: {  	_ =	shalt  }
0x6f: {  	_ =	shalt  }
0x70: {  	_ =	shalt  }
0x71: {  	_ =	shalt  }
0x72: {  	_ =	shalt  }
0x73: {  	_ =	shalt  }
0x74: {  	_ =	shalt  }
0x75: {  	_ =	shalt  }
0x76: {  	_ =	shalt  }
0x77: {  	_ =	shalt  }
0x78: {  	_ =	shalt  }
0x79: {  	_ =	shalt  }
0x7a: {  	_ =	shalt  }
0x7b: {  	_ =	shalt  }
0x7c: {  	_ =	shalt  }
0x7d: {  	_ =	shalt  }
0x7e: {  	_ =	shalt  }
0x7f: {  	_ =	shalt  }
0x80: {  	_ =	shalt  }
0x81: {  	_ =	shalt  }
0x82: {  	_ =	shalt  }
0x83: {  	_ =	shalt  }
0x84: {  	_ =	shalt  }
0x85: {  	_ =	shalt  }
0x86: {  	_ =	shalt  }
0x87: {  	_ =	shalt  }
.Lfunc_end0:
.L_simem_size_0:
called_computation.1_lowered:
.L_overlay_start_0:
0x88: {  	s2 =	sld [smem:$0x3FD9]  }
0x89: {  	s3 =	sld [smem:$0x3FFE];
	_ =	sdelay $0x1  }
0x8a: {  	s1 =	srdreg.scid  }
0x8b: {  	s0 =	sand.u32 $0x1, s1  }
0x8c: {  	s16 =	sshll.u32 s0, $0xA;
	s2 =	sadd.s32 s3, s2  }
0x8d: {  	s2 =	sadd.s32 s2, s16  }
0x8e: {  	[smem:$0x3FB8] =	sst s2  }
0x8f: {  	_ = 	snop  }
0x90: {  	(tm) =	ssettm $0x1  }
0x91: {  	s17 =	sld [smem:$0x3FFB];
	_ =	sdelay $0x3  }
0x92: {  	_ =	strace s17  }
0x93: {  	s2 =	sld [smem:$0x3FFC];
	_ =	sdelay $0x3  }
0x94: {  	_ =	strace s2  }
0x95: {  	s2 =	sld [smem:$0x3FFD];
	_ =	sdelay $0x3  }
0x96: {  	_ =	strace s2  }
0x97: {  	_ =	strace $0x8FFFFFFF  }
0x98: {  	s18 =	sld [smem:$0x3FDB];
	_ =	sdelay $0x1  }
0x99: {  	s19 =	simm.s32 $_scs_section_size  }
0x9a: {  	s4 =	simm.s32 $_size__tile_overlayer_lowered;
	s5 =	simm.s32 $_tile_overlayer_lowered  }
0x9b: {  	s22 =	simm.s32 $0x1BFF;
	s21 =	sshll.u32 s5, $0x1;
	s2 =	sadd.s32 s19, s18  }
0x9c: {  	s6 =	simm.s32 $0x0;
	s20 =	sshll.u32 s4, $0x1;
	s4 =	sadd.s32 s21, s2  }
0x9d: {  	[timem:s6], [sflag:s22] =	dma.local [hbm:s4], s20  }
0x9e: {  	_ =	swait.ge [sflag:s22], s20  }
0x9f: {  	s3 =	ssub.s32 $0x0, s20;
	[sflag:s22] =	ssyncset.done $0x0  }
0xa0: {  	[sflag:s22] =	ssyncadd.s32 s3;
	_ =	sdelay $0x1  }
0xa1: {  	s23 =	simm.s32 $0x1B8B  }
0xa2: {  	_ =	swait.ge [sflag:s23], $0x1  }
0xa3: {  	[sflag:s23] =	ssyncset.done $0x0  }
0xa4: {  	s25 =	simm.s32 $0x1B8E;
	s24 =	sld [smem:$0x3FFE];
	[sflag:s23] =	ssyncadd.s32 $0xFFFFFFFF  }
0xa5: {  	s26 =	simm.s32 $execute0_lowered;
	[smem:$0x3FD2] =	sst s25  }
0xa6: {  	s4 =	sshll.u32 s26, $0x1;
	_ =	strace $0x80000049;
	[dreg:$0x1] =	wrdreg $0xFFFFFFFF  }
0xa7: {  	s28 =	simm.s32 $_size_execute0_lowered;
	s2 =	sadd.s32 s2, s4;
	[dreg:$0x0] =	wrdreg $0x0  }
0xa8: {  	s4 =	sshll.u32 s28, $0x1;
	[dreg:$0x2] =	wrdreg s2  }
0xa9: {  	[dreg:$0x3] =	wrdreg s4  }
0xaa: {  	[dreg:$0x4] =	wrdreg $0xC0  }
0xab: {  	_ =	task [dreg:s6], $0x5FFFF  }
0xac: {  	[dreg:$0x1] =	wrdreg $0xFFFFFFFF  }
0xad: {  	[dreg:$0x0] =	wrdreg $0x60  }
0xae: {  	[dreg:$0x2] =	wrdreg s24  }
0xaf: {  	[dreg:$0x3] =	wrdreg $0x9  }
0xb0: {  	_ =	task.clear_ibuf [dreg:s6], $0x4FFFF;
	_ =	strace $0x90000049  }
0xb1: {  	s29 =	simm.s32 $0x9;
	_ =	strace $0x8000004B  }
0xb2: {  	_ =	swait.ge [sflag:s29], $0x1  }
0xb3: {  	[sflag:s29] =	ssyncadd.s32 $0xFFFFFFFF  }
0xb4: {  	_ =	strace $0x9000004B  }
0xb5: {  	_ =	sfence  }
0xb6: {  	s30 =	sld [smem:$0x0];
	_ =	sdelay $0x2  }
0xb7: {  	s31 =	sshll.u32 s1, $0xD;
	s1 =	sshrl.u32 s1, $0x2  }
0xb8: {  	s3 =	sand.u32 $0x4000, s31;
	s1 =	sadd.s32 s1, s30  }
0xb9: {  	s0 =	sor.u32 s3, s0;
	s1 =	sshll.u32 s1, $0x11  }
0xba: {  	s0 =	sor.u32 s1, s0  }
0xbb: {  	s0 =	sadd.s32 $0x8F2B, s0  }
0xbc: {  	[sflag:s0] =	ssyncadd.remote.s32 $0x1  }
0xbd: {  	_ =	sfence.sel $0xFFFF  }
0xbe: {  	[dreg:$0x0] =	wrdreg $0xFFFFFFFF;
	(pc) =	sbr.abs _section_cstart, $3  }
0xbf: {  	[dreg:$0x1] =	wrdreg $0xFFFFFFFF  }
0xc0: {  	_ =	task.clear_ibuf [dreg:s6], $0x2FFFF;
	_ =	strace $0x9FFFFFFF  }
0xc1: {  	(tm) =	ssettm $0x7FFFFFFF  }
tec
execute0_lowered:
.L_overlay_start_1:
0x0: {  	(tag) =	ssettag $0x1  }
0x1: {  	s4 =	rddreg [dreg:$0x0]  }
0x2: {  	s2 =	simm.s32 $0x0;
	s0 =	stileid.u32;
	s3 =	srdreg.scid  }
0x3: {  	s14 =	simm.s32 $0x50;
	s15 =	simm.s32 $0x200;
	s16 =	simm.s32 $0x2A00  }
0x4: {  	s17 =	simm.s32 $0x80;
	s18 =	simm.s32 $0x180;
	s19 =	simm.s32 $0x5200  }
0x5: {  	s20 =	simm.s32 $0x7A00;
	[smem:$0x7FF] =	sst s2;
	s5 =	sand.u32 $0x1, s3  }
0x6: {  	s21 =	sshll.u32 s0, $0x1;
	s6 =	smul.u32 $0x50000, s0;
	s8 =	sshll.u32 s0, $0xA  }
0x7: {  	s11 =	sadd.s32 $0x43A00, s4;
	s13 =	smul.u32 $0x5000, s0;
	_ =	strace $0x8000004A  }
0x8: {  	s3 =	sor.u32 s5, s21;
	s9 =	sshll.u32 s5, $0x9;
	s10 =	smul.u32 $0x28000, s5  }
0x9: {  	s22 =	ssub.s32 $0x2, s5;
	s26 =	smul.u32 $0x2800, s5;
	s21 =	simm.s32 $0x1  }
0xa: {  	s7 =	smul.u32 $0x500, s3;
	s3 =	sadd.s32 $0x3A00, s4;
	s8 =	sor.u32 s9, s8  }
0xb: {  	s23 =	sadd.s32 s6, s4;
	s24 =	sshrl.u32 s22, $0x1;
	s12 =	smul.u32 $0x5, s8  }
0xc: {  	s25 =	ssub.s32 s22, s24;
	s8 =	sadd.s32 s10, s23;
	s29 =	sadd.s32 s26, s13  }
0xd: {  	s13 =	simm.s32 $0x100;
	s22 =	simm.s32 $0x3;
	s23 =	simm.s32 $0x2  }
0xe: {  	s24 =	simm.s32 $0x0;
	s4 =	sadd.s32 s11, s7;
	s6 =	smax.u32 s25, $0x1  }
0xf: {  	s7 =	sadd.s32 $0x4E600, s8;
	s30 =	sor.u32 $0xF0, s29;
	s10 =	sor.u32 $0x190, s29  }
0x10: {  	s5 =	sadd.s32 $0xA, s4;
	s28 =	sor.u32 $0x28, s12;
	s12 =	sor.u32 $0x50, s12  }
0x11: {  	s31 =	sshrl.u32 s10, $0x3;
	s9 =	sshrl.u32 s28, $0x1;
	s12 =	sshrl.u32 s12, $0x1  }
0x12: {  	s8 =	sadd.s32 s9, s11;
	s9 =	sshrl.u32 s30, $0x3;
	s10 =	sadd.s32 s12, s11  }
0x13: {  	s12 =	simm.s32 $0x4;
	s9 =	sadd.s32 s9, s11;
	s11 =	sadd.s32 s31, s11  }
.LBB2_1:
0x14: {  	[tilespmem:s2], [sflag:$0x4] =	stream.linear.gather [hbm4b:s4+s2], $0x80, $0x38;
	[tilespmem:$0xA200] =	vst v63  }
0x15: {  	_ =	swait.ge [sflag:s12], $0x80  }
0x16: {  	[sflag:s12] =	ssyncset.done $0x0  }
0x17: {  	[sflag:s12] =	ssyncadd.s32 $0xFFFFFF80  }
0x18: {  	[tilespmem:s13], [sflag:$0x4] =	stream.linear.gather [hbm4b:s5+s2], $0x80, $0x38;
	[tilespmem:$0xA200] =	vst v63  }
0x19: {  	_ =	swait.ge [sflag:s12], $0x80  }
0x1a: {  	[sflag:s12] =	ssyncset.done $0x0  }
0x1b: {  	[sflag:s12] =	ssyncadd.s32 $0xFFFFFF80  }
0x1c: {  	[tilespmem:s15], [sflag:$0x1] =	stream.indirect.gather [hbm4b:s3+s14], $0x80, s2, s14, $0xb8;
	[tilespmem:$0xA200] =	vst v63  }
0x1d: {  	_ = 	snop  }
0x1e: {  	[tilespmem:s16], [sflag:$0x1] =	stream.indirect.gather [hbm4b:s3+s14], $0x80, s13, s14, $0xb8;
	[tilespmem:$0xA200] =	vst v63  }
0x1f: {  	s25 =	sadd.s32 $0x0, s8  }
0x20: {  	[tilespmem:s17], [sflag:$0x4] =	stream.linear.gather [hbm4b:s25+s2], $0x80, $0x38;
	[tilespmem:$0xA200] =	vst v63  }
0x21: {  	_ =	swait.ge [sflag:s12], $0x80  }
0x22: {  	[sflag:s12] =	ssyncset.done $0x0  }
0x23: {  	s30 =	sadd.s32 $0x0, s9;
	[sflag:s12] =	ssyncadd.s32 $0xFFFFFF80  }
0x24: {  	[tilespmem:s18], [sflag:$0x4] =	stream.linear.gather [hbm4b:s30+s2], $0x80, $0x38;
	[tilespmem:$0xA200] =	vst v63  }
0x25: {  	_ =	swait.ge [sflag:s12], $0x80  }
0x26: {  	[sflag:s12] =	ssyncset.done $0x0  }
0x27: {  	[sflag:s12] =	ssyncadd.s32 $0xFFFFFF80  }
0x28: {  	[tilespmem:s19], [sflag:$0x2] =	stream.indirect.gather [hbm4b:s3+s14], $0x80, s17, s14, $0xb8;
	[tilespmem:$0xA200] =	vst v63  }
0x29: {  	_ = 	snop  }
0x2a: {  	[tilespmem:s20], [sflag:$0x2] =	stream.indirect.gather [hbm4b:s3+s14], $0x80, s18, s14, $0xb8;
	[tilespmem:$0xA200] =	vst v63  }
0x2b: {  	_ =	swait.ge [sflag:s21], $0x2800  }
0x2c: {  	[sflag:s21] =	ssyncset.done $0x0  }
0x2d: {  	[sflag:s21] =	ssyncadd.s32 $0xFFFFD800  }
0x2e: {  	_ =	swait.ge [sflag:s21], $0x2800  }
0x2f: {  	[sflag:s21] =	ssyncset.done $0x0  }
0x30: {  	s31 =	sadd.s32 $0xFFFFF600, s7;
	[sflag:s21] =	ssyncadd.s32 $0xFFFFD800  }
0x31: {  	[hbm4b:s31+s2] =	stream.linear.scatter [tilespmem:s15], [sflag:$0x3], $0x5000, $0x38;
	[tilespmem:$0xA200] =	vst v63  }
0x32: {  	p0 =	por $0x0, $0x0;
	_ =	swait.ge [sflag:s22], $0x5000  }
0x33: {  	s26 =	simm.s32 @!p0 $0x0;
	[sflag:s22] =	ssyncset.done $0x0  }
0x34: {  	s28 =	simm.s32 @!p0 $0x4;
	s25 =	sadd.s32 @!p0 $0x0, s10;
	[sflag:s22] =	ssyncadd.s32 $0xFFFFB000  }
0x35: {  	[tilespmem:s26], [sflag:$0x4] =	stream.linear.gather @!p0 [hbm4b:s25+s26], $0x80, $0x38;
	[tilespmem:$0xA200] =	vst v63  }
0x36: {  	_ =	swait.ge @!p0 [sflag:s28], $0x80  }
0x37: {  	[sflag:s28] =	ssyncset.done @!p0 $0x0  }
0x38: {  	s29 =	simm.s32 @!p0 $0x100;
	s25 =	sadd.s32 @!p0 $0x0, s11;
	[sflag:s28] =	ssyncadd.s32 @!p0 $0xFFFFFF80  }
0x39: {  	[tilespmem:s29], [sflag:$0x4] =	stream.linear.gather @!p0 [hbm4b:s25+s26], $0x80, $0x38;
	[tilespmem:$0xA200] =	vst v63  }
0x3a: {  	_ =	swait.ge @!p0 [sflag:s28], $0x80  }
0x3b: {  	[sflag:s28] =	ssyncset.done @!p0 $0x0  }
0x3c: {  	s25 =	simm.s32 @!p0 $0x50;
	[sflag:s28] =	ssyncadd.s32 @!p0 $0xFFFFFF80;
	s28 =	simm.s32 @!p0 $0x200  }
0x3d: {  	[tilespmem:s28], [sflag:$0x1] =	stream.indirect.gather @!p0 [hbm4b:s3+s25], $0x80, s26, s25, $0xb8;
	[tilespmem:$0xA200] =	vst v63  }
0x3e: {  	s26 =	simm.s32 @!p0 $0x2A00  }
0x3f: {  	[tilespmem:s26], [sflag:$0x1] =	stream.indirect.gather @!p0 [hbm4b:s3+s25], $0x80, s29, s25, $0xb8;
	[tilespmem:$0xA200] =	vst v63  }
0x40: {  	_ =	swait.ge [sflag:s23], $0x2800  }
0x41: {  	[sflag:s23] =	ssyncset.done $0x0  }
0x42: {  	[sflag:s23] =	ssyncadd.s32 $0xFFFFD800  }
0x43: {  	_ =	swait.ge [sflag:s23], $0x2800  }
0x44: {  	[sflag:s23] =	ssyncset.done $0x0  }
0x45: {  	s28 =	simm.s32 $0x50;
	[sflag:s23] =	ssyncadd.s32 $0xFFFFD800  }
0x46: {  	[hbm4b:s7+s2] =	stream.linear.scatter [tilespmem:s19], [sflag:$0x3], $0x5000, $0x38;
	[tilespmem:$0xA200] =	vst v63  }
0x47: {  	s26 =	simm.s32 $0x28;
	s25 =	sadd.s32 $0x1400, s7;
	_ =	swait.ge [sflag:s22], $0x5000  }
.LBB2_2:
0x48: {  	s29 =	sadd.s32 s26, s8  }
0x49: {  	[sflag:s22] =	ssyncset.done $0x0;
	s30 =	smov.u32 s28;
	s28 =	sadd.s32 $0x28, s28  }
0x4a: {  	p0 =	sne.s32 s28, $0x500;
	[sflag:s22] =	ssyncadd.s32 $0xFFFFB000  }
0x4b: {  	[tilespmem:s17], [sflag:$0x4] =	stream.linear.gather [hbm4b:s29+s2], $0x80, $0x38;
	[tilespmem:$0xA200] =	vst v63  }
0x4c: {  	_ =	swait.ge [sflag:s12], $0x80  }
0x4d: {  	s29 =	sadd.s32 s26, s9;
	[sflag:s12] =	ssyncset.done $0x0  }
0x4e: {  	[sflag:s12] =	ssyncadd.s32 $0xFFFFFF80  }
0x4f: {  	[tilespmem:s18], [sflag:$0x4] =	stream.linear.gather [hbm4b:s29+s2], $0x80, $0x38;
	[tilespmem:$0xA200] =	vst v63  }
0x50: {  	_ =	swait.ge [sflag:s12], $0x80  }
0x51: {  	[sflag:s12] =	ssyncset.done $0x0  }
0x52: {  	[sflag:s12] =	ssyncadd.s32 $0xFFFFFF80  }
0x53: {  	[tilespmem:s19], [sflag:$0x2] =	stream.indirect.gather [hbm4b:s3+s14], $0x80, s17, s14, $0xb8;
	[tilespmem:$0xA200] =	vst v63  }
0x54: {  	_ = 	snop  }
0x55: {  	[tilespmem:s20], [sflag:$0x2] =	stream.indirect.gather [hbm4b:s3+s14], $0x80, s18, s14, $0xb8;
	[tilespmem:$0xA200] =	vst v63  }
0x56: {  	_ =	swait.ge [sflag:s21], $0x2800  }
0x57: {  	[sflag:s21] =	ssyncset.done $0x0  }
0x58: {  	[sflag:s21] =	ssyncadd.s32 $0xFFFFD800  }
0x59: {  	_ =	swait.ge [sflag:s21], $0x2800  }
0x5a: {  	s29 =	sadd.s32 $0xFFFFF600, s25;
	[sflag:s21] =	ssyncset.done $0x0  }
0x5b: {  	[sflag:s21] =	ssyncadd.s32 $0xFFFFD800  }
0x5c: {  	[hbm4b:s29+s2] =	stream.linear.scatter [tilespmem:s15], [sflag:$0x3], $0x5000, $0x38;
	[tilespmem:$0xA200] =	vst v63  }
0x5d: {  	p1 =	seq.s32 s26, $0x4D8;
	_ =	swait.ge [sflag:s22], $0x5000  }
0x5e: {  	s31 =	simm.s32 @!p1 $0x0;
	s29 =	sadd.s32 @!p1 s26, s10;
	[sflag:s22] =	ssyncset.done $0x0  }
0x5f: {  	s0 =	simm.s32 @!p1 $0x4;
	[sflag:s22] =	ssyncadd.s32 $0xFFFFB000  }
0x60: {  	[tilespmem:s31], [sflag:$0x4] =	stream.linear.gather @!p1 [hbm4b:s29+s31], $0x80, $0x38;
	[tilespmem:$0xA200] =	vst v63  }
0x61: {  	_ =	swait.ge @!p1 [sflag:s0], $0x80  }
0x62: {  	s1 =	simm.s32 @!p1 $0x100;
	s29 =	sadd.s32 @!p1 s26, s11;
	[sflag:s0] =	ssyncset.done @!p1 $0x0  }
0x63: {  	s26 =	smov.u32 s30;
	[sflag:s0] =	ssyncadd.s32 @!p1 $0xFFFFFF80  }
0x64: {  	[tilespmem:s1], [sflag:$0x4] =	stream.linear.gather @!p1 [hbm4b:s29+s31], $0x80, $0x38;
	[tilespmem:$0xA200] =	vst v63  }
0x65: {  	_ =	swait.ge @!p1 [sflag:s0], $0x80  }
0x66: {  	s30 =	simm.s32 @!p1 $0x200;
	s29 =	simm.s32 @!p1 $0x50;
	[sflag:s0] =	ssyncset.done @!p1 $0x0  }
0x67: {  	[sflag:s0] =	ssyncadd.s32 @!p1 $0xFFFFFF80;
	s0 =	simm.s32 @!p1 $0x2A00  }
0x68: {  	[tilespmem:s30], [sflag:$0x1] =	stream.indirect.gather @!p1 [hbm4b:s3+s29], $0x80, s31, s29, $0xb8;
	[tilespmem:$0xA200] =	vst v63  }
0x69: {  	_ = 	snop  }
0x6a: {  	[tilespmem:s0], [sflag:$0x1] =	stream.indirect.gather @!p1 [hbm4b:s3+s29], $0x80, s1, s29, $0xb8;
	[tilespmem:$0xA200] =	vst v63  }
0x6b: {  	_ =	swait.ge [sflag:s23], $0x2800  }
0x6c: {  	[sflag:s23] =	ssyncset.done $0x0  }
0x6d: {  	[sflag:s23] =	ssyncadd.s32 $0xFFFFD800  }
.Ltmp0:
0x6e: {  	_ =	swait.ge [sflag:s23], $0x2800;
	(pc) =	sbr.rel @p0 .LBB2_2-.Ltmp0, $4  }
0x6f: {  	[sflag:s23] =	ssyncset.done $0x0  }
0x70: {  	[sflag:s23] =	ssyncadd.s32 $0xFFFFD800  }
0x71: {  	[hbm4b:s25+s2] =	stream.linear.scatter [tilespmem:s19], [sflag:$0x3], $0x5000, $0x38;
	[tilespmem:$0xA200] =	vst v63  }
0x72: {  	s25 =	sadd.s32 $0x1400, s25;
	_ =	swait.ge [sflag:s22], $0x5000  }
0x73: {  	[sflag:s22] =	ssyncset.done $0x0  }
0x74: {  	s0 =	sadd.s32 s26, s8;
	[sflag:s22] =	ssyncadd.s32 $0xFFFFB000  }
0x75: {  	[tilespmem:s17], [sflag:$0x4] =	stream.linear.gather [hbm4b:s0+s2], $0x80, $0x38;
	[tilespmem:$0xA200] =	vst v63  }
0x76: {  	_ =	swait.ge [sflag:s12], $0x80  }
0x77: {  	[sflag:s12] =	ssyncset.done $0x0  }
0x78: {  	s30 =	sadd.s32 s26, s9;
	[sflag:s12] =	ssyncadd.s32 $0xFFFFFF80  }
0x79: {  	[tilespmem:s18], [sflag:$0x4] =	stream.linear.gather [hbm4b:s30+s2], $0x80, $0x38;
	[tilespmem:$0xA200] =	vst v63  }
0x7a: {  	_ =	swait.ge [sflag:s12], $0x80  }
0x7b: {  	[sflag:s12] =	ssyncset.done $0x0  }
0x7c: {  	[sflag:s12] =	ssyncadd.s32 $0xFFFFFF80  }
0x7d: {  	[tilespmem:s19], [sflag:$0x2] =	stream.indirect.gather [hbm4b:s3+s14], $0x80, s17, s14, $0xb8;
	[tilespmem:$0xA200] =	vst v63  }
0x7e: {  	_ = 	snop  }
0x7f: {  	[tilespmem:s20], [sflag:$0x2] =	stream.indirect.gather [hbm4b:s3+s14], $0x80, s18, s14, $0xb8;
	[tilespmem:$0xA200] =	vst v63  }
0x80: {  	_ =	swait.ge [sflag:s21], $0x2800  }
0x81: {  	[sflag:s21] =	ssyncset.done $0x0  }
0x82: {  	[sflag:s21] =	ssyncadd.s32 $0xFFFFD800  }
0x83: {  	_ =	swait.ge [sflag:s21], $0x2800  }
0x84: {  	[sflag:s21] =	ssyncset.done $0x0  }
0x85: {  	s31 =	sadd.s32 $0xFFFFF600, s25;
	[sflag:s21] =	ssyncadd.s32 $0xFFFFD800  }
0x86: {  	[hbm4b:s31+s2] =	stream.linear.scatter [tilespmem:s15], [sflag:$0x3], $0x5000, $0x38;
	[tilespmem:$0xA200] =	vst v63  }
0x87: {  	p0 =	seq.s32 s26, $0x4D8;
	_ =	swait.ge [sflag:s22], $0x5000  }
0x88: {  	s1 =	simm.s32 @!p0 $0x0;
	[sflag:s22] =	ssyncset.done $0x0  }
0x89: {  	s28 =	simm.s32 @!p0 $0x4;
	s0 =	sadd.s32 @!p0 s26, s10;
	[sflag:s22] =	ssyncadd.s32 $0xFFFFB000  }
0x8a: {  	[tilespmem:s1], [sflag:$0x4] =	stream.linear.gather @!p0 [hbm4b:s0+s1], $0x80, $0x38;
	[tilespmem:$0xA200] =	vst v63  }
0x8b: {  	_ =	swait.ge @!p0 [sflag:s28], $0x80  }
0x8c: {  	[sflag:s28] =	ssyncset.done @!p0 $0x0  }
0x8d: {  	s0 =	sadd.s32 @!p0 s26, s11;
	s26 =	simm.s32 @!p0 $0x100;
	[sflag:s28] =	ssyncadd.s32 @!p0 $0xFFFFFF80  }
0x8e: {  	[tilespmem:s26], [sflag:$0x4] =	stream.linear.gather @!p0 [hbm4b:s0+s1], $0x80, $0x38;
	[tilespmem:$0xA200] =	vst v63  }
0x8f: {  	_ =	swait.ge @!p0 [sflag:s28], $0x80  }
0x90: {  	[sflag:s28] =	ssyncset.done @!p0 $0x0  }
0x91: {  	s29 =	simm.s32 @!p0 $0x200;
	s0 =	simm.s32 @!p0 $0x50;
	[sflag:s28] =	ssyncadd.s32 @!p0 $0xFFFFFF80  }
0x92: {  	[tilespmem:s29], [sflag:$0x1] =	stream.indirect.gather @!p0 [hbm4b:s3+s0], $0x80, s1, s0, $0xb8;
	[tilespmem:$0xA200] =	vst v63  }
0x93: {  	s1 =	simm.s32 @!p0 $0x2A00  }
0x94: {  	[tilespmem:s1], [sflag:$0x1] =	stream.indirect.gather @!p0 [hbm4b:s3+s0], $0x80, s26, s0, $0xb8;
	[tilespmem:$0xA200] =	vst v63  }
0x95: {  	_ =	swait.ge [sflag:s23], $0x2800  }
0x96: {  	[sflag:s23] =	ssyncset.done $0x0  }
0x97: {  	[sflag:s23] =	ssyncadd.s32 $0xFFFFD800  }
0x98: {  	s24 =	sadd.s32 $0x1, s24;
	_ =	swait.ge [sflag:s23], $0x2800  }
0x99: {  	p0 =	sne.s32 s24, s6;
	[sflag:s23] =	ssyncset.done $0x0  }
.Ltmp1:
0x9a: {  	[sflag:s23] =	ssyncadd.s32 $0xFFFFD800;
	(pc) =	sbr.rel @p0 .LBB2_1-.Ltmp1, $4  }
0x9b: {  	[hbm4b:s25+s2] =	stream.linear.scatter [tilespmem:s19], [sflag:$0x3], $0x5000, $0x38;
	[tilespmem:$0xA200] =	vst v63  }
0x9c: {  	_ =	swait.ge [sflag:s22], $0x5000  }
0x9d: {  	[sflag:s22] =	ssyncset.done $0x0  }
0x9e: {  	[sflag:s22] =	ssyncadd.s32 $0xFFFFB000  }
0x9f: {  	_ =	sfence.sel $0x180000  }
0xa0: {  	[bflag:$0x0] =	sbarrier.arrive $0xFFFF  }
0xa1: {  	_ =	strace $0x9000004A  }
0xa2: {  	s0 =	stileid.u32;
	[bflag:$0x2] =	sbarrier.arrive $0xFFFF  }
0xa3: {  	p0 =	sne.s32 s0, $0x0;
	s0 =	rddreg [dreg:$0x1]  }
0xa4: {  	s0 =	sadd.s32 @!p0 $0x100000, s0  }
0xa5: {  	[sflag:s0] =	ssyncadd.tile.s32 @!p0 $0x1;
	_ =	shalt  }
.Lfunc_end2:
_tile_overlayer_lowered:
.L_overlay_start_2:
0xa6: {  	(tag) =	ssettag $0x2  }
0xa7: {  	s0 =	rddreg [dreg:$0x0];
	s2 =	stileid.u32  }
0xa8: {  	s1 =	rddreg [dreg:$0x1];
	p0 =	sne.s32 s2, $0x0  }
0xa9: {  	s3 =	rddreg [dreg:$0x2];
	[bflag:$0x3] =	sbarrier.arrive $0xFFFF;
	s2 =	simm.s32 @!p0 $0x1C04  }
0xaa: {  	[timem:s3], [sflag:s2] =	dma.local @!p0 [hbm:s0], s1  }
0xab: {  	s0 =	simm.s32 @!p0 $0x4  }
0xac: {  	_ =	swait.ge @!p0 [sflag:s0], s1  }
0xad: {  	s1 =	ssub.s32 @!p0 $0x0, s1;
	[sflag:s0] =	ssyncset.done @!p0 $0x0  }
0xae: {  	[sflag:s0] =	ssyncadd.s32 @!p0 s1  }
0xaf: {  	[bflag:$0x3] =	sbarrier.arrive $0xFFFF  }
0xb0: {  	_ =	shalt  }

// kernel: kernel.25.cloned.1.call-start
scs
__scs_entry_jumppad:
0x0: {  	(pc) =	sbr.rel $0x88, $3  }
0x1: {  	(tag) =	ssettag $0x0;
	lr =	simm.s32 $0x1  }
0x2: {  	[smem:$0x3F91] =	sst lr;
	_ =	strace $0xD0000000  }
0x3: {  	_ = 	snop  }
0x4: {  	_ = 	snop  }
0x5: {  	_ = 	snop  }
0x6: {  	_ = 	snop  }
0x7: {  	_ = 	snop  }
__scs_overlays_trampoline_lowered:
0x8: {  	[smem:$0x3FA0] =	sst s0  }
0x9: {  	[smem:$0x3FA1] =	sst s1  }
0xa: {  	[smem:$0x3FA2] =	sst s2  }
0xb: {  	[smem:$0x3FA3] =	sst s3  }
0xc: {  	[smem:$0x3FA4] =	sst s4  }
0xd: {  	[smem:$0x3FA5] =	sst s5  }
0xe: {  	[smem:$0x3FA6] =	sst s6  }
0xf: {  	[smem:$0x3FA7] =	sst s7  }
0x10: {  	[smem:$0x3FA8] =	sst s8  }
0x11: {  	[smem:$0x3FA9] =	sst s9;
	s0 =	simm.s32 @!p0 $0x0  }
0x12: {  	s1 =	sld [smem:$0x3F8F];
	s0 =	simm.s32 @p0 $0x1  }
0x13: {  	[smem:$0x3FAA] =	sst s0;
	s0 =	simm.s32 @!p1 $0x0  }
0x14: {  	s2 =	sld [smem:$0x3F8E];
	s0 =	simm.s32 @p1 $0x1  }
0x15: {  	[smem:$0x3FAB] =	sst s0;
	s0 =	simm.s32 @!p2 $0x0  }
0x16: {  	s3 =	sld [smem:$0x3FDB];
	s0 =	simm.s32 @p2 $0x1  }
0x17: {  	s4 =	simm.s32 $0x1BF5;
	[smem:$0x3FAD] =	sst s0  }
0x18: {  	s0 =	sld [smem:$0x3F90];
	_ =	swait.ge [sflag:s4], $0x0  }
0x19: {  	s7 =	sld [smem:$0x3F91]  }
0x1a: {  	s8 =	sadd.s32 $0xFFFFE003, lr  }
0x1b: {  	s9 =	sadd.s32 $0xFFFFFEF7, lr;
	s5 =	simm.s32 $0xFFFFFFFF;
	p2 =	slt.u32 s8, $0xFFFFF086  }
0x1c: {  	p1 =	slt.u32 s9, $0xF7A;
	s5 =	simm.s32 @!p2 $0x0  }
0x1d: {  	s5 =	simm.s32 @p1 $0x1;
	p0 =	seq.s32 s7, s2  }
0x1e: {  	s7 =	smul.u32 @!p0 $0xF7A, s2;
	p2 =	seq.s32 @!p0 s5, $0x0  }
0x1f: {  	s9 =	smul.u32 $0xF7A, s1;
	s8 =	simm.s32 @!p0 $0x1BF5;
	p2 =	por !p2, p0  }
0x20: {  	[sflag:s8] =	ssyncset.s32 @!p0 $0xFFFFF086;
	s6 =	sadd.s32 @!p0 s3, s7;
	s7 =	simm.s32 @!p0 $0x108  }
0x21: {  	s3 =	sadd.s32 s3, s9;
	s6 =	sadd.s32 @!p0 $0x88, s6;
	s7 =	simm.s32 @p2 $0x1082  }
0x22: {  	[simem:s7], [sflag:s8] =	dma.local @!p0 [hbm:s6], $0xF7A  }
0x23: {  	s9 =	sor.u32 $0xD0000000, s2;
	s6 =	simm.s32 $0x108;
	_ =	swait.ge @!p0 [sflag:s8], $0x0  }
0x24: {  	s3 =	sadd.s32 $0x88, s3;
	s6 =	simm.s32 @!p1 $0x1082;
	[sflag:s4] =	ssyncset.s32 $0xFFFFF086  }
0x25: {  	[simem:s6], [sflag:s4] =	dma.local [hbm:s3], $0xF7A  }
0x26: {  	[smem:$0x3F91] =	sst s1;
	(tag) =	ssettag s2;
	_ =	strace s9  }
0x27: {  	s1 =	sld [smem:$0x3FA1]  }
0x28: {  	s2 =	sld [smem:$0x3FA2]  }
0x29: {  	s4 =	sld [smem:$0x3FA4]  }
0x2a: {  	p0 =	seq.s32 s5, $0x0;
	s5 =	sld [smem:$0x3FA5]  }
0x2b: {  	s6 =	sld [smem:$0x3FA6]  }
0x2c: {  	s7 =	sld [smem:$0x3FA7]  }
0x2d: {  	s3 =	simm.s32 $0x108;
	s8 =	sld [smem:$0x3FA8]  }
0x2e: {  	s3 =	simm.s32 @!p0 $0x1082;
	s9 =	sld [smem:$0x3FA9]  }
0x2f: {  	lr =	sadd.s32 s0, s3;
	s0 =	sld [smem:$0x3FA0]  }
0x30: {  	s3 =	sld [smem:$0x3FA3]  }
0x31: {  	[smem:$0x3FAC] =	sst s10  }
0x32: {  	s10 =	sld [smem:$0x3FAA];
	_ =	sdelay $0x3  }
0x33: {  	p0 =	seq.s32 s10, $0x1;
	s10 =	sld [smem:$0x3FAC];
	_ =	sdelay $0x3  }
0x34: {  	[smem:$0x3FAC] =	sst s10  }
0x35: {  	s10 =	sld [smem:$0x3FAB];
	_ =	sdelay $0x3  }
0x36: {  	p1 =	seq.s32 s10, $0x1;
	s10 =	sld [smem:$0x3FAC];
	_ =	sdelay $0x3  }
0x37: {  	[smem:$0x3FAC] =	sst s10  }
0x38: {  	s10 =	sld [smem:$0x3FAD]  }
0x39: {  	_ = 	snop;
	(pc) =	sbr.ind lr, $3  }
0x3a: {  	_ = 	snop  }
0x3b: {  	_ = 	snop  }
0x3c: {  	p2 =	seq.s32 s10, $0x1;
	s10 =	sld [smem:$0x3FAC]  }
0x3d: {  	_ =	shalt  }
0x3e: {  	_ =	shalt  }
0x3f: {  	_ =	shalt  }
0x40: {  	_ =	shalt  }
0x41: {  	_ =	shalt  }
0x42: {  	_ =	shalt  }
0x43: {  	_ =	shalt  }
0x44: {  	_ =	shalt  }
0x45: {  	_ =	shalt  }
0x46: {  	_ =	shalt  }
0x47: {  	_ =	shalt  }
0x48: {  	_ =	shalt  }
0x49: {  	_ =	shalt  }
0x4a: {  	_ =	shalt  }
0x4b: {  	_ =	shalt  }
0x4c: {  	_ =	shalt  }
0x4d: {  	_ =	shalt  }
0x4e: {  	_ =	shalt  }
0x4f: {  	_ =	shalt  }
0x50: {  	_ =	shalt  }
0x51: {  	_ =	shalt  }
0x52: {  	_ =	shalt  }
0x53: {  	_ =	shalt  }
0x54: {  	_ =	shalt  }
0x55: {  	_ =	shalt  }
0x56: {  	_ =	shalt  }
0x57: {  	_ =	shalt  }
0x58: {  	_ =	shalt  }
0x59: {  	_ =	shalt  }
0x5a: {  	_ =	shalt  }
0x5b: {  	_ =	shalt  }
0x5c: {  	_ =	shalt  }
0x5d: {  	_ =	shalt  }
0x5e: {  	_ =	shalt  }
0x5f: {  	_ =	shalt  }
0x60: {  	_ =	shalt  }
0x61: {  	_ =	shalt  }
0x62: {  	_ =	shalt  }
0x63: {  	_ =	shalt  }
0x64: {  	_ =	shalt  }
0x65: {  	_ =	shalt  }
0x66: {  	_ =	shalt  }
0x67: {  	_ =	shalt  }
0x68: {  	_ =	shalt  }
0x69: {  	_ =	shalt  }
0x6a: {  	_ =	shalt  }
0x6b: {  	_ =	shalt  }
0x6c: {  	_ =	shalt  }
0x6d: {  	_ =	shalt  }
0x6e: {  	_ =	shalt  }
0x6f: {  	_ =	shalt  }
0x70: {  	_ =	shalt  }
0x71: {  	_ =	shalt  }
0x72: {  	_ =	shalt  }
0x73: {  	_ =	shalt  }
0x74: {  	_ =	shalt  }
0x75: {  	_ =	shalt  }
0x76: {  	_ =	shalt  }
0x77: {  	_ =	shalt  }
0x78: {  	_ =	shalt  }
0x79: {  	_ =	shalt  }
0x7a: {  	_ =	shalt  }
0x7b: {  	_ =	shalt  }
0x7c: {  	_ =	shalt  }
0x7d: {  	_ =	shalt  }
0x7e: {  	_ =	shalt  }
0x7f: {  	_ =	shalt  }
0x80: {  	_ =	shalt  }
0x81: {  	_ =	shalt  }
0x82: {  	_ =	shalt  }
0x83: {  	_ =	shalt  }
0x84: {  	_ =	shalt  }
0x85: {  	_ =	shalt  }
0x86: {  	_ =	shalt  }
0x87: {  	_ =	shalt  }
.Lfunc_end0:
.L_simem_size_0:
called_computation.2_lowered:
.L_overlay_start_0:
0x88: {  	s2 =	sld [smem:$0x3FD9]  }
0x89: {  	s3 =	sld [smem:$0x3FFE];
	_ =	sdelay $0x1  }
0x8a: {  	s1 =	srdreg.scid  }
0x8b: {  	s0 =	sand.u32 $0x1, s1  }
0x8c: {  	s16 =	sshll.u32 s0, $0xA;
	s2 =	sadd.s32 s3, s2  }
0x8d: {  	s2 =	sadd.s32 s2, s16  }
0x8e: {  	[smem:$0x3FB8] =	sst s2  }
0x8f: {  	_ = 	snop  }
0x90: {  	(tm) =	ssettm $0x1  }
0x91: {  	s17 =	sld [smem:$0x3FFB];
	_ =	sdelay $0x3  }
0x92: {  	_ =	strace s17  }
0x93: {  	s2 =	sld [smem:$0x3FFC];
	_ =	sdelay $0x3  }
0x94: {  	_ =	strace s2  }
0x95: {  	s2 =	sld [smem:$0x3FFD];
	_ =	sdelay $0x3  }
0x96: {  	_ =	strace s2  }
0x97: {  	_ =	strace $0x8FFFFFFF  }
0x98: {  	s18 =	sld [smem:$0x3FDB];
	_ =	sdelay $0x1  }
0x99: {  	s19 =	simm.s32 $_scs_section_size  }
0x9a: {  	s4 =	simm.s32 $_size__tile_overlayer_lowered;
	s5 =	simm.s32 $_tile_overlayer_lowered  }
0x9b: {  	s22 =	simm.s32 $0x1BFF;
	s21 =	sshll.u32 s5, $0x1;
	s2 =	sadd.s32 s19, s18  }
0x9c: {  	s6 =	simm.s32 $0x0;
	s20 =	sshll.u32 s4, $0x1;
	s4 =	sadd.s32 s21, s2  }
0x9d: {  	[timem:s6], [sflag:s22] =	dma.local [hbm:s4], s20  }
0x9e: {  	_ =	swait.ge [sflag:s22], s20  }
0x9f: {  	s3 =	ssub.s32 $0x0, s20;
	[sflag:s22] =	ssyncset.done $0x0  }
0xa0: {  	[sflag:s22] =	ssyncadd.s32 s3;
	_ =	sdelay $0x1  }
0xa1: {  	s23 =	simm.s32 $0x1B8B  }
0xa2: {  	_ =	swait.ge [sflag:s23], $0x1  }
0xa3: {  	[sflag:s23] =	ssyncset.done $0x0  }
0xa4: {  	s25 =	simm.s32 $0x1B8E;
	s24 =	sld [smem:$0x3FFE];
	[sflag:s23] =	ssyncadd.s32 $0xFFFFFFFF  }
0xa5: {  	s26 =	simm.s32 $execute0_lowered;
	[smem:$0x3FD2] =	sst s25  }
0xa6: {  	s4 =	sshll.u32 s26, $0x1;
	_ =	strace $0x8000004C;
	[dreg:$0x1] =	wrdreg $0xFFFFFFFF  }
0xa7: {  	s28 =	simm.s32 $_size_execute0_lowered;
	s2 =	sadd.s32 s2, s4;
	[dreg:$0x0] =	wrdreg $0x0  }
0xa8: {  	s4 =	sshll.u32 s28, $0x1;
	[dreg:$0x2] =	wrdreg s2  }
0xa9: {  	[dreg:$0x3] =	wrdreg s4  }
0xaa: {  	[dreg:$0x4] =	wrdreg $0xC0  }
0xab: {  	_ =	task [dreg:s6], $0x5FFFF  }
0xac: {  	[dreg:$0x1] =	wrdreg $0xFFFFFFFF  }
0xad: {  	[dreg:$0x0] =	wrdreg $0x60  }
0xae: {  	[dreg:$0x2] =	wrdreg s24  }
0xaf: {  	[dreg:$0x3] =	wrdreg $0x9  }
0xb0: {  	_ =	task.clear_ibuf [dreg:s6], $0x4FFFF;
	_ =	strace $0x9000004C  }
0xb1: {  	s29 =	simm.s32 $0x9;
	_ =	strace $0x8000004E  }
0xb2: {  	_ =	swait.ge [sflag:s29], $0x1  }
0xb3: {  	[sflag:s29] =	ssyncadd.s32 $0xFFFFFFFF  }
0xb4: {  	_ =	strace $0x9000004E  }
0xb5: {  	_ =	sfence  }
0xb6: {  	s30 =	sld [smem:$0x0];
	_ =	sdelay $0x2  }
0xb7: {  	s31 =	sshll.u32 s1, $0xD;
	s1 =	sshrl.u32 s1, $0x2  }
0xb8: {  	s3 =	sand.u32 $0x4000, s31;
	s1 =	sadd.s32 s1, s30  }
0xb9: {  	s0 =	sor.u32 s3, s0;
	s1 =	sshll.u32 s1, $0x11  }
0xba: {  	s0 =	sor.u32 s1, s0  }
0xbb: {  	s0 =	sadd.s32 $0x8F2B, s0  }
0xbc: {  	[sflag:s0] =	ssyncadd.remote.s32 $0x1  }
0xbd: {  	_ =	sfence.sel $0xFFFF  }
0xbe: {  	[dreg:$0x0] =	wrdreg $0xFFFFFFFF;
	(pc) =	sbr.abs _section_cstart, $3  }
0xbf: {  	[dreg:$0x1] =	wrdreg $0xFFFFFFFF  }
0xc0: {  	_ =	task.clear_ibuf [dreg:s6], $0x2FFFF;
	_ =	strace $0x9FFFFFFF  }
0xc1: {  	(tm) =	ssettm $0x7FFFFFFF  }
tec
execute0_lowered:
.L_overlay_start_1:
0x0: {  	(tag) =	ssettag $0x1  }
0x1: {  	s4 =	rddreg [dreg:$0x0]  }
0x2: {  	s2 =	simm.s32 $0x0;
	s0 =	stileid.u32;
	s3 =	srdreg.scid  }
0x3: {  	s14 =	simm.s32 $0x50;
	s15 =	simm.s32 $0x200;
	s16 =	simm.s32 $0x2A00  }
0x4: {  	s17 =	simm.s32 $0x80;
	s18 =	simm.s32 $0x180;
	s19 =	simm.s32 $0x5200  }
0x5: {  	s20 =	simm.s32 $0x7A00;
	[smem:$0x7FF] =	sst s2;
	s5 =	sand.u32 $0x1, s3  }
0x6: {  	s21 =	sshll.u32 s0, $0x1;
	s6 =	smul.u32 $0x50000, s0;
	s8 =	sshll.u32 s0, $0xA  }
0x7: {  	s11 =	sadd.s32 $0x83A00, s4;
	s13 =	smul.u32 $0x5000, s0;
	_ =	strace $0x8000004D  }
0x8: {  	s3 =	sor.u32 s5, s21;
	s9 =	sshll.u32 s5, $0x9;
	s10 =	smul.u32 $0x28000, s5  }
0x9: {  	s22 =	ssub.s32 $0x2, s5;
	s26 =	smul.u32 $0x2800, s5;
	s21 =	simm.s32 $0x1  }
0xa: {  	s7 =	smul.u32 $0x500, s3;
	s3 =	sadd.s32 $0x43A00, s4;
	s8 =	sor.u32 s9, s8  }
0xb: {  	s23 =	sadd.s32 s6, s4;
	s24 =	sshrl.u32 s22, $0x1;
	s12 =	smul.u32 $0x5, s8  }
0xc: {  	s25 =	ssub.s32 s22, s24;
	s8 =	sadd.s32 s10, s23;
	s29 =	sadd.s32 s26, s13  }
0xd: {  	s13 =	simm.s32 $0x100;
	s22 =	simm.s32 $0x3;
	s23 =	simm.s32 $0x2  }
0xe: {  	s24 =	simm.s32 $0x0;
	s4 =	sadd.s32 s11, s7;
	s6 =	smax.u32 s25, $0x1  }
0xf: {  	s7 =	sadd.s32 $0x8E600, s8;
	s30 =	sor.u32 $0xF0, s29;
	s10 =	sor.u32 $0x190, s29  }
0x10: {  	s5 =	sadd.s32 $0xA, s4;
	s28 =	sor.u32 $0x28, s12;
	s12 =	sor.u32 $0x50, s12  }
0x11: {  	s31 =	sshrl.u32 s10, $0x3;
	s9 =	sshrl.u32 s28, $0x1;
	s12 =	sshrl.u32 s12, $0x1  }
0x12: {  	s8 =	sadd.s32 s9, s11;
	s9 =	sshrl.u32 s30, $0x3;
	s10 =	sadd.s32 s12, s11  }
0x13: {  	s12 =	simm.s32 $0x4;
	s9 =	sadd.s32 s9, s11;
	s11 =	sadd.s32 s31, s11  }
.LBB2_1:
0x14: {  	[tilespmem:s2], [sflag:$0x4] =	stream.linear.gather [hbm4b:s4+s2], $0x80, $0x38;
	[tilespmem:$0xA200] =	vst v63  }
0x15: {  	_ =	swait.ge [sflag:s12], $0x80  }
0x16: {  	[sflag:s12] =	ssyncset.done $0x0  }
0x17: {  	[sflag:s12] =	ssyncadd.s32 $0xFFFFFF80  }
0x18: {  	[tilespmem:s13], [sflag:$0x4] =	stream.linear.gather [hbm4b:s5+s2], $0x80, $0x38;
	[tilespmem:$0xA200] =	vst v63  }
0x19: {  	_ =	swait.ge [sflag:s12], $0x80  }
0x1a: {  	[sflag:s12] =	ssyncset.done $0x0  }
0x1b: {  	[sflag:s12] =	ssyncadd.s32 $0xFFFFFF80  }
0x1c: {  	[tilespmem:s15], [sflag:$0x1] =	stream.indirect.gather [hbm4b:s3+s14], $0x80, s2, s14, $0xb8;
	[tilespmem:$0xA200] =	vst v63  }
0x1d: {  	_ = 	snop  }
0x1e: {  	[tilespmem:s16], [sflag:$0x1] =	stream.indirect.gather [hbm4b:s3+s14], $0x80, s13, s14, $0xb8;
	[tilespmem:$0xA200] =	vst v63  }
0x1f: {  	s25 =	sadd.s32 $0x0, s8  }
0x20: {  	[tilespmem:s17], [sflag:$0x4] =	stream.linear.gather [hbm4b:s25+s2], $0x80, $0x38;
	[tilespmem:$0xA200] =	vst v63  }
0x21: {  	_ =	swait.ge [sflag:s12], $0x80  }
0x22: {  	[sflag:s12] =	ssyncset.done $0x0  }
0x23: {  	s30 =	sadd.s32 $0x0, s9;
	[sflag:s12] =	ssyncadd.s32 $0xFFFFFF80  }
0x24: {  	[tilespmem:s18], [sflag:$0x4] =	stream.linear.gather [hbm4b:s30+s2], $0x80, $0x38;
	[tilespmem:$0xA200] =	vst v63  }
0x25: {  	_ =	swait.ge [sflag:s12], $0x80  }
0x26: {  	[sflag:s12] =	ssyncset.done $0x0  }
0x27: {  	[sflag:s12] =	ssyncadd.s32 $0xFFFFFF80  }
0x28: {  	[tilespmem:s19], [sflag:$0x2] =	stream.indirect.gather [hbm4b:s3+s14], $0x80, s17, s14, $0xb8;
	[tilespmem:$0xA200] =	vst v63  }
0x29: {  	_ = 	snop  }
0x2a: {  	[tilespmem:s20], [sflag:$0x2] =	stream.indirect.gather [hbm4b:s3+s14], $0x80, s18, s14, $0xb8;
	[tilespmem:$0xA200] =	vst v63  }
0x2b: {  	_ =	swait.ge [sflag:s21], $0x2800  }
0x2c: {  	[sflag:s21] =	ssyncset.done $0x0  }
0x2d: {  	[sflag:s21] =	ssyncadd.s32 $0xFFFFD800  }
0x2e: {  	_ =	swait.ge [sflag:s21], $0x2800  }
0x2f: {  	[sflag:s21] =	ssyncset.done $0x0  }
0x30: {  	s31 =	sadd.s32 $0xFFFFF600, s7;
	[sflag:s21] =	ssyncadd.s32 $0xFFFFD800  }
0x31: {  	[hbm4b:s31+s2] =	stream.linear.scatter [tilespmem:s15], [sflag:$0x3], $0x5000, $0x38;
	[tilespmem:$0xA200] =	vst v63  }
0x32: {  	p0 =	por $0x0, $0x0;
	_ =	swait.ge [sflag:s22], $0x5000  }
0x33: {  	s26 =	simm.s32 @!p0 $0x0;
	[sflag:s22] =	ssyncset.done $0x0  }
0x34: {  	s28 =	simm.s32 @!p0 $0x4;
	s25 =	sadd.s32 @!p0 $0x0, s10;
	[sflag:s22] =	ssyncadd.s32 $0xFFFFB000  }
0x35: {  	[tilespmem:s26], [sflag:$0x4] =	stream.linear.gather @!p0 [hbm4b:s25+s26], $0x80, $0x38;
	[tilespmem:$0xA200] =	vst v63  }
0x36: {  	_ =	swait.ge @!p0 [sflag:s28], $0x80  }
0x37: {  	[sflag:s28] =	ssyncset.done @!p0 $0x0  }
0x38: {  	s29 =	simm.s32 @!p0 $0x100;
	s25 =	sadd.s32 @!p0 $0x0, s11;
	[sflag:s28] =	ssyncadd.s32 @!p0 $0xFFFFFF80  }
0x39: {  	[tilespmem:s29], [sflag:$0x4] =	stream.linear.gather @!p0 [hbm4b:s25+s26], $0x80, $0x38;
	[tilespmem:$0xA200] =	vst v63  }
0x3a: {  	_ =	swait.ge @!p0 [sflag:s28], $0x80  }
0x3b: {  	[sflag:s28] =	ssyncset.done @!p0 $0x0  }
0x3c: {  	s25 =	simm.s32 @!p0 $0x50;
	[sflag:s28] =	ssyncadd.s32 @!p0 $0xFFFFFF80;
	s28 =	simm.s32 @!p0 $0x200  }
0x3d: {  	[tilespmem:s28], [sflag:$0x1] =	stream.indirect.gather @!p0 [hbm4b:s3+s25], $0x80, s26, s25, $0xb8;
	[tilespmem:$0xA200] =	vst v63  }
0x3e: {  	s26 =	simm.s32 @!p0 $0x2A00  }
0x3f: {  	[tilespmem:s26], [sflag:$0x1] =	stream.indirect.gather @!p0 [hbm4b:s3+s25], $0x80, s29, s25, $0xb8;
	[tilespmem:$0xA200] =	vst v63  }
0x40: {  	_ =	swait.ge [sflag:s23], $0x2800  }
0x41: {  	[sflag:s23] =	ssyncset.done $0x0  }
0x42: {  	[sflag:s23] =	ssyncadd.s32 $0xFFFFD800  }
0x43: {  	_ =	swait.ge [sflag:s23], $0x2800  }
0x44: {  	[sflag:s23] =	ssyncset.done $0x0  }
0x45: {  	s28 =	simm.s32 $0x50;
	[sflag:s23] =	ssyncadd.s32 $0xFFFFD800  }
0x46: {  	[hbm4b:s7+s2] =	stream.linear.scatter [tilespmem:s19], [sflag:$0x3], $0x5000, $0x38;
	[tilespmem:$0xA200] =	vst v63  }
0x47: {  	s26 =	simm.s32 $0x28;
	s25 =	sadd.s32 $0x1400, s7;
	_ =	swait.ge [sflag:s22], $0x5000  }
.LBB2_2:
0x48: {  	s29 =	sadd.s32 s26, s8  }
0x49: {  	[sflag:s22] =	ssyncset.done $0x0;
	s30 =	smov.u32 s28;
	s28 =	sadd.s32 $0x28, s28  }
0x4a: {  	p0 =	sne.s32 s28, $0x500;
	[sflag:s22] =	ssyncadd.s32 $0xFFFFB000  }
0x4b: {  	[tilespmem:s17], [sflag:$0x4] =	stream.linear.gather [hbm4b:s29+s2], $0x80, $0x38;
	[tilespmem:$0xA200] =	vst v63  }
0x4c: {  	_ =	swait.ge [sflag:s12], $0x80  }
0x4d: {  	s29 =	sadd.s32 s26, s9;
	[sflag:s12] =	ssyncset.done $0x0  }
0x4e: {  	[sflag:s12] =	ssyncadd.s32 $0xFFFFFF80  }
0x4f: {  	[tilespmem:s18], [sflag:$0x4] =	stream.linear.gather [hbm4b:s29+s2], $0x80, $0x38;
	[tilespmem:$0xA200] =	vst v63  }
0x50: {  	_ =	swait.ge [sflag:s12], $0x80  }
0x51: {  	[sflag:s12] =	ssyncset.done $0x0  }
0x52: {  	[sflag:s12] =	ssyncadd.s32 $0xFFFFFF80  }
0x53: {  	[tilespmem:s19], [sflag:$0x2] =	stream.indirect.gather [hbm4b:s3+s14], $0x80, s17, s14, $0xb8;
	[tilespmem:$0xA200] =	vst v63  }
0x54: {  	_ = 	snop  }
0x55: {  	[tilespmem:s20], [sflag:$0x2] =	stream.indirect.gather [hbm4b:s3+s14], $0x80, s18, s14, $0xb8;
	[tilespmem:$0xA200] =	vst v63  }
0x56: {  	_ =	swait.ge [sflag:s21], $0x2800  }
0x57: {  	[sflag:s21] =	ssyncset.done $0x0  }
0x58: {  	[sflag:s21] =	ssyncadd.s32 $0xFFFFD800  }
0x59: {  	_ =	swait.ge [sflag:s21], $0x2800  }
0x5a: {  	s29 =	sadd.s32 $0xFFFFF600, s25;
	[sflag:s21] =	ssyncset.done $0x0  }
0x5b: {  	[sflag:s21] =	ssyncadd.s32 $0xFFFFD800  }
0x5c: {  	[hbm4b:s29+s2] =	stream.linear.scatter [tilespmem:s15], [sflag:$0x3], $0x5000, $0x38;
	[tilespmem:$0xA200] =	vst v63  }
0x5d: {  	p1 =	seq.s32 s26, $0x4D8;
	_ =	swait.ge [sflag:s22], $0x5000  }
0x5e: {  	s31 =	simm.s32 @!p1 $0x0;
	s29 =	sadd.s32 @!p1 s26, s10;
	[sflag:s22] =	ssyncset.done $0x0  }
0x5f: {  	s0 =	simm.s32 @!p1 $0x4;
	[sflag:s22] =	ssyncadd.s32 $0xFFFFB000  }
0x60: {  	[tilespmem:s31], [sflag:$0x4] =	stream.linear.gather @!p1 [hbm4b:s29+s31], $0x80, $0x38;
	[tilespmem:$0xA200] =	vst v63  }
0x61: {  	_ =	swait.ge @!p1 [sflag:s0], $0x80  }
0x62: {  	s1 =	simm.s32 @!p1 $0x100;
	s29 =	sadd.s32 @!p1 s26, s11;
	[sflag:s0] =	ssyncset.done @!p1 $0x0  }
0x63: {  	s26 =	smov.u32 s30;
	[sflag:s0] =	ssyncadd.s32 @!p1 $0xFFFFFF80  }
0x64: {  	[tilespmem:s1], [sflag:$0x4] =	stream.linear.gather @!p1 [hbm4b:s29+s31], $0x80, $0x38;
	[tilespmem:$0xA200] =	vst v63  }
0x65: {  	_ =	swait.ge @!p1 [sflag:s0], $0x80  }
0x66: {  	s30 =	simm.s32 @!p1 $0x200;
	s29 =	simm.s32 @!p1 $0x50;
	[sflag:s0] =	ssyncset.done @!p1 $0x0  }
0x67: {  	[sflag:s0] =	ssyncadd.s32 @!p1 $0xFFFFFF80;
	s0 =	simm.s32 @!p1 $0x2A00  }
0x68: {  	[tilespmem:s30], [sflag:$0x1] =	stream.indirect.gather @!p1 [hbm4b:s3+s29], $0x80, s31, s29, $0xb8;
	[tilespmem:$0xA200] =	vst v63  }
0x69: {  	_ = 	snop  }
0x6a: {  	[tilespmem:s0], [sflag:$0x1] =	stream.indirect.gather @!p1 [hbm4b:s3+s29], $0x80, s1, s29, $0xb8;
	[tilespmem:$0xA200] =	vst v63  }
0x6b: {  	_ =	swait.ge [sflag:s23], $0x2800  }
0x6c: {  	[sflag:s23] =	ssyncset.done $0x0  }
0x6d: {  	[sflag:s23] =	ssyncadd.s32 $0xFFFFD800  }
.Ltmp0:
0x6e: {  	_ =	swait.ge [sflag:s23], $0x2800;
	(pc) =	sbr.rel @p0 .LBB2_2-.Ltmp0, $4  }
0x6f: {  	[sflag:s23] =	ssyncset.done $0x0  }
0x70: {  	[sflag:s23] =	ssyncadd.s32 $0xFFFFD800  }
0x71: {  	[hbm4b:s25+s2] =	stream.linear.scatter [tilespmem:s19], [sflag:$0x3], $0x5000, $0x38;
	[tilespmem:$0xA200] =	vst v63  }
0x72: {  	s25 =	sadd.s32 $0x1400, s25;
	_ =	swait.ge [sflag:s22], $0x5000  }
0x73: {  	[sflag:s22] =	ssyncset.done $0x0  }
0x74: {  	s0 =	sadd.s32 s26, s8;
	[sflag:s22] =	ssyncadd.s32 $0xFFFFB000  }
0x75: {  	[tilespmem:s17], [sflag:$0x4] =	stream.linear.gather [hbm4b:s0+s2], $0x80, $0x38;
	[tilespmem:$0xA200] =	vst v63  }
0x76: {  	_ =	swait.ge [sflag:s12], $0x80  }
0x77: {  	[sflag:s12] =	ssyncset.done $0x0  }
0x78: {  	s30 =	sadd.s32 s26, s9;
	[sflag:s12] =	ssyncadd.s32 $0xFFFFFF80  }
0x79: {  	[tilespmem:s18], [sflag:$0x4] =	stream.linear.gather [hbm4b:s30+s2], $0x80, $0x38;
	[tilespmem:$0xA200] =	vst v63  }
0x7a: {  	_ =	swait.ge [sflag:s12], $0x80  }
0x7b: {  	[sflag:s12] =	ssyncset.done $0x0  }
0x7c: {  	[sflag:s12] =	ssyncadd.s32 $0xFFFFFF80  }
0x7d: {  	[tilespmem:s19], [sflag:$0x2] =	stream.indirect.gather [hbm4b:s3+s14], $0x80, s17, s14, $0xb8;
	[tilespmem:$0xA200] =	vst v63  }
0x7e: {  	_ = 	snop  }
0x7f: {  	[tilespmem:s20], [sflag:$0x2] =	stream.indirect.gather [hbm4b:s3+s14], $0x80, s18, s14, $0xb8;
	[tilespmem:$0xA200] =	vst v63  }
0x80: {  	_ =	swait.ge [sflag:s21], $0x2800  }
0x81: {  	[sflag:s21] =	ssyncset.done $0x0  }
0x82: {  	[sflag:s21] =	ssyncadd.s32 $0xFFFFD800  }
0x83: {  	_ =	swait.ge [sflag:s21], $0x2800  }
0x84: {  	[sflag:s21] =	ssyncset.done $0x0  }
0x85: {  	s31 =	sadd.s32 $0xFFFFF600, s25;
	[sflag:s21] =	ssyncadd.s32 $0xFFFFD800  }
0x86: {  	[hbm4b:s31+s2] =	stream.linear.scatter [tilespmem:s15], [sflag:$0x3], $0x5000, $0x38;
	[tilespmem:$0xA200] =	vst v63  }
0x87: {  	p0 =	seq.s32 s26, $0x4D8;
	_ =	swait.ge [sflag:s22], $0x5000  }
0x88: {  	s1 =	simm.s32 @!p0 $0x0;
	[sflag:s22] =	ssyncset.done $0x0  }
0x89: {  	s28 =	simm.s32 @!p0 $0x4;
	s0 =	sadd.s32 @!p0 s26, s10;
	[sflag:s22] =	ssyncadd.s32 $0xFFFFB000  }
0x8a: {  	[tilespmem:s1], [sflag:$0x4] =	stream.linear.gather @!p0 [hbm4b:s0+s1], $0x80, $0x38;
	[tilespmem:$0xA200] =	vst v63  }
0x8b: {  	_ =	swait.ge @!p0 [sflag:s28], $0x80  }
0x8c: {  	[sflag:s28] =	ssyncset.done @!p0 $0x0  }
0x8d: {  	s0 =	sadd.s32 @!p0 s26, s11;
	s26 =	simm.s32 @!p0 $0x100;
	[sflag:s28] =	ssyncadd.s32 @!p0 $0xFFFFFF80  }
0x8e: {  	[tilespmem:s26], [sflag:$0x4] =	stream.linear.gather @!p0 [hbm4b:s0+s1], $0x80, $0x38;
	[tilespmem:$0xA200] =	vst v63  }
0x8f: {  	_ =	swait.ge @!p0 [sflag:s28], $0x80  }
0x90: {  	[sflag:s28] =	ssyncset.done @!p0 $0x0  }
0x91: {  	s29 =	simm.s32 @!p0 $0x200;
	s0 =	simm.s32 @!p0 $0x50;
	[sflag:s28] =	ssyncadd.s32 @!p0 $0xFFFFFF80  }
0x92: {  	[tilespmem:s29], [sflag:$0x1] =	stream.indirect.gather @!p0 [hbm4b:s3+s0], $0x80, s1, s0, $0xb8;
	[tilespmem:$0xA200] =	vst v63  }
0x93: {  	s1 =	simm.s32 @!p0 $0x2A00  }
0x94: {  	[tilespmem:s1], [sflag:$0x1] =	stream.indirect.gather @!p0 [hbm4b:s3+s0], $0x80, s26, s0, $0xb8;
	[tilespmem:$0xA200] =	vst v63  }
0x95: {  	_ =	swait.ge [sflag:s23], $0x2800  }
0x96: {  	[sflag:s23] =	ssyncset.done $0x0  }
0x97: {  	[sflag:s23] =	ssyncadd.s32 $0xFFFFD800  }
0x98: {  	s24 =	sadd.s32 $0x1, s24;
	_ =	swait.ge [sflag:s23], $0x2800  }
0x99: {  	p0 =	sne.s32 s24, s6;
	[sflag:s23] =	ssyncset.done $0x0  }
.Ltmp1:
0x9a: {  	[sflag:s23] =	ssyncadd.s32 $0xFFFFD800;
	(pc) =	sbr.rel @p0 .LBB2_1-.Ltmp1, $4  }
0x9b: {  	[hbm4b:s25+s2] =	stream.linear.scatter [tilespmem:s19], [sflag:$0x3], $0x5000, $0x38;
	[tilespmem:$0xA200] =	vst v63  }
0x9c: {  	_ =	swait.ge [sflag:s22], $0x5000  }
0x9d: {  	[sflag:s22] =	ssyncset.done $0x0  }
0x9e: {  	[sflag:s22] =	ssyncadd.s32 $0xFFFFB000  }
0x9f: {  	_ =	sfence.sel $0x180000  }
0xa0: {  	[bflag:$0x0] =	sbarrier.arrive $0xFFFF  }
0xa1: {  	_ =	strace $0x9000004D  }
0xa2: {  	s0 =	stileid.u32;
	[bflag:$0x2] =	sbarrier.arrive $0xFFFF  }
0xa3: {  	p0 =	sne.s32 s0, $0x0;
	s0 =	rddreg [dreg:$0x1]  }
0xa4: {  	s0 =	sadd.s32 @!p0 $0x100000, s0  }
0xa5: {  	[sflag:s0] =	ssyncadd.tile.s32 @!p0 $0x1;
	_ =	shalt  }
.Lfunc_end2:
_tile_overlayer_lowered:
.L_overlay_start_2:
0xa6: {  	(tag) =	ssettag $0x2  }
0xa7: {  	s0 =	rddreg [dreg:$0x0];
	s2 =	stileid.u32  }
0xa8: {  	s1 =	rddreg [dreg:$0x1];
	p0 =	sne.s32 s2, $0x0  }
0xa9: {  	s3 =	rddreg [dreg:$0x2];
	[bflag:$0x3] =	sbarrier.arrive $0xFFFF;
	s2 =	simm.s32 @!p0 $0x1C04  }
0xaa: {  	[timem:s3], [sflag:s2] =	dma.local @!p0 [hbm:s0], s1  }
0xab: {  	s0 =	simm.s32 @!p0 $0x4  }
0xac: {  	_ =	swait.ge @!p0 [sflag:s0], s1  }
0xad: {  	s1 =	ssub.s32 @!p0 $0x0, s1;
	[sflag:s0] =	ssyncset.done @!p0 $0x0  }
0xae: {  	[sflag:s0] =	ssyncadd.s32 @!p0 s1  }
0xaf: {  	[bflag:$0x3] =	sbarrier.arrive $0xFFFF  }
0xb0: {  	_ =	shalt  }

// kernel: kernel.28.cloned.1.call-start
scs
__scs_entry_jumppad:
0x0: {  	(pc) =	sbr.rel $0x88, $3  }
0x1: {  	(tag) =	ssettag $0x0;
	lr =	simm.s32 $0x1  }
0x2: {  	[smem:$0x3F91] =	sst lr;
	_ =	strace $0xD0000000  }
0x3: {  	_ = 	snop  }
0x4: {  	_ = 	snop  }
0x5: {  	_ = 	snop  }
0x6: {  	_ = 	snop  }
0x7: {  	_ = 	snop  }
__scs_overlays_trampoline_lowered:
0x8: {  	[smem:$0x3FA0] =	sst s0  }
0x9: {  	[smem:$0x3FA1] =	sst s1  }
0xa: {  	[smem:$0x3FA2] =	sst s2  }
0xb: {  	[smem:$0x3FA3] =	sst s3  }
0xc: {  	[smem:$0x3FA4] =	sst s4  }
0xd: {  	[smem:$0x3FA5] =	sst s5  }
0xe: {  	[smem:$0x3FA6] =	sst s6  }
0xf: {  	[smem:$0x3FA7] =	sst s7  }
0x10: {  	[smem:$0x3FA8] =	sst s8  }
0x11: {  	[smem:$0x3FA9] =	sst s9;
	s0 =	simm.s32 @!p0 $0x0  }
0x12: {  	s1 =	sld [smem:$0x3F8F];
	s0 =	simm.s32 @p0 $0x1  }
0x13: {  	[smem:$0x3FAA] =	sst s0;
	s0 =	simm.s32 @!p1 $0x0  }
0x14: {  	s2 =	sld [smem:$0x3F8E];
	s0 =	simm.s32 @p1 $0x1  }
0x15: {  	[smem:$0x3FAB] =	sst s0;
	s0 =	simm.s32 @!p2 $0x0  }
0x16: {  	s3 =	sld [smem:$0x3FDB];
	s0 =	simm.s32 @p2 $0x1  }
0x17: {  	s4 =	simm.s32 $0x1BF5;
	[smem:$0x3FAD] =	sst s0  }
0x18: {  	s0 =	sld [smem:$0x3F90];
	_ =	swait.ge [sflag:s4], $0x0  }
0x19: {  	s7 =	sld [smem:$0x3F91]  }
0x1a: {  	s8 =	sadd.s32 $0xFFFFE003, lr  }
0x1b: {  	s9 =	sadd.s32 $0xFFFFFEF7, lr;
	s5 =	simm.s32 $0xFFFFFFFF;
	p2 =	slt.u32 s8, $0xFFFFF086  }
0x1c: {  	p1 =	slt.u32 s9, $0xF7A;
	s5 =	simm.s32 @!p2 $0x0  }
0x1d: {  	s5 =	simm.s32 @p1 $0x1;
	p0 =	seq.s32 s7, s2  }
0x1e: {  	s7 =	smul.u32 @!p0 $0xF7A, s2;
	p2 =	seq.s32 @!p0 s5, $0x0  }
0x1f: {  	s9 =	smul.u32 $0xF7A, s1;
	s8 =	simm.s32 @!p0 $0x1BF5;
	p2 =	por !p2, p0  }
0x20: {  	[sflag:s8] =	ssyncset.s32 @!p0 $0xFFFFF086;
	s6 =	sadd.s32 @!p0 s3, s7;
	s7 =	simm.s32 @!p0 $0x108  }
0x21: {  	s3 =	sadd.s32 s3, s9;
	s6 =	sadd.s32 @!p0 $0x88, s6;
	s7 =	simm.s32 @p2 $0x1082  }
0x22: {  	[simem:s7], [sflag:s8] =	dma.local @!p0 [hbm:s6], $0xF7A  }
0x23: {  	s9 =	sor.u32 $0xD0000000, s2;
	s6 =	simm.s32 $0x108;
	_ =	swait.ge @!p0 [sflag:s8], $0x0  }
0x24: {  	s3 =	sadd.s32 $0x88, s3;
	s6 =	simm.s32 @!p1 $0x1082;
	[sflag:s4] =	ssyncset.s32 $0xFFFFF086  }
0x25: {  	[simem:s6], [sflag:s4] =	dma.local [hbm:s3], $0xF7A  }
0x26: {  	[smem:$0x3F91] =	sst s1;
	(tag) =	ssettag s2;
	_ =	strace s9  }
0x27: {  	s1 =	sld [smem:$0x3FA1]  }
0x28: {  	s2 =	sld [smem:$0x3FA2]  }
0x29: {  	s4 =	sld [smem:$0x3FA4]  }
0x2a: {  	p0 =	seq.s32 s5, $0x0;
	s5 =	sld [smem:$0x3FA5]  }
0x2b: {  	s6 =	sld [smem:$0x3FA6]  }
0x2c: {  	s7 =	sld [smem:$0x3FA7]  }
0x2d: {  	s3 =	simm.s32 $0x108;
	s8 =	sld [smem:$0x3FA8]  }
0x2e: {  	s3 =	simm.s32 @!p0 $0x1082;
	s9 =	sld [smem:$0x3FA9]  }
0x2f: {  	lr =	sadd.s32 s0, s3;
	s0 =	sld [smem:$0x3FA0]  }
0x30: {  	s3 =	sld [smem:$0x3FA3]  }
0x31: {  	[smem:$0x3FAC] =	sst s10  }
0x32: {  	s10 =	sld [smem:$0x3FAA];
	_ =	sdelay $0x3  }
0x33: {  	p0 =	seq.s32 s10, $0x1;
	s10 =	sld [smem:$0x3FAC];
	_ =	sdelay $0x3  }
0x34: {  	[smem:$0x3FAC] =	sst s10  }
0x35: {  	s10 =	sld [smem:$0x3FAB];
	_ =	sdelay $0x3  }
0x36: {  	p1 =	seq.s32 s10, $0x1;
	s10 =	sld [smem:$0x3FAC];
	_ =	sdelay $0x3  }
0x37: {  	[smem:$0x3FAC] =	sst s10  }
0x38: {  	s10 =	sld [smem:$0x3FAD]  }
0x39: {  	_ = 	snop;
	(pc) =	sbr.ind lr, $3  }
0x3a: {  	_ = 	snop  }
0x3b: {  	_ = 	snop  }
0x3c: {  	p2 =	seq.s32 s10, $0x1;
	s10 =	sld [smem:$0x3FAC]  }
0x3d: {  	_ =	shalt  }
0x3e: {  	_ =	shalt  }
0x3f: {  	_ =	shalt  }
0x40: {  	_ =	shalt  }
0x41: {  	_ =	shalt  }
0x42: {  	_ =	shalt  }
0x43: {  	_ =	shalt  }
0x44: {  	_ =	shalt  }
0x45: {  	_ =	shalt  }
0x46: {  	_ =	shalt  }
0x47: {  	_ =	shalt  }
0x48: {  	_ =	shalt  }
0x49: {  	_ =	shalt  }
0x4a: {  	_ =	shalt  }
0x4b: {  	_ =	shalt  }
0x4c: {  	_ =	shalt  }
0x4d: {  	_ =	shalt  }
0x4e: {  	_ =	shalt  }
0x4f: {  	_ =	shalt  }
0x50: {  	_ =	shalt  }
0x51: {  	_ =	shalt  }
0x52: {  	_ =	shalt  }
0x53: {  	_ =	shalt  }
0x54: {  	_ =	shalt  }
0x55: {  	_ =	shalt  }
0x56: {  	_ =	shalt  }
0x57: {  	_ =	shalt  }
0x58: {  	_ =	shalt  }
0x59: {  	_ =	shalt  }
0x5a: {  	_ =	shalt  }
0x5b: {  	_ =	shalt  }
0x5c: {  	_ =	shalt  }
0x5d: {  	_ =	shalt  }
0x5e: {  	_ =	shalt  }
0x5f: {  	_ =	shalt  }
0x60: {  	_ =	shalt  }
0x61: {  	_ =	shalt  }
0x62: {  	_ =	shalt  }
0x63: {  	_ =	shalt  }
0x64: {  	_ =	shalt  }
0x65: {  	_ =	shalt  }
0x66: {  	_ =	shalt  }
0x67: {  	_ =	shalt  }
0x68: {  	_ =	shalt  }
0x69: {  	_ =	shalt  }
0x6a: {  	_ =	shalt  }
0x6b: {  	_ =	shalt  }
0x6c: {  	_ =	shalt  }
0x6d: {  	_ =	shalt  }
0x6e: {  	_ =	shalt  }
0x6f: {  	_ =	shalt  }
0x70: {  	_ =	shalt  }
0x71: {  	_ =	shalt  }
0x72: {  	_ =	shalt  }
0x73: {  	_ =	shalt  }
0x74: {  	_ =	shalt  }
0x75: {  	_ =	shalt  }
0x76: {  	_ =	shalt  }
0x77: {  	_ =	shalt  }
0x78: {  	_ =	shalt  }
0x79: {  	_ =	shalt  }
0x7a: {  	_ =	shalt  }
0x7b: {  	_ =	shalt  }
0x7c: {  	_ =	shalt  }
0x7d: {  	_ =	shalt  }
0x7e: {  	_ =	shalt  }
0x7f: {  	_ =	shalt  }
0x80: {  	_ =	shalt  }
0x81: {  	_ =	shalt  }
0x82: {  	_ =	shalt  }
0x83: {  	_ =	shalt  }
0x84: {  	_ =	shalt  }
0x85: {  	_ =	shalt  }
0x86: {  	_ =	shalt  }
0x87: {  	_ =	shalt  }
.Lfunc_end0:
.L_simem_size_0:
called_computation.3_lowered:
.L_overlay_start_0:
0x88: {  	s2 =	sld [smem:$0x3FD9]  }
0x89: {  	s3 =	sld [smem:$0x3FFE];
	_ =	sdelay $0x1  }
0x8a: {  	s1 =	srdreg.scid  }
0x8b: {  	s0 =	sand.u32 $0x1, s1  }
0x8c: {  	s16 =	sshll.u32 s0, $0xA;
	s2 =	sadd.s32 s3, s2  }
0x8d: {  	s2 =	sadd.s32 s2, s16  }
0x8e: {  	[smem:$0x3FB8] =	sst s2  }
0x8f: {  	_ = 	snop  }
0x90: {  	(tm) =	ssettm $0x1  }
0x91: {  	s17 =	sld [smem:$0x3FFB];
	_ =	sdelay $0x3  }
0x92: {  	_ =	strace s17  }
0x93: {  	s2 =	sld [smem:$0x3FFC];
	_ =	sdelay $0x3  }
0x94: {  	_ =	strace s2  }
0x95: {  	s2 =	sld [smem:$0x3FFD];
	_ =	sdelay $0x3  }
0x96: {  	_ =	strace s2  }
0x97: {  	_ =	strace $0x8FFFFFFF  }
0x98: {  	s18 =	sld [smem:$0x3FDB];
	_ =	sdelay $0x1  }
0x99: {  	s19 =	simm.s32 $_scs_section_size  }
0x9a: {  	s4 =	simm.s32 $_size__tile_overlayer_lowered;
	s5 =	simm.s32 $_tile_overlayer_lowered  }
0x9b: {  	s22 =	simm.s32 $0x1BFF;
	s21 =	sshll.u32 s5, $0x1;
	s2 =	sadd.s32 s19, s18  }
0x9c: {  	s6 =	simm.s32 $0x0;
	s20 =	sshll.u32 s4, $0x1;
	s4 =	sadd.s32 s21, s2  }
0x9d: {  	[timem:s6], [sflag:s22] =	dma.local [hbm:s4], s20  }
0x9e: {  	_ =	swait.ge [sflag:s22], s20  }
0x9f: {  	s3 =	ssub.s32 $0x0, s20;
	[sflag:s22] =	ssyncset.done $0x0  }
0xa0: {  	[sflag:s22] =	ssyncadd.s32 s3;
	_ =	sdelay $0x1  }
0xa1: {  	s23 =	simm.s32 $0x1B8B  }
0xa2: {  	_ =	swait.ge [sflag:s23], $0x1  }
0xa3: {  	[sflag:s23] =	ssyncset.done $0x0  }
0xa4: {  	s25 =	simm.s32 $0x1B8E;
	s24 =	sld [smem:$0x3FFE];
	[sflag:s23] =	ssyncadd.s32 $0xFFFFFFFF  }
0xa5: {  	s26 =	simm.s32 $execute0_lowered;
	[smem:$0x3FD2] =	sst s25  }
0xa6: {  	s4 =	sshll.u32 s26, $0x1;
	_ =	strace $0x8000004F;
	[dreg:$0x1] =	wrdreg $0xFFFFFFFF  }
0xa7: {  	s28 =	simm.s32 $_size_execute0_lowered;
	s2 =	sadd.s32 s2, s4;
	[dreg:$0x0] =	wrdreg $0x0  }
0xa8: {  	s4 =	sshll.u32 s28, $0x1;
	[dreg:$0x2] =	wrdreg s2  }
0xa9: {  	[dreg:$0x3] =	wrdreg s4  }
0xaa: {  	[dreg:$0x4] =	wrdreg $0xC0  }
0xab: {  	_ =	task [dreg:s6], $0x5FFFF  }
0xac: {  	[dreg:$0x1] =	wrdreg $0xFFFFFFFF  }
0xad: {  	[dreg:$0x0] =	wrdreg $0x60  }
0xae: {  	[dreg:$0x2] =	wrdreg s24  }
0xaf: {  	[dreg:$0x3] =	wrdreg $0x9  }
0xb0: {  	_ =	task.clear_ibuf [dreg:s6], $0x4FFFF;
	_ =	strace $0x9000004F  }
0xb1: {  	s29 =	simm.s32 $0x9;
	_ =	strace $0x80000051  }
0xb2: {  	_ =	swait.ge [sflag:s29], $0x1  }
0xb3: {  	[sflag:s29] =	ssyncadd.s32 $0xFFFFFFFF  }
0xb4: {  	_ =	strace $0x90000051  }
0xb5: {  	_ =	sfence  }
0xb6: {  	s30 =	sld [smem:$0x0];
	_ =	sdelay $0x2  }
0xb7: {  	s31 =	sshll.u32 s1, $0xD;
	s1 =	sshrl.u32 s1, $0x2  }
0xb8: {  	s3 =	sand.u32 $0x4000, s31;
	s1 =	sadd.s32 s1, s30  }
0xb9: {  	s0 =	sor.u32 s3, s0;
	s1 =	sshll.u32 s1, $0x11  }
0xba: {  	s0 =	sor.u32 s1, s0  }
0xbb: {  	s0 =	sadd.s32 $0x8F2B, s0  }
0xbc: {  	[sflag:s0] =	ssyncadd.remote.s32 $0x1  }
0xbd: {  	_ =	sfence.sel $0xFFFF  }
0xbe: {  	[dreg:$0x0] =	wrdreg $0xFFFFFFFF;
	(pc) =	sbr.abs _section_cstart, $3  }
0xbf: {  	[dreg:$0x1] =	wrdreg $0xFFFFFFFF  }
0xc0: {  	_ =	task.clear_ibuf [dreg:s6], $0x2FFFF;
	_ =	strace $0x9FFFFFFF  }
0xc1: {  	(tm) =	ssettm $0x7FFFFFFF  }
tec
execute0_lowered:
.L_overlay_start_1:
0x0: {  	(tag) =	ssettag $0x1  }
0x1: {  	s4 =	rddreg [dreg:$0x0]  }
0x2: {  	s2 =	simm.s32 $0x0;
	s0 =	stileid.u32;
	s3 =	srdreg.scid  }
0x3: {  	s14 =	simm.s32 $0x50;
	s15 =	simm.s32 $0x200;
	s16 =	simm.s32 $0x2A00  }
0x4: {  	s17 =	simm.s32 $0x80;
	s18 =	simm.s32 $0x180;
	s19 =	simm.s32 $0x5200  }
0x5: {  	s20 =	simm.s32 $0x7A00;
	[smem:$0x7FF] =	sst s2;
	s5 =	sand.u32 $0x1, s3  }
0x6: {  	s21 =	sshll.u32 s0, $0x1;
	s6 =	smul.u32 $0x50000, s0;
	s8 =	sshll.u32 s0, $0xA  }
0x7: {  	s11 =	sadd.s32 $0xC3A00, s4;
	s13 =	smul.u32 $0x5000, s0;
	_ =	strace $0x80000050  }
0x8: {  	s3 =	sor.u32 s5, s21;
	s9 =	sshll.u32 s5, $0x9;
	s10 =	smul.u32 $0x28000, s5  }
0x9: {  	s22 =	ssub.s32 $0x2, s5;
	s26 =	smul.u32 $0x2800, s5;
	s21 =	simm.s32 $0x1  }
0xa: {  	s7 =	smul.u32 $0x500, s3;
	s3 =	sadd.s32 $0x83A00, s4;
	s8 =	sor.u32 s9, s8  }
0xb: {  	s23 =	sadd.s32 s6, s4;
	s24 =	sshrl.u32 s22, $0x1;
	s12 =	smul.u32 $0x5, s8  }
0xc: {  	s25 =	ssub.s32 s22, s24;
	s8 =	sadd.s32 s10, s23;
	s29 =	sadd.s32 s26, s13  }
0xd: {  	s13 =	simm.s32 $0x100;
	s22 =	simm.s32 $0x3;
	s23 =	simm.s32 $0x2  }
0xe: {  	s24 =	simm.s32 $0x0;
	s4 =	sadd.s32 s11, s7;
	s6 =	smax.u32 s25, $0x1  }
0xf: {  	s7 =	sadd.s32 $0xCE600, s8;
	s30 =	sor.u32 $0xF0, s29;
	s10 =	sor.u32 $0x190, s29  }
0x10: {  	s5 =	sadd.s32 $0xA, s4;
	s28 =	sor.u32 $0x28, s12;
	s12 =	sor.u32 $0x50, s12  }
0x11: {  	s31 =	sshrl.u32 s10, $0x3;
	s9 =	sshrl.u32 s28, $0x1;
	s12 =	sshrl.u32 s12, $0x1  }
0x12: {  	s8 =	sadd.s32 s9, s11;
	s9 =	sshrl.u32 s30, $0x3;
	s10 =	sadd.s32 s12, s11  }
0x13: {  	s12 =	simm.s32 $0x4;
	s9 =	sadd.s32 s9, s11;
	s11 =	sadd.s32 s31, s11  }
.LBB2_1:
0x14: {  	[tilespmem:s2], [sflag:$0x4] =	stream.linear.gather [hbm4b:s4+s2], $0x80, $0x38;
	[tilespmem:$0xA200] =	vst v63  }
0x15: {  	_ =	swait.ge [sflag:s12], $0x80  }
0x16: {  	[sflag:s12] =	ssyncset.done $0x0  }
0x17: {  	[sflag:s12] =	ssyncadd.s32 $0xFFFFFF80  }
0x18: {  	[tilespmem:s13], [sflag:$0x4] =	stream.linear.gather [hbm4b:s5+s2], $0x80, $0x38;
	[tilespmem:$0xA200] =	vst v63  }
0x19: {  	_ =	swait.ge [sflag:s12], $0x80  }
0x1a: {  	[sflag:s12] =	ssyncset.done $0x0  }
0x1b: {  	[sflag:s12] =	ssyncadd.s32 $0xFFFFFF80  }
0x1c: {  	[tilespmem:s15], [sflag:$0x1] =	stream.indirect.gather [hbm4b:s3+s14], $0x80, s2, s14, $0xb8;
	[tilespmem:$0xA200] =	vst v63  }
0x1d: {  	_ = 	snop  }
0x1e: {  	[tilespmem:s16], [sflag:$0x1] =	stream.indirect.gather [hbm4b:s3+s14], $0x80, s13, s14, $0xb8;
	[tilespmem:$0xA200] =	vst v63  }
0x1f: {  	s25 =	sadd.s32 $0x0, s8  }
0x20: {  	[tilespmem:s17], [sflag:$0x4] =	stream.linear.gather [hbm4b:s25+s2], $0x80, $0x38;
	[tilespmem:$0xA200] =	vst v63  }
0x21: {  	_ =	swait.ge [sflag:s12], $0x80  }
0x22: {  	[sflag:s12] =	ssyncset.done $0x0  }
0x23: {  	s30 =	sadd.s32 $0x0, s9;
	[sflag:s12] =	ssyncadd.s32 $0xFFFFFF80  }
0x24: {  	[tilespmem:s18], [sflag:$0x4] =	stream.linear.gather [hbm4b:s30+s2], $0x80, $0x38;
	[tilespmem:$0xA200] =	vst v63  }
0x25: {  	_ =	swait.ge [sflag:s12], $0x80  }
0x26: {  	[sflag:s12] =	ssyncset.done $0x0  }
0x27: {  	[sflag:s12] =	ssyncadd.s32 $0xFFFFFF80  }
0x28: {  	[tilespmem:s19], [sflag:$0x2] =	stream.indirect.gather [hbm4b:s3+s14], $0x80, s17, s14, $0xb8;
	[tilespmem:$0xA200] =	vst v63  }
0x29: {  	_ = 	snop  }
0x2a: {  	[tilespmem:s20], [sflag:$0x2] =	stream.indirect.gather [hbm4b:s3+s14], $0x80, s18, s14, $0xb8;
	[tilespmem:$0xA200] =	vst v63  }
0x2b: {  	_ =	swait.ge [sflag:s21], $0x2800  }
0x2c: {  	[sflag:s21] =	ssyncset.done $0x0  }
0x2d: {  	[sflag:s21] =	ssyncadd.s32 $0xFFFFD800  }
0x2e: {  	_ =	swait.ge [sflag:s21], $0x2800  }
0x2f: {  	[sflag:s21] =	ssyncset.done $0x0  }
0x30: {  	s31 =	sadd.s32 $0xFFFFF600, s7;
	[sflag:s21] =	ssyncadd.s32 $0xFFFFD800  }
0x31: {  	[hbm4b:s31+s2] =	stream.linear.scatter [tilespmem:s15], [sflag:$0x3], $0x5000, $0x38;
	[tilespmem:$0xA200] =	vst v63  }
0x32: {  	p0 =	por $0x0, $0x0;
	_ =	swait.ge [sflag:s22], $0x5000  }
0x33: {  	s26 =	simm.s32 @!p0 $0x0;
	[sflag:s22] =	ssyncset.done $0x0  }
0x34: {  	s28 =	simm.s32 @!p0 $0x4;
	s25 =	sadd.s32 @!p0 $0x0, s10;
	[sflag:s22] =	ssyncadd.s32 $0xFFFFB000  }
0x35: {  	[tilespmem:s26], [sflag:$0x4] =	stream.linear.gather @!p0 [hbm4b:s25+s26], $0x80, $0x38;
	[tilespmem:$0xA200] =	vst v63  }
0x36: {  	_ =	swait.ge @!p0 [sflag:s28], $0x80  }
0x37: {  	[sflag:s28] =	ssyncset.done @!p0 $0x0  }
0x38: {  	s29 =	simm.s32 @!p0 $0x100;
	s25 =	sadd.s32 @!p0 $0x0, s11;
	[sflag:s28] =	ssyncadd.s32 @!p0 $0xFFFFFF80  }
0x39: {  	[tilespmem:s29], [sflag:$0x4] =	stream.linear.gather @!p0 [hbm4b:s25+s26], $0x80, $0x38;
	[tilespmem:$0xA200] =	vst v63  }
0x3a: {  	_ =	swait.ge @!p0 [sflag:s28], $0x80  }
0x3b: {  	[sflag:s28] =	ssyncset.done @!p0 $0x0  }
0x3c: {  	s25 =	simm.s32 @!p0 $0x50;
	[sflag:s28] =	ssyncadd.s32 @!p0 $0xFFFFFF80;
	s28 =	simm.s32 @!p0 $0x200  }
0x3d: {  	[tilespmem:s28], [sflag:$0x1] =	stream.indirect.gather @!p0 [hbm4b:s3+s25], $0x80, s26, s25, $0xb8;
	[tilespmem:$0xA200] =	vst v63  }
0x3e: {  	s26 =	simm.s32 @!p0 $0x2A00  }
0x3f: {  	[tilespmem:s26], [sflag:$0x1] =	stream.indirect.gather @!p0 [hbm4b:s3+s25], $0x80, s29, s25, $0xb8;
	[tilespmem:$0xA200] =	vst v63  }
0x40: {  	_ =	swait.ge [sflag:s23], $0x2800  }
0x41: {  	[sflag:s23] =	ssyncset.done $0x0  }
0x42: {  	[sflag:s23] =	ssyncadd.s32 $0xFFFFD800  }
0x43: {  	_ =	swait.ge [sflag:s23], $0x2800  }
0x44: {  	[sflag:s23] =	ssyncset.done $0x0  }
0x45: {  	s28 =	simm.s32 $0x50;
	[sflag:s23] =	ssyncadd.s32 $0xFFFFD800  }
0x46: {  	[hbm4b:s7+s2] =	stream.linear.scatter [tilespmem:s19], [sflag:$0x3], $0x5000, $0x38;
	[tilespmem:$0xA200] =	vst v63  }
0x47: {  	s26 =	simm.s32 $0x28;
	s25 =	sadd.s32 $0x1400, s7;
	_ =	swait.ge [sflag:s22], $0x5000  }
.LBB2_2:
0x48: {  	s29 =	sadd.s32 s26, s8  }
0x49: {  	[sflag:s22] =	ssyncset.done $0x0;
	s30 =	smov.u32 s28;
	s28 =	sadd.s32 $0x28, s28  }
0x4a: {  	p0 =	sne.s32 s28, $0x500;
	[sflag:s22] =	ssyncadd.s32 $0xFFFFB000  }
0x4b: {  	[tilespmem:s17], [sflag:$0x4] =	stream.linear.gather [hbm4b:s29+s2], $0x80, $0x38;
	[tilespmem:$0xA200] =	vst v63  }
0x4c: {  	_ =	swait.ge [sflag:s12], $0x80  }
0x4d: {  	s29 =	sadd.s32 s26, s9;
	[sflag:s12] =	ssyncset.done $0x0  }
0x4e: {  	[sflag:s12] =	ssyncadd.s32 $0xFFFFFF80  }
0x4f: {  	[tilespmem:s18], [sflag:$0x4] =	stream.linear.gather [hbm4b:s29+s2], $0x80, $0x38;
	[tilespmem:$0xA200] =	vst v63  }
0x50: {  	_ =	swait.ge [sflag:s12], $0x80  }
0x51: {  	[sflag:s12] =	ssyncset.done $0x0  }
0x52: {  	[sflag:s12] =	ssyncadd.s32 $0xFFFFFF80  }
0x53: {  	[tilespmem:s19], [sflag:$0x2] =	stream.indirect.gather [hbm4b:s3+s14], $0x80, s17, s14, $0xb8;
	[tilespmem:$0xA200] =	vst v63  }
0x54: {  	_ = 	snop  }
0x55: {  	[tilespmem:s20], [sflag:$0x2] =	stream.indirect.gather [hbm4b:s3+s14], $0x80, s18, s14, $0xb8;
	[tilespmem:$0xA200] =	vst v63  }
0x56: {  	_ =	swait.ge [sflag:s21], $0x2800  }
0x57: {  	[sflag:s21] =	ssyncset.done $0x0  }
0x58: {  	[sflag:s21] =	ssyncadd.s32 $0xFFFFD800  }
0x59: {  	_ =	swait.ge [sflag:s21], $0x2800  }
0x5a: {  	s29 =	sadd.s32 $0xFFFFF600, s25;
	[sflag:s21] =	ssyncset.done $0x0  }
0x5b: {  	[sflag:s21] =	ssyncadd.s32 $0xFFFFD800  }
0x5c: {  	[hbm4b:s29+s2] =	stream.linear.scatter [tilespmem:s15], [sflag:$0x3], $0x5000, $0x38;
	[tilespmem:$0xA200] =	vst v63  }
0x5d: {  	p1 =	seq.s32 s26, $0x4D8;
	_ =	swait.ge [sflag:s22], $0x5000  }
0x5e: {  	s31 =	simm.s32 @!p1 $0x0;
	s29 =	sadd.s32 @!p1 s26, s10;
	[sflag:s22] =	ssyncset.done $0x0  }
0x5f: {  	s0 =	simm.s32 @!p1 $0x4;
	[sflag:s22] =	ssyncadd.s32 $0xFFFFB000  }
0x60: {  	[tilespmem:s31], [sflag:$0x4] =	stream.linear.gather @!p1 [hbm4b:s29+s31], $0x80, $0x38;
	[tilespmem:$0xA200] =	vst v63  }
0x61: {  	_ =	swait.ge @!p1 [sflag:s0], $0x80  }
0x62: {  	s1 =	simm.s32 @!p1 $0x100;
	s29 =	sadd.s32 @!p1 s26, s11;
	[sflag:s0] =	ssyncset.done @!p1 $0x0  }
0x63: {  	s26 =	smov.u32 s30;
	[sflag:s0] =	ssyncadd.s32 @!p1 $0xFFFFFF80  }
0x64: {  	[tilespmem:s1], [sflag:$0x4] =	stream.linear.gather @!p1 [hbm4b:s29+s31], $0x80, $0x38;
	[tilespmem:$0xA200] =	vst v63  }
0x65: {  	_ =	swait.ge @!p1 [sflag:s0], $0x80  }
0x66: {  	s30 =	simm.s32 @!p1 $0x200;
	s29 =	simm.s32 @!p1 $0x50;
	[sflag:s0] =	ssyncset.done @!p1 $0x0  }
0x67: {  	[sflag:s0] =	ssyncadd.s32 @!p1 $0xFFFFFF80;
	s0 =	simm.s32 @!p1 $0x2A00  }
0x68: {  	[tilespmem:s30], [sflag:$0x1] =	stream.indirect.gather @!p1 [hbm4b:s3+s29], $0x80, s31, s29, $0xb8;
	[tilespmem:$0xA200] =	vst v63  }
0x69: {  	_ = 	snop  }
0x6a: {  	[tilespmem:s0], [sflag:$0x1] =	stream.indirect.gather @!p1 [hbm4b:s3+s29], $0x80, s1, s29, $0xb8;
	[tilespmem:$0xA200] =	vst v63  }
0x6b: {  	_ =	swait.ge [sflag:s23], $0x2800  }
0x6c: {  	[sflag:s23] =	ssyncset.done $0x0  }
0x6d: {  	[sflag:s23] =	ssyncadd.s32 $0xFFFFD800  }
.Ltmp0:
0x6e: {  	_ =	swait.ge [sflag:s23], $0x2800;
	(pc) =	sbr.rel @p0 .LBB2_2-.Ltmp0, $4  }
0x6f: {  	[sflag:s23] =	ssyncset.done $0x0  }
0x70: {  	[sflag:s23] =	ssyncadd.s32 $0xFFFFD800  }
0x71: {  	[hbm4b:s25+s2] =	stream.linear.scatter [tilespmem:s19], [sflag:$0x3], $0x5000, $0x38;
	[tilespmem:$0xA200] =	vst v63  }
0x72: {  	s25 =	sadd.s32 $0x1400, s25;
	_ =	swait.ge [sflag:s22], $0x5000  }
0x73: {  	[sflag:s22] =	ssyncset.done $0x0  }
0x74: {  	s0 =	sadd.s32 s26, s8;
	[sflag:s22] =	ssyncadd.s32 $0xFFFFB000  }
0x75: {  	[tilespmem:s17], [sflag:$0x4] =	stream.linear.gather [hbm4b:s0+s2], $0x80, $0x38;
	[tilespmem:$0xA200] =	vst v63  }
0x76: {  	_ =	swait.ge [sflag:s12], $0x80  }
0x77: {  	[sflag:s12] =	ssyncset.done $0x0  }
0x78: {  	s30 =	sadd.s32 s26, s9;
	[sflag:s12] =	ssyncadd.s32 $0xFFFFFF80  }
0x79: {  	[tilespmem:s18], [sflag:$0x4] =	stream.linear.gather [hbm4b:s30+s2], $0x80, $0x38;
	[tilespmem:$0xA200] =	vst v63  }
0x7a: {  	_ =	swait.ge [sflag:s12], $0x80  }
0x7b: {  	[sflag:s12] =	ssyncset.done $0x0  }
0x7c: {  	[sflag:s12] =	ssyncadd.s32 $0xFFFFFF80  }
0x7d: {  	[tilespmem:s19], [sflag:$0x2] =	stream.indirect.gather [hbm4b:s3+s14], $0x80, s17, s14, $0xb8;
	[tilespmem:$0xA200] =	vst v63  }
0x7e: {  	_ = 	snop  }
0x7f: {  	[tilespmem:s20], [sflag:$0x2] =	stream.indirect.gather [hbm4b:s3+s14], $0x80, s18, s14, $0xb8;
	[tilespmem:$0xA200] =	vst v63  }
0x80: {  	_ =	swait.ge [sflag:s21], $0x2800  }
0x81: {  	[sflag:s21] =	ssyncset.done $0x0  }
0x82: {  	[sflag:s21] =	ssyncadd.s32 $0xFFFFD800  }
0x83: {  	_ =	swait.ge [sflag:s21], $0x2800  }
0x84: {  	[sflag:s21] =	ssyncset.done $0x0  }
0x85: {  	s31 =	sadd.s32 $0xFFFFF600, s25;
	[sflag:s21] =	ssyncadd.s32 $0xFFFFD800  }
0x86: {  	[hbm4b:s31+s2] =	stream.linear.scatter [tilespmem:s15], [sflag:$0x3], $0x5000, $0x38;
	[tilespmem:$0xA200] =	vst v63  }
0x87: {  	p0 =	seq.s32 s26, $0x4D8;
	_ =	swait.ge [sflag:s22], $0x5000  }
0x88: {  	s1 =	simm.s32 @!p0 $0x0;
	[sflag:s22] =	ssyncset.done $0x0  }
0x89: {  	s28 =	simm.s32 @!p0 $0x4;
	s0 =	sadd.s32 @!p0 s26, s10;
	[sflag:s22] =	ssyncadd.s32 $0xFFFFB000  }
0x8a: {  	[tilespmem:s1], [sflag:$0x4] =	stream.linear.gather @!p0 [hbm4b:s0+s1], $0x80, $0x38;
	[tilespmem:$0xA200] =	vst v63  }
0x8b: {  	_ =	swait.ge @!p0 [sflag:s28], $0x80  }
0x8c: {  	[sflag:s28] =	ssyncset.done @!p0 $0x0  }
0x8d: {  	s0 =	sadd.s32 @!p0 s26, s11;
	s26 =	simm.s32 @!p0 $0x100;
	[sflag:s28] =	ssyncadd.s32 @!p0 $0xFFFFFF80  }
0x8e: {  	[tilespmem:s26], [sflag:$0x4] =	stream.linear.gather @!p0 [hbm4b:s0+s1], $0x80, $0x38;
	[tilespmem:$0xA200] =	vst v63  }
0x8f: {  	_ =	swait.ge @!p0 [sflag:s28], $0x80  }
0x90: {  	[sflag:s28] =	ssyncset.done @!p0 $0x0  }
0x91: {  	s29 =	simm.s32 @!p0 $0x200;
	s0 =	simm.s32 @!p0 $0x50;
	[sflag:s28] =	ssyncadd.s32 @!p0 $0xFFFFFF80  }
0x92: {  	[tilespmem:s29], [sflag:$0x1] =	stream.indirect.gather @!p0 [hbm4b:s3+s0], $0x80, s1, s0, $0xb8;
	[tilespmem:$0xA200] =	vst v63  }
0x93: {  	s1 =	simm.s32 @!p0 $0x2A00  }
0x94: {  	[tilespmem:s1], [sflag:$0x1] =	stream.indirect.gather @!p0 [hbm4b:s3+s0], $0x80, s26, s0, $0xb8;
	[tilespmem:$0xA200] =	vst v63  }
0x95: {  	_ =	swait.ge [sflag:s23], $0x2800  }
0x96: {  	[sflag:s23] =	ssyncset.done $0x0  }
0x97: {  	[sflag:s23] =	ssyncadd.s32 $0xFFFFD800  }
0x98: {  	s24 =	sadd.s32 $0x1, s24;
	_ =	swait.ge [sflag:s23], $0x2800  }
0x99: {  	p0 =	sne.s32 s24, s6;
	[sflag:s23] =	ssyncset.done $0x0  }
.Ltmp1:
0x9a: {  	[sflag:s23] =	ssyncadd.s32 $0xFFFFD800;
	(pc) =	sbr.rel @p0 .LBB2_1-.Ltmp1, $4  }
0x9b: {  	[hbm4b:s25+s2] =	stream.linear.scatter [tilespmem:s19], [sflag:$0x3], $0x5000, $0x38;
	[tilespmem:$0xA200] =	vst v63  }
0x9c: {  	_ =	swait.ge [sflag:s22], $0x5000  }
0x9d: {  	[sflag:s22] =	ssyncset.done $0x0  }
0x9e: {  	[sflag:s22] =	ssyncadd.s32 $0xFFFFB000  }
0x9f: {  	_ =	sfence.sel $0x180000  }
0xa0: {  	[bflag:$0x0] =	sbarrier.arrive $0xFFFF  }
0xa1: {  	_ =	strace $0x90000050  }
0xa2: {  	s0 =	stileid.u32;
	[bflag:$0x2] =	sbarrier.arrive $0xFFFF  }
0xa3: {  	p0 =	sne.s32 s0, $0x0;
	s0 =	rddreg [dreg:$0x1]  }
0xa4: {  	s0 =	sadd.s32 @!p0 $0x100000, s0  }
0xa5: {  	[sflag:s0] =	ssyncadd.tile.s32 @!p0 $0x1;
	_ =	shalt  }
.Lfunc_end2:
_tile_overlayer_lowered:
.L_overlay_start_2:
0xa6: {  	(tag) =	ssettag $0x2  }
0xa7: {  	s0 =	rddreg [dreg:$0x0];
	s2 =	stileid.u32  }
0xa8: {  	s1 =	rddreg [dreg:$0x1];
	p0 =	sne.s32 s2, $0x0  }
0xa9: {  	s3 =	rddreg [dreg:$0x2];
	[bflag:$0x3] =	sbarrier.arrive $0xFFFF;
	s2 =	simm.s32 @!p0 $0x1C04  }
0xaa: {  	[timem:s3], [sflag:s2] =	dma.local @!p0 [hbm:s0], s1  }
0xab: {  	s0 =	simm.s32 @!p0 $0x4  }
0xac: {  	_ =	swait.ge @!p0 [sflag:s0], s1  }
0xad: {  	s1 =	ssub.s32 @!p0 $0x0, s1;
	[sflag:s0] =	ssyncset.done @!p0 $0x0  }
0xae: {  	[sflag:s0] =	ssyncadd.s32 @!p0 s1  }
0xaf: {  	[bflag:$0x3] =	sbarrier.arrive $0xFFFF  }
0xb0: {  	_ =	shalt  }

</sc_bundles>
